<compile_context>
chip_gen: v7x
topology: tpu7x:2x2x1
jax: 0.10.2.dev20260603
libtpu: 0.0.44.dev20260713+nightly
codegen_flags: <defaults>
</compile_context>

<pallas_src>
import functools

import jax
import jax.numpy as jnp
from jax import lax
from jax.experimental import pallas as pl
from jax.experimental.pallas import tpu as pltpu
from jax.experimental.pallas import tpu_sc as plsc

LANES = 16
CHUNK = 1024
PITCH = 513


@functools.lru_cache(maxsize=None)
def _build(n_rows: int, vocab: int, channels: int):
    info = plsc.get_sparse_core_info()
    nw = info.num_cores * info.num_subcores
    nc = info.num_cores

    assert n_rows % (nw * CHUNK) == 0 and CHUNK % 128 == 0
    rows_per_w = n_rows // nw
    n_iter = rows_per_w // CHUNK
    assert n_iter % 2 == 0
    groups = CHUNK // (4 * LANES)
    cw = CHUNK * channels
    twords = vocab * channels
    n_words = n_rows // 4
    cwords = CHUNK // 4
    cblks = channels // 8
    iblks = n_rows // 128
    tile_elems = 8 * 128

    mesh = plsc.VectorSubcoreMesh(core_axis_name="c", subcore_axis_name="s")

    @functools.partial(
        pl.kernel,
        out_type=jax.ShapeDtypeStruct((n_rows * channels,), jnp.float32),
        mesh=mesh,
        scratch_types=[
            pltpu.VMEM((LANES * PITCH,), jnp.float32),
            pltpu.VMEM((twords,), jnp.int32),
            pltpu.VMEM((2, cwords), jnp.int32),
            pltpu.VMEM((2, cw), jnp.float32),
            pltpu.SemaphoreType.DMA,
            pltpu.SemaphoreType.DMA,
            pltpu.SemaphoreType.DMA,
            pltpu.SemaphoreType.DMA,
        ],
        compiler_params=pltpu.CompilerParams(
            use_tc_tiling_on_sc=False, needs_layout_passes=False
        ),
    )
    def lookup(
        data_hbm, out_hbm, table_v, table_v8, idx_v, buf_v, so0, so1, si0, si1
    ):
        wid = lax.axis_index("s") * nc + lax.axis_index("c")
        row0 = wid * rows_per_w
        row0w = wid * (rows_per_w // 4)
        out_sems = (so0, so1)
        idx_sems = (si0, si1)

        pltpu.sync_copy(data_hbm.at[pl.ds(n_words, twords)], table_v8)

        @pl.loop(0, LANES)
        def _(t):
            for ws in range(twords // LANES):
                table_v[pl.ds(t * PITCH + ws * LANES, LANES)] = plsc.bitcast(
                    table_v8[pl.ds(ws * LANES, LANES)], jnp.float32
                )

        lane513 = lax.iota(jnp.int32, LANES) * PITCH

        pltpu.async_copy(
            data_hbm.at[pl.ds(row0w, cwords)], idx_v.at[0], idx_sems[0]
        )

        @pl.loop(0, n_iter, step=2)
        def _(it):
            for b in range(2):
                i = it + b
                start = row0 + i * CHUNK
                startw = pl.multiple_of(row0w + i * cwords, cwords)
                iblk0 = pl.multiple_of(
                    wid * (rows_per_w // 128) + i * (CHUNK // 128),
                    CHUNK // 128,
                )
                bufb = buf_v.at[b]
                idxb = idx_v.at[b]

                pltpu.make_async_copy(
                    data_hbm.at[pl.ds(startw, cwords)], idxb, idx_sems[b]
                ).wait()

                @pl.when(i + 1 < n_iter)
                def _prefetch():
                    pltpu.async_copy(
                        data_hbm.at[pl.ds(startw + cwords, cwords)],
                        idx_v.at[1 - b],
                        idx_sems[1 - b],
                    )

                @pl.when(i >= 2)
                def _drain():
                    for cb in range(cblks):
                        pltpu.make_async_copy(
                            out_hbm.at[pl.ds(0, CHUNK * 8)],
                            bufb.at[pl.ds(cb * CHUNK * 8, CHUNK * 8)],
                            out_sems[b],
                        ).wait()

                @pl.loop(0, groups)
                def _(g):
                    w = idxb[pl.ds(g * LANES, LANES)]
                    for j in range(4):
                        gbase = lane513 + (
                            (lax.shift_right_logical(w, 8 * j) & 0xFF)
                            * channels
                        )
                        s = g * 4 + j
                        soff = (
                            lax.shift_left(
                                lax.shift_right_logical(s, 3), 10
                            )
                            + lax.shift_left(s & 7, 4)
                        )
                        for ch in range(channels):
                            f_ch = (ch // 8) * (CHUNK * 8) + (ch % 8) * 128
                            vals = plsc.load_gather(table_v, [gbase + ch])
                            bufb[pl.ds(soff + f_ch, LANES)] = vals

                for cb in range(cblks):
                    pltpu.async_copy(
                        bufb.at[pl.ds(cb * CHUNK * 8, CHUNK * 8)],
                        out_hbm.at[
                            pl.ds((cb * iblks + iblk0) * tile_elems, CHUNK * 8)
                        ],
                        out_sems[b],
                    )

        for b in range(2):
            for cb in range(cblks):
                pltpu.make_async_copy(
                    out_hbm.at[pl.ds(0, CHUNK * 8)],
                    buf_v.at[b].at[pl.ds(cb * CHUNK * 8, CHUNK * 8)],
                    out_sems[b],
                ).wait()

    return lookup


def kernel(prior, emb):
    n_rows = prior.size
    vocab, channels = emb.shape
    blk = prior.reshape(n_rows // 64, 4, 16)
    w = (
        blk[:, 0]
        + (blk[:, 1] << 8)
        + (blk[:, 2] << 16)
        + (blk[:, 3] << 24)
    ).reshape(n_rows // 4)
    embw = lax.bitcast_convert_type(emb, jnp.int32).reshape(-1)
    data = jnp.concatenate([w, embw])
    flat = _build(n_rows, vocab, channels)(data)
    out4 = flat.reshape(channels // 8, n_rows // 128, 8, 128)
    return out4.transpose(1, 3, 0, 2).reshape(n_rows, channels)

# --- scband reference (transcript-rebuilt; emitter-appended) ---
"""Pipeline reference for scband-occ-group-prior-net-52115133170153 (READ-ONLY COPY).

The authoritative reference and input builder live on the scoring server;
editing this copy changes nothing except your own understanding.
"""

import jax, jax.numpy as jnp
import numpy as np

CHANNELS = 32
VOCAB = 16

def setup_inputs(seed: int = 0) -> dict:
    key = jax.random.key(seed)
    k1, k2 = jax.random.split(key)
    prior = jax.random.randint(k1, (16384, 200), 0, VOCAB, dtype=jnp.int32)
    emb = jax.random.normal(k2, (VOCAB, CHANNELS), dtype=jnp.float32) * 0.02
    return {"prior": prior, "emb": emb}

def reference(prior, emb):
    # ctx = self.emb(prior.long()).reshape(-1, self.channels)
    ctx = jnp.take(emb, prior, axis=0).reshape(-1, CHANNELS)
    return ctx

if __name__ == "__main__":
    import jax
    _d = setup_inputs()
    print(jax.jit(kernel)(*tuple(_d.values())))

</pallas_src>

<mosaic_0001>
#map = affine_map<(d0, d1) -> (0)>
module attributes {stable_mosaic.version = 14 : i64} {
  func.func @lookup(%arg0: i32, %arg1: i32, %arg2: memref<819712xi32, #tpu.memory_space<hbm>>, %arg3: memref<104857600xf32, #tpu.memory_space<hbm>>, %arg4: memref<8208xf32, #tpu.memory_space<vmem>>, %arg5: memref<512xi32, #tpu.memory_space<vmem>>, %arg6: memref<2x256xi32, #tpu.memory_space<vmem>>, %arg7: memref<2x32768xf32, #tpu.memory_space<vmem>>, %arg8: memref<!tpu.dma_semaphore, #tpu.memory_space<semaphore_mem>>, %arg9: memref<!tpu.dma_semaphore, #tpu.memory_space<semaphore_mem>>, %arg10: memref<!tpu.dma_semaphore, #tpu.memory_space<semaphore_mem>>, %arg11: memref<!tpu.dma_semaphore, #tpu.memory_space<semaphore_mem>>) attributes {dimension_semantics = [#tpu.dimension_semantics<core_parallel>, #tpu.dimension_semantics<subcore_parallel>], iteration_bounds = array<i64: 2, 16>, scalar_prefetch = 0 : i64, scratch_operands = 8 : i64, tpu.core_type = #tpu.core_type<sc_vector_subcore>, window_params = [{transform_indices = #map}, {transform_indices = #map}]} {
    %mul3A = arith.constant 2 : i32
    %mul3A_0 = arith.muli %arg1, %mul3A : i32
    %add3A = arith.addi %mul3A_0, %arg0 : i32
    %mul3A_1 = arith.constant 102400 : i32
    %mul3A_2 = arith.muli %add3A, %mul3A_1 : i32
    %mul3A_3 = arith.constant 25600 : i32
    %mul3A_4 = arith.muli %add3A, %mul3A_3 : i32
    "tpu.region"() ({
      %run_scoped3A = tpu.sem_alloc : memref<!tpu.dma_semaphore, #tpu.memory_space<semaphore_mem>>
      %dma_start3A_144 = arith.constant 819200 : i32
      %dma_start3A_145 = tpu.memref_slice %arg2[%dma_start3A_144] : memref<819712xi32, #tpu.memory_space<hbm>> -> memref<512xi32, #tpu.memory_space<hbm>>
      %dma_start3A_146 = arith.constant 819200 : i32
      %dma_start3A_147 = tpu.memref_slice %arg2[%dma_start3A_146] : memref<819712xi32, #tpu.memory_space<hbm>> -> memref<512xi32, #tpu.memory_space<hbm>>
      tpu.enqueue_dma source(%dma_start3A_147 : memref<512xi32, #tpu.memory_space<hbm>>) target(%arg5 : memref<512xi32, #tpu.memory_space<vmem>>) target_semaphore(%run_scoped3A : memref<!tpu.dma_semaphore, #tpu.memory_space<semaphore_mem>>)
      %dma_wait3A_148 = arith.constant 819200 : i32
      %dma_wait3A_149 = tpu.memref_slice %arg2[%dma_wait3A_148] : memref<819712xi32, #tpu.memory_space<hbm>> -> memref<512xi32, #tpu.memory_space<hbm>>
      %dma_wait3A_150 = arith.constant 819200 : i32
      %dma_wait3A_151 = tpu.memref_slice %arg2[%dma_wait3A_150] : memref<819712xi32, #tpu.memory_space<hbm>> -> memref<512xi32, #tpu.memory_space<hbm>>
      tpu.wait_dma2 semaphore(%run_scoped3A : memref<!tpu.dma_semaphore, #tpu.memory_space<semaphore_mem>>) src(%dma_wait3A_151 : memref<512xi32, #tpu.memory_space<hbm>>) dst(%arg5 : memref<512xi32, #tpu.memory_space<vmem>>)
      tpu.yield
    }) : () -> ()
    %scan3A = arith.constant 0 : i32
    %scan3A_5 = arith.constant 16 : i32
    %scan3A_6 = arith.addi %scan3A, %scan3A_5 : i32
    %scan3A_7 = arith.constant 1 : i32
    scf.for %scan3A_144 = %scan3A to %scan3A_6 step %scan3A_7  : i32 {
      %mul3A_145 = arith.constant 1 : i32
      %mul3A_146 = arith.muli %scan3A_144, %mul3A_145 : i32
      %add3A_147 = arith.constant 0 : i32
      %add3A_148 = arith.addi %add3A_147, %mul3A_146 : i32
      %get3A = arith.constant 0 : index
      %get3A_149 = tpu.vector_load %arg5[%get3A] {strides = array<i32>} : memref<512xi32, #tpu.memory_space<vmem>>, vector<16xi32>,
      %bitcast3A = vector.bitcast %get3A_149 : vector<16xi32> to vector<16xf32>
      %mul3A_150 = arith.constant 513 : i32
      %mul3A_151 = arith.muli %add3A_148, %mul3A_150 : i32
      %add3A_152 = arith.constant 0 : i32
      %add3A_153 = arith.addi %mul3A_151, %add3A_152 : i32
      %swap3A = arith.index_cast %add3A_153 : i32 to index
      %swap3A_154 = tpu.vector_load %arg4[%swap3A] {strides = array<i32>} : memref<8208xf32, #tpu.memory_space<vmem>>, vector<16xf32>,
      tpu.vector_store %arg4[%swap3A], %bitcast3A {strides = array<i32>} : memref<8208xf32, #tpu.memory_space<vmem>>, vector<16xf32>,
      %get3A_155 = arith.constant 16 : index
      %get3A_156 = tpu.vector_load %arg5[%get3A_155] {strides = array<i32>} : memref<512xi32, #tpu.memory_space<vmem>>, vector<16xi32>,
      %bitcast3A_157 = vector.bitcast %get3A_156 : vector<16xi32> to vector<16xf32>
      %mul3A_158 = arith.constant 513 : i32
      %mul3A_159 = arith.muli %add3A_148, %mul3A_158 : i32
      %add3A_160 = arith.constant 16 : i32
      %add3A_161 = arith.addi %mul3A_159, %add3A_160 : i32
      %swap3A_162 = arith.index_cast %add3A_161 : i32 to index
      %swap3A_163 = tpu.vector_load %arg4[%swap3A_162] {strides = array<i32>} : memref<8208xf32, #tpu.memory_space<vmem>>, vector<16xf32>,
      tpu.vector_store %arg4[%swap3A_162], %bitcast3A_157 {strides = array<i32>} : memref<8208xf32, #tpu.memory_space<vmem>>, vector<16xf32>,
      %get3A_164 = arith.constant 32 : index
      %get3A_165 = tpu.vector_load %arg5[%get3A_164] {strides = array<i32>} : memref<512xi32, #tpu.memory_space<vmem>>, vector<16xi32>,
      %bitcast3A_166 = vector.bitcast %get3A_165 : vector<16xi32> to vector<16xf32>
      %mul3A_167 = arith.constant 513 : i32
      %mul3A_168 = arith.muli %add3A_148, %mul3A_167 : i32
      %add3A_169 = arith.constant 32 : i32
      %add3A_170 = arith.addi %mul3A_168, %add3A_169 : i32
      %swap3A_171 = arith.index_cast %add3A_170 : i32 to index
      %swap3A_172 = tpu.vector_load %arg4[%swap3A_171] {strides = array<i32>} : memref<8208xf32, #tpu.memory_space<vmem>>, vector<16xf32>,
      tpu.vector_store %arg4[%swap3A_171], %bitcast3A_166 {strides = array<i32>} : memref<8208xf32, #tpu.memory_space<vmem>>, vector<16xf32>,
      %get3A_173 = arith.constant 48 : index
      %get3A_174 = tpu.vector_load %arg5[%get3A_173] {strides = array<i32>} : memref<512xi32, #tpu.memory_space<vmem>>, vector<16xi32>,
      %bitcast3A_175 = vector.bitcast %get3A_174 : vector<16xi32> to vector<16xf32>
      %mul3A_176 = arith.constant 513 : i32
      %mul3A_177 = arith.muli %add3A_148, %mul3A_176 : i32
      %add3A_178 = arith.constant 48 : i32
      %add3A_179 = arith.addi %mul3A_177, %add3A_178 : i32
      %swap3A_180 = arith.index_cast %add3A_179 : i32 to index
      %swap3A_181 = tpu.vector_load %arg4[%swap3A_180] {strides = array<i32>} : memref<8208xf32, #tpu.memory_space<vmem>>, vector<16xf32>,
      tpu.vector_store %arg4[%swap3A_180], %bitcast3A_175 {strides = array<i32>} : memref<8208xf32, #tpu.memory_space<vmem>>, vector<16xf32>,
      %get3A_182 = arith.constant 64 : index
      %get3A_183 = tpu.vector_load %arg5[%get3A_182] {strides = array<i32>} : memref<512xi32, #tpu.memory_space<vmem>>, vector<16xi32>,
      %bitcast3A_184 = vector.bitcast %get3A_183 : vector<16xi32> to vector<16xf32>
      %mul3A_185 = arith.constant 513 : i32
      %mul3A_186 = arith.muli %add3A_148, %mul3A_185 : i32
      %add3A_187 = arith.constant 64 : i32
      %add3A_188 = arith.addi %mul3A_186, %add3A_187 : i32
      %swap3A_189 = arith.index_cast %add3A_188 : i32 to index
      %swap3A_190 = tpu.vector_load %arg4[%swap3A_189] {strides = array<i32>} : memref<8208xf32, #tpu.memory_space<vmem>>, vector<16xf32>,
      tpu.vector_store %arg4[%swap3A_189], %bitcast3A_184 {strides = array<i32>} : memref<8208xf32, #tpu.memory_space<vmem>>, vector<16xf32>,
      %get3A_191 = arith.constant 80 : index
      %get3A_192 = tpu.vector_load %arg5[%get3A_191] {strides = array<i32>} : memref<512xi32, #tpu.memory_space<vmem>>, vector<16xi32>,
      %bitcast3A_193 = vector.bitcast %get3A_192 : vector<16xi32> to vector<16xf32>
      %mul3A_194 = arith.constant 513 : i32
      %mul3A_195 = arith.muli %add3A_148, %mul3A_194 : i32
      %add3A_196 = arith.constant 80 : i32
      %add3A_197 = arith.addi %mul3A_195, %add3A_196 : i32
      %swap3A_198 = arith.index_cast %add3A_197 : i32 to index
      %swap3A_199 = tpu.vector_load %arg4[%swap3A_198] {strides = array<i32>} : memref<8208xf32, #tpu.memory_space<vmem>>, vector<16xf32>,
      tpu.vector_store %arg4[%swap3A_198], %bitcast3A_193 {strides = array<i32>} : memref<8208xf32, #tpu.memory_space<vmem>>, vector<16xf32>,
      %get3A_200 = arith.constant 96 : index
      %get3A_201 = tpu.vector_load %arg5[%get3A_200] {strides = array<i32>} : memref<512xi32, #tpu.memory_space<vmem>>, vector<16xi32>,
      %bitcast3A_202 = vector.bitcast %get3A_201 : vector<16xi32> to vector<16xf32>
      %mul3A_203 = arith.constant 513 : i32
      %mul3A_204 = arith.muli %add3A_148, %mul3A_203 : i32
      %add3A_205 = arith.constant 96 : i32
      %add3A_206 = arith.addi %mul3A_204, %add3A_205 : i32
      %swap3A_207 = arith.index_cast %add3A_206 : i32 to index
      %swap3A_208 = tpu.vector_load %arg4[%swap3A_207] {strides = array<i32>} : memref<8208xf32, #tpu.memory_space<vmem>>, vector<16xf32>,
      tpu.vector_store %arg4[%swap3A_207], %bitcast3A_202 {strides = array<i32>} : memref<8208xf32, #tpu.memory_space<vmem>>, vector<16xf32>,
      %get3A_209 = arith.constant 112 : index
      %get3A_210 = tpu.vector_load %arg5[%get3A_209] {strides = array<i32>} : memref<512xi32, #tpu.memory_space<vmem>>, vector<16xi32>,
      %bitcast3A_211 = vector.bitcast %get3A_210 : vector<16xi32> to vector<16xf32>
      %mul3A_212 = arith.constant 513 : i32
      %mul3A_213 = arith.muli %add3A_148, %mul3A_212 : i32
      %add3A_214 = arith.constant 112 : i32
      %add3A_215 = arith.addi %mul3A_213, %add3A_214 : i32
      %swap3A_216 = arith.index_cast %add3A_215 : i32 to index
      %swap3A_217 = tpu.vector_load %arg4[%swap3A_216] {strides = array<i32>} : memref<8208xf32, #tpu.memory_space<vmem>>, vector<16xf32>,
      tpu.vector_store %arg4[%swap3A_216], %bitcast3A_211 {strides = array<i32>} : memref<8208xf32, #tpu.memory_space<vmem>>, vector<16xf32>,
      %get3A_218 = arith.constant 128 : index
      %get3A_219 = tpu.vector_load %arg5[%get3A_218] {strides = array<i32>} : memref<512xi32, #tpu.memory_space<vmem>>, vector<16xi32>,
      %bitcast3A_220 = vector.bitcast %get3A_219 : vector<16xi32> to vector<16xf32>
      %mul3A_221 = arith.constant 513 : i32
      %mul3A_222 = arith.muli %add3A_148, %mul3A_221 : i32
      %add3A_223 = arith.constant 128 : i32
      %add3A_224 = arith.addi %mul3A_222, %add3A_223 : i32
      %swap3A_225 = arith.index_cast %add3A_224 : i32 to index
      %swap3A_226 = tpu.vector_load %arg4[%swap3A_225] {strides = array<i32>} : memref<8208xf32, #tpu.memory_space<vmem>>, vector<16xf32>,
      tpu.vector_store %arg4[%swap3A_225], %bitcast3A_220 {strides = array<i32>} : memref<8208xf32, #tpu.memory_space<vmem>>, vector<16xf32>,
      %get3A_227 = arith.constant 144 : index
      %get3A_228 = tpu.vector_load %arg5[%get3A_227] {strides = array<i32>} : memref<512xi32, #tpu.memory_space<vmem>>, vector<16xi32>,
      %bitcast3A_229 = vector.bitcast %get3A_228 : vector<16xi32> to vector<16xf32>
      %mul3A_230 = arith.constant 513 : i32
      %mul3A_231 = arith.muli %add3A_148, %mul3A_230 : i32
      %add3A_232 = arith.constant 144 : i32
      %add3A_233 = arith.addi %mul3A_231, %add3A_232 : i32
      %swap3A_234 = arith.index_cast %add3A_233 : i32 to index
      %swap3A_235 = tpu.vector_load %arg4[%swap3A_234] {strides = array<i32>} : memref<8208xf32, #tpu.memory_space<vmem>>, vector<16xf32>,
      tpu.vector_store %arg4[%swap3A_234], %bitcast3A_229 {strides = array<i32>} : memref<8208xf32, #tpu.memory_space<vmem>>, vector<16xf32>,
      %get3A_236 = arith.constant 160 : index
      %get3A_237 = tpu.vector_load %arg5[%get3A_236] {strides = array<i32>} : memref<512xi32, #tpu.memory_space<vmem>>, vector<16xi32>,
      %bitcast3A_238 = vector.bitcast %get3A_237 : vector<16xi32> to vector<16xf32>
      %mul3A_239 = arith.constant 513 : i32
      %mul3A_240 = arith.muli %add3A_148, %mul3A_239 : i32
      %add3A_241 = arith.constant 160 : i32
      %add3A_242 = arith.addi %mul3A_240, %add3A_241 : i32
      %swap3A_243 = arith.index_cast %add3A_242 : i32 to index
      %swap3A_244 = tpu.vector_load %arg4[%swap3A_243] {strides = array<i32>} : memref<8208xf32, #tpu.memory_space<vmem>>, vector<16xf32>,
      tpu.vector_store %arg4[%swap3A_243], %bitcast3A_238 {strides = array<i32>} : memref<8208xf32, #tpu.memory_space<vmem>>, vector<16xf32>,
      %get3A_245 = arith.constant 176 : index
      %get3A_246 = tpu.vector_load %arg5[%get3A_245] {strides = array<i32>} : memref<512xi32, #tpu.memory_space<vmem>>, vector<16xi32>,
      %bitcast3A_247 = vector.bitcast %get3A_246 : vector<16xi32> to vector<16xf32>
      %mul3A_248 = arith.constant 513 : i32
      %mul3A_249 = arith.muli %add3A_148, %mul3A_248 : i32
      %add3A_250 = arith.constant 176 : i32
      %add3A_251 = arith.addi %mul3A_249, %add3A_250 : i32
      %swap3A_252 = arith.index_cast %add3A_251 : i32 to index
      %swap3A_253 = tpu.vector_load %arg4[%swap3A_252] {strides = array<i32>} : memref<8208xf32, #tpu.memory_space<vmem>>, vector<16xf32>,
      tpu.vector_store %arg4[%swap3A_252], %bitcast3A_247 {strides = array<i32>} : memref<8208xf32, #tpu.memory_space<vmem>>, vector<16xf32>,
      %get3A_254 = arith.constant 192 : index
      %get3A_255 = tpu.vector_load %arg5[%get3A_254] {strides = array<i32>} : memref<512xi32, #tpu.memory_space<vmem>>, vector<16xi32>,
      %bitcast3A_256 = vector.bitcast %get3A_255 : vector<16xi32> to vector<16xf32>
      %mul3A_257 = arith.constant 513 : i32
      %mul3A_258 = arith.muli %add3A_148, %mul3A_257 : i32
      %add3A_259 = arith.constant 192 : i32
      %add3A_260 = arith.addi %mul3A_258, %add3A_259 : i32
      %swap3A_261 = arith.index_cast %add3A_260 : i32 to index
      %swap3A_262 = tpu.vector_load %arg4[%swap3A_261] {strides = array<i32>} : memref<8208xf32, #tpu.memory_space<vmem>>, vector<16xf32>,
      tpu.vector_store %arg4[%swap3A_261], %bitcast3A_256 {strides = array<i32>} : memref<8208xf32, #tpu.memory_space<vmem>>, vector<16xf32>,
      %get3A_263 = arith.constant 208 : index
      %get3A_264 = tpu.vector_load %arg5[%get3A_263] {strides = array<i32>} : memref<512xi32, #tpu.memory_space<vmem>>, vector<16xi32>,
      %bitcast3A_265 = vector.bitcast %get3A_264 : vector<16xi32> to vector<16xf32>
      %mul3A_266 = arith.constant 513 : i32
      %mul3A_267 = arith.muli %add3A_148, %mul3A_266 : i32
      %add3A_268 = arith.constant 208 : i32
      %add3A_269 = arith.addi %mul3A_267, %add3A_268 : i32
      %swap3A_270 = arith.index_cast %add3A_269 : i32 to index
      %swap3A_271 = tpu.vector_load %arg4[%swap3A_270] {strides = array<i32>} : memref<8208xf32, #tpu.memory_space<vmem>>, vector<16xf32>,
      tpu.vector_store %arg4[%swap3A_270], %bitcast3A_265 {strides = array<i32>} : memref<8208xf32, #tpu.memory_space<vmem>>, vector<16xf32>,
      %get3A_272 = arith.constant 224 : index
      %get3A_273 = tpu.vector_load %arg5[%get3A_272] {strides = array<i32>} : memref<512xi32, #tpu.memory_space<vmem>>, vector<16xi32>,
      %bitcast3A_274 = vector.bitcast %get3A_273 : vector<16xi32> to vector<16xf32>
      %mul3A_275 = arith.constant 513 : i32
      %mul3A_276 = arith.muli %add3A_148, %mul3A_275 : i32
      %add3A_277 = arith.constant 224 : i32
      %add3A_278 = arith.addi %mul3A_276, %add3A_277 : i32
      %swap3A_279 = arith.index_cast %add3A_278 : i32 to index
      %swap3A_280 = tpu.vector_load %arg4[%swap3A_279] {strides = array<i32>} : memref<8208xf32, #tpu.memory_space<vmem>>, vector<16xf32>,
      tpu.vector_store %arg4[%swap3A_279], %bitcast3A_274 {strides = array<i32>} : memref<8208xf32, #tpu.memory_space<vmem>>, vector<16xf32>,
      %get3A_281 = arith.constant 240 : index
      %get3A_282 = tpu.vector_load %arg5[%get3A_281] {strides = array<i32>} : memref<512xi32, #tpu.memory_space<vmem>>, vector<16xi32>,
      %bitcast3A_283 = vector.bitcast %get3A_282 : vector<16xi32> to vector<16xf32>
      %mul3A_284 = arith.constant 513 : i32
      %mul3A_285 = arith.muli %add3A_148, %mul3A_284 : i32
      %add3A_286 = arith.constant 240 : i32
      %add3A_287 = arith.addi %mul3A_285, %add3A_286 : i32
      %swap3A_288 = arith.index_cast %add3A_287 : i32 to index
      %swap3A_289 = tpu.vector_load %arg4[%swap3A_288] {strides = array<i32>} : memref<8208xf32, #tpu.memory_space<vmem>>, vector<16xf32>,
      tpu.vector_store %arg4[%swap3A_288], %bitcast3A_283 {strides = array<i32>} : memref<8208xf32, #tpu.memory_space<vmem>>, vector<16xf32>,
      %get3A_290 = arith.constant 256 : index
      %get3A_291 = tpu.vector_load %arg5[%get3A_290] {strides = array<i32>} : memref<512xi32, #tpu.memory_space<vmem>>, vector<16xi32>,
      %bitcast3A_292 = vector.bitcast %get3A_291 : vector<16xi32> to vector<16xf32>
      %mul3A_293 = arith.constant 513 : i32
      %mul3A_294 = arith.muli %add3A_148, %mul3A_293 : i32
      %add3A_295 = arith.constant 256 : i32
      %add3A_296 = arith.addi %mul3A_294, %add3A_295 : i32
      %swap3A_297 = arith.index_cast %add3A_296 : i32 to index
      %swap3A_298 = tpu.vector_load %arg4[%swap3A_297] {strides = array<i32>} : memref<8208xf32, #tpu.memory_space<vmem>>, vector<16xf32>,
      tpu.vector_store %arg4[%swap3A_297], %bitcast3A_292 {strides = array<i32>} : memref<8208xf32, #tpu.memory_space<vmem>>, vector<16xf32>,
      %get3A_299 = arith.constant 272 : index
      %get3A_300 = tpu.vector_load %arg5[%get3A_299] {strides = array<i32>} : memref<512xi32, #tpu.memory_space<vmem>>, vector<16xi32>,
      %bitcast3A_301 = vector.bitcast %get3A_300 : vector<16xi32> to vector<16xf32>
      %mul3A_302 = arith.constant 513 : i32
      %mul3A_303 = arith.muli %add3A_148, %mul3A_302 : i32
      %add3A_304 = arith.constant 272 : i32
      %add3A_305 = arith.addi %mul3A_303, %add3A_304 : i32
      %swap3A_306 = arith.index_cast %add3A_305 : i32 to index
      %swap3A_307 = tpu.vector_load %arg4[%swap3A_306] {strides = array<i32>} : memref<8208xf32, #tpu.memory_space<vmem>>, vector<16xf32>,
      tpu.vector_store %arg4[%swap3A_306], %bitcast3A_301 {strides = array<i32>} : memref<8208xf32, #tpu.memory_space<vmem>>, vector<16xf32>,
      %get3A_308 = arith.constant 288 : index
      %get3A_309 = tpu.vector_load %arg5[%get3A_308] {strides = array<i32>} : memref<512xi32, #tpu.memory_space<vmem>>, vector<16xi32>,
      %bitcast3A_310 = vector.bitcast %get3A_309 : vector<16xi32> to vector<16xf32>
      %mul3A_311 = arith.constant 513 : i32
      %mul3A_312 = arith.muli %add3A_148, %mul3A_311 : i32
      %add3A_313 = arith.constant 288 : i32
      %add3A_314 = arith.addi %mul3A_312, %add3A_313 : i32
      %swap3A_315 = arith.index_cast %add3A_314 : i32 to index
      %swap3A_316 = tpu.vector_load %arg4[%swap3A_315] {strides = array<i32>} : memref<8208xf32, #tpu.memory_space<vmem>>, vector<16xf32>,
      tpu.vector_store %arg4[%swap3A_315], %bitcast3A_310 {strides = array<i32>} : memref<8208xf32, #tpu.memory_space<vmem>>, vector<16xf32>,
      %get3A_317 = arith.constant 304 : index
      %get3A_318 = tpu.vector_load %arg5[%get3A_317] {strides = array<i32>} : memref<512xi32, #tpu.memory_space<vmem>>, vector<16xi32>,
      %bitcast3A_319 = vector.bitcast %get3A_318 : vector<16xi32> to vector<16xf32>
      %mul3A_320 = arith.constant 513 : i32
      %mul3A_321 = arith.muli %add3A_148, %mul3A_320 : i32
      %add3A_322 = arith.constant 304 : i32
      %add3A_323 = arith.addi %mul3A_321, %add3A_322 : i32
      %swap3A_324 = arith.index_cast %add3A_323 : i32 to index
      %swap3A_325 = tpu.vector_load %arg4[%swap3A_324] {strides = array<i32>} : memref<8208xf32, #tpu.memory_space<vmem>>, vector<16xf32>,
      tpu.vector_store %arg4[%swap3A_324], %bitcast3A_319 {strides = array<i32>} : memref<8208xf32, #tpu.memory_space<vmem>>, vector<16xf32>,
      %get3A_326 = arith.constant 320 : index
      %get3A_327 = tpu.vector_load %arg5[%get3A_326] {strides = array<i32>} : memref<512xi32, #tpu.memory_space<vmem>>, vector<16xi32>,
      %bitcast3A_328 = vector.bitcast %get3A_327 : vector<16xi32> to vector<16xf32>
      %mul3A_329 = arith.constant 513 : i32
      %mul3A_330 = arith.muli %add3A_148, %mul3A_329 : i32
      %add3A_331 = arith.constant 320 : i32
      %add3A_332 = arith.addi %mul3A_330, %add3A_331 : i32
      %swap3A_333 = arith.index_cast %add3A_332 : i32 to index
      %swap3A_334 = tpu.vector_load %arg4[%swap3A_333] {strides = array<i32>} : memref<8208xf32, #tpu.memory_space<vmem>>, vector<16xf32>,
      tpu.vector_store %arg4[%swap3A_333], %bitcast3A_328 {strides = array<i32>} : memref<8208xf32, #tpu.memory_space<vmem>>, vector<16xf32>,
      %get3A_335 = arith.constant 336 : index
      %get3A_336 = tpu.vector_load %arg5[%get3A_335] {strides = array<i32>} : memref<512xi32, #tpu.memory_space<vmem>>, vector<16xi32>,
      %bitcast3A_337 = vector.bitcast %get3A_336 : vector<16xi32> to vector<16xf32>
      %mul3A_338 = arith.constant 513 : i32
      %mul3A_339 = arith.muli %add3A_148, %mul3A_338 : i32
      %add3A_340 = arith.constant 336 : i32
      %add3A_341 = arith.addi %mul3A_339, %add3A_340 : i32
      %swap3A_342 = arith.index_cast %add3A_341 : i32 to index
      %swap3A_343 = tpu.vector_load %arg4[%swap3A_342] {strides = array<i32>} : memref<8208xf32, #tpu.memory_space<vmem>>, vector<16xf32>,
      tpu.vector_store %arg4[%swap3A_342], %bitcast3A_337 {strides = array<i32>} : memref<8208xf32, #tpu.memory_space<vmem>>, vector<16xf32>,
      %get3A_344 = arith.constant 352 : index
      %get3A_345 = tpu.vector_load %arg5[%get3A_344] {strides = array<i32>} : memref<512xi32, #tpu.memory_space<vmem>>, vector<16xi32>,
      %bitcast3A_346 = vector.bitcast %get3A_345 : vector<16xi32> to vector<16xf32>
      %mul3A_347 = arith.constant 513 : i32
      %mul3A_348 = arith.muli %add3A_148, %mul3A_347 : i32
      %add3A_349 = arith.constant 352 : i32
      %add3A_350 = arith.addi %mul3A_348, %add3A_349 : i32
      %swap3A_351 = arith.index_cast %add3A_350 : i32 to index
      %swap3A_352 = tpu.vector_load %arg4[%swap3A_351] {strides = array<i32>} : memref<8208xf32, #tpu.memory_space<vmem>>, vector<16xf32>,
      tpu.vector_store %arg4[%swap3A_351], %bitcast3A_346 {strides = array<i32>} : memref<8208xf32, #tpu.memory_space<vmem>>, vector<16xf32>,
      %get3A_353 = arith.constant 368 : index
      %get3A_354 = tpu.vector_load %arg5[%get3A_353] {strides = array<i32>} : memref<512xi32, #tpu.memory_space<vmem>>, vector<16xi32>,
      %bitcast3A_355 = vector.bitcast %get3A_354 : vector<16xi32> to vector<16xf32>
      %mul3A_356 = arith.constant 513 : i32
      %mul3A_357 = arith.muli %add3A_148, %mul3A_356 : i32
      %add3A_358 = arith.constant 368 : i32
      %add3A_359 = arith.addi %mul3A_357, %add3A_358 : i32
      %swap3A_360 = arith.index_cast %add3A_359 : i32 to index
      %swap3A_361 = tpu.vector_load %arg4[%swap3A_360] {strides = array<i32>} : memref<8208xf32, #tpu.memory_space<vmem>>, vector<16xf32>,
      tpu.vector_store %arg4[%swap3A_360], %bitcast3A_355 {strides = array<i32>} : memref<8208xf32, #tpu.memory_space<vmem>>, vector<16xf32>,
      %get3A_362 = arith.constant 384 : index
      %get3A_363 = tpu.vector_load %arg5[%get3A_362] {strides = array<i32>} : memref<512xi32, #tpu.memory_space<vmem>>, vector<16xi32>,
      %bitcast3A_364 = vector.bitcast %get3A_363 : vector<16xi32> to vector<16xf32>
      %mul3A_365 = arith.constant 513 : i32
      %mul3A_366 = arith.muli %add3A_148, %mul3A_365 : i32
      %add3A_367 = arith.constant 384 : i32
      %add3A_368 = arith.addi %mul3A_366, %add3A_367 : i32
      %swap3A_369 = arith.index_cast %add3A_368 : i32 to index
      %swap3A_370 = tpu.vector_load %arg4[%swap3A_369] {strides = array<i32>} : memref<8208xf32, #tpu.memory_space<vmem>>, vector<16xf32>,
      tpu.vector_store %arg4[%swap3A_369], %bitcast3A_364 {strides = array<i32>} : memref<8208xf32, #tpu.memory_space<vmem>>, vector<16xf32>,
      %get3A_371 = arith.constant 400 : index
      %get3A_372 = tpu.vector_load %arg5[%get3A_371] {strides = array<i32>} : memref<512xi32, #tpu.memory_space<vmem>>, vector<16xi32>,
      %bitcast3A_373 = vector.bitcast %get3A_372 : vector<16xi32> to vector<16xf32>
      %mul3A_374 = arith.constant 513 : i32
      %mul3A_375 = arith.muli %add3A_148, %mul3A_374 : i32
      %add3A_376 = arith.constant 400 : i32
      %add3A_377 = arith.addi %mul3A_375, %add3A_376 : i32
      %swap3A_378 = arith.index_cast %add3A_377 : i32 to index
      %swap3A_379 = tpu.vector_load %arg4[%swap3A_378] {strides = array<i32>} : memref<8208xf32, #tpu.memory_space<vmem>>, vector<16xf32>,
      tpu.vector_store %arg4[%swap3A_378], %bitcast3A_373 {strides = array<i32>} : memref<8208xf32, #tpu.memory_space<vmem>>, vector<16xf32>,
      %get3A_380 = arith.constant 416 : index
      %get3A_381 = tpu.vector_load %arg5[%get3A_380] {strides = array<i32>} : memref<512xi32, #tpu.memory_space<vmem>>, vector<16xi32>,
      %bitcast3A_382 = vector.bitcast %get3A_381 : vector<16xi32> to vector<16xf32>
      %mul3A_383 = arith.constant 513 : i32
      %mul3A_384 = arith.muli %add3A_148, %mul3A_383 : i32
      %add3A_385 = arith.constant 416 : i32
      %add3A_386 = arith.addi %mul3A_384, %add3A_385 : i32
      %swap3A_387 = arith.index_cast %add3A_386 : i32 to index
      %swap3A_388 = tpu.vector_load %arg4[%swap3A_387] {strides = array<i32>} : memref<8208xf32, #tpu.memory_space<vmem>>, vector<16xf32>,
      tpu.vector_store %arg4[%swap3A_387], %bitcast3A_382 {strides = array<i32>} : memref<8208xf32, #tpu.memory_space<vmem>>, vector<16xf32>,
      %get3A_389 = arith.constant 432 : index
      %get3A_390 = tpu.vector_load %arg5[%get3A_389] {strides = array<i32>} : memref<512xi32, #tpu.memory_space<vmem>>, vector<16xi32>,
      %bitcast3A_391 = vector.bitcast %get3A_390 : vector<16xi32> to vector<16xf32>
      %mul3A_392 = arith.constant 513 : i32
      %mul3A_393 = arith.muli %add3A_148, %mul3A_392 : i32
      %add3A_394 = arith.constant 432 : i32
      %add3A_395 = arith.addi %mul3A_393, %add3A_394 : i32
      %swap3A_396 = arith.index_cast %add3A_395 : i32 to index
      %swap3A_397 = tpu.vector_load %arg4[%swap3A_396] {strides = array<i32>} : memref<8208xf32, #tpu.memory_space<vmem>>, vector<16xf32>,
      tpu.vector_store %arg4[%swap3A_396], %bitcast3A_391 {strides = array<i32>} : memref<8208xf32, #tpu.memory_space<vmem>>, vector<16xf32>,
      %get3A_398 = arith.constant 448 : index
      %get3A_399 = tpu.vector_load %arg5[%get3A_398] {strides = array<i32>} : memref<512xi32, #tpu.memory_space<vmem>>, vector<16xi32>,
      %bitcast3A_400 = vector.bitcast %get3A_399 : vector<16xi32> to vector<16xf32>
      %mul3A_401 = arith.constant 513 : i32
      %mul3A_402 = arith.muli %add3A_148, %mul3A_401 : i32
      %add3A_403 = arith.constant 448 : i32
      %add3A_404 = arith.addi %mul3A_402, %add3A_403 : i32
      %swap3A_405 = arith.index_cast %add3A_404 : i32 to index
      %swap3A_406 = tpu.vector_load %arg4[%swap3A_405] {strides = array<i32>} : memref<8208xf32, #tpu.memory_space<vmem>>, vector<16xf32>,
      tpu.vector_store %arg4[%swap3A_405], %bitcast3A_400 {strides = array<i32>} : memref<8208xf32, #tpu.memory_space<vmem>>, vector<16xf32>,
      %get3A_407 = arith.constant 464 : index
      %get3A_408 = tpu.vector_load %arg5[%get3A_407] {strides = array<i32>} : memref<512xi32, #tpu.memory_space<vmem>>, vector<16xi32>,
      %bitcast3A_409 = vector.bitcast %get3A_408 : vector<16xi32> to vector<16xf32>
      %mul3A_410 = arith.constant 513 : i32
      %mul3A_411 = arith.muli %add3A_148, %mul3A_410 : i32
      %add3A_412 = arith.constant 464 : i32
      %add3A_413 = arith.addi %mul3A_411, %add3A_412 : i32
      %swap3A_414 = arith.index_cast %add3A_413 : i32 to index
      %swap3A_415 = tpu.vector_load %arg4[%swap3A_414] {strides = array<i32>} : memref<8208xf32, #tpu.memory_space<vmem>>, vector<16xf32>,
      tpu.vector_store %arg4[%swap3A_414], %bitcast3A_409 {strides = array<i32>} : memref<8208xf32, #tpu.memory_space<vmem>>, vector<16xf32>,
      %get3A_416 = arith.constant 480 : index
      %get3A_417 = tpu.vector_load %arg5[%get3A_416] {strides = array<i32>} : memref<512xi32, #tpu.memory_space<vmem>>, vector<16xi32>,
      %bitcast3A_418 = vector.bitcast %get3A_417 : vector<16xi32> to vector<16xf32>
      %mul3A_419 = arith.constant 513 : i32
      %mul3A_420 = arith.muli %add3A_148, %mul3A_419 : i32
      %add3A_421 = arith.constant 480 : i32
      %add3A_422 = arith.addi %mul3A_420, %add3A_421 : i32
      %swap3A_423 = arith.index_cast %add3A_422 : i32 to index
      %swap3A_424 = tpu.vector_load %arg4[%swap3A_423] {strides = array<i32>} : memref<8208xf32, #tpu.memory_space<vmem>>, vector<16xf32>,
      tpu.vector_store %arg4[%swap3A_423], %bitcast3A_418 {strides = array<i32>} : memref<8208xf32, #tpu.memory_space<vmem>>, vector<16xf32>,
      %get3A_425 = arith.constant 496 : index
      %get3A_426 = tpu.vector_load %arg5[%get3A_425] {strides = array<i32>} : memref<512xi32, #tpu.memory_space<vmem>>, vector<16xi32>,
      %bitcast3A_427 = vector.bitcast %get3A_426 : vector<16xi32> to vector<16xf32>
      %mul3A_428 = arith.constant 513 : i32
      %mul3A_429 = arith.muli %add3A_148, %mul3A_428 : i32
      %add3A_430 = arith.constant 496 : i32
      %add3A_431 = arith.addi %mul3A_429, %add3A_430 : i32
      %swap3A_432 = arith.index_cast %add3A_431 : i32 to index
      %swap3A_433 = tpu.vector_load %arg4[%swap3A_432] {strides = array<i32>} : memref<8208xf32, #tpu.memory_space<vmem>>, vector<16xf32>,
      tpu.vector_store %arg4[%swap3A_432], %bitcast3A_427 {strides = array<i32>} : memref<8208xf32, #tpu.memory_space<vmem>>, vector<16xf32>,
    }
    %scan3A_8 = arith.constant 16 : i32
    %iota3A = tpu.iota {dimensions = array<i32: 0>} : vector<16xi32>
    %mul3A_9 = arith.constant 513 : i32
    %mul3A_10 = vector.broadcast %mul3A_9 : i32 to vector<16xi32>
    %mul3A_11 = arith.muli %iota3A, %mul3A_10 : vector<16xi32>
    %dma_start3A = arith.constant 0 : i32
    %dma_start3A_12 = arith.constant 0 : i32
    %dma_start3A_13 = tpu.memref_slice %arg6[%dma_start3A, %dma_start3A_12] : memref<2x256xi32, #tpu.memory_space<vmem>> -> memref<1x256xi32, #tpu.memory_space<vmem>>
    %dma_start3A_14 = tpu.memref_squeeze %dma_start3A_13 : memref<1x256xi32, #tpu.memory_space<vmem>> -> memref<256xi32, #tpu.memory_space<vmem>>
    %dma_start3A_15 = tpu.memref_slice %arg2[%mul3A_4] : memref<819712xi32, #tpu.memory_space<hbm>> -> memref<256xi32, #tpu.memory_space<hbm>>
    %dma_start3A_16 = arith.constant 0 : i32
    %dma_start3A_17 = tpu.memref_slice %arg6[%dma_start3A, %dma_start3A_16] : memref<2x256xi32, #tpu.memory_space<vmem>> -> memref<1x256xi32, #tpu.memory_space<vmem>>
    %dma_start3A_18 = tpu.memref_squeeze %dma_start3A_17 : memref<1x256xi32, #tpu.memory_space<vmem>> -> memref<256xi32, #tpu.memory_space<vmem>>
    %dma_start3A_19 = tpu.memref_slice %arg2[%mul3A_4] : memref<819712xi32, #tpu.memory_space<hbm>> -> memref<256xi32, #tpu.memory_space<hbm>>
    tpu.enqueue_dma source(%dma_start3A_19 : memref<256xi32, #tpu.memory_space<hbm>>) target(%dma_start3A_18 : memref<256xi32, #tpu.memory_space<vmem>>) target_semaphore(%arg10 : memref<!tpu.dma_semaphore, #tpu.memory_space<semaphore_mem>>)
    %scan3A_20 = arith.constant 0 : i32
    %scan3A_21 = arith.constant 50 : i32
    %scan3A_22 = arith.addi %scan3A_20, %scan3A_21 : i32
    %scan3A_23 = arith.constant 1 : i32
    scf.for %scan3A_144 = %scan3A_20 to %scan3A_22 step %scan3A_23  : i32 {
      %mul3A_145 = arith.constant 2 : i32
      %mul3A_146 = arith.muli %scan3A_144, %mul3A_145 : i32
      %add3A_147 = arith.constant 0 : i32
      %add3A_148 = arith.addi %add3A_147, %mul3A_146 : i32
      %add3A_149 = arith.constant 0 : i32
      %add3A_150 = arith.addi %add3A_148, %add3A_149 : i32
      %mul3A_151 = arith.constant 1024 : i32
      %mul3A_152 = arith.muli %add3A_150, %mul3A_151 : i32
      %add3A_153 = arith.addi %mul3A_2, %mul3A_152 : i32
      %mul3A_154 = arith.constant 256 : i32
      %mul3A_155 = arith.muli %add3A_150, %mul3A_154 : i32
      %add3A_156 = arith.addi %mul3A_4, %mul3A_155 : i32
      %multiple_of3A = tpu.assume_multiple %add3A_156, 256 : i32
      %mul3A_157 = arith.constant 800 : i32
      %mul3A_158 = arith.muli %add3A, %mul3A_157 : i32
      %mul3A_159 = arith.constant 8 : i32
      %mul3A_160 = arith.muli %add3A_150, %mul3A_159 : i32
      %add3A_161 = arith.addi %mul3A_158, %mul3A_160 : i32
      %multiple_of3A_162 = tpu.assume_multiple %add3A_161, 8 : i32
      %dma_wait3A_163 = arith.constant 0 : i32
      %dma_wait3A_164 = arith.constant 0 : i32
      %dma_wait3A_165 = tpu.memref_slice %arg6[%dma_wait3A_163, %dma_wait3A_164] : memref<2x256xi32, #tpu.memory_space<vmem>> -> memref<1x256xi32, #tpu.memory_space<vmem>>
      %dma_wait3A_166 = tpu.memref_squeeze %dma_wait3A_165 : memref<1x256xi32, #tpu.memory_space<vmem>> -> memref<256xi32, #tpu.memory_space<vmem>>
      %dma_wait3A_167 = tpu.memref_slice %arg2[%multiple_of3A] : memref<819712xi32, #tpu.memory_space<hbm>> -> memref<256xi32, #tpu.memory_space<hbm>>
      %dma_wait3A_168 = arith.constant 0 : i32
      %dma_wait3A_169 = tpu.memref_slice %arg6[%dma_wait3A_163, %dma_wait3A_168] : memref<2x256xi32, #tpu.memory_space<vmem>> -> memref<1x256xi32, #tpu.memory_space<vmem>>
      %dma_wait3A_170 = tpu.memref_squeeze %dma_wait3A_169 : memref<1x256xi32, #tpu.memory_space<vmem>> -> memref<256xi32, #tpu.memory_space<vmem>>
      %dma_wait3A_171 = tpu.memref_slice %arg2[%multiple_of3A] : memref<819712xi32, #tpu.memory_space<hbm>> -> memref<256xi32, #tpu.memory_space<hbm>>
      tpu.wait_dma2 semaphore(%arg10 : memref<!tpu.dma_semaphore, #tpu.memory_space<semaphore_mem>>) src(%dma_wait3A_171 : memref<256xi32, #tpu.memory_space<hbm>>) dst(%dma_wait3A_170 : memref<256xi32, #tpu.memory_space<vmem>>)
      %add3A_172 = arith.constant 1 : i32
      %add3A_173 = arith.addi %add3A_150, %add3A_172 : i32
      %lt3A = arith.constant 100 : i32
      %lt3A_174 = arith.cmpi slt, %add3A_173, %lt3A : i32
      %convert_element_type3A = arith.extui %lt3A_174 : i1 to i32
      %cond3A = arith.constant 0 : i32
      %cond3A_175 = arith.cmpi ne, %convert_element_type3A, %cond3A : i32
      scf.if %cond3A_175 {
        %add3A_368 = arith.constant 256 : i32
        %add3A_369 = arith.addi %multiple_of3A, %add3A_368 : i32
        %dma_start3A_370 = arith.constant 1 : i32
        %dma_start3A_371 = arith.constant 0 : i32
        %dma_start3A_372 = tpu.memref_slice %arg6[%dma_start3A_370, %dma_start3A_371] : memref<2x256xi32, #tpu.memory_space<vmem>> -> memref<1x256xi32, #tpu.memory_space<vmem>>
        %dma_start3A_373 = tpu.memref_squeeze %dma_start3A_372 : memref<1x256xi32, #tpu.memory_space<vmem>> -> memref<256xi32, #tpu.memory_space<vmem>>
        %dma_start3A_374 = tpu.memref_slice %arg2[%add3A_369] : memref<819712xi32, #tpu.memory_space<hbm>> -> memref<256xi32, #tpu.memory_space<hbm>>
        %dma_start3A_375 = arith.constant 0 : i32
        %dma_start3A_376 = tpu.memref_slice %arg6[%dma_start3A_370, %dma_start3A_375] : memref<2x256xi32, #tpu.memory_space<vmem>> -> memref<1x256xi32, #tpu.memory_space<vmem>>
        %dma_start3A_377 = tpu.memref_squeeze %dma_start3A_376 : memref<1x256xi32, #tpu.memory_space<vmem>> -> memref<256xi32, #tpu.memory_space<vmem>>
        %dma_start3A_378 = tpu.memref_slice %arg2[%add3A_369] : memref<819712xi32, #tpu.memory_space<hbm>> -> memref<256xi32, #tpu.memory_space<hbm>>
        tpu.enqueue_dma source(%dma_start3A_378 : memref<256xi32, #tpu.memory_space<hbm>>) target(%dma_start3A_377 : memref<256xi32, #tpu.memory_space<vmem>>) target_semaphore(%arg11 : memref<!tpu.dma_semaphore, #tpu.memory_space<semaphore_mem>>)
      } else {
      }
      %ge3A = arith.constant 2 : i32
      %ge3A_176 = arith.cmpi sge, %add3A_150, %ge3A : i32
      %convert_element_type3A_177 = arith.extui %ge3A_176 : i1 to i32
      %cond3A_178 = arith.constant 0 : i32
      %cond3A_179 = arith.constant 0 : i32
      %cond3A_180 = arith.cmpi ne, %convert_element_type3A_177, %cond3A_179 : i32
      scf.if %cond3A_180 {
        %dma_wait3A_368 = arith.constant 0 : i32
        %dma_wait3A_369 = tpu.memref_slice %arg7[%cond3A_178, %dma_wait3A_368] : memref<2x32768xf32, #tpu.memory_space<vmem>> -> memref<1x32768xf32, #tpu.memory_space<vmem>>
        %dma_wait3A_370 = tpu.memref_squeeze %dma_wait3A_369 : memref<1x32768xf32, #tpu.memory_space<vmem>> -> memref<32768xf32, #tpu.memory_space<vmem>>
        %dma_wait3A_371 = arith.constant 0 : i32
        %dma_wait3A_372 = tpu.memref_slice %dma_wait3A_370[%dma_wait3A_371] : memref<32768xf32, #tpu.memory_space<vmem>> -> memref<8192xf32, #tpu.memory_space<vmem>>
        %dma_wait3A_373 = arith.constant 0 : i32
        %dma_wait3A_374 = tpu.memref_slice %arg3[%dma_wait3A_373] : memref<104857600xf32, #tpu.memory_space<hbm>> -> memref<8192xf32, #tpu.memory_space<hbm>>
        %dma_wait3A_375 = arith.constant 0 : i32
        %dma_wait3A_376 = tpu.memref_slice %arg7[%cond3A_178, %dma_wait3A_375] : memref<2x32768xf32, #tpu.memory_space<vmem>> -> memref<1x32768xf32, #tpu.memory_space<vmem>>
        %dma_wait3A_377 = tpu.memref_squeeze %dma_wait3A_376 : memref<1x32768xf32, #tpu.memory_space<vmem>> -> memref<32768xf32, #tpu.memory_space<vmem>>
        %dma_wait3A_378 = arith.constant 0 : i32
        %dma_wait3A_379 = tpu.memref_slice %dma_wait3A_377[%dma_wait3A_378] : memref<32768xf32, #tpu.memory_space<vmem>> -> memref<8192xf32, #tpu.memory_space<vmem>>
        %dma_wait3A_380 = arith.constant 0 : i32
        %dma_wait3A_381 = tpu.memref_slice %arg3[%dma_wait3A_380] : memref<104857600xf32, #tpu.memory_space<hbm>> -> memref<8192xf32, #tpu.memory_space<hbm>>
        tpu.wait_dma2 semaphore(%arg8 : memref<!tpu.dma_semaphore, #tpu.memory_space<semaphore_mem>>) src(%dma_wait3A_381 : memref<8192xf32, #tpu.memory_space<hbm>>) dst(%dma_wait3A_379 : memref<8192xf32, #tpu.memory_space<vmem>>)
        %dma_wait3A_382 = arith.constant 0 : i32
        %dma_wait3A_383 = tpu.memref_slice %arg7[%cond3A_178, %dma_wait3A_382] : memref<2x32768xf32, #tpu.memory_space<vmem>> -> memref<1x32768xf32, #tpu.memory_space<vmem>>
        %dma_wait3A_384 = tpu.memref_squeeze %dma_wait3A_383 : memref<1x32768xf32, #tpu.memory_space<vmem>> -> memref<32768xf32, #tpu.memory_space<vmem>>
        %dma_wait3A_385 = arith.constant 8192 : i32
        %dma_wait3A_386 = tpu.memref_slice %dma_wait3A_384[%dma_wait3A_385] : memref<32768xf32, #tpu.memory_space<vmem>> -> memref<8192xf32, #tpu.memory_space<vmem>>
        %dma_wait3A_387 = arith.constant 0 : i32
        %dma_wait3A_388 = tpu.memref_slice %arg3[%dma_wait3A_387] : memref<104857600xf32, #tpu.memory_space<hbm>> -> memref<8192xf32, #tpu.memory_space<hbm>>
        %dma_wait3A_389 = arith.constant 0 : i32
        %dma_wait3A_390 = tpu.memref_slice %arg7[%cond3A_178, %dma_wait3A_389] : memref<2x32768xf32, #tpu.memory_space<vmem>> -> memref<1x32768xf32, #tpu.memory_space<vmem>>
        %dma_wait3A_391 = tpu.memref_squeeze %dma_wait3A_390 : memref<1x32768xf32, #tpu.memory_space<vmem>> -> memref<32768xf32, #tpu.memory_space<vmem>>
        %dma_wait3A_392 = arith.constant 8192 : i32
        %dma_wait3A_393 = tpu.memref_slice %dma_wait3A_391[%dma_wait3A_392] : memref<32768xf32, #tpu.memory_space<vmem>> -> memref<8192xf32, #tpu.memory_space<vmem>>
        %dma_wait3A_394 = arith.constant 0 : i32
        %dma_wait3A_395 = tpu.memref_slice %arg3[%dma_wait3A_394] : memref<104857600xf32, #tpu.memory_space<hbm>> -> memref<8192xf32, #tpu.memory_space<hbm>>
        tpu.wait_dma2 semaphore(%arg8 : memref<!tpu.dma_semaphore, #tpu.memory_space<semaphore_mem>>) src(%dma_wait3A_395 : memref<8192xf32, #tpu.memory_space<hbm>>) dst(%dma_wait3A_393 : memref<8192xf32, #tpu.memory_space<vmem>>)
        %dma_wait3A_396 = arith.constant 0 : i32
        %dma_wait3A_397 = tpu.memref_slice %arg7[%cond3A_178, %dma_wait3A_396] : memref<2x32768xf32, #tpu.memory_space<vmem>> -> memref<1x32768xf32, #tpu.memory_space<vmem>>
        %dma_wait3A_398 = tpu.memref_squeeze %dma_wait3A_397 : memref<1x32768xf32, #tpu.memory_space<vmem>> -> memref<32768xf32, #tpu.memory_space<vmem>>
        %dma_wait3A_399 = arith.constant 16384 : i32
        %dma_wait3A_400 = tpu.memref_slice %dma_wait3A_398[%dma_wait3A_399] : memref<32768xf32, #tpu.memory_space<vmem>> -> memref<8192xf32, #tpu.memory_space<vmem>>
        %dma_wait3A_401 = arith.constant 0 : i32
        %dma_wait3A_402 = tpu.memref_slice %arg3[%dma_wait3A_401] : memref<104857600xf32, #tpu.memory_space<hbm>> -> memref<8192xf32, #tpu.memory_space<hbm>>
        %dma_wait3A_403 = arith.constant 0 : i32
        %dma_wait3A_404 = tpu.memref_slice %arg7[%cond3A_178, %dma_wait3A_403] : memref<2x32768xf32, #tpu.memory_space<vmem>> -> memref<1x32768xf32, #tpu.memory_space<vmem>>
        %dma_wait3A_405 = tpu.memref_squeeze %dma_wait3A_404 : memref<1x32768xf32, #tpu.memory_space<vmem>> -> memref<32768xf32, #tpu.memory_space<vmem>>
        %dma_wait3A_406 = arith.constant 16384 : i32
        %dma_wait3A_407 = tpu.memref_slice %dma_wait3A_405[%dma_wait3A_406] : memref<32768xf32, #tpu.memory_space<vmem>> -> memref<8192xf32, #tpu.memory_space<vmem>>
        %dma_wait3A_408 = arith.constant 0 : i32
        %dma_wait3A_409 = tpu.memref_slice %arg3[%dma_wait3A_408] : memref<104857600xf32, #tpu.memory_space<hbm>> -> memref<8192xf32, #tpu.memory_space<hbm>>
        tpu.wait_dma2 semaphore(%arg8 : memref<!tpu.dma_semaphore, #tpu.memory_space<semaphore_mem>>) src(%dma_wait3A_409 : memref<8192xf32, #tpu.memory_space<hbm>>) dst(%dma_wait3A_407 : memref<8192xf32, #tpu.memory_space<vmem>>)
        %dma_wait3A_410 = arith.constant 0 : i32
        %dma_wait3A_411 = tpu.memref_slice %arg7[%cond3A_178, %dma_wait3A_410] : memref<2x32768xf32, #tpu.memory_space<vmem>> -> memref<1x32768xf32, #tpu.memory_space<vmem>>
        %dma_wait3A_412 = tpu.memref_squeeze %dma_wait3A_411 : memref<1x32768xf32, #tpu.memory_space<vmem>> -> memref<32768xf32, #tpu.memory_space<vmem>>
        %dma_wait3A_413 = arith.constant 24576 : i32
        %dma_wait3A_414 = tpu.memref_slice %dma_wait3A_412[%dma_wait3A_413] : memref<32768xf32, #tpu.memory_space<vmem>> -> memref<8192xf32, #tpu.memory_space<vmem>>
        %dma_wait3A_415 = arith.constant 0 : i32
        %dma_wait3A_416 = tpu.memref_slice %arg3[%dma_wait3A_415] : memref<104857600xf32, #tpu.memory_space<hbm>> -> memref<8192xf32, #tpu.memory_space<hbm>>
        %dma_wait3A_417 = arith.constant 0 : i32
        %dma_wait3A_418 = tpu.memref_slice %arg7[%cond3A_178, %dma_wait3A_417] : memref<2x32768xf32, #tpu.memory_space<vmem>> -> memref<1x32768xf32, #tpu.memory_space<vmem>>
        %dma_wait3A_419 = tpu.memref_squeeze %dma_wait3A_418 : memref<1x32768xf32, #tpu.memory_space<vmem>> -> memref<32768xf32, #tpu.memory_space<vmem>>
        %dma_wait3A_420 = arith.constant 24576 : i32
        %dma_wait3A_421 = tpu.memref_slice %dma_wait3A_419[%dma_wait3A_420] : memref<32768xf32, #tpu.memory_space<vmem>> -> memref<8192xf32, #tpu.memory_space<vmem>>
        %dma_wait3A_422 = arith.constant 0 : i32
        %dma_wait3A_423 = tpu.memref_slice %arg3[%dma_wait3A_422] : memref<104857600xf32, #tpu.memory_space<hbm>> -> memref<8192xf32, #tpu.memory_space<hbm>>
        tpu.wait_dma2 semaphore(%arg8 : memref<!tpu.dma_semaphore, #tpu.memory_space<semaphore_mem>>) src(%dma_wait3A_423 : memref<8192xf32, #tpu.memory_space<hbm>>) dst(%dma_wait3A_421 : memref<8192xf32, #tpu.memory_space<vmem>>)
      } else {
      }
      %scan3A_181 = arith.constant 0 : i32
      %scan3A_182 = arith.constant 0 : i32
      %scan3A_183 = arith.constant 0 : i32
      %scan3A_184 = arith.constant 16 : i32
      %scan3A_185 = arith.addi %scan3A_183, %scan3A_184 : i32
      %scan3A_186 = arith.constant 1 : i32
      scf.for %scan3A_368 = %scan3A_183 to %scan3A_185 step %scan3A_186  : i32 {
        %mul3A_369 = arith.constant 1 : i32
        %mul3A_370 = arith.muli %scan3A_368, %mul3A_369 : i32
        %add3A_371 = arith.constant 0 : i32
        %add3A_372 = arith.addi %add3A_371, %mul3A_370 : i32
        %mul3A_373 = arith.constant 16 : i32
        %mul3A_374 = arith.muli %add3A_372, %mul3A_373 : i32
        %get3A = arith.constant 0 : i32
        %get3A_375 = tpu.memref_slice %arg6[%scan3A_181, %get3A] : memref<2x256xi32, #tpu.memory_space<vmem>> -> memref<1x256xi32, #tpu.memory_space<vmem>>
        %get3A_376 = tpu.memref_squeeze %get3A_375 : memref<1x256xi32, #tpu.memory_space<vmem>> -> memref<256xi32, #tpu.memory_space<vmem>>
        %get3A_377 = arith.index_cast %mul3A_374 : i32 to index
        %get3A_378 = tpu.vector_load %get3A_376[%get3A_377] {strides = array<i32>} : memref<256xi32, #tpu.memory_space<vmem>>, vector<16xi32>,
        %shift_right_logical3A = arith.constant 0 : i32
        %shift_right_logical3A_379 = vector.broadcast %shift_right_logical3A : i32 to vector<16xi32>
        %shift_right_logical3A_380 = arith.shrui %get3A_378, %shift_right_logical3A_379 : vector<16xi32>
        %and3A = arith.constant 255 : i32
        %and3A_381 = vector.broadcast %and3A : i32 to vector<16xi32>
        %and3A_382 = arith.andi %shift_right_logical3A_380, %and3A_381 : vector<16xi32>
        %mul3A_383 = arith.constant 32 : i32
        %mul3A_384 = vector.broadcast %mul3A_383 : i32 to vector<16xi32>
        %mul3A_385 = arith.muli %and3A_382, %mul3A_384 : vector<16xi32>
        %add3A_386 = arith.addi %mul3A_11, %mul3A_385 : vector<16xi32>
        %mul3A_387 = arith.constant 4 : i32
        %mul3A_388 = arith.muli %add3A_372, %mul3A_387 : i32
        %add3A_389 = arith.constant 0 : i32
        %add3A_390 = arith.addi %mul3A_388, %add3A_389 : i32
        %shift_right_logical3A_391 = arith.constant 3 : i32
        %shift_right_logical3A_392 = arith.shrui %add3A_390, %shift_right_logical3A_391 : i32
        %shift_left3A = arith.constant 10 : i32
        %shift_left3A_393 = arith.shli %shift_right_logical3A_392, %shift_left3A : i32
        %and3A_394 = arith.constant 7 : i32
        %and3A_395 = arith.andi %add3A_390, %and3A_394 : i32
        %shift_left3A_396 = arith.constant 4 : i32
        %shift_left3A_397 = arith.shli %and3A_395, %shift_left3A_396 : i32
        %add3A_398 = arith.addi %shift_left3A_393, %shift_left3A_397 : i32
        %add3A_399 = arith.constant 0 : i32
        %add3A_400 = vector.broadcast %add3A_399 : i32 to vector<16xi32>
        %add3A_401 = arith.addi %add3A_386, %add3A_400 : vector<16xi32>
        %gather3A = tpu.vector_load_idx %arg4[%add3A_401] : memref<8208xf32, #tpu.memory_space<vmem>>[vector<16xi32>], vector<16xf32>,
        %add3A_402 = arith.constant 0 : i32
        %add3A_403 = arith.addi %add3A_398, %add3A_402 : i32
        %swap3A = arith.constant 0 : i32
        %swap3A_404 = tpu.memref_slice %arg7[%scan3A_182, %swap3A] : memref<2x32768xf32, #tpu.memory_space<vmem>> -> memref<1x32768xf32, #tpu.memory_space<vmem>>
        %swap3A_405 = tpu.memref_squeeze %swap3A_404 : memref<1x32768xf32, #tpu.memory_space<vmem>> -> memref<32768xf32, #tpu.memory_space<vmem>>
        %swap3A_406 = arith.index_cast %add3A_403 : i32 to index
        %swap3A_407 = tpu.vector_load %swap3A_405[%swap3A_406] {strides = array<i32>} : memref<32768xf32, #tpu.memory_space<vmem>>, vector<16xf32>,
        tpu.vector_store %swap3A_405[%swap3A_406], %gather3A {strides = array<i32>} : memref<32768xf32, #tpu.memory_space<vmem>>, vector<16xf32>,
        %add3A_408 = arith.constant 1 : i32
        %add3A_409 = vector.broadcast %add3A_408 : i32 to vector<16xi32>
        %add3A_410 = arith.addi %add3A_386, %add3A_409 : vector<16xi32>
        %gather3A_411 = tpu.vector_load_idx %arg4[%add3A_410] : memref<8208xf32, #tpu.memory_space<vmem>>[vector<16xi32>], vector<16xf32>,
        %add3A_412 = arith.constant 128 : i32
        %add3A_413 = arith.addi %add3A_398, %add3A_412 : i32
        %swap3A_414 = arith.constant 0 : i32
        %swap3A_415 = tpu.memref_slice %arg7[%scan3A_182, %swap3A_414] : memref<2x32768xf32, #tpu.memory_space<vmem>> -> memref<1x32768xf32, #tpu.memory_space<vmem>>
        %swap3A_416 = tpu.memref_squeeze %swap3A_415 : memref<1x32768xf32, #tpu.memory_space<vmem>> -> memref<32768xf32, #tpu.memory_space<vmem>>
        %swap3A_417 = arith.index_cast %add3A_413 : i32 to index
        %swap3A_418 = tpu.vector_load %swap3A_416[%swap3A_417] {strides = array<i32>} : memref<32768xf32, #tpu.memory_space<vmem>>, vector<16xf32>,
        tpu.vector_store %swap3A_416[%swap3A_417], %gather3A_411 {strides = array<i32>} : memref<32768xf32, #tpu.memory_space<vmem>>, vector<16xf32>,
        %add3A_419 = arith.constant 2 : i32
        %add3A_420 = vector.broadcast %add3A_419 : i32 to vector<16xi32>
        %add3A_421 = arith.addi %add3A_386, %add3A_420 : vector<16xi32>
        %gather3A_422 = tpu.vector_load_idx %arg4[%add3A_421] : memref<8208xf32, #tpu.memory_space<vmem>>[vector<16xi32>], vector<16xf32>,
        %add3A_423 = arith.constant 256 : i32
        %add3A_424 = arith.addi %add3A_398, %add3A_423 : i32
        %swap3A_425 = arith.constant 0 : i32
        %swap3A_426 = tpu.memref_slice %arg7[%scan3A_182, %swap3A_425] : memref<2x32768xf32, #tpu.memory_space<vmem>> -> memref<1x32768xf32, #tpu.memory_space<vmem>>
        %swap3A_427 = tpu.memref_squeeze %swap3A_426 : memref<1x32768xf32, #tpu.memory_space<vmem>> -> memref<32768xf32, #tpu.memory_space<vmem>>
        %swap3A_428 = arith.index_cast %add3A_424 : i32 to index
        %swap3A_429 = tpu.vector_load %swap3A_427[%swap3A_428] {strides = array<i32>} : memref<32768xf32, #tpu.memory_space<vmem>>, vector<16xf32>,
        tpu.vector_store %swap3A_427[%swap3A_428], %gather3A_422 {strides = array<i32>} : memref<32768xf32, #tpu.memory_space<vmem>>, vector<16xf32>,
        %add3A_430 = arith.constant 3 : i32
        %add3A_431 = vector.broadcast %add3A_430 : i32 to vector<16xi32>
        %add3A_432 = arith.addi %add3A_386, %add3A_431 : vector<16xi32>
        %gather3A_433 = tpu.vector_load_idx %arg4[%add3A_432] : memref<8208xf32, #tpu.memory_space<vmem>>[vector<16xi32>], vector<16xf32>,
        %add3A_434 = arith.constant 384 : i32
        %add3A_435 = arith.addi %add3A_398, %add3A_434 : i32
        %swap3A_436 = arith.constant 0 : i32
        %swap3A_437 = tpu.memref_slice %arg7[%scan3A_182, %swap3A_436] : memref<2x32768xf32, #tpu.memory_space<vmem>> -> memref<1x32768xf32, #tpu.memory_space<vmem>>
        %swap3A_438 = tpu.memref_squeeze %swap3A_437 : memref<1x32768xf32, #tpu.memory_space<vmem>> -> memref<32768xf32, #tpu.memory_space<vmem>>
        %swap3A_439 = arith.index_cast %add3A_435 : i32 to index
        %swap3A_440 = tpu.vector_load %swap3A_438[%swap3A_439] {strides = array<i32>} : memref<32768xf32, #tpu.memory_space<vmem>>, vector<16xf32>,
        tpu.vector_store %swap3A_438[%swap3A_439], %gather3A_433 {strides = array<i32>} : memref<32768xf32, #tpu.memory_space<vmem>>, vector<16xf32>,
        %add3A_441 = arith.constant 4 : i32
        %add3A_442 = vector.broadcast %add3A_441 : i32 to vector<16xi32>
        %add3A_443 = arith.addi %add3A_386, %add3A_442 : vector<16xi32>
        %gather3A_444 = tpu.vector_load_idx %arg4[%add3A_443] : memref<8208xf32, #tpu.memory_space<vmem>>[vector<16xi32>], vector<16xf32>,
        %add3A_445 = arith.constant 512 : i32
        %add3A_446 = arith.addi %add3A_398, %add3A_445 : i32
        %swap3A_447 = arith.constant 0 : i32
        %swap3A_448 = tpu.memref_slice %arg7[%scan3A_182, %swap3A_447] : memref<2x32768xf32, #tpu.memory_space<vmem>> -> memref<1x32768xf32, #tpu.memory_space<vmem>>
        %swap3A_449 = tpu.memref_squeeze %swap3A_448 : memref<1x32768xf32, #tpu.memory_space<vmem>> -> memref<32768xf32, #tpu.memory_space<vmem>>
        %swap3A_450 = arith.index_cast %add3A_446 : i32 to index
        %swap3A_451 = tpu.vector_load %swap3A_449[%swap3A_450] {strides = array<i32>} : memref<32768xf32, #tpu.memory_space<vmem>>, vector<16xf32>,
        tpu.vector_store %swap3A_449[%swap3A_450], %gather3A_444 {strides = array<i32>} : memref<32768xf32, #tpu.memory_space<vmem>>, vector<16xf32>,
        %add3A_452 = arith.constant 5 : i32
        %add3A_453 = vector.broadcast %add3A_452 : i32 to vector<16xi32>
        %add3A_454 = arith.addi %add3A_386, %add3A_453 : vector<16xi32>
        %gather3A_455 = tpu.vector_load_idx %arg4[%add3A_454] : memref<8208xf32, #tpu.memory_space<vmem>>[vector<16xi32>], vector<16xf32>,
        %add3A_456 = arith.constant 640 : i32
        %add3A_457 = arith.addi %add3A_398, %add3A_456 : i32
        %swap3A_458 = arith.constant 0 : i32
        %swap3A_459 = tpu.memref_slice %arg7[%scan3A_182, %swap3A_458] : memref<2x32768xf32, #tpu.memory_space<vmem>> -> memref<1x32768xf32, #tpu.memory_space<vmem>>
        %swap3A_460 = tpu.memref_squeeze %swap3A_459 : memref<1x32768xf32, #tpu.memory_space<vmem>> -> memref<32768xf32, #tpu.memory_space<vmem>>
        %swap3A_461 = arith.index_cast %add3A_457 : i32 to index
        %swap3A_462 = tpu.vector_load %swap3A_460[%swap3A_461] {strides = array<i32>} : memref<32768xf32, #tpu.memory_space<vmem>>, vector<16xf32>,
        tpu.vector_store %swap3A_460[%swap3A_461], %gather3A_455 {strides = array<i32>} : memref<32768xf32, #tpu.memory_space<vmem>>, vector<16xf32>,
        %add3A_463 = arith.constant 6 : i32
        %add3A_464 = vector.broadcast %add3A_463 : i32 to vector<16xi32>
        %add3A_465 = arith.addi %add3A_386, %add3A_464 : vector<16xi32>
        %gather3A_466 = tpu.vector_load_idx %arg4[%add3A_465] : memref<8208xf32, #tpu.memory_space<vmem>>[vector<16xi32>], vector<16xf32>,
        %add3A_467 = arith.constant 768 : i32
        %add3A_468 = arith.addi %add3A_398, %add3A_467 : i32
        %swap3A_469 = arith.constant 0 : i32
        %swap3A_470 = tpu.memref_slice %arg7[%scan3A_182, %swap3A_469] : memref<2x32768xf32, #tpu.memory_space<vmem>> -> memref<1x32768xf32, #tpu.memory_space<vmem>>
        %swap3A_471 = tpu.memref_squeeze %swap3A_470 : memref<1x32768xf32, #tpu.memory_space<vmem>> -> memref<32768xf32, #tpu.memory_space<vmem>>
        %swap3A_472 = arith.index_cast %add3A_468 : i32 to index
        %swap3A_473 = tpu.vector_load %swap3A_471[%swap3A_472] {strides = array<i32>} : memref<32768xf32, #tpu.memory_space<vmem>>, vector<16xf32>,
        tpu.vector_store %swap3A_471[%swap3A_472], %gather3A_466 {strides = array<i32>} : memref<32768xf32, #tpu.memory_space<vmem>>, vector<16xf32>,
        %add3A_474 = arith.constant 7 : i32
        %add3A_475 = vector.broadcast %add3A_474 : i32 to vector<16xi32>
        %add3A_476 = arith.addi %add3A_386, %add3A_475 : vector<16xi32>
        %gather3A_477 = tpu.vector_load_idx %arg4[%add3A_476] : memref<8208xf32, #tpu.memory_space<vmem>>[vector<16xi32>], vector<16xf32>,
        %add3A_478 = arith.constant 896 : i32
        %add3A_479 = arith.addi %add3A_398, %add3A_478 : i32
        %swap3A_480 = arith.constant 0 : i32
        %swap3A_481 = tpu.memref_slice %arg7[%scan3A_182, %swap3A_480] : memref<2x32768xf32, #tpu.memory_space<vmem>> -> memref<1x32768xf32, #tpu.memory_space<vmem>>
        %swap3A_482 = tpu.memref_squeeze %swap3A_481 : memref<1x32768xf32, #tpu.memory_space<vmem>> -> memref<32768xf32, #tpu.memory_space<vmem>>
        %swap3A_483 = arith.index_cast %add3A_479 : i32 to index
        %swap3A_484 = tpu.vector_load %swap3A_482[%swap3A_483] {strides = array<i32>} : memref<32768xf32, #tpu.memory_space<vmem>>, vector<16xf32>,
        tpu.vector_store %swap3A_482[%swap3A_483], %gather3A_477 {strides = array<i32>} : memref<32768xf32, #tpu.memory_space<vmem>>, vector<16xf32>,
        %add3A_485 = arith.constant 8 : i32
        %add3A_486 = vector.broadcast %add3A_485 : i32 to vector<16xi32>
        %add3A_487 = arith.addi %add3A_386, %add3A_486 : vector<16xi32>
        %gather3A_488 = tpu.vector_load_idx %arg4[%add3A_487] : memref<8208xf32, #tpu.memory_space<vmem>>[vector<16xi32>], vector<16xf32>,
        %add3A_489 = arith.constant 8192 : i32
        %add3A_490 = arith.addi %add3A_398, %add3A_489 : i32
        %swap3A_491 = arith.constant 0 : i32
        %swap3A_492 = tpu.memref_slice %arg7[%scan3A_182, %swap3A_491] : memref<2x32768xf32, #tpu.memory_space<vmem>> -> memref<1x32768xf32, #tpu.memory_space<vmem>>
        %swap3A_493 = tpu.memref_squeeze %swap3A_492 : memref<1x32768xf32, #tpu.memory_space<vmem>> -> memref<32768xf32, #tpu.memory_space<vmem>>
        %swap3A_494 = arith.index_cast %add3A_490 : i32 to index
        %swap3A_495 = tpu.vector_load %swap3A_493[%swap3A_494] {strides = array<i32>} : memref<32768xf32, #tpu.memory_space<vmem>>, vector<16xf32>,
        tpu.vector_store %swap3A_493[%swap3A_494], %gather3A_488 {strides = array<i32>} : memref<32768xf32, #tpu.memory_space<vmem>>, vector<16xf32>,
        %add3A_496 = arith.constant 9 : i32
        %add3A_497 = vector.broadcast %add3A_496 : i32 to vector<16xi32>
        %add3A_498 = arith.addi %add3A_386, %add3A_497 : vector<16xi32>
        %gather3A_499 = tpu.vector_load_idx %arg4[%add3A_498] : memref<8208xf32, #tpu.memory_space<vmem>>[vector<16xi32>], vector<16xf32>,
        %add3A_500 = arith.constant 8320 : i32
        %add3A_501 = arith.addi %add3A_398, %add3A_500 : i32
        %swap3A_502 = arith.constant 0 : i32
        %swap3A_503 = tpu.memref_slice %arg7[%scan3A_182, %swap3A_502] : memref<2x32768xf32, #tpu.memory_space<vmem>> -> memref<1x32768xf32, #tpu.memory_space<vmem>>
        %swap3A_504 = tpu.memref_squeeze %swap3A_503 : memref<1x32768xf32, #tpu.memory_space<vmem>> -> memref<32768xf32, #tpu.memory_space<vmem>>
        %swap3A_505 = arith.index_cast %add3A_501 : i32 to index
        %swap3A_506 = tpu.vector_load %swap3A_504[%swap3A_505] {strides = array<i32>} : memref<32768xf32, #tpu.memory_space<vmem>>, vector<16xf32>,
        tpu.vector_store %swap3A_504[%swap3A_505], %gather3A_499 {strides = array<i32>} : memref<32768xf32, #tpu.memory_space<vmem>>, vector<16xf32>,
        %add3A_507 = arith.constant 10 : i32
        %add3A_508 = vector.broadcast %add3A_507 : i32 to vector<16xi32>
        %add3A_509 = arith.addi %add3A_386, %add3A_508 : vector<16xi32>
        %gather3A_510 = tpu.vector_load_idx %arg4[%add3A_509] : memref<8208xf32, #tpu.memory_space<vmem>>[vector<16xi32>], vector<16xf32>,
        %add3A_511 = arith.constant 8448 : i32
        %add3A_512 = arith.addi %add3A_398, %add3A_511 : i32
        %swap3A_513 = arith.constant 0 : i32
        %swap3A_514 = tpu.memref_slice %arg7[%scan3A_182, %swap3A_513] : memref<2x32768xf32, #tpu.memory_space<vmem>> -> memref<1x32768xf32, #tpu.memory_space<vmem>>
        %swap3A_515 = tpu.memref_squeeze %swap3A_514 : memref<1x32768xf32, #tpu.memory_space<vmem>> -> memref<32768xf32, #tpu.memory_space<vmem>>
        %swap3A_516 = arith.index_cast %add3A_512 : i32 to index
        %swap3A_517 = tpu.vector_load %swap3A_515[%swap3A_516] {strides = array<i32>} : memref<32768xf32, #tpu.memory_space<vmem>>, vector<16xf32>,
        tpu.vector_store %swap3A_515[%swap3A_516], %gather3A_510 {strides = array<i32>} : memref<32768xf32, #tpu.memory_space<vmem>>, vector<16xf32>,
        %add3A_518 = arith.constant 11 : i32
        %add3A_519 = vector.broadcast %add3A_518 : i32 to vector<16xi32>
        %add3A_520 = arith.addi %add3A_386, %add3A_519 : vector<16xi32>
        %gather3A_521 = tpu.vector_load_idx %arg4[%add3A_520] : memref<8208xf32, #tpu.memory_space<vmem>>[vector<16xi32>], vector<16xf32>,
        %add3A_522 = arith.constant 8576 : i32
        %add3A_523 = arith.addi %add3A_398, %add3A_522 : i32
        %swap3A_524 = arith.constant 0 : i32
        %swap3A_525 = tpu.memref_slice %arg7[%scan3A_182, %swap3A_524] : memref<2x32768xf32, #tpu.memory_space<vmem>> -> memref<1x32768xf32, #tpu.memory_space<vmem>>
        %swap3A_526 = tpu.memref_squeeze %swap3A_525 : memref<1x32768xf32, #tpu.memory_space<vmem>> -> memref<32768xf32, #tpu.memory_space<vmem>>
        %swap3A_527 = arith.index_cast %add3A_523 : i32 to index
        %swap3A_528 = tpu.vector_load %swap3A_526[%swap3A_527] {strides = array<i32>} : memref<32768xf32, #tpu.memory_space<vmem>>, vector<16xf32>,
        tpu.vector_store %swap3A_526[%swap3A_527], %gather3A_521 {strides = array<i32>} : memref<32768xf32, #tpu.memory_space<vmem>>, vector<16xf32>,
        %add3A_529 = arith.constant 12 : i32
        %add3A_530 = vector.broadcast %add3A_529 : i32 to vector<16xi32>
        %add3A_531 = arith.addi %add3A_386, %add3A_530 : vector<16xi32>
        %gather3A_532 = tpu.vector_load_idx %arg4[%add3A_531] : memref<8208xf32, #tpu.memory_space<vmem>>[vector<16xi32>], vector<16xf32>,
        %add3A_533 = arith.constant 8704 : i32
        %add3A_534 = arith.addi %add3A_398, %add3A_533 : i32
        %swap3A_535 = arith.constant 0 : i32
        %swap3A_536 = tpu.memref_slice %arg7[%scan3A_182, %swap3A_535] : memref<2x32768xf32, #tpu.memory_space<vmem>> -> memref<1x32768xf32, #tpu.memory_space<vmem>>
        %swap3A_537 = tpu.memref_squeeze %swap3A_536 : memref<1x32768xf32, #tpu.memory_space<vmem>> -> memref<32768xf32, #tpu.memory_space<vmem>>
        %swap3A_538 = arith.index_cast %add3A_534 : i32 to index
        %swap3A_539 = tpu.vector_load %swap3A_537[%swap3A_538] {strides = array<i32>} : memref<32768xf32, #tpu.memory_space<vmem>>, vector<16xf32>,
        tpu.vector_store %swap3A_537[%swap3A_538], %gather3A_532 {strides = array<i32>} : memref<32768xf32, #tpu.memory_space<vmem>>, vector<16xf32>,
        %add3A_540 = arith.constant 13 : i32
        %add3A_541 = vector.broadcast %add3A_540 : i32 to vector<16xi32>
        %add3A_542 = arith.addi %add3A_386, %add3A_541 : vector<16xi32>
        %gather3A_543 = tpu.vector_load_idx %arg4[%add3A_542] : memref<8208xf32, #tpu.memory_space<vmem>>[vector<16xi32>], vector<16xf32>,
        %add3A_544 = arith.constant 8832 : i32
        %add3A_545 = arith.addi %add3A_398, %add3A_544 : i32
        %swap3A_546 = arith.constant 0 : i32
        %swap3A_547 = tpu.memref_slice %arg7[%scan3A_182, %swap3A_546] : memref<2x32768xf32, #tpu.memory_space<vmem>> -> memref<1x32768xf32, #tpu.memory_space<vmem>>
        %swap3A_548 = tpu.memref_squeeze %swap3A_547 : memref<1x32768xf32, #tpu.memory_space<vmem>> -> memref<32768xf32, #tpu.memory_space<vmem>>
        %swap3A_549 = arith.index_cast %add3A_545 : i32 to index
        %swap3A_550 = tpu.vector_load %swap3A_548[%swap3A_549] {strides = array<i32>} : memref<32768xf32, #tpu.memory_space<vmem>>, vector<16xf32>,
        tpu.vector_store %swap3A_548[%swap3A_549], %gather3A_543 {strides = array<i32>} : memref<32768xf32, #tpu.memory_space<vmem>>, vector<16xf32>,
        %add3A_551 = arith.constant 14 : i32
        %add3A_552 = vector.broadcast %add3A_551 : i32 to vector<16xi32>
        %add3A_553 = arith.addi %add3A_386, %add3A_552 : vector<16xi32>
        %gather3A_554 = tpu.vector_load_idx %arg4[%add3A_553] : memref<8208xf32, #tpu.memory_space<vmem>>[vector<16xi32>], vector<16xf32>,
        %add3A_555 = arith.constant 8960 : i32
        %add3A_556 = arith.addi %add3A_398, %add3A_555 : i32
        %swap3A_557 = arith.constant 0 : i32
        %swap3A_558 = tpu.memref_slice %arg7[%scan3A_182, %swap3A_557] : memref<2x32768xf32, #tpu.memory_space<vmem>> -> memref<1x32768xf32, #tpu.memory_space<vmem>>
        %swap3A_559 = tpu.memref_squeeze %swap3A_558 : memref<1x32768xf32, #tpu.memory_space<vmem>> -> memref<32768xf32, #tpu.memory_space<vmem>>
        %swap3A_560 = arith.index_cast %add3A_556 : i32 to index
        %swap3A_561 = tpu.vector_load %swap3A_559[%swap3A_560] {strides = array<i32>} : memref<32768xf32, #tpu.memory_space<vmem>>, vector<16xf32>,
        tpu.vector_store %swap3A_559[%swap3A_560], %gather3A_554 {strides = array<i32>} : memref<32768xf32, #tpu.memory_space<vmem>>, vector<16xf32>,
        %add3A_562 = arith.constant 15 : i32
        %add3A_563 = vector.broadcast %add3A_562 : i32 to vector<16xi32>
        %add3A_564 = arith.addi %add3A_386, %add3A_563 : vector<16xi32>
        %gather3A_565 = tpu.vector_load_idx %arg4[%add3A_564] : memref<8208xf32, #tpu.memory_space<vmem>>[vector<16xi32>], vector<16xf32>,
        %add3A_566 = arith.constant 9088 : i32
        %add3A_567 = arith.addi %add3A_398, %add3A_566 : i32
        %swap3A_568 = arith.constant 0 : i32
        %swap3A_569 = tpu.memref_slice %arg7[%scan3A_182, %swap3A_568] : memref<2x32768xf32, #tpu.memory_space<vmem>> -> memref<1x32768xf32, #tpu.memory_space<vmem>>
        %swap3A_570 = tpu.memref_squeeze %swap3A_569 : memref<1x32768xf32, #tpu.memory_space<vmem>> -> memref<32768xf32, #tpu.memory_space<vmem>>
        %swap3A_571 = arith.index_cast %add3A_567 : i32 to index
        %swap3A_572 = tpu.vector_load %swap3A_570[%swap3A_571] {strides = array<i32>} : memref<32768xf32, #tpu.memory_space<vmem>>, vector<16xf32>,
        tpu.vector_store %swap3A_570[%swap3A_571], %gather3A_565 {strides = array<i32>} : memref<32768xf32, #tpu.memory_space<vmem>>, vector<16xf32>,
        %add3A_573 = arith.constant 16 : i32
        %add3A_574 = vector.broadcast %add3A_573 : i32 to vector<16xi32>
        %add3A_575 = arith.addi %add3A_386, %add3A_574 : vector<16xi32>
        %gather3A_576 = tpu.vector_load_idx %arg4[%add3A_575] : memref<8208xf32, #tpu.memory_space<vmem>>[vector<16xi32>], vector<16xf32>,
        %add3A_577 = arith.constant 16384 : i32
        %add3A_578 = arith.addi %add3A_398, %add3A_577 : i32
        %swap3A_579 = arith.constant 0 : i32
        %swap3A_580 = tpu.memref_slice %arg7[%scan3A_182, %swap3A_579] : memref<2x32768xf32, #tpu.memory_space<vmem>> -> memref<1x32768xf32, #tpu.memory_space<vmem>>
        %swap3A_581 = tpu.memref_squeeze %swap3A_580 : memref<1x32768xf32, #tpu.memory_space<vmem>> -> memref<32768xf32, #tpu.memory_space<vmem>>
        %swap3A_582 = arith.index_cast %add3A_578 : i32 to index
        %swap3A_583 = tpu.vector_load %swap3A_581[%swap3A_582] {strides = array<i32>} : memref<32768xf32, #tpu.memory_space<vmem>>, vector<16xf32>,
        tpu.vector_store %swap3A_581[%swap3A_582], %gather3A_576 {strides = array<i32>} : memref<32768xf32, #tpu.memory_space<vmem>>, vector<16xf32>,
        %add3A_584 = arith.constant 17 : i32
        %add3A_585 = vector.broadcast %add3A_584 : i32 to vector<16xi32>
        %add3A_586 = arith.addi %add3A_386, %add3A_585 : vector<16xi32>
        %gather3A_587 = tpu.vector_load_idx %arg4[%add3A_586] : memref<8208xf32, #tpu.memory_space<vmem>>[vector<16xi32>], vector<16xf32>,
        %add3A_588 = arith.constant 16512 : i32
        %add3A_589 = arith.addi %add3A_398, %add3A_588 : i32
        %swap3A_590 = arith.constant 0 : i32
        %swap3A_591 = tpu.memref_slice %arg7[%scan3A_182, %swap3A_590] : memref<2x32768xf32, #tpu.memory_space<vmem>> -> memref<1x32768xf32, #tpu.memory_space<vmem>>
        %swap3A_592 = tpu.memref_squeeze %swap3A_591 : memref<1x32768xf32, #tpu.memory_space<vmem>> -> memref<32768xf32, #tpu.memory_space<vmem>>
        %swap3A_593 = arith.index_cast %add3A_589 : i32 to index
        %swap3A_594 = tpu.vector_load %swap3A_592[%swap3A_593] {strides = array<i32>} : memref<32768xf32, #tpu.memory_space<vmem>>, vector<16xf32>,
        tpu.vector_store %swap3A_592[%swap3A_593], %gather3A_587 {strides = array<i32>} : memref<32768xf32, #tpu.memory_space<vmem>>, vector<16xf32>,
        %add3A_595 = arith.constant 18 : i32
        %add3A_596 = vector.broadcast %add3A_595 : i32 to vector<16xi32>
        %add3A_597 = arith.addi %add3A_386, %add3A_596 : vector<16xi32>
        %gather3A_598 = tpu.vector_load_idx %arg4[%add3A_597] : memref<8208xf32, #tpu.memory_space<vmem>>[vector<16xi32>], vector<16xf32>,
        %add3A_599 = arith.constant 16640 : i32
        %add3A_600 = arith.addi %add3A_398, %add3A_599 : i32
        %swap3A_601 = arith.constant 0 : i32
        %swap3A_602 = tpu.memref_slice %arg7[%scan3A_182, %swap3A_601] : memref<2x32768xf32, #tpu.memory_space<vmem>> -> memref<1x32768xf32, #tpu.memory_space<vmem>>
        %swap3A_603 = tpu.memref_squeeze %swap3A_602 : memref<1x32768xf32, #tpu.memory_space<vmem>> -> memref<32768xf32, #tpu.memory_space<vmem>>
        %swap3A_604 = arith.index_cast %add3A_600 : i32 to index
        %swap3A_605 = tpu.vector_load %swap3A_603[%swap3A_604] {strides = array<i32>} : memref<32768xf32, #tpu.memory_space<vmem>>, vector<16xf32>,
        tpu.vector_store %swap3A_603[%swap3A_604], %gather3A_598 {strides = array<i32>} : memref<32768xf32, #tpu.memory_space<vmem>>, vector<16xf32>,
        %add3A_606 = arith.constant 19 : i32
        %add3A_607 = vector.broadcast %add3A_606 : i32 to vector<16xi32>
        %add3A_608 = arith.addi %add3A_386, %add3A_607 : vector<16xi32>
        %gather3A_609 = tpu.vector_load_idx %arg4[%add3A_608] : memref<8208xf32, #tpu.memory_space<vmem>>[vector<16xi32>], vector<16xf32>,
        %add3A_610 = arith.constant 16768 : i32
        %add3A_611 = arith.addi %add3A_398, %add3A_610 : i32
        %swap3A_612 = arith.constant 0 : i32
        %swap3A_613 = tpu.memref_slice %arg7[%scan3A_182, %swap3A_612] : memref<2x32768xf32, #tpu.memory_space<vmem>> -> memref<1x32768xf32, #tpu.memory_space<vmem>>
        %swap3A_614 = tpu.memref_squeeze %swap3A_613 : memref<1x32768xf32, #tpu.memory_space<vmem>> -> memref<32768xf32, #tpu.memory_space<vmem>>
        %swap3A_615 = arith.index_cast %add3A_611 : i32 to index
        %swap3A_616 = tpu.vector_load %swap3A_614[%swap3A_615] {strides = array<i32>} : memref<32768xf32, #tpu.memory_space<vmem>>, vector<16xf32>,
        tpu.vector_store %swap3A_614[%swap3A_615], %gather3A_609 {strides = array<i32>} : memref<32768xf32, #tpu.memory_space<vmem>>, vector<16xf32>,
        %add3A_617 = arith.constant 20 : i32
        %add3A_618 = vector.broadcast %add3A_617 : i32 to vector<16xi32>
        %add3A_619 = arith.addi %add3A_386, %add3A_618 : vector<16xi32>
        %gather3A_620 = tpu.vector_load_idx %arg4[%add3A_619] : memref<8208xf32, #tpu.memory_space<vmem>>[vector<16xi32>], vector<16xf32>,
        %add3A_621 = arith.constant 16896 : i32
        %add3A_622 = arith.addi %add3A_398, %add3A_621 : i32
        %swap3A_623 = arith.constant 0 : i32
        %swap3A_624 = tpu.memref_slice %arg7[%scan3A_182, %swap3A_623] : memref<2x32768xf32, #tpu.memory_space<vmem>> -> memref<1x32768xf32, #tpu.memory_space<vmem>>
        %swap3A_625 = tpu.memref_squeeze %swap3A_624 : memref<1x32768xf32, #tpu.memory_space<vmem>> -> memref<32768xf32, #tpu.memory_space<vmem>>
        %swap3A_626 = arith.index_cast %add3A_622 : i32 to index
        %swap3A_627 = tpu.vector_load %swap3A_625[%swap3A_626] {strides = array<i32>} : memref<32768xf32, #tpu.memory_space<vmem>>, vector<16xf32>,
        tpu.vector_store %swap3A_625[%swap3A_626], %gather3A_620 {strides = array<i32>} : memref<32768xf32, #tpu.memory_space<vmem>>, vector<16xf32>,
        %add3A_628 = arith.constant 21 : i32
        %add3A_629 = vector.broadcast %add3A_628 : i32 to vector<16xi32>
        %add3A_630 = arith.addi %add3A_386, %add3A_629 : vector<16xi32>
        %gather3A_631 = tpu.vector_load_idx %arg4[%add3A_630] : memref<8208xf32, #tpu.memory_space<vmem>>[vector<16xi32>], vector<16xf32>,
        %add3A_632 = arith.constant 17024 : i32
        %add3A_633 = arith.addi %add3A_398, %add3A_632 : i32
        %swap3A_634 = arith.constant 0 : i32
        %swap3A_635 = tpu.memref_slice %arg7[%scan3A_182, %swap3A_634] : memref<2x32768xf32, #tpu.memory_space<vmem>> -> memref<1x32768xf32, #tpu.memory_space<vmem>>
        %swap3A_636 = tpu.memref_squeeze %swap3A_635 : memref<1x32768xf32, #tpu.memory_space<vmem>> -> memref<32768xf32, #tpu.memory_space<vmem>>
        %swap3A_637 = arith.index_cast %add3A_633 : i32 to index
        %swap3A_638 = tpu.vector_load %swap3A_636[%swap3A_637] {strides = array<i32>} : memref<32768xf32, #tpu.memory_space<vmem>>, vector<16xf32>,
        tpu.vector_store %swap3A_636[%swap3A_637], %gather3A_631 {strides = array<i32>} : memref<32768xf32, #tpu.memory_space<vmem>>, vector<16xf32>,
        %add3A_639 = arith.constant 22 : i32
        %add3A_640 = vector.broadcast %add3A_639 : i32 to vector<16xi32>
        %add3A_641 = arith.addi %add3A_386, %add3A_640 : vector<16xi32>
        %gather3A_642 = tpu.vector_load_idx %arg4[%add3A_641] : memref<8208xf32, #tpu.memory_space<vmem>>[vector<16xi32>], vector<16xf32>,
        %add3A_643 = arith.constant 17152 : i32
        %add3A_644 = arith.addi %add3A_398, %add3A_643 : i32
        %swap3A_645 = arith.constant 0 : i32
        %swap3A_646 = tpu.memref_slice %arg7[%scan3A_182, %swap3A_645] : memref<2x32768xf32, #tpu.memory_space<vmem>> -> memref<1x32768xf32, #tpu.memory_space<vmem>>
        %swap3A_647 = tpu.memref_squeeze %swap3A_646 : memref<1x32768xf32, #tpu.memory_space<vmem>> -> memref<32768xf32, #tpu.memory_space<vmem>>
        %swap3A_648 = arith.index_cast %add3A_644 : i32 to index
        %swap3A_649 = tpu.vector_load %swap3A_647[%swap3A_648] {strides = array<i32>} : memref<32768xf32, #tpu.memory_space<vmem>>, vector<16xf32>,
        tpu.vector_store %swap3A_647[%swap3A_648], %gather3A_642 {strides = array<i32>} : memref<32768xf32, #tpu.memory_space<vmem>>, vector<16xf32>,
        %add3A_650 = arith.constant 23 : i32
        %add3A_651 = vector.broadcast %add3A_650 : i32 to vector<16xi32>
        %add3A_652 = arith.addi %add3A_386, %add3A_651 : vector<16xi32>
        %gather3A_653 = tpu.vector_load_idx %arg4[%add3A_652] : memref<8208xf32, #tpu.memory_space<vmem>>[vector<16xi32>], vector<16xf32>,
        %add3A_654 = arith.constant 17280 : i32
        %add3A_655 = arith.addi %add3A_398, %add3A_654 : i32
        %swap3A_656 = arith.constant 0 : i32
        %swap3A_657 = tpu.memref_slice %arg7[%scan3A_182, %swap3A_656] : memref<2x32768xf32, #tpu.memory_space<vmem>> -> memref<1x32768xf32, #tpu.memory_space<vmem>>
        %swap3A_658 = tpu.memref_squeeze %swap3A_657 : memref<1x32768xf32, #tpu.memory_space<vmem>> -> memref<32768xf32, #tpu.memory_space<vmem>>
        %swap3A_659 = arith.index_cast %add3A_655 : i32 to index
        %swap3A_660 = tpu.vector_load %swap3A_658[%swap3A_659] {strides = array<i32>} : memref<32768xf32, #tpu.memory_space<vmem>>, vector<16xf32>,
        tpu.vector_store %swap3A_658[%swap3A_659], %gather3A_653 {strides = array<i32>} : memref<32768xf32, #tpu.memory_space<vmem>>, vector<16xf32>,
        %add3A_661 = arith.constant 24 : i32
        %add3A_662 = vector.broadcast %add3A_661 : i32 to vector<16xi32>
        %add3A_663 = arith.addi %add3A_386, %add3A_662 : vector<16xi32>
        %gather3A_664 = tpu.vector_load_idx %arg4[%add3A_663] : memref<8208xf32, #tpu.memory_space<vmem>>[vector<16xi32>], vector<16xf32>,
        %add3A_665 = arith.constant 24576 : i32
        %add3A_666 = arith.addi %add3A_398, %add3A_665 : i32
        %swap3A_667 = arith.constant 0 : i32
        %swap3A_668 = tpu.memref_slice %arg7[%scan3A_182, %swap3A_667] : memref<2x32768xf32, #tpu.memory_space<vmem>> -> memref<1x32768xf32, #tpu.memory_space<vmem>>
        %swap3A_669 = tpu.memref_squeeze %swap3A_668 : memref<1x32768xf32, #tpu.memory_space<vmem>> -> memref<32768xf32, #tpu.memory_space<vmem>>
        %swap3A_670 = arith.index_cast %add3A_666 : i32 to index
        %swap3A_671 = tpu.vector_load %swap3A_669[%swap3A_670] {strides = array<i32>} : memref<32768xf32, #tpu.memory_space<vmem>>, vector<16xf32>,
        tpu.vector_store %swap3A_669[%swap3A_670], %gather3A_664 {strides = array<i32>} : memref<32768xf32, #tpu.memory_space<vmem>>, vector<16xf32>,
        %add3A_672 = arith.constant 25 : i32
        %add3A_673 = vector.broadcast %add3A_672 : i32 to vector<16xi32>
        %add3A_674 = arith.addi %add3A_386, %add3A_673 : vector<16xi32>
        %gather3A_675 = tpu.vector_load_idx %arg4[%add3A_674] : memref<8208xf32, #tpu.memory_space<vmem>>[vector<16xi32>], vector<16xf32>,
        %add3A_676 = arith.constant 24704 : i32
        %add3A_677 = arith.addi %add3A_398, %add3A_676 : i32
        %swap3A_678 = arith.constant 0 : i32
        %swap3A_679 = tpu.memref_slice %arg7[%scan3A_182, %swap3A_678] : memref<2x32768xf32, #tpu.memory_space<vmem>> -> memref<1x32768xf32, #tpu.memory_space<vmem>>
        %swap3A_680 = tpu.memref_squeeze %swap3A_679 : memref<1x32768xf32, #tpu.memory_space<vmem>> -> memref<32768xf32, #tpu.memory_space<vmem>>
        %swap3A_681 = arith.index_cast %add3A_677 : i32 to index
        %swap3A_682 = tpu.vector_load %swap3A_680[%swap3A_681] {strides = array<i32>} : memref<32768xf32, #tpu.memory_space<vmem>>, vector<16xf32>,
        tpu.vector_store %swap3A_680[%swap3A_681], %gather3A_675 {strides = array<i32>} : memref<32768xf32, #tpu.memory_space<vmem>>, vector<16xf32>,
        %add3A_683 = arith.constant 26 : i32
        %add3A_684 = vector.broadcast %add3A_683 : i32 to vector<16xi32>
        %add3A_685 = arith.addi %add3A_386, %add3A_684 : vector<16xi32>
        %gather3A_686 = tpu.vector_load_idx %arg4[%add3A_685] : memref<8208xf32, #tpu.memory_space<vmem>>[vector<16xi32>], vector<16xf32>,
        %add3A_687 = arith.constant 24832 : i32
        %add3A_688 = arith.addi %add3A_398, %add3A_687 : i32
        %swap3A_689 = arith.constant 0 : i32
        %swap3A_690 = tpu.memref_slice %arg7[%scan3A_182, %swap3A_689] : memref<2x32768xf32, #tpu.memory_space<vmem>> -> memref<1x32768xf32, #tpu.memory_space<vmem>>
        %swap3A_691 = tpu.memref_squeeze %swap3A_690 : memref<1x32768xf32, #tpu.memory_space<vmem>> -> memref<32768xf32, #tpu.memory_space<vmem>>
        %swap3A_692 = arith.index_cast %add3A_688 : i32 to index
        %swap3A_693 = tpu.vector_load %swap3A_691[%swap3A_692] {strides = array<i32>} : memref<32768xf32, #tpu.memory_space<vmem>>, vector<16xf32>,
        tpu.vector_store %swap3A_691[%swap3A_692], %gather3A_686 {strides = array<i32>} : memref<32768xf32, #tpu.memory_space<vmem>>, vector<16xf32>,
        %add3A_694 = arith.constant 27 : i32
        %add3A_695 = vector.broadcast %add3A_694 : i32 to vector<16xi32>
        %add3A_696 = arith.addi %add3A_386, %add3A_695 : vector<16xi32>
        %gather3A_697 = tpu.vector_load_idx %arg4[%add3A_696] : memref<8208xf32, #tpu.memory_space<vmem>>[vector<16xi32>], vector<16xf32>,
        %add3A_698 = arith.constant 24960 : i32
        %add3A_699 = arith.addi %add3A_398, %add3A_698 : i32
        %swap3A_700 = arith.constant 0 : i32
        %swap3A_701 = tpu.memref_slice %arg7[%scan3A_182, %swap3A_700] : memref<2x32768xf32, #tpu.memory_space<vmem>> -> memref<1x32768xf32, #tpu.memory_space<vmem>>
        %swap3A_702 = tpu.memref_squeeze %swap3A_701 : memref<1x32768xf32, #tpu.memory_space<vmem>> -> memref<32768xf32, #tpu.memory_space<vmem>>
        %swap3A_703 = arith.index_cast %add3A_699 : i32 to index
        %swap3A_704 = tpu.vector_load %swap3A_702[%swap3A_703] {strides = array<i32>} : memref<32768xf32, #tpu.memory_space<vmem>>, vector<16xf32>,
        tpu.vector_store %swap3A_702[%swap3A_703], %gather3A_697 {strides = array<i32>} : memref<32768xf32, #tpu.memory_space<vmem>>, vector<16xf32>,
        %add3A_705 = arith.constant 28 : i32
        %add3A_706 = vector.broadcast %add3A_705 : i32 to vector<16xi32>
        %add3A_707 = arith.addi %add3A_386, %add3A_706 : vector<16xi32>
        %gather3A_708 = tpu.vector_load_idx %arg4[%add3A_707] : memref<8208xf32, #tpu.memory_space<vmem>>[vector<16xi32>], vector<16xf32>,
        %add3A_709 = arith.constant 25088 : i32
        %add3A_710 = arith.addi %add3A_398, %add3A_709 : i32
        %swap3A_711 = arith.constant 0 : i32
        %swap3A_712 = tpu.memref_slice %arg7[%scan3A_182, %swap3A_711] : memref<2x32768xf32, #tpu.memory_space<vmem>> -> memref<1x32768xf32, #tpu.memory_space<vmem>>
        %swap3A_713 = tpu.memref_squeeze %swap3A_712 : memref<1x32768xf32, #tpu.memory_space<vmem>> -> memref<32768xf32, #tpu.memory_space<vmem>>
        %swap3A_714 = arith.index_cast %add3A_710 : i32 to index
        %swap3A_715 = tpu.vector_load %swap3A_713[%swap3A_714] {strides = array<i32>} : memref<32768xf32, #tpu.memory_space<vmem>>, vector<16xf32>,
        tpu.vector_store %swap3A_713[%swap3A_714], %gather3A_708 {strides = array<i32>} : memref<32768xf32, #tpu.memory_space<vmem>>, vector<16xf32>,
        %add3A_716 = arith.constant 29 : i32
        %add3A_717 = vector.broadcast %add3A_716 : i32 to vector<16xi32>
        %add3A_718 = arith.addi %add3A_386, %add3A_717 : vector<16xi32>
        %gather3A_719 = tpu.vector_load_idx %arg4[%add3A_718] : memref<8208xf32, #tpu.memory_space<vmem>>[vector<16xi32>], vector<16xf32>,
        %add3A_720 = arith.constant 25216 : i32
        %add3A_721 = arith.addi %add3A_398, %add3A_720 : i32
        %swap3A_722 = arith.constant 0 : i32
        %swap3A_723 = tpu.memref_slice %arg7[%scan3A_182, %swap3A_722] : memref<2x32768xf32, #tpu.memory_space<vmem>> -> memref<1x32768xf32, #tpu.memory_space<vmem>>
        %swap3A_724 = tpu.memref_squeeze %swap3A_723 : memref<1x32768xf32, #tpu.memory_space<vmem>> -> memref<32768xf32, #tpu.memory_space<vmem>>
        %swap3A_725 = arith.index_cast %add3A_721 : i32 to index
        %swap3A_726 = tpu.vector_load %swap3A_724[%swap3A_725] {strides = array<i32>} : memref<32768xf32, #tpu.memory_space<vmem>>, vector<16xf32>,
        tpu.vector_store %swap3A_724[%swap3A_725], %gather3A_719 {strides = array<i32>} : memref<32768xf32, #tpu.memory_space<vmem>>, vector<16xf32>,
        %add3A_727 = arith.constant 30 : i32
        %add3A_728 = vector.broadcast %add3A_727 : i32 to vector<16xi32>
        %add3A_729 = arith.addi %add3A_386, %add3A_728 : vector<16xi32>
        %gather3A_730 = tpu.vector_load_idx %arg4[%add3A_729] : memref<8208xf32, #tpu.memory_space<vmem>>[vector<16xi32>], vector<16xf32>,
        %add3A_731 = arith.constant 25344 : i32
        %add3A_732 = arith.addi %add3A_398, %add3A_731 : i32
        %swap3A_733 = arith.constant 0 : i32
        %swap3A_734 = tpu.memref_slice %arg7[%scan3A_182, %swap3A_733] : memref<2x32768xf32, #tpu.memory_space<vmem>> -> memref<1x32768xf32, #tpu.memory_space<vmem>>
        %swap3A_735 = tpu.memref_squeeze %swap3A_734 : memref<1x32768xf32, #tpu.memory_space<vmem>> -> memref<32768xf32, #tpu.memory_space<vmem>>
        %swap3A_736 = arith.index_cast %add3A_732 : i32 to index
        %swap3A_737 = tpu.vector_load %swap3A_735[%swap3A_736] {strides = array<i32>} : memref<32768xf32, #tpu.memory_space<vmem>>, vector<16xf32>,
        tpu.vector_store %swap3A_735[%swap3A_736], %gather3A_730 {strides = array<i32>} : memref<32768xf32, #tpu.memory_space<vmem>>, vector<16xf32>,
        %add3A_738 = arith.constant 31 : i32
        %add3A_739 = vector.broadcast %add3A_738 : i32 to vector<16xi32>
        %add3A_740 = arith.addi %add3A_386, %add3A_739 : vector<16xi32>
        %gather3A_741 = tpu.vector_load_idx %arg4[%add3A_740] : memref<8208xf32, #tpu.memory_space<vmem>>[vector<16xi32>], vector<16xf32>,
        %add3A_742 = arith.constant 25472 : i32
        %add3A_743 = arith.addi %add3A_398, %add3A_742 : i32
        %swap3A_744 = arith.constant 0 : i32
        %swap3A_745 = tpu.memref_slice %arg7[%scan3A_182, %swap3A_744] : memref<2x32768xf32, #tpu.memory_space<vmem>> -> memref<1x32768xf32, #tpu.memory_space<vmem>>
        %swap3A_746 = tpu.memref_squeeze %swap3A_745 : memref<1x32768xf32, #tpu.memory_space<vmem>> -> memref<32768xf32, #tpu.memory_space<vmem>>
        %swap3A_747 = arith.index_cast %add3A_743 : i32 to index
        %swap3A_748 = tpu.vector_load %swap3A_746[%swap3A_747] {strides = array<i32>} : memref<32768xf32, #tpu.memory_space<vmem>>, vector<16xf32>,
        tpu.vector_store %swap3A_746[%swap3A_747], %gather3A_741 {strides = array<i32>} : memref<32768xf32, #tpu.memory_space<vmem>>, vector<16xf32>,
        %shift_right_logical3A_749 = arith.constant 8 : i32
        %shift_right_logical3A_750 = vector.broadcast %shift_right_logical3A_749 : i32 to vector<16xi32>
        %shift_right_logical3A_751 = arith.shrui %get3A_378, %shift_right_logical3A_750 : vector<16xi32>
        %and3A_752 = arith.constant 255 : i32
        %and3A_753 = vector.broadcast %and3A_752 : i32 to vector<16xi32>
        %and3A_754 = arith.andi %shift_right_logical3A_751, %and3A_753 : vector<16xi32>
        %mul3A_755 = arith.constant 32 : i32
        %mul3A_756 = vector.broadcast %mul3A_755 : i32 to vector<16xi32>
        %mul3A_757 = arith.muli %and3A_754, %mul3A_756 : vector<16xi32>
        %add3A_758 = arith.addi %mul3A_11, %mul3A_757 : vector<16xi32>
        %mul3A_759 = arith.constant 4 : i32
        %mul3A_760 = arith.muli %add3A_372, %mul3A_759 : i32
        %add3A_761 = arith.constant 1 : i32
        %add3A_762 = arith.addi %mul3A_760, %add3A_761 : i32
        %shift_right_logical3A_763 = arith.constant 3 : i32
        %shift_right_logical3A_764 = arith.shrui %add3A_762, %shift_right_logical3A_763 : i32
        %shift_left3A_765 = arith.constant 10 : i32
        %shift_left3A_766 = arith.shli %shift_right_logical3A_764, %shift_left3A_765 : i32
        %and3A_767 = arith.constant 7 : i32
        %and3A_768 = arith.andi %add3A_762, %and3A_767 : i32
        %shift_left3A_769 = arith.constant 4 : i32
        %shift_left3A_770 = arith.shli %and3A_768, %shift_left3A_769 : i32
        %add3A_771 = arith.addi %shift_left3A_766, %shift_left3A_770 : i32
        %add3A_772 = arith.constant 0 : i32
        %add3A_773 = vector.broadcast %add3A_772 : i32 to vector<16xi32>
        %add3A_774 = arith.addi %add3A_758, %add3A_773 : vector<16xi32>
        %gather3A_775 = tpu.vector_load_idx %arg4[%add3A_774] : memref<8208xf32, #tpu.memory_space<vmem>>[vector<16xi32>], vector<16xf32>,
        %add3A_776 = arith.constant 0 : i32
        %add3A_777 = arith.addi %add3A_771, %add3A_776 : i32
        %swap3A_778 = arith.constant 0 : i32
        %swap3A_779 = tpu.memref_slice %arg7[%scan3A_182, %swap3A_778] : memref<2x32768xf32, #tpu.memory_space<vmem>> -> memref<1x32768xf32, #tpu.memory_space<vmem>>
        %swap3A_780 = tpu.memref_squeeze %swap3A_779 : memref<1x32768xf32, #tpu.memory_space<vmem>> -> memref<32768xf32, #tpu.memory_space<vmem>>
        %swap3A_781 = arith.index_cast %add3A_777 : i32 to index
        %swap3A_782 = tpu.vector_load %swap3A_780[%swap3A_781] {strides = array<i32>} : memref<32768xf32, #tpu.memory_space<vmem>>, vector<16xf32>,
        tpu.vector_store %swap3A_780[%swap3A_781], %gather3A_775 {strides = array<i32>} : memref<32768xf32, #tpu.memory_space<vmem>>, vector<16xf32>,
        %add3A_783 = arith.constant 1 : i32
        %add3A_784 = vector.broadcast %add3A_783 : i32 to vector<16xi32>
        %add3A_785 = arith.addi %add3A_758, %add3A_784 : vector<16xi32>
        %gather3A_786 = tpu.vector_load_idx %arg4[%add3A_785] : memref<8208xf32, #tpu.memory_space<vmem>>[vector<16xi32>], vector<16xf32>,
        %add3A_787 = arith.constant 128 : i32
        %add3A_788 = arith.addi %add3A_771, %add3A_787 : i32
        %swap3A_789 = arith.constant 0 : i32
        %swap3A_790 = tpu.memref_slice %arg7[%scan3A_182, %swap3A_789] : memref<2x32768xf32, #tpu.memory_space<vmem>> -> memref<1x32768xf32, #tpu.memory_space<vmem>>
        %swap3A_791 = tpu.memref_squeeze %swap3A_790 : memref<1x32768xf32, #tpu.memory_space<vmem>> -> memref<32768xf32, #tpu.memory_space<vmem>>
        %swap3A_792 = arith.index_cast %add3A_788 : i32 to index
        %swap3A_793 = tpu.vector_load %swap3A_791[%swap3A_792] {strides = array<i32>} : memref<32768xf32, #tpu.memory_space<vmem>>, vector<16xf32>,
        tpu.vector_store %swap3A_791[%swap3A_792], %gather3A_786 {strides = array<i32>} : memref<32768xf32, #tpu.memory_space<vmem>>, vector<16xf32>,
        %add3A_794 = arith.constant 2 : i32
        %add3A_795 = vector.broadcast %add3A_794 : i32 to vector<16xi32>
        %add3A_796 = arith.addi %add3A_758, %add3A_795 : vector<16xi32>
        %gather3A_797 = tpu.vector_load_idx %arg4[%add3A_796] : memref<8208xf32, #tpu.memory_space<vmem>>[vector<16xi32>], vector<16xf32>,
        %add3A_798 = arith.constant 256 : i32
        %add3A_799 = arith.addi %add3A_771, %add3A_798 : i32
        %swap3A_800 = arith.constant 0 : i32
        %swap3A_801 = tpu.memref_slice %arg7[%scan3A_182, %swap3A_800] : memref<2x32768xf32, #tpu.memory_space<vmem>> -> memref<1x32768xf32, #tpu.memory_space<vmem>>
        %swap3A_802 = tpu.memref_squeeze %swap3A_801 : memref<1x32768xf32, #tpu.memory_space<vmem>> -> memref<32768xf32, #tpu.memory_space<vmem>>
        %swap3A_803 = arith.index_cast %add3A_799 : i32 to index
        %swap3A_804 = tpu.vector_load %swap3A_802[%swap3A_803] {strides = array<i32>} : memref<32768xf32, #tpu.memory_space<vmem>>, vector<16xf32>,
        tpu.vector_store %swap3A_802[%swap3A_803], %gather3A_797 {strides = array<i32>} : memref<32768xf32, #tpu.memory_space<vmem>>, vector<16xf32>,
        %add3A_805 = arith.constant 3 : i32
        %add3A_806 = vector.broadcast %add3A_805 : i32 to vector<16xi32>
        %add3A_807 = arith.addi %add3A_758, %add3A_806 : vector<16xi32>
        %gather3A_808 = tpu.vector_load_idx %arg4[%add3A_807] : memref<8208xf32, #tpu.memory_space<vmem>>[vector<16xi32>], vector<16xf32>,
        %add3A_809 = arith.constant 384 : i32
        %add3A_810 = arith.addi %add3A_771, %add3A_809 : i32
        %swap3A_811 = arith.constant 0 : i32
        %swap3A_812 = tpu.memref_slice %arg7[%scan3A_182, %swap3A_811] : memref<2x32768xf32, #tpu.memory_space<vmem>> -> memref<1x32768xf32, #tpu.memory_space<vmem>>
        %swap3A_813 = tpu.memref_squeeze %swap3A_812 : memref<1x32768xf32, #tpu.memory_space<vmem>> -> memref<32768xf32, #tpu.memory_space<vmem>>
        %swap3A_814 = arith.index_cast %add3A_810 : i32 to index
        %swap3A_815 = tpu.vector_load %swap3A_813[%swap3A_814] {strides = array<i32>} : memref<32768xf32, #tpu.memory_space<vmem>>, vector<16xf32>,
        tpu.vector_store %swap3A_813[%swap3A_814], %gather3A_808 {strides = array<i32>} : memref<32768xf32, #tpu.memory_space<vmem>>, vector<16xf32>,
        %add3A_816 = arith.constant 4 : i32
        %add3A_817 = vector.broadcast %add3A_816 : i32 to vector<16xi32>
        %add3A_818 = arith.addi %add3A_758, %add3A_817 : vector<16xi32>
        %gather3A_819 = tpu.vector_load_idx %arg4[%add3A_818] : memref<8208xf32, #tpu.memory_space<vmem>>[vector<16xi32>], vector<16xf32>,
        %add3A_820 = arith.constant 512 : i32
        %add3A_821 = arith.addi %add3A_771, %add3A_820 : i32
        %swap3A_822 = arith.constant 0 : i32
        %swap3A_823 = tpu.memref_slice %arg7[%scan3A_182, %swap3A_822] : memref<2x32768xf32, #tpu.memory_space<vmem>> -> memref<1x32768xf32, #tpu.memory_space<vmem>>
        %swap3A_824 = tpu.memref_squeeze %swap3A_823 : memref<1x32768xf32, #tpu.memory_space<vmem>> -> memref<32768xf32, #tpu.memory_space<vmem>>
        %swap3A_825 = arith.index_cast %add3A_821 : i32 to index
        %swap3A_826 = tpu.vector_load %swap3A_824[%swap3A_825] {strides = array<i32>} : memref<32768xf32, #tpu.memory_space<vmem>>, vector<16xf32>,
        tpu.vector_store %swap3A_824[%swap3A_825], %gather3A_819 {strides = array<i32>} : memref<32768xf32, #tpu.memory_space<vmem>>, vector<16xf32>,
        %add3A_827 = arith.constant 5 : i32
        %add3A_828 = vector.broadcast %add3A_827 : i32 to vector<16xi32>
        %add3A_829 = arith.addi %add3A_758, %add3A_828 : vector<16xi32>
        %gather3A_830 = tpu.vector_load_idx %arg4[%add3A_829] : memref<8208xf32, #tpu.memory_space<vmem>>[vector<16xi32>], vector<16xf32>,
        %add3A_831 = arith.constant 640 : i32
        %add3A_832 = arith.addi %add3A_771, %add3A_831 : i32
        %swap3A_833 = arith.constant 0 : i32
        %swap3A_834 = tpu.memref_slice %arg7[%scan3A_182, %swap3A_833] : memref<2x32768xf32, #tpu.memory_space<vmem>> -> memref<1x32768xf32, #tpu.memory_space<vmem>>
        %swap3A_835 = tpu.memref_squeeze %swap3A_834 : memref<1x32768xf32, #tpu.memory_space<vmem>> -> memref<32768xf32, #tpu.memory_space<vmem>>
        %swap3A_836 = arith.index_cast %add3A_832 : i32 to index
        %swap3A_837 = tpu.vector_load %swap3A_835[%swap3A_836] {strides = array<i32>} : memref<32768xf32, #tpu.memory_space<vmem>>, vector<16xf32>,
        tpu.vector_store %swap3A_835[%swap3A_836], %gather3A_830 {strides = array<i32>} : memref<32768xf32, #tpu.memory_space<vmem>>, vector<16xf32>,
        %add3A_838 = arith.constant 6 : i32
        %add3A_839 = vector.broadcast %add3A_838 : i32 to vector<16xi32>
        %add3A_840 = arith.addi %add3A_758, %add3A_839 : vector<16xi32>
        %gather3A_841 = tpu.vector_load_idx %arg4[%add3A_840] : memref<8208xf32, #tpu.memory_space<vmem>>[vector<16xi32>], vector<16xf32>,
        %add3A_842 = arith.constant 768 : i32
        %add3A_843 = arith.addi %add3A_771, %add3A_842 : i32
        %swap3A_844 = arith.constant 0 : i32
        %swap3A_845 = tpu.memref_slice %arg7[%scan3A_182, %swap3A_844] : memref<2x32768xf32, #tpu.memory_space<vmem>> -> memref<1x32768xf32, #tpu.memory_space<vmem>>
        %swap3A_846 = tpu.memref_squeeze %swap3A_845 : memref<1x32768xf32, #tpu.memory_space<vmem>> -> memref<32768xf32, #tpu.memory_space<vmem>>
        %swap3A_847 = arith.index_cast %add3A_843 : i32 to index
        %swap3A_848 = tpu.vector_load %swap3A_846[%swap3A_847] {strides = array<i32>} : memref<32768xf32, #tpu.memory_space<vmem>>, vector<16xf32>,
        tpu.vector_store %swap3A_846[%swap3A_847], %gather3A_841 {strides = array<i32>} : memref<32768xf32, #tpu.memory_space<vmem>>, vector<16xf32>,
        %add3A_849 = arith.constant 7 : i32
        %add3A_850 = vector.broadcast %add3A_849 : i32 to vector<16xi32>
        %add3A_851 = arith.addi %add3A_758, %add3A_850 : vector<16xi32>
        %gather3A_852 = tpu.vector_load_idx %arg4[%add3A_851] : memref<8208xf32, #tpu.memory_space<vmem>>[vector<16xi32>], vector<16xf32>,
        %add3A_853 = arith.constant 896 : i32
        %add3A_854 = arith.addi %add3A_771, %add3A_853 : i32
        %swap3A_855 = arith.constant 0 : i32
        %swap3A_856 = tpu.memref_slice %arg7[%scan3A_182, %swap3A_855] : memref<2x32768xf32, #tpu.memory_space<vmem>> -> memref<1x32768xf32, #tpu.memory_space<vmem>>
        %swap3A_857 = tpu.memref_squeeze %swap3A_856 : memref<1x32768xf32, #tpu.memory_space<vmem>> -> memref<32768xf32, #tpu.memory_space<vmem>>
        %swap3A_858 = arith.index_cast %add3A_854 : i32 to index
        %swap3A_859 = tpu.vector_load %swap3A_857[%swap3A_858] {strides = array<i32>} : memref<32768xf32, #tpu.memory_space<vmem>>, vector<16xf32>,
        tpu.vector_store %swap3A_857[%swap3A_858], %gather3A_852 {strides = array<i32>} : memref<32768xf32, #tpu.memory_space<vmem>>, vector<16xf32>,
        %add3A_860 = arith.constant 8 : i32
        %add3A_861 = vector.broadcast %add3A_860 : i32 to vector<16xi32>
        %add3A_862 = arith.addi %add3A_758, %add3A_861 : vector<16xi32>
        %gather3A_863 = tpu.vector_load_idx %arg4[%add3A_862] : memref<8208xf32, #tpu.memory_space<vmem>>[vector<16xi32>], vector<16xf32>,
        %add3A_864 = arith.constant 8192 : i32
        %add3A_865 = arith.addi %add3A_771, %add3A_864 : i32
        %swap3A_866 = arith.constant 0 : i32
        %swap3A_867 = tpu.memref_slice %arg7[%scan3A_182, %swap3A_866] : memref<2x32768xf32, #tpu.memory_space<vmem>> -> memref<1x32768xf32, #tpu.memory_space<vmem>>
        %swap3A_868 = tpu.memref_squeeze %swap3A_867 : memref<1x32768xf32, #tpu.memory_space<vmem>> -> memref<32768xf32, #tpu.memory_space<vmem>>
        %swap3A_869 = arith.index_cast %add3A_865 : i32 to index
        %swap3A_870 = tpu.vector_load %swap3A_868[%swap3A_869] {strides = array<i32>} : memref<32768xf32, #tpu.memory_space<vmem>>, vector<16xf32>,
        tpu.vector_store %swap3A_868[%swap3A_869], %gather3A_863 {strides = array<i32>} : memref<32768xf32, #tpu.memory_space<vmem>>, vector<16xf32>,
        %add3A_871 = arith.constant 9 : i32
        %add3A_872 = vector.broadcast %add3A_871 : i32 to vector<16xi32>
        %add3A_873 = arith.addi %add3A_758, %add3A_872 : vector<16xi32>
        %gather3A_874 = tpu.vector_load_idx %arg4[%add3A_873] : memref<8208xf32, #tpu.memory_space<vmem>>[vector<16xi32>], vector<16xf32>,
        %add3A_875 = arith.constant 8320 : i32
        %add3A_876 = arith.addi %add3A_771, %add3A_875 : i32
        %swap3A_877 = arith.constant 0 : i32
        %swap3A_878 = tpu.memref_slice %arg7[%scan3A_182, %swap3A_877] : memref<2x32768xf32, #tpu.memory_space<vmem>> -> memref<1x32768xf32, #tpu.memory_space<vmem>>
        %swap3A_879 = tpu.memref_squeeze %swap3A_878 : memref<1x32768xf32, #tpu.memory_space<vmem>> -> memref<32768xf32, #tpu.memory_space<vmem>>
        %swap3A_880 = arith.index_cast %add3A_876 : i32 to index
        %swap3A_881 = tpu.vector_load %swap3A_879[%swap3A_880] {strides = array<i32>} : memref<32768xf32, #tpu.memory_space<vmem>>, vector<16xf32>,
        tpu.vector_store %swap3A_879[%swap3A_880], %gather3A_874 {strides = array<i32>} : memref<32768xf32, #tpu.memory_space<vmem>>, vector<16xf32>,
        %add3A_882 = arith.constant 10 : i32
        %add3A_883 = vector.broadcast %add3A_882 : i32 to vector<16xi32>
        %add3A_884 = arith.addi %add3A_758, %add3A_883 : vector<16xi32>
        %gather3A_885 = tpu.vector_load_idx %arg4[%add3A_884] : memref<8208xf32, #tpu.memory_space<vmem>>[vector<16xi32>], vector<16xf32>,
        %add3A_886 = arith.constant 8448 : i32
        %add3A_887 = arith.addi %add3A_771, %add3A_886 : i32
        %swap3A_888 = arith.constant 0 : i32
        %swap3A_889 = tpu.memref_slice %arg7[%scan3A_182, %swap3A_888] : memref<2x32768xf32, #tpu.memory_space<vmem>> -> memref<1x32768xf32, #tpu.memory_space<vmem>>
        %swap3A_890 = tpu.memref_squeeze %swap3A_889 : memref<1x32768xf32, #tpu.memory_space<vmem>> -> memref<32768xf32, #tpu.memory_space<vmem>>
        %swap3A_891 = arith.index_cast %add3A_887 : i32 to index
        %swap3A_892 = tpu.vector_load %swap3A_890[%swap3A_891] {strides = array<i32>} : memref<32768xf32, #tpu.memory_space<vmem>>, vector<16xf32>,
        tpu.vector_store %swap3A_890[%swap3A_891], %gather3A_885 {strides = array<i32>} : memref<32768xf32, #tpu.memory_space<vmem>>, vector<16xf32>,
        %add3A_893 = arith.constant 11 : i32
        %add3A_894 = vector.broadcast %add3A_893 : i32 to vector<16xi32>
        %add3A_895 = arith.addi %add3A_758, %add3A_894 : vector<16xi32>
        %gather3A_896 = tpu.vector_load_idx %arg4[%add3A_895] : memref<8208xf32, #tpu.memory_space<vmem>>[vector<16xi32>], vector<16xf32>,
        %add3A_897 = arith.constant 8576 : i32
        %add3A_898 = arith.addi %add3A_771, %add3A_897 : i32
        %swap3A_899 = arith.constant 0 : i32
        %swap3A_900 = tpu.memref_slice %arg7[%scan3A_182, %swap3A_899] : memref<2x32768xf32, #tpu.memory_space<vmem>> -> memref<1x32768xf32, #tpu.memory_space<vmem>>
        %swap3A_901 = tpu.memref_squeeze %swap3A_900 : memref<1x32768xf32, #tpu.memory_space<vmem>> -> memref<32768xf32, #tpu.memory_space<vmem>>
        %swap3A_902 = arith.index_cast %add3A_898 : i32 to index
        %swap3A_903 = tpu.vector_load %swap3A_901[%swap3A_902] {strides = array<i32>} : memref<32768xf32, #tpu.memory_space<vmem>>, vector<16xf32>,
        tpu.vector_store %swap3A_901[%swap3A_902], %gather3A_896 {strides = array<i32>} : memref<32768xf32, #tpu.memory_space<vmem>>, vector<16xf32>,
        %add3A_904 = arith.constant 12 : i32
        %add3A_905 = vector.broadcast %add3A_904 : i32 to vector<16xi32>
        %add3A_906 = arith.addi %add3A_758, %add3A_905 : vector<16xi32>
        %gather3A_907 = tpu.vector_load_idx %arg4[%add3A_906] : memref<8208xf32, #tpu.memory_space<vmem>>[vector<16xi32>], vector<16xf32>,
        %add3A_908 = arith.constant 8704 : i32
        %add3A_909 = arith.addi %add3A_771, %add3A_908 : i32
        %swap3A_910 = arith.constant 0 : i32
        %swap3A_911 = tpu.memref_slice %arg7[%scan3A_182, %swap3A_910] : memref<2x32768xf32, #tpu.memory_space<vmem>> -> memref<1x32768xf32, #tpu.memory_space<vmem>>
        %swap3A_912 = tpu.memref_squeeze %swap3A_911 : memref<1x32768xf32, #tpu.memory_space<vmem>> -> memref<32768xf32, #tpu.memory_space<vmem>>
        %swap3A_913 = arith.index_cast %add3A_909 : i32 to index
        %swap3A_914 = tpu.vector_load %swap3A_912[%swap3A_913] {strides = array<i32>} : memref<32768xf32, #tpu.memory_space<vmem>>, vector<16xf32>,
        tpu.vector_store %swap3A_912[%swap3A_913], %gather3A_907 {strides = array<i32>} : memref<32768xf32, #tpu.memory_space<vmem>>, vector<16xf32>,
        %add3A_915 = arith.constant 13 : i32
        %add3A_916 = vector.broadcast %add3A_915 : i32 to vector<16xi32>
        %add3A_917 = arith.addi %add3A_758, %add3A_916 : vector<16xi32>
        %gather3A_918 = tpu.vector_load_idx %arg4[%add3A_917] : memref<8208xf32, #tpu.memory_space<vmem>>[vector<16xi32>], vector<16xf32>,
        %add3A_919 = arith.constant 8832 : i32
        %add3A_920 = arith.addi %add3A_771, %add3A_919 : i32
        %swap3A_921 = arith.constant 0 : i32
        %swap3A_922 = tpu.memref_slice %arg7[%scan3A_182, %swap3A_921] : memref<2x32768xf32, #tpu.memory_space<vmem>> -> memref<1x32768xf32, #tpu.memory_space<vmem>>
        %swap3A_923 = tpu.memref_squeeze %swap3A_922 : memref<1x32768xf32, #tpu.memory_space<vmem>> -> memref<32768xf32, #tpu.memory_space<vmem>>
        %swap3A_924 = arith.index_cast %add3A_920 : i32 to index
        %swap3A_925 = tpu.vector_load %swap3A_923[%swap3A_924] {strides = array<i32>} : memref<32768xf32, #tpu.memory_space<vmem>>, vector<16xf32>,
        tpu.vector_store %swap3A_923[%swap3A_924], %gather3A_918 {strides = array<i32>} : memref<32768xf32, #tpu.memory_space<vmem>>, vector<16xf32>,
        %add3A_926 = arith.constant 14 : i32
        %add3A_927 = vector.broadcast %add3A_926 : i32 to vector<16xi32>
        %add3A_928 = arith.addi %add3A_758, %add3A_927 : vector<16xi32>
        %gather3A_929 = tpu.vector_load_idx %arg4[%add3A_928] : memref<8208xf32, #tpu.memory_space<vmem>>[vector<16xi32>], vector<16xf32>,
        %add3A_930 = arith.constant 8960 : i32
        %add3A_931 = arith.addi %add3A_771, %add3A_930 : i32
        %swap3A_932 = arith.constant 0 : i32
        %swap3A_933 = tpu.memref_slice %arg7[%scan3A_182, %swap3A_932] : memref<2x32768xf32, #tpu.memory_space<vmem>> -> memref<1x32768xf32, #tpu.memory_space<vmem>>
        %swap3A_934 = tpu.memref_squeeze %swap3A_933 : memref<1x32768xf32, #tpu.memory_space<vmem>> -> memref<32768xf32, #tpu.memory_space<vmem>>
        %swap3A_935 = arith.index_cast %add3A_931 : i32 to index
        %swap3A_936 = tpu.vector_load %swap3A_934[%swap3A_935] {strides = array<i32>} : memref<32768xf32, #tpu.memory_space<vmem>>, vector<16xf32>,
        tpu.vector_store %swap3A_934[%swap3A_935], %gather3A_929 {strides = array<i32>} : memref<32768xf32, #tpu.memory_space<vmem>>, vector<16xf32>,
        %add3A_937 = arith.constant 15 : i32
        %add3A_938 = vector.broadcast %add3A_937 : i32 to vector<16xi32>
        %add3A_939 = arith.addi %add3A_758, %add3A_938 : vector<16xi32>
        %gather3A_940 = tpu.vector_load_idx %arg4[%add3A_939] : memref<8208xf32, #tpu.memory_space<vmem>>[vector<16xi32>], vector<16xf32>,
        %add3A_941 = arith.constant 9088 : i32
        %add3A_942 = arith.addi %add3A_771, %add3A_941 : i32
        %swap3A_943 = arith.constant 0 : i32
        %swap3A_944 = tpu.memref_slice %arg7[%scan3A_182, %swap3A_943] : memref<2x32768xf32, #tpu.memory_space<vmem>> -> memref<1x32768xf32, #tpu.memory_space<vmem>>
        %swap3A_945 = tpu.memref_squeeze %swap3A_944 : memref<1x32768xf32, #tpu.memory_space<vmem>> -> memref<32768xf32, #tpu.memory_space<vmem>>
        %swap3A_946 = arith.index_cast %add3A_942 : i32 to index
        %swap3A_947 = tpu.vector_load %swap3A_945[%swap3A_946] {strides = array<i32>} : memref<32768xf32, #tpu.memory_space<vmem>>, vector<16xf32>,
        tpu.vector_store %swap3A_945[%swap3A_946], %gather3A_940 {strides = array<i32>} : memref<32768xf32, #tpu.memory_space<vmem>>, vector<16xf32>,
        %add3A_948 = arith.constant 16 : i32
        %add3A_949 = vector.broadcast %add3A_948 : i32 to vector<16xi32>
        %add3A_950 = arith.addi %add3A_758, %add3A_949 : vector<16xi32>
        %gather3A_951 = tpu.vector_load_idx %arg4[%add3A_950] : memref<8208xf32, #tpu.memory_space<vmem>>[vector<16xi32>], vector<16xf32>,
        %add3A_952 = arith.constant 16384 : i32
        %add3A_953 = arith.addi %add3A_771, %add3A_952 : i32
        %swap3A_954 = arith.constant 0 : i32
        %swap3A_955 = tpu.memref_slice %arg7[%scan3A_182, %swap3A_954] : memref<2x32768xf32, #tpu.memory_space<vmem>> -> memref<1x32768xf32, #tpu.memory_space<vmem>>
        %swap3A_956 = tpu.memref_squeeze %swap3A_955 : memref<1x32768xf32, #tpu.memory_space<vmem>> -> memref<32768xf32, #tpu.memory_space<vmem>>
        %swap3A_957 = arith.index_cast %add3A_953 : i32 to index
        %swap3A_958 = tpu.vector_load %swap3A_956[%swap3A_957] {strides = array<i32>} : memref<32768xf32, #tpu.memory_space<vmem>>, vector<16xf32>,
        tpu.vector_store %swap3A_956[%swap3A_957], %gather3A_951 {strides = array<i32>} : memref<32768xf32, #tpu.memory_space<vmem>>, vector<16xf32>,
        %add3A_959 = arith.constant 17 : i32
        %add3A_960 = vector.broadcast %add3A_959 : i32 to vector<16xi32>
        %add3A_961 = arith.addi %add3A_758, %add3A_960 : vector<16xi32>
        %gather3A_962 = tpu.vector_load_idx %arg4[%add3A_961] : memref<8208xf32, #tpu.memory_space<vmem>>[vector<16xi32>], vector<16xf32>,
        %add3A_963 = arith.constant 16512 : i32
        %add3A_964 = arith.addi %add3A_771, %add3A_963 : i32
        %swap3A_965 = arith.constant 0 : i32
        %swap3A_966 = tpu.memref_slice %arg7[%scan3A_182, %swap3A_965] : memref<2x32768xf32, #tpu.memory_space<vmem>> -> memref<1x32768xf32, #tpu.memory_space<vmem>>
        %swap3A_967 = tpu.memref_squeeze %swap3A_966 : memref<1x32768xf32, #tpu.memory_space<vmem>> -> memref<32768xf32, #tpu.memory_space<vmem>>
        %swap3A_968 = arith.index_cast %add3A_964 : i32 to index
        %swap3A_969 = tpu.vector_load %swap3A_967[%swap3A_968] {strides = array<i32>} : memref<32768xf32, #tpu.memory_space<vmem>>, vector<16xf32>,
        tpu.vector_store %swap3A_967[%swap3A_968], %gather3A_962 {strides = array<i32>} : memref<32768xf32, #tpu.memory_space<vmem>>, vector<16xf32>,
        %add3A_970 = arith.constant 18 : i32
        %add3A_971 = vector.broadcast %add3A_970 : i32 to vector<16xi32>
        %add3A_972 = arith.addi %add3A_758, %add3A_971 : vector<16xi32>
        %gather3A_973 = tpu.vector_load_idx %arg4[%add3A_972] : memref<8208xf32, #tpu.memory_space<vmem>>[vector<16xi32>], vector<16xf32>,
        %add3A_974 = arith.constant 16640 : i32
        %add3A_975 = arith.addi %add3A_771, %add3A_974 : i32
        %swap3A_976 = arith.constant 0 : i32
        %swap3A_977 = tpu.memref_slice %arg7[%scan3A_182, %swap3A_976] : memref<2x32768xf32, #tpu.memory_space<vmem>> -> memref<1x32768xf32, #tpu.memory_space<vmem>>
        %swap3A_978 = tpu.memref_squeeze %swap3A_977 : memref<1x32768xf32, #tpu.memory_space<vmem>> -> memref<32768xf32, #tpu.memory_space<vmem>>
        %swap3A_979 = arith.index_cast %add3A_975 : i32 to index
        %swap3A_980 = tpu.vector_load %swap3A_978[%swap3A_979] {strides = array<i32>} : memref<32768xf32, #tpu.memory_space<vmem>>, vector<16xf32>,
        tpu.vector_store %swap3A_978[%swap3A_979], %gather3A_973 {strides = array<i32>} : memref<32768xf32, #tpu.memory_space<vmem>>, vector<16xf32>,
        %add3A_981 = arith.constant 19 : i32
        %add3A_982 = vector.broadcast %add3A_981 : i32 to vector<16xi32>
        %add3A_983 = arith.addi %add3A_758, %add3A_982 : vector<16xi32>
        %gather3A_984 = tpu.vector_load_idx %arg4[%add3A_983] : memref<8208xf32, #tpu.memory_space<vmem>>[vector<16xi32>], vector<16xf32>,
        %add3A_985 = arith.constant 16768 : i32
        %add3A_986 = arith.addi %add3A_771, %add3A_985 : i32
        %swap3A_987 = arith.constant 0 : i32
        %swap3A_988 = tpu.memref_slice %arg7[%scan3A_182, %swap3A_987] : memref<2x32768xf32, #tpu.memory_space<vmem>> -> memref<1x32768xf32, #tpu.memory_space<vmem>>
        %swap3A_989 = tpu.memref_squeeze %swap3A_988 : memref<1x32768xf32, #tpu.memory_space<vmem>> -> memref<32768xf32, #tpu.memory_space<vmem>>
        %swap3A_990 = arith.index_cast %add3A_986 : i32 to index
        %swap3A_991 = tpu.vector_load %swap3A_989[%swap3A_990] {strides = array<i32>} : memref<32768xf32, #tpu.memory_space<vmem>>, vector<16xf32>,
        tpu.vector_store %swap3A_989[%swap3A_990], %gather3A_984 {strides = array<i32>} : memref<32768xf32, #tpu.memory_space<vmem>>, vector<16xf32>,
        %add3A_992 = arith.constant 20 : i32
        %add3A_993 = vector.broadcast %add3A_992 : i32 to vector<16xi32>
        %add3A_994 = arith.addi %add3A_758, %add3A_993 : vector<16xi32>
        %gather3A_995 = tpu.vector_load_idx %arg4[%add3A_994] : memref<8208xf32, #tpu.memory_space<vmem>>[vector<16xi32>], vector<16xf32>,
        %add3A_996 = arith.constant 16896 : i32
        %add3A_997 = arith.addi %add3A_771, %add3A_996 : i32
        %swap3A_998 = arith.constant 0 : i32
        %swap3A_999 = tpu.memref_slice %arg7[%scan3A_182, %swap3A_998] : memref<2x32768xf32, #tpu.memory_space<vmem>> -> memref<1x32768xf32, #tpu.memory_space<vmem>>
        %swap3A_1000 = tpu.memref_squeeze %swap3A_999 : memref<1x32768xf32, #tpu.memory_space<vmem>> -> memref<32768xf32, #tpu.memory_space<vmem>>
        %swap3A_1001 = arith.index_cast %add3A_997 : i32 to index
        %swap3A_1002 = tpu.vector_load %swap3A_1000[%swap3A_1001] {strides = array<i32>} : memref<32768xf32, #tpu.memory_space<vmem>>, vector<16xf32>,
        tpu.vector_store %swap3A_1000[%swap3A_1001], %gather3A_995 {strides = array<i32>} : memref<32768xf32, #tpu.memory_space<vmem>>, vector<16xf32>,
        %add3A_1003 = arith.constant 21 : i32
        %add3A_1004 = vector.broadcast %add3A_1003 : i32 to vector<16xi32>
        %add3A_1005 = arith.addi %add3A_758, %add3A_1004 : vector<16xi32>
        %gather3A_1006 = tpu.vector_load_idx %arg4[%add3A_1005] : memref<8208xf32, #tpu.memory_space<vmem>>[vector<16xi32>], vector<16xf32>,
        %add3A_1007 = arith.constant 17024 : i32
        %add3A_1008 = arith.addi %add3A_771, %add3A_1007 : i32
        %swap3A_1009 = arith.constant 0 : i32
        %swap3A_1010 = tpu.memref_slice %arg7[%scan3A_182, %swap3A_1009] : memref<2x32768xf32, #tpu.memory_space<vmem>> -> memref<1x32768xf32, #tpu.memory_space<vmem>>
        %swap3A_1011 = tpu.memref_squeeze %swap3A_1010 : memref<1x32768xf32, #tpu.memory_space<vmem>> -> memref<32768xf32, #tpu.memory_space<vmem>>
        %swap3A_1012 = arith.index_cast %add3A_1008 : i32 to index
        %swap3A_1013 = tpu.vector_load %swap3A_1011[%swap3A_1012] {strides = array<i32>} : memref<32768xf32, #tpu.memory_space<vmem>>, vector<16xf32>,
        tpu.vector_store %swap3A_1011[%swap3A_1012], %gather3A_1006 {strides = array<i32>} : memref<32768xf32, #tpu.memory_space<vmem>>, vector<16xf32>,
        %add3A_1014 = arith.constant 22 : i32
        %add3A_1015 = vector.broadcast %add3A_1014 : i32 to vector<16xi32>
        %add3A_1016 = arith.addi %add3A_758, %add3A_1015 : vector<16xi32>
        %gather3A_1017 = tpu.vector_load_idx %arg4[%add3A_1016] : memref<8208xf32, #tpu.memory_space<vmem>>[vector<16xi32>], vector<16xf32>,
        %add3A_1018 = arith.constant 17152 : i32
        %add3A_1019 = arith.addi %add3A_771, %add3A_1018 : i32
        %swap3A_1020 = arith.constant 0 : i32
        %swap3A_1021 = tpu.memref_slice %arg7[%scan3A_182, %swap3A_1020] : memref<2x32768xf32, #tpu.memory_space<vmem>> -> memref<1x32768xf32, #tpu.memory_space<vmem>>
        %swap3A_1022 = tpu.memref_squeeze %swap3A_1021 : memref<1x32768xf32, #tpu.memory_space<vmem>> -> memref<32768xf32, #tpu.memory_space<vmem>>
        %swap3A_1023 = arith.index_cast %add3A_1019 : i32 to index
        %swap3A_1024 = tpu.vector_load %swap3A_1022[%swap3A_1023] {strides = array<i32>} : memref<32768xf32, #tpu.memory_space<vmem>>, vector<16xf32>,
        tpu.vector_store %swap3A_1022[%swap3A_1023], %gather3A_1017 {strides = array<i32>} : memref<32768xf32, #tpu.memory_space<vmem>>, vector<16xf32>,
        %add3A_1025 = arith.constant 23 : i32
        %add3A_1026 = vector.broadcast %add3A_1025 : i32 to vector<16xi32>
        %add3A_1027 = arith.addi %add3A_758, %add3A_1026 : vector<16xi32>
        %gather3A_1028 = tpu.vector_load_idx %arg4[%add3A_1027] : memref<8208xf32, #tpu.memory_space<vmem>>[vector<16xi32>], vector<16xf32>,
        %add3A_1029 = arith.constant 17280 : i32
        %add3A_1030 = arith.addi %add3A_771, %add3A_1029 : i32
        %swap3A_1031 = arith.constant 0 : i32
        %swap3A_1032 = tpu.memref_slice %arg7[%scan3A_182, %swap3A_1031] : memref<2x32768xf32, #tpu.memory_space<vmem>> -> memref<1x32768xf32, #tpu.memory_space<vmem>>
        %swap3A_1033 = tpu.memref_squeeze %swap3A_1032 : memref<1x32768xf32, #tpu.memory_space<vmem>> -> memref<32768xf32, #tpu.memory_space<vmem>>
        %swap3A_1034 = arith.index_cast %add3A_1030 : i32 to index
        %swap3A_1035 = tpu.vector_load %swap3A_1033[%swap3A_1034] {strides = array<i32>} : memref<32768xf32, #tpu.memory_space<vmem>>, vector<16xf32>,
        tpu.vector_store %swap3A_1033[%swap3A_1034], %gather3A_1028 {strides = array<i32>} : memref<32768xf32, #tpu.memory_space<vmem>>, vector<16xf32>,
        %add3A_1036 = arith.constant 24 : i32
        %add3A_1037 = vector.broadcast %add3A_1036 : i32 to vector<16xi32>
        %add3A_1038 = arith.addi %add3A_758, %add3A_1037 : vector<16xi32>
        %gather3A_1039 = tpu.vector_load_idx %arg4[%add3A_1038] : memref<8208xf32, #tpu.memory_space<vmem>>[vector<16xi32>], vector<16xf32>,
        %add3A_1040 = arith.constant 24576 : i32
        %add3A_1041 = arith.addi %add3A_771, %add3A_1040 : i32
        %swap3A_1042 = arith.constant 0 : i32
        %swap3A_1043 = tpu.memref_slice %arg7[%scan3A_182, %swap3A_1042] : memref<2x32768xf32, #tpu.memory_space<vmem>> -> memref<1x32768xf32, #tpu.memory_space<vmem>>
        %swap3A_1044 = tpu.memref_squeeze %swap3A_1043 : memref<1x32768xf32, #tpu.memory_space<vmem>> -> memref<32768xf32, #tpu.memory_space<vmem>>
        %swap3A_1045 = arith.index_cast %add3A_1041 : i32 to index
        %swap3A_1046 = tpu.vector_load %swap3A_1044[%swap3A_1045] {strides = array<i32>} : memref<32768xf32, #tpu.memory_space<vmem>>, vector<16xf32>,
        tpu.vector_store %swap3A_1044[%swap3A_1045], %gather3A_1039 {strides = array<i32>} : memref<32768xf32, #tpu.memory_space<vmem>>, vector<16xf32>,
        %add3A_1047 = arith.constant 25 : i32
        %add3A_1048 = vector.broadcast %add3A_1047 : i32 to vector<16xi32>
        %add3A_1049 = arith.addi %add3A_758, %add3A_1048 : vector<16xi32>
        %gather3A_1050 = tpu.vector_load_idx %arg4[%add3A_1049] : memref<8208xf32, #tpu.memory_space<vmem>>[vector<16xi32>], vector<16xf32>,
        %add3A_1051 = arith.constant 24704 : i32
        %add3A_1052 = arith.addi %add3A_771, %add3A_1051 : i32
        %swap3A_1053 = arith.constant 0 : i32
        %swap3A_1054 = tpu.memref_slice %arg7[%scan3A_182, %swap3A_1053] : memref<2x32768xf32, #tpu.memory_space<vmem>> -> memref<1x32768xf32, #tpu.memory_space<vmem>>
        %swap3A_1055 = tpu.memref_squeeze %swap3A_1054 : memref<1x32768xf32, #tpu.memory_space<vmem>> -> memref<32768xf32, #tpu.memory_space<vmem>>
        %swap3A_1056 = arith.index_cast %add3A_1052 : i32 to index
        %swap3A_1057 = tpu.vector_load %swap3A_1055[%swap3A_1056] {strides = array<i32>} : memref<32768xf32, #tpu.memory_space<vmem>>, vector<16xf32>,
        tpu.vector_store %swap3A_1055[%swap3A_1056], %gather3A_1050 {strides = array<i32>} : memref<32768xf32, #tpu.memory_space<vmem>>, vector<16xf32>,
        %add3A_1058 = arith.constant 26 : i32
        %add3A_1059 = vector.broadcast %add3A_1058 : i32 to vector<16xi32>
        %add3A_1060 = arith.addi %add3A_758, %add3A_1059 : vector<16xi32>
        %gather3A_1061 = tpu.vector_load_idx %arg4[%add3A_1060] : memref<8208xf32, #tpu.memory_space<vmem>>[vector<16xi32>], vector<16xf32>,
        %add3A_1062 = arith.constant 24832 : i32
        %add3A_1063 = arith.addi %add3A_771, %add3A_1062 : i32
        %swap3A_1064 = arith.constant 0 : i32
        %swap3A_1065 = tpu.memref_slice %arg7[%scan3A_182, %swap3A_1064] : memref<2x32768xf32, #tpu.memory_space<vmem>> -> memref<1x32768xf32, #tpu.memory_space<vmem>>
        %swap3A_1066 = tpu.memref_squeeze %swap3A_1065 : memref<1x32768xf32, #tpu.memory_space<vmem>> -> memref<32768xf32, #tpu.memory_space<vmem>>
        %swap3A_1067 = arith.index_cast %add3A_1063 : i32 to index
        %swap3A_1068 = tpu.vector_load %swap3A_1066[%swap3A_1067] {strides = array<i32>} : memref<32768xf32, #tpu.memory_space<vmem>>, vector<16xf32>,
        tpu.vector_store %swap3A_1066[%swap3A_1067], %gather3A_1061 {strides = array<i32>} : memref<32768xf32, #tpu.memory_space<vmem>>, vector<16xf32>,
        %add3A_1069 = arith.constant 27 : i32
        %add3A_1070 = vector.broadcast %add3A_1069 : i32 to vector<16xi32>
        %add3A_1071 = arith.addi %add3A_758, %add3A_1070 : vector<16xi32>
        %gather3A_1072 = tpu.vector_load_idx %arg4[%add3A_1071] : memref<8208xf32, #tpu.memory_space<vmem>>[vector<16xi32>], vector<16xf32>,
        %add3A_1073 = arith.constant 24960 : i32
        %add3A_1074 = arith.addi %add3A_771, %add3A_1073 : i32
        %swap3A_1075 = arith.constant 0 : i32
        %swap3A_1076 = tpu.memref_slice %arg7[%scan3A_182, %swap3A_1075] : memref<2x32768xf32, #tpu.memory_space<vmem>> -> memref<1x32768xf32, #tpu.memory_space<vmem>>
        %swap3A_1077 = tpu.memref_squeeze %swap3A_1076 : memref<1x32768xf32, #tpu.memory_space<vmem>> -> memref<32768xf32, #tpu.memory_space<vmem>>
        %swap3A_1078 = arith.index_cast %add3A_1074 : i32 to index
        %swap3A_1079 = tpu.vector_load %swap3A_1077[%swap3A_1078] {strides = array<i32>} : memref<32768xf32, #tpu.memory_space<vmem>>, vector<16xf32>,
        tpu.vector_store %swap3A_1077[%swap3A_1078], %gather3A_1072 {strides = array<i32>} : memref<32768xf32, #tpu.memory_space<vmem>>, vector<16xf32>,
        %add3A_1080 = arith.constant 28 : i32
        %add3A_1081 = vector.broadcast %add3A_1080 : i32 to vector<16xi32>
        %add3A_1082 = arith.addi %add3A_758, %add3A_1081 : vector<16xi32>
        %gather3A_1083 = tpu.vector_load_idx %arg4[%add3A_1082] : memref<8208xf32, #tpu.memory_space<vmem>>[vector<16xi32>], vector<16xf32>,
        %add3A_1084 = arith.constant 25088 : i32
        %add3A_1085 = arith.addi %add3A_771, %add3A_1084 : i32
        %swap3A_1086 = arith.constant 0 : i32
        %swap3A_1087 = tpu.memref_slice %arg7[%scan3A_182, %swap3A_1086] : memref<2x32768xf32, #tpu.memory_space<vmem>> -> memref<1x32768xf32, #tpu.memory_space<vmem>>
        %swap3A_1088 = tpu.memref_squeeze %swap3A_1087 : memref<1x32768xf32, #tpu.memory_space<vmem>> -> memref<32768xf32, #tpu.memory_space<vmem>>
        %swap3A_1089 = arith.index_cast %add3A_1085 : i32 to index
        %swap3A_1090 = tpu.vector_load %swap3A_1088[%swap3A_1089] {strides = array<i32>} : memref<32768xf32, #tpu.memory_space<vmem>>, vector<16xf32>,
        tpu.vector_store %swap3A_1088[%swap3A_1089], %gather3A_1083 {strides = array<i32>} : memref<32768xf32, #tpu.memory_space<vmem>>, vector<16xf32>,
        %add3A_1091 = arith.constant 29 : i32
        %add3A_1092 = vector.broadcast %add3A_1091 : i32 to vector<16xi32>
        %add3A_1093 = arith.addi %add3A_758, %add3A_1092 : vector<16xi32>
        %gather3A_1094 = tpu.vector_load_idx %arg4[%add3A_1093] : memref<8208xf32, #tpu.memory_space<vmem>>[vector<16xi32>], vector<16xf32>,
        %add3A_1095 = arith.constant 25216 : i32
        %add3A_1096 = arith.addi %add3A_771, %add3A_1095 : i32
        %swap3A_1097 = arith.constant 0 : i32
        %swap3A_1098 = tpu.memref_slice %arg7[%scan3A_182, %swap3A_1097] : memref<2x32768xf32, #tpu.memory_space<vmem>> -> memref<1x32768xf32, #tpu.memory_space<vmem>>
        %swap3A_1099 = tpu.memref_squeeze %swap3A_1098 : memref<1x32768xf32, #tpu.memory_space<vmem>> -> memref<32768xf32, #tpu.memory_space<vmem>>
        %swap3A_1100 = arith.index_cast %add3A_1096 : i32 to index
        %swap3A_1101 = tpu.vector_load %swap3A_1099[%swap3A_1100] {strides = array<i32>} : memref<32768xf32, #tpu.memory_space<vmem>>, vector<16xf32>,
        tpu.vector_store %swap3A_1099[%swap3A_1100], %gather3A_1094 {strides = array<i32>} : memref<32768xf32, #tpu.memory_space<vmem>>, vector<16xf32>,
        %add3A_1102 = arith.constant 30 : i32
        %add3A_1103 = vector.broadcast %add3A_1102 : i32 to vector<16xi32>
        %add3A_1104 = arith.addi %add3A_758, %add3A_1103 : vector<16xi32>
        %gather3A_1105 = tpu.vector_load_idx %arg4[%add3A_1104] : memref<8208xf32, #tpu.memory_space<vmem>>[vector<16xi32>], vector<16xf32>,
        %add3A_1106 = arith.constant 25344 : i32
        %add3A_1107 = arith.addi %add3A_771, %add3A_1106 : i32
        %swap3A_1108 = arith.constant 0 : i32
        %swap3A_1109 = tpu.memref_slice %arg7[%scan3A_182, %swap3A_1108] : memref<2x32768xf32, #tpu.memory_space<vmem>> -> memref<1x32768xf32, #tpu.memory_space<vmem>>
        %swap3A_1110 = tpu.memref_squeeze %swap3A_1109 : memref<1x32768xf32, #tpu.memory_space<vmem>> -> memref<32768xf32, #tpu.memory_space<vmem>>
        %swap3A_1111 = arith.index_cast %add3A_1107 : i32 to index
        %swap3A_1112 = tpu.vector_load %swap3A_1110[%swap3A_1111] {strides = array<i32>} : memref<32768xf32, #tpu.memory_space<vmem>>, vector<16xf32>,
        tpu.vector_store %swap3A_1110[%swap3A_1111], %gather3A_1105 {strides = array<i32>} : memref<32768xf32, #tpu.memory_space<vmem>>, vector<16xf32>,
        %add3A_1113 = arith.constant 31 : i32
        %add3A_1114 = vector.broadcast %add3A_1113 : i32 to vector<16xi32>
        %add3A_1115 = arith.addi %add3A_758, %add3A_1114 : vector<16xi32>
        %gather3A_1116 = tpu.vector_load_idx %arg4[%add3A_1115] : memref<8208xf32, #tpu.memory_space<vmem>>[vector<16xi32>], vector<16xf32>,
        %add3A_1117 = arith.constant 25472 : i32
        %add3A_1118 = arith.addi %add3A_771, %add3A_1117 : i32
        %swap3A_1119 = arith.constant 0 : i32
        %swap3A_1120 = tpu.memref_slice %arg7[%scan3A_182, %swap3A_1119] : memref<2x32768xf32, #tpu.memory_space<vmem>> -> memref<1x32768xf32, #tpu.memory_space<vmem>>
        %swap3A_1121 = tpu.memref_squeeze %swap3A_1120 : memref<1x32768xf32, #tpu.memory_space<vmem>> -> memref<32768xf32, #tpu.memory_space<vmem>>
        %swap3A_1122 = arith.index_cast %add3A_1118 : i32 to index
        %swap3A_1123 = tpu.vector_load %swap3A_1121[%swap3A_1122] {strides = array<i32>} : memref<32768xf32, #tpu.memory_space<vmem>>, vector<16xf32>,
        tpu.vector_store %swap3A_1121[%swap3A_1122], %gather3A_1116 {strides = array<i32>} : memref<32768xf32, #tpu.memory_space<vmem>>, vector<16xf32>,
        %shift_right_logical3A_1124 = arith.constant 16 : i32
        %shift_right_logical3A_1125 = vector.broadcast %shift_right_logical3A_1124 : i32 to vector<16xi32>
        %shift_right_logical3A_1126 = arith.shrui %get3A_378, %shift_right_logical3A_1125 : vector<16xi32>
        %and3A_1127 = arith.constant 255 : i32
        %and3A_1128 = vector.broadcast %and3A_1127 : i32 to vector<16xi32>
        %and3A_1129 = arith.andi %shift_right_logical3A_1126, %and3A_1128 : vector<16xi32>
        %mul3A_1130 = arith.constant 32 : i32
        %mul3A_1131 = vector.broadcast %mul3A_1130 : i32 to vector<16xi32>
        %mul3A_1132 = arith.muli %and3A_1129, %mul3A_1131 : vector<16xi32>
        %add3A_1133 = arith.addi %mul3A_11, %mul3A_1132 : vector<16xi32>
        %mul3A_1134 = arith.constant 4 : i32
        %mul3A_1135 = arith.muli %add3A_372, %mul3A_1134 : i32
        %add3A_1136 = arith.constant 2 : i32
        %add3A_1137 = arith.addi %mul3A_1135, %add3A_1136 : i32
        %shift_right_logical3A_1138 = arith.constant 3 : i32
        %shift_right_logical3A_1139 = arith.shrui %add3A_1137, %shift_right_logical3A_1138 : i32
        %shift_left3A_1140 = arith.constant 10 : i32
        %shift_left3A_1141 = arith.shli %shift_right_logical3A_1139, %shift_left3A_1140 : i32
        %and3A_1142 = arith.constant 7 : i32
        %and3A_1143 = arith.andi %add3A_1137, %and3A_1142 : i32
        %shift_left3A_1144 = arith.constant 4 : i32
        %shift_left3A_1145 = arith.shli %and3A_1143, %shift_left3A_1144 : i32
        %add3A_1146 = arith.addi %shift_left3A_1141, %shift_left3A_1145 : i32
        %add3A_1147 = arith.constant 0 : i32
        %add3A_1148 = vector.broadcast %add3A_1147 : i32 to vector<16xi32>
        %add3A_1149 = arith.addi %add3A_1133, %add3A_1148 : vector<16xi32>
        %gather3A_1150 = tpu.vector_load_idx %arg4[%add3A_1149] : memref<8208xf32, #tpu.memory_space<vmem>>[vector<16xi32>], vector<16xf32>,
        %add3A_1151 = arith.constant 0 : i32
        %add3A_1152 = arith.addi %add3A_1146, %add3A_1151 : i32
        %swap3A_1153 = arith.constant 0 : i32
        %swap3A_1154 = tpu.memref_slice %arg7[%scan3A_182, %swap3A_1153] : memref<2x32768xf32, #tpu.memory_space<vmem>> -> memref<1x32768xf32, #tpu.memory_space<vmem>>
        %swap3A_1155 = tpu.memref_squeeze %swap3A_1154 : memref<1x32768xf32, #tpu.memory_space<vmem>> -> memref<32768xf32, #tpu.memory_space<vmem>>
        %swap3A_1156 = arith.index_cast %add3A_1152 : i32 to index
        %swap3A_1157 = tpu.vector_load %swap3A_1155[%swap3A_1156] {strides = array<i32>} : memref<32768xf32, #tpu.memory_space<vmem>>, vector<16xf32>,
        tpu.vector_store %swap3A_1155[%swap3A_1156], %gather3A_1150 {strides = array<i32>} : memref<32768xf32, #tpu.memory_space<vmem>>, vector<16xf32>,
        %add3A_1158 = arith.constant 1 : i32
        %add3A_1159 = vector.broadcast %add3A_1158 : i32 to vector<16xi32>
        %add3A_1160 = arith.addi %add3A_1133, %add3A_1159 : vector<16xi32>
        %gather3A_1161 = tpu.vector_load_idx %arg4[%add3A_1160] : memref<8208xf32, #tpu.memory_space<vmem>>[vector<16xi32>], vector<16xf32>,
        %add3A_1162 = arith.constant 128 : i32
        %add3A_1163 = arith.addi %add3A_1146, %add3A_1162 : i32
        %swap3A_1164 = arith.constant 0 : i32
        %swap3A_1165 = tpu.memref_slice %arg7[%scan3A_182, %swap3A_1164] : memref<2x32768xf32, #tpu.memory_space<vmem>> -> memref<1x32768xf32, #tpu.memory_space<vmem>>
        %swap3A_1166 = tpu.memref_squeeze %swap3A_1165 : memref<1x32768xf32, #tpu.memory_space<vmem>> -> memref<32768xf32, #tpu.memory_space<vmem>>
        %swap3A_1167 = arith.index_cast %add3A_1163 : i32 to index
        %swap3A_1168 = tpu.vector_load %swap3A_1166[%swap3A_1167] {strides = array<i32>} : memref<32768xf32, #tpu.memory_space<vmem>>, vector<16xf32>,
        tpu.vector_store %swap3A_1166[%swap3A_1167], %gather3A_1161 {strides = array<i32>} : memref<32768xf32, #tpu.memory_space<vmem>>, vector<16xf32>,
        %add3A_1169 = arith.constant 2 : i32
        %add3A_1170 = vector.broadcast %add3A_1169 : i32 to vector<16xi32>
        %add3A_1171 = arith.addi %add3A_1133, %add3A_1170 : vector<16xi32>
        %gather3A_1172 = tpu.vector_load_idx %arg4[%add3A_1171] : memref<8208xf32, #tpu.memory_space<vmem>>[vector<16xi32>], vector<16xf32>,
        %add3A_1173 = arith.constant 256 : i32
        %add3A_1174 = arith.addi %add3A_1146, %add3A_1173 : i32
        %swap3A_1175 = arith.constant 0 : i32
        %swap3A_1176 = tpu.memref_slice %arg7[%scan3A_182, %swap3A_1175] : memref<2x32768xf32, #tpu.memory_space<vmem>> -> memref<1x32768xf32, #tpu.memory_space<vmem>>
        %swap3A_1177 = tpu.memref_squeeze %swap3A_1176 : memref<1x32768xf32, #tpu.memory_space<vmem>> -> memref<32768xf32, #tpu.memory_space<vmem>>
        %swap3A_1178 = arith.index_cast %add3A_1174 : i32 to index
        %swap3A_1179 = tpu.vector_load %swap3A_1177[%swap3A_1178] {strides = array<i32>} : memref<32768xf32, #tpu.memory_space<vmem>>, vector<16xf32>,
        tpu.vector_store %swap3A_1177[%swap3A_1178], %gather3A_1172 {strides = array<i32>} : memref<32768xf32, #tpu.memory_space<vmem>>, vector<16xf32>,
        %add3A_1180 = arith.constant 3 : i32
        %add3A_1181 = vector.broadcast %add3A_1180 : i32 to vector<16xi32>
        %add3A_1182 = arith.addi %add3A_1133, %add3A_1181 : vector<16xi32>
        %gather3A_1183 = tpu.vector_load_idx %arg4[%add3A_1182] : memref<8208xf32, #tpu.memory_space<vmem>>[vector<16xi32>], vector<16xf32>,
        %add3A_1184 = arith.constant 384 : i32
        %add3A_1185 = arith.addi %add3A_1146, %add3A_1184 : i32
        %swap3A_1186 = arith.constant 0 : i32
        %swap3A_1187 = tpu.memref_slice %arg7[%scan3A_182, %swap3A_1186] : memref<2x32768xf32, #tpu.memory_space<vmem>> -> memref<1x32768xf32, #tpu.memory_space<vmem>>
        %swap3A_1188 = tpu.memref_squeeze %swap3A_1187 : memref<1x32768xf32, #tpu.memory_space<vmem>> -> memref<32768xf32, #tpu.memory_space<vmem>>
        %swap3A_1189 = arith.index_cast %add3A_1185 : i32 to index
        %swap3A_1190 = tpu.vector_load %swap3A_1188[%swap3A_1189] {strides = array<i32>} : memref<32768xf32, #tpu.memory_space<vmem>>, vector<16xf32>,
        tpu.vector_store %swap3A_1188[%swap3A_1189], %gather3A_1183 {strides = array<i32>} : memref<32768xf32, #tpu.memory_space<vmem>>, vector<16xf32>,
        %add3A_1191 = arith.constant 4 : i32
        %add3A_1192 = vector.broadcast %add3A_1191 : i32 to vector<16xi32>
        %add3A_1193 = arith.addi %add3A_1133, %add3A_1192 : vector<16xi32>
        %gather3A_1194 = tpu.vector_load_idx %arg4[%add3A_1193] : memref<8208xf32, #tpu.memory_space<vmem>>[vector<16xi32>], vector<16xf32>,
        %add3A_1195 = arith.constant 512 : i32
        %add3A_1196 = arith.addi %add3A_1146, %add3A_1195 : i32
        %swap3A_1197 = arith.constant 0 : i32
        %swap3A_1198 = tpu.memref_slice %arg7[%scan3A_182, %swap3A_1197] : memref<2x32768xf32, #tpu.memory_space<vmem>> -> memref<1x32768xf32, #tpu.memory_space<vmem>>
        %swap3A_1199 = tpu.memref_squeeze %swap3A_1198 : memref<1x32768xf32, #tpu.memory_space<vmem>> -> memref<32768xf32, #tpu.memory_space<vmem>>
        %swap3A_1200 = arith.index_cast %add3A_1196 : i32 to index
        %swap3A_1201 = tpu.vector_load %swap3A_1199[%swap3A_1200] {strides = array<i32>} : memref<32768xf32, #tpu.memory_space<vmem>>, vector<16xf32>,
        tpu.vector_store %swap3A_1199[%swap3A_1200], %gather3A_1194 {strides = array<i32>} : memref<32768xf32, #tpu.memory_space<vmem>>, vector<16xf32>,
        %add3A_1202 = arith.constant 5 : i32
        %add3A_1203 = vector.broadcast %add3A_1202 : i32 to vector<16xi32>
        %add3A_1204 = arith.addi %add3A_1133, %add3A_1203 : vector<16xi32>
        %gather3A_1205 = tpu.vector_load_idx %arg4[%add3A_1204] : memref<8208xf32, #tpu.memory_space<vmem>>[vector<16xi32>], vector<16xf32>,
        %add3A_1206 = arith.constant 640 : i32
        %add3A_1207 = arith.addi %add3A_1146, %add3A_1206 : i32
        %swap3A_1208 = arith.constant 0 : i32
        %swap3A_1209 = tpu.memref_slice %arg7[%scan3A_182, %swap3A_1208] : memref<2x32768xf32, #tpu.memory_space<vmem>> -> memref<1x32768xf32, #tpu.memory_space<vmem>>
        %swap3A_1210 = tpu.memref_squeeze %swap3A_1209 : memref<1x32768xf32, #tpu.memory_space<vmem>> -> memref<32768xf32, #tpu.memory_space<vmem>>
        %swap3A_1211 = arith.index_cast %add3A_1207 : i32 to index
        %swap3A_1212 = tpu.vector_load %swap3A_1210[%swap3A_1211] {strides = array<i32>} : memref<32768xf32, #tpu.memory_space<vmem>>, vector<16xf32>,
        tpu.vector_store %swap3A_1210[%swap3A_1211], %gather3A_1205 {strides = array<i32>} : memref<32768xf32, #tpu.memory_space<vmem>>, vector<16xf32>,
        %add3A_1213 = arith.constant 6 : i32
        %add3A_1214 = vector.broadcast %add3A_1213 : i32 to vector<16xi32>
        %add3A_1215 = arith.addi %add3A_1133, %add3A_1214 : vector<16xi32>
        %gather3A_1216 = tpu.vector_load_idx %arg4[%add3A_1215] : memref<8208xf32, #tpu.memory_space<vmem>>[vector<16xi32>], vector<16xf32>,
        %add3A_1217 = arith.constant 768 : i32
        %add3A_1218 = arith.addi %add3A_1146, %add3A_1217 : i32
        %swap3A_1219 = arith.constant 0 : i32
        %swap3A_1220 = tpu.memref_slice %arg7[%scan3A_182, %swap3A_1219] : memref<2x32768xf32, #tpu.memory_space<vmem>> -> memref<1x32768xf32, #tpu.memory_space<vmem>>
        %swap3A_1221 = tpu.memref_squeeze %swap3A_1220 : memref<1x32768xf32, #tpu.memory_space<vmem>> -> memref<32768xf32, #tpu.memory_space<vmem>>
        %swap3A_1222 = arith.index_cast %add3A_1218 : i32 to index
        %swap3A_1223 = tpu.vector_load %swap3A_1221[%swap3A_1222] {strides = array<i32>} : memref<32768xf32, #tpu.memory_space<vmem>>, vector<16xf32>,
        tpu.vector_store %swap3A_1221[%swap3A_1222], %gather3A_1216 {strides = array<i32>} : memref<32768xf32, #tpu.memory_space<vmem>>, vector<16xf32>,
        %add3A_1224 = arith.constant 7 : i32
        %add3A_1225 = vector.broadcast %add3A_1224 : i32 to vector<16xi32>
        %add3A_1226 = arith.addi %add3A_1133, %add3A_1225 : vector<16xi32>
        %gather3A_1227 = tpu.vector_load_idx %arg4[%add3A_1226] : memref<8208xf32, #tpu.memory_space<vmem>>[vector<16xi32>], vector<16xf32>,
        %add3A_1228 = arith.constant 896 : i32
        %add3A_1229 = arith.addi %add3A_1146, %add3A_1228 : i32
        %swap3A_1230 = arith.constant 0 : i32
        %swap3A_1231 = tpu.memref_slice %arg7[%scan3A_182, %swap3A_1230] : memref<2x32768xf32, #tpu.memory_space<vmem>> -> memref<1x32768xf32, #tpu.memory_space<vmem>>
        %swap3A_1232 = tpu.memref_squeeze %swap3A_1231 : memref<1x32768xf32, #tpu.memory_space<vmem>> -> memref<32768xf32, #tpu.memory_space<vmem>>
        %swap3A_1233 = arith.index_cast %add3A_1229 : i32 to index
        %swap3A_1234 = tpu.vector_load %swap3A_1232[%swap3A_1233] {strides = array<i32>} : memref<32768xf32, #tpu.memory_space<vmem>>, vector<16xf32>,
        tpu.vector_store %swap3A_1232[%swap3A_1233], %gather3A_1227 {strides = array<i32>} : memref<32768xf32, #tpu.memory_space<vmem>>, vector<16xf32>,
        %add3A_1235 = arith.constant 8 : i32
        %add3A_1236 = vector.broadcast %add3A_1235 : i32 to vector<16xi32>
        %add3A_1237 = arith.addi %add3A_1133, %add3A_1236 : vector<16xi32>
        %gather3A_1238 = tpu.vector_load_idx %arg4[%add3A_1237] : memref<8208xf32, #tpu.memory_space<vmem>>[vector<16xi32>], vector<16xf32>,
        %add3A_1239 = arith.constant 8192 : i32
        %add3A_1240 = arith.addi %add3A_1146, %add3A_1239 : i32
        %swap3A_1241 = arith.constant 0 : i32
        %swap3A_1242 = tpu.memref_slice %arg7[%scan3A_182, %swap3A_1241] : memref<2x32768xf32, #tpu.memory_space<vmem>> -> memref<1x32768xf32, #tpu.memory_space<vmem>>
        %swap3A_1243 = tpu.memref_squeeze %swap3A_1242 : memref<1x32768xf32, #tpu.memory_space<vmem>> -> memref<32768xf32, #tpu.memory_space<vmem>>
        %swap3A_1244 = arith.index_cast %add3A_1240 : i32 to index
        %swap3A_1245 = tpu.vector_load %swap3A_1243[%swap3A_1244] {strides = array<i32>} : memref<32768xf32, #tpu.memory_space<vmem>>, vector<16xf32>,
        tpu.vector_store %swap3A_1243[%swap3A_1244], %gather3A_1238 {strides = array<i32>} : memref<32768xf32, #tpu.memory_space<vmem>>, vector<16xf32>,
        %add3A_1246 = arith.constant 9 : i32
        %add3A_1247 = vector.broadcast %add3A_1246 : i32 to vector<16xi32>
        %add3A_1248 = arith.addi %add3A_1133, %add3A_1247 : vector<16xi32>
        %gather3A_1249 = tpu.vector_load_idx %arg4[%add3A_1248] : memref<8208xf32, #tpu.memory_space<vmem>>[vector<16xi32>], vector<16xf32>,
        %add3A_1250 = arith.constant 8320 : i32
        %add3A_1251 = arith.addi %add3A_1146, %add3A_1250 : i32
        %swap3A_1252 = arith.constant 0 : i32
        %swap3A_1253 = tpu.memref_slice %arg7[%scan3A_182, %swap3A_1252] : memref<2x32768xf32, #tpu.memory_space<vmem>> -> memref<1x32768xf32, #tpu.memory_space<vmem>>
        %swap3A_1254 = tpu.memref_squeeze %swap3A_1253 : memref<1x32768xf32, #tpu.memory_space<vmem>> -> memref<32768xf32, #tpu.memory_space<vmem>>
        %swap3A_1255 = arith.index_cast %add3A_1251 : i32 to index
        %swap3A_1256 = tpu.vector_load %swap3A_1254[%swap3A_1255] {strides = array<i32>} : memref<32768xf32, #tpu.memory_space<vmem>>, vector<16xf32>,
        tpu.vector_store %swap3A_1254[%swap3A_1255], %gather3A_1249 {strides = array<i32>} : memref<32768xf32, #tpu.memory_space<vmem>>, vector<16xf32>,
        %add3A_1257 = arith.constant 10 : i32
        %add3A_1258 = vector.broadcast %add3A_1257 : i32 to vector<16xi32>
        %add3A_1259 = arith.addi %add3A_1133, %add3A_1258 : vector<16xi32>
        %gather3A_1260 = tpu.vector_load_idx %arg4[%add3A_1259] : memref<8208xf32, #tpu.memory_space<vmem>>[vector<16xi32>], vector<16xf32>,
        %add3A_1261 = arith.constant 8448 : i32
        %add3A_1262 = arith.addi %add3A_1146, %add3A_1261 : i32
        %swap3A_1263 = arith.constant 0 : i32
        %swap3A_1264 = tpu.memref_slice %arg7[%scan3A_182, %swap3A_1263] : memref<2x32768xf32, #tpu.memory_space<vmem>> -> memref<1x32768xf32, #tpu.memory_space<vmem>>
        %swap3A_1265 = tpu.memref_squeeze %swap3A_1264 : memref<1x32768xf32, #tpu.memory_space<vmem>> -> memref<32768xf32, #tpu.memory_space<vmem>>
        %swap3A_1266 = arith.index_cast %add3A_1262 : i32 to index
        %swap3A_1267 = tpu.vector_load %swap3A_1265[%swap3A_1266] {strides = array<i32>} : memref<32768xf32, #tpu.memory_space<vmem>>, vector<16xf32>,
        tpu.vector_store %swap3A_1265[%swap3A_1266], %gather3A_1260 {strides = array<i32>} : memref<32768xf32, #tpu.memory_space<vmem>>, vector<16xf32>,
        %add3A_1268 = arith.constant 11 : i32
        %add3A_1269 = vector.broadcast %add3A_1268 : i32 to vector<16xi32>
        %add3A_1270 = arith.addi %add3A_1133, %add3A_1269 : vector<16xi32>
        %gather3A_1271 = tpu.vector_load_idx %arg4[%add3A_1270] : memref<8208xf32, #tpu.memory_space<vmem>>[vector<16xi32>], vector<16xf32>,
        %add3A_1272 = arith.constant 8576 : i32
        %add3A_1273 = arith.addi %add3A_1146, %add3A_1272 : i32
        %swap3A_1274 = arith.constant 0 : i32
        %swap3A_1275 = tpu.memref_slice %arg7[%scan3A_182, %swap3A_1274] : memref<2x32768xf32, #tpu.memory_space<vmem>> -> memref<1x32768xf32, #tpu.memory_space<vmem>>
        %swap3A_1276 = tpu.memref_squeeze %swap3A_1275 : memref<1x32768xf32, #tpu.memory_space<vmem>> -> memref<32768xf32, #tpu.memory_space<vmem>>
        %swap3A_1277 = arith.index_cast %add3A_1273 : i32 to index
        %swap3A_1278 = tpu.vector_load %swap3A_1276[%swap3A_1277] {strides = array<i32>} : memref<32768xf32, #tpu.memory_space<vmem>>, vector<16xf32>,
        tpu.vector_store %swap3A_1276[%swap3A_1277], %gather3A_1271 {strides = array<i32>} : memref<32768xf32, #tpu.memory_space<vmem>>, vector<16xf32>,
        %add3A_1279 = arith.constant 12 : i32
        %add3A_1280 = vector.broadcast %add3A_1279 : i32 to vector<16xi32>
        %add3A_1281 = arith.addi %add3A_1133, %add3A_1280 : vector<16xi32>
        %gather3A_1282 = tpu.vector_load_idx %arg4[%add3A_1281] : memref<8208xf32, #tpu.memory_space<vmem>>[vector<16xi32>], vector<16xf32>,
        %add3A_1283 = arith.constant 8704 : i32
        %add3A_1284 = arith.addi %add3A_1146, %add3A_1283 : i32
        %swap3A_1285 = arith.constant 0 : i32
        %swap3A_1286 = tpu.memref_slice %arg7[%scan3A_182, %swap3A_1285] : memref<2x32768xf32, #tpu.memory_space<vmem>> -> memref<1x32768xf32, #tpu.memory_space<vmem>>
        %swap3A_1287 = tpu.memref_squeeze %swap3A_1286 : memref<1x32768xf32, #tpu.memory_space<vmem>> -> memref<32768xf32, #tpu.memory_space<vmem>>
        %swap3A_1288 = arith.index_cast %add3A_1284 : i32 to index
        %swap3A_1289 = tpu.vector_load %swap3A_1287[%swap3A_1288] {strides = array<i32>} : memref<32768xf32, #tpu.memory_space<vmem>>, vector<16xf32>,
        tpu.vector_store %swap3A_1287[%swap3A_1288], %gather3A_1282 {strides = array<i32>} : memref<32768xf32, #tpu.memory_space<vmem>>, vector<16xf32>,
        %add3A_1290 = arith.constant 13 : i32
        %add3A_1291 = vector.broadcast %add3A_1290 : i32 to vector<16xi32>
        %add3A_1292 = arith.addi %add3A_1133, %add3A_1291 : vector<16xi32>
        %gather3A_1293 = tpu.vector_load_idx %arg4[%add3A_1292] : memref<8208xf32, #tpu.memory_space<vmem>>[vector<16xi32>], vector<16xf32>,
        %add3A_1294 = arith.constant 8832 : i32
        %add3A_1295 = arith.addi %add3A_1146, %add3A_1294 : i32
        %swap3A_1296 = arith.constant 0 : i32
        %swap3A_1297 = tpu.memref_slice %arg7[%scan3A_182, %swap3A_1296] : memref<2x32768xf32, #tpu.memory_space<vmem>> -> memref<1x32768xf32, #tpu.memory_space<vmem>>
        %swap3A_1298 = tpu.memref_squeeze %swap3A_1297 : memref<1x32768xf32, #tpu.memory_space<vmem>> -> memref<32768xf32, #tpu.memory_space<vmem>>
        %swap3A_1299 = arith.index_cast %add3A_1295 : i32 to index
        %swap3A_1300 = tpu.vector_load %swap3A_1298[%swap3A_1299] {strides = array<i32>} : memref<32768xf32, #tpu.memory_space<vmem>>, vector<16xf32>,
        tpu.vector_store %swap3A_1298[%swap3A_1299], %gather3A_1293 {strides = array<i32>} : memref<32768xf32, #tpu.memory_space<vmem>>, vector<16xf32>,
        %add3A_1301 = arith.constant 14 : i32
        %add3A_1302 = vector.broadcast %add3A_1301 : i32 to vector<16xi32>
        %add3A_1303 = arith.addi %add3A_1133, %add3A_1302 : vector<16xi32>
        %gather3A_1304 = tpu.vector_load_idx %arg4[%add3A_1303] : memref<8208xf32, #tpu.memory_space<vmem>>[vector<16xi32>], vector<16xf32>,
        %add3A_1305 = arith.constant 8960 : i32
        %add3A_1306 = arith.addi %add3A_1146, %add3A_1305 : i32
        %swap3A_1307 = arith.constant 0 : i32
        %swap3A_1308 = tpu.memref_slice %arg7[%scan3A_182, %swap3A_1307] : memref<2x32768xf32, #tpu.memory_space<vmem>> -> memref<1x32768xf32, #tpu.memory_space<vmem>>
        %swap3A_1309 = tpu.memref_squeeze %swap3A_1308 : memref<1x32768xf32, #tpu.memory_space<vmem>> -> memref<32768xf32, #tpu.memory_space<vmem>>
        %swap3A_1310 = arith.index_cast %add3A_1306 : i32 to index
        %swap3A_1311 = tpu.vector_load %swap3A_1309[%swap3A_1310] {strides = array<i32>} : memref<32768xf32, #tpu.memory_space<vmem>>, vector<16xf32>,
        tpu.vector_store %swap3A_1309[%swap3A_1310], %gather3A_1304 {strides = array<i32>} : memref<32768xf32, #tpu.memory_space<vmem>>, vector<16xf32>,
        %add3A_1312 = arith.constant 15 : i32
        %add3A_1313 = vector.broadcast %add3A_1312 : i32 to vector<16xi32>
        %add3A_1314 = arith.addi %add3A_1133, %add3A_1313 : vector<16xi32>
        %gather3A_1315 = tpu.vector_load_idx %arg4[%add3A_1314] : memref<8208xf32, #tpu.memory_space<vmem>>[vector<16xi32>], vector<16xf32>,
        %add3A_1316 = arith.constant 9088 : i32
        %add3A_1317 = arith.addi %add3A_1146, %add3A_1316 : i32
        %swap3A_1318 = arith.constant 0 : i32
        %swap3A_1319 = tpu.memref_slice %arg7[%scan3A_182, %swap3A_1318] : memref<2x32768xf32, #tpu.memory_space<vmem>> -> memref<1x32768xf32, #tpu.memory_space<vmem>>
        %swap3A_1320 = tpu.memref_squeeze %swap3A_1319 : memref<1x32768xf32, #tpu.memory_space<vmem>> -> memref<32768xf32, #tpu.memory_space<vmem>>
        %swap3A_1321 = arith.index_cast %add3A_1317 : i32 to index
        %swap3A_1322 = tpu.vector_load %swap3A_1320[%swap3A_1321] {strides = array<i32>} : memref<32768xf32, #tpu.memory_space<vmem>>, vector<16xf32>,
        tpu.vector_store %swap3A_1320[%swap3A_1321], %gather3A_1315 {strides = array<i32>} : memref<32768xf32, #tpu.memory_space<vmem>>, vector<16xf32>,
        %add3A_1323 = arith.constant 16 : i32
        %add3A_1324 = vector.broadcast %add3A_1323 : i32 to vector<16xi32>
        %add3A_1325 = arith.addi %add3A_1133, %add3A_1324 : vector<16xi32>
        %gather3A_1326 = tpu.vector_load_idx %arg4[%add3A_1325] : memref<8208xf32, #tpu.memory_space<vmem>>[vector<16xi32>], vector<16xf32>,
        %add3A_1327 = arith.constant 16384 : i32
        %add3A_1328 = arith.addi %add3A_1146, %add3A_1327 : i32
        %swap3A_1329 = arith.constant 0 : i32
        %swap3A_1330 = tpu.memref_slice %arg7[%scan3A_182, %swap3A_1329] : memref<2x32768xf32, #tpu.memory_space<vmem>> -> memref<1x32768xf32, #tpu.memory_space<vmem>>
        %swap3A_1331 = tpu.memref_squeeze %swap3A_1330 : memref<1x32768xf32, #tpu.memory_space<vmem>> -> memref<32768xf32, #tpu.memory_space<vmem>>
        %swap3A_1332 = arith.index_cast %add3A_1328 : i32 to index
        %swap3A_1333 = tpu.vector_load %swap3A_1331[%swap3A_1332] {strides = array<i32>} : memref<32768xf32, #tpu.memory_space<vmem>>, vector<16xf32>,
        tpu.vector_store %swap3A_1331[%swap3A_1332], %gather3A_1326 {strides = array<i32>} : memref<32768xf32, #tpu.memory_space<vmem>>, vector<16xf32>,
        %add3A_1334 = arith.constant 17 : i32
        %add3A_1335 = vector.broadcast %add3A_1334 : i32 to vector<16xi32>
        %add3A_1336 = arith.addi %add3A_1133, %add3A_1335 : vector<16xi32>
        %gather3A_1337 = tpu.vector_load_idx %arg4[%add3A_1336] : memref<8208xf32, #tpu.memory_space<vmem>>[vector<16xi32>], vector<16xf32>,
        %add3A_1338 = arith.constant 16512 : i32
        %add3A_1339 = arith.addi %add3A_1146, %add3A_1338 : i32
        %swap3A_1340 = arith.constant 0 : i32
        %swap3A_1341 = tpu.memref_slice %arg7[%scan3A_182, %swap3A_1340] : memref<2x32768xf32, #tpu.memory_space<vmem>> -> memref<1x32768xf32, #tpu.memory_space<vmem>>
        %swap3A_1342 = tpu.memref_squeeze %swap3A_1341 : memref<1x32768xf32, #tpu.memory_space<vmem>> -> memref<32768xf32, #tpu.memory_space<vmem>>
        %swap3A_1343 = arith.index_cast %add3A_1339 : i32 to index
        %swap3A_1344 = tpu.vector_load %swap3A_1342[%swap3A_1343] {strides = array<i32>} : memref<32768xf32, #tpu.memory_space<vmem>>, vector<16xf32>,
        tpu.vector_store %swap3A_1342[%swap3A_1343], %gather3A_1337 {strides = array<i32>} : memref<32768xf32, #tpu.memory_space<vmem>>, vector<16xf32>,
        %add3A_1345 = arith.constant 18 : i32
        %add3A_1346 = vector.broadcast %add3A_1345 : i32 to vector<16xi32>
        %add3A_1347 = arith.addi %add3A_1133, %add3A_1346 : vector<16xi32>
        %gather3A_1348 = tpu.vector_load_idx %arg4[%add3A_1347] : memref<8208xf32, #tpu.memory_space<vmem>>[vector<16xi32>], vector<16xf32>,
        %add3A_1349 = arith.constant 16640 : i32
        %add3A_1350 = arith.addi %add3A_1146, %add3A_1349 : i32
        %swap3A_1351 = arith.constant 0 : i32
        %swap3A_1352 = tpu.memref_slice %arg7[%scan3A_182, %swap3A_1351] : memref<2x32768xf32, #tpu.memory_space<vmem>> -> memref<1x32768xf32, #tpu.memory_space<vmem>>
        %swap3A_1353 = tpu.memref_squeeze %swap3A_1352 : memref<1x32768xf32, #tpu.memory_space<vmem>> -> memref<32768xf32, #tpu.memory_space<vmem>>
        %swap3A_1354 = arith.index_cast %add3A_1350 : i32 to index
        %swap3A_1355 = tpu.vector_load %swap3A_1353[%swap3A_1354] {strides = array<i32>} : memref<32768xf32, #tpu.memory_space<vmem>>, vector<16xf32>,
        tpu.vector_store %swap3A_1353[%swap3A_1354], %gather3A_1348 {strides = array<i32>} : memref<32768xf32, #tpu.memory_space<vmem>>, vector<16xf32>,
        %add3A_1356 = arith.constant 19 : i32
        %add3A_1357 = vector.broadcast %add3A_1356 : i32 to vector<16xi32>
        %add3A_1358 = arith.addi %add3A_1133, %add3A_1357 : vector<16xi32>
        %gather3A_1359 = tpu.vector_load_idx %arg4[%add3A_1358] : memref<8208xf32, #tpu.memory_space<vmem>>[vector<16xi32>], vector<16xf32>,
        %add3A_1360 = arith.constant 16768 : i32
        %add3A_1361 = arith.addi %add3A_1146, %add3A_1360 : i32
        %swap3A_1362 = arith.constant 0 : i32
        %swap3A_1363 = tpu.memref_slice %arg7[%scan3A_182, %swap3A_1362] : memref<2x32768xf32, #tpu.memory_space<vmem>> -> memref<1x32768xf32, #tpu.memory_space<vmem>>
        %swap3A_1364 = tpu.memref_squeeze %swap3A_1363 : memref<1x32768xf32, #tpu.memory_space<vmem>> -> memref<32768xf32, #tpu.memory_space<vmem>>
        %swap3A_1365 = arith.index_cast %add3A_1361 : i32 to index
        %swap3A_1366 = tpu.vector_load %swap3A_1364[%swap3A_1365] {strides = array<i32>} : memref<32768xf32, #tpu.memory_space<vmem>>, vector<16xf32>,
        tpu.vector_store %swap3A_1364[%swap3A_1365], %gather3A_1359 {strides = array<i32>} : memref<32768xf32, #tpu.memory_space<vmem>>, vector<16xf32>,
        %add3A_1367 = arith.constant 20 : i32
        %add3A_1368 = vector.broadcast %add3A_1367 : i32 to vector<16xi32>
        %add3A_1369 = arith.addi %add3A_1133, %add3A_1368 : vector<16xi32>
        %gather3A_1370 = tpu.vector_load_idx %arg4[%add3A_1369] : memref<8208xf32, #tpu.memory_space<vmem>>[vector<16xi32>], vector<16xf32>,
        %add3A_1371 = arith.constant 16896 : i32
        %add3A_1372 = arith.addi %add3A_1146, %add3A_1371 : i32
        %swap3A_1373 = arith.constant 0 : i32
        %swap3A_1374 = tpu.memref_slice %arg7[%scan3A_182, %swap3A_1373] : memref<2x32768xf32, #tpu.memory_space<vmem>> -> memref<1x32768xf32, #tpu.memory_space<vmem>>
        %swap3A_1375 = tpu.memref_squeeze %swap3A_1374 : memref<1x32768xf32, #tpu.memory_space<vmem>> -> memref<32768xf32, #tpu.memory_space<vmem>>
        %swap3A_1376 = arith.index_cast %add3A_1372 : i32 to index
        %swap3A_1377 = tpu.vector_load %swap3A_1375[%swap3A_1376] {strides = array<i32>} : memref<32768xf32, #tpu.memory_space<vmem>>, vector<16xf32>,
        tpu.vector_store %swap3A_1375[%swap3A_1376], %gather3A_1370 {strides = array<i32>} : memref<32768xf32, #tpu.memory_space<vmem>>, vector<16xf32>,
        %add3A_1378 = arith.constant 21 : i32
        %add3A_1379 = vector.broadcast %add3A_1378 : i32 to vector<16xi32>
        %add3A_1380 = arith.addi %add3A_1133, %add3A_1379 : vector<16xi32>
        %gather3A_1381 = tpu.vector_load_idx %arg4[%add3A_1380] : memref<8208xf32, #tpu.memory_space<vmem>>[vector<16xi32>], vector<16xf32>,
        %add3A_1382 = arith.constant 17024 : i32
        %add3A_1383 = arith.addi %add3A_1146, %add3A_1382 : i32
        %swap3A_1384 = arith.constant 0 : i32
        %swap3A_1385 = tpu.memref_slice %arg7[%scan3A_182, %swap3A_1384] : memref<2x32768xf32, #tpu.memory_space<vmem>> -> memref<1x32768xf32, #tpu.memory_space<vmem>>
        %swap3A_1386 = tpu.memref_squeeze %swap3A_1385 : memref<1x32768xf32, #tpu.memory_space<vmem>> -> memref<32768xf32, #tpu.memory_space<vmem>>
        %swap3A_1387 = arith.index_cast %add3A_1383 : i32 to index
        %swap3A_1388 = tpu.vector_load %swap3A_1386[%swap3A_1387] {strides = array<i32>} : memref<32768xf32, #tpu.memory_space<vmem>>, vector<16xf32>,
        tpu.vector_store %swap3A_1386[%swap3A_1387], %gather3A_1381 {strides = array<i32>} : memref<32768xf32, #tpu.memory_space<vmem>>, vector<16xf32>,
        %add3A_1389 = arith.constant 22 : i32
        %add3A_1390 = vector.broadcast %add3A_1389 : i32 to vector<16xi32>
        %add3A_1391 = arith.addi %add3A_1133, %add3A_1390 : vector<16xi32>
        %gather3A_1392 = tpu.vector_load_idx %arg4[%add3A_1391] : memref<8208xf32, #tpu.memory_space<vmem>>[vector<16xi32>], vector<16xf32>,
        %add3A_1393 = arith.constant 17152 : i32
        %add3A_1394 = arith.addi %add3A_1146, %add3A_1393 : i32
        %swap3A_1395 = arith.constant 0 : i32
        %swap3A_1396 = tpu.memref_slice %arg7[%scan3A_182, %swap3A_1395] : memref<2x32768xf32, #tpu.memory_space<vmem>> -> memref<1x32768xf32, #tpu.memory_space<vmem>>
        %swap3A_1397 = tpu.memref_squeeze %swap3A_1396 : memref<1x32768xf32, #tpu.memory_space<vmem>> -> memref<32768xf32, #tpu.memory_space<vmem>>
        %swap3A_1398 = arith.index_cast %add3A_1394 : i32 to index
        %swap3A_1399 = tpu.vector_load %swap3A_1397[%swap3A_1398] {strides = array<i32>} : memref<32768xf32, #tpu.memory_space<vmem>>, vector<16xf32>,
        tpu.vector_store %swap3A_1397[%swap3A_1398], %gather3A_1392 {strides = array<i32>} : memref<32768xf32, #tpu.memory_space<vmem>>, vector<16xf32>,
        %add3A_1400 = arith.constant 23 : i32
        %add3A_1401 = vector.broadcast %add3A_1400 : i32 to vector<16xi32>
        %add3A_1402 = arith.addi %add3A_1133, %add3A_1401 : vector<16xi32>
        %gather3A_1403 = tpu.vector_load_idx %arg4[%add3A_1402] : memref<8208xf32, #tpu.memory_space<vmem>>[vector<16xi32>], vector<16xf32>,
        %add3A_1404 = arith.constant 17280 : i32
        %add3A_1405 = arith.addi %add3A_1146, %add3A_1404 : i32
        %swap3A_1406 = arith.constant 0 : i32
        %swap3A_1407 = tpu.memref_slice %arg7[%scan3A_182, %swap3A_1406] : memref<2x32768xf32, #tpu.memory_space<vmem>> -> memref<1x32768xf32, #tpu.memory_space<vmem>>
        %swap3A_1408 = tpu.memref_squeeze %swap3A_1407 : memref<1x32768xf32, #tpu.memory_space<vmem>> -> memref<32768xf32, #tpu.memory_space<vmem>>
        %swap3A_1409 = arith.index_cast %add3A_1405 : i32 to index
        %swap3A_1410 = tpu.vector_load %swap3A_1408[%swap3A_1409] {strides = array<i32>} : memref<32768xf32, #tpu.memory_space<vmem>>, vector<16xf32>,
        tpu.vector_store %swap3A_1408[%swap3A_1409], %gather3A_1403 {strides = array<i32>} : memref<32768xf32, #tpu.memory_space<vmem>>, vector<16xf32>,
        %add3A_1411 = arith.constant 24 : i32
        %add3A_1412 = vector.broadcast %add3A_1411 : i32 to vector<16xi32>
        %add3A_1413 = arith.addi %add3A_1133, %add3A_1412 : vector<16xi32>
        %gather3A_1414 = tpu.vector_load_idx %arg4[%add3A_1413] : memref<8208xf32, #tpu.memory_space<vmem>>[vector<16xi32>], vector<16xf32>,
        %add3A_1415 = arith.constant 24576 : i32
        %add3A_1416 = arith.addi %add3A_1146, %add3A_1415 : i32
        %swap3A_1417 = arith.constant 0 : i32
        %swap3A_1418 = tpu.memref_slice %arg7[%scan3A_182, %swap3A_1417] : memref<2x32768xf32, #tpu.memory_space<vmem>> -> memref<1x32768xf32, #tpu.memory_space<vmem>>
        %swap3A_1419 = tpu.memref_squeeze %swap3A_1418 : memref<1x32768xf32, #tpu.memory_space<vmem>> -> memref<32768xf32, #tpu.memory_space<vmem>>
        %swap3A_1420 = arith.index_cast %add3A_1416 : i32 to index
        %swap3A_1421 = tpu.vector_load %swap3A_1419[%swap3A_1420] {strides = array<i32>} : memref<32768xf32, #tpu.memory_space<vmem>>, vector<16xf32>,
        tpu.vector_store %swap3A_1419[%swap3A_1420], %gather3A_1414 {strides = array<i32>} : memref<32768xf32, #tpu.memory_space<vmem>>, vector<16xf32>,
        %add3A_1422 = arith.constant 25 : i32
        %add3A_1423 = vector.broadcast %add3A_1422 : i32 to vector<16xi32>
        %add3A_1424 = arith.addi %add3A_1133, %add3A_1423 : vector<16xi32>
        %gather3A_1425 = tpu.vector_load_idx %arg4[%add3A_1424] : memref<8208xf32, #tpu.memory_space<vmem>>[vector<16xi32>], vector<16xf32>,
        %add3A_1426 = arith.constant 24704 : i32
        %add3A_1427 = arith.addi %add3A_1146, %add3A_1426 : i32
        %swap3A_1428 = arith.constant 0 : i32
        %swap3A_1429 = tpu.memref_slice %arg7[%scan3A_182, %swap3A_1428] : memref<2x32768xf32, #tpu.memory_space<vmem>> -> memref<1x32768xf32, #tpu.memory_space<vmem>>
        %swap3A_1430 = tpu.memref_squeeze %swap3A_1429 : memref<1x32768xf32, #tpu.memory_space<vmem>> -> memref<32768xf32, #tpu.memory_space<vmem>>
        %swap3A_1431 = arith.index_cast %add3A_1427 : i32 to index
        %swap3A_1432 = tpu.vector_load %swap3A_1430[%swap3A_1431] {strides = array<i32>} : memref<32768xf32, #tpu.memory_space<vmem>>, vector<16xf32>,
        tpu.vector_store %swap3A_1430[%swap3A_1431], %gather3A_1425 {strides = array<i32>} : memref<32768xf32, #tpu.memory_space<vmem>>, vector<16xf32>,
        %add3A_1433 = arith.constant 26 : i32
        %add3A_1434 = vector.broadcast %add3A_1433 : i32 to vector<16xi32>
        %add3A_1435 = arith.addi %add3A_1133, %add3A_1434 : vector<16xi32>
        %gather3A_1436 = tpu.vector_load_idx %arg4[%add3A_1435] : memref<8208xf32, #tpu.memory_space<vmem>>[vector<16xi32>], vector<16xf32>,
        %add3A_1437 = arith.constant 24832 : i32
        %add3A_1438 = arith.addi %add3A_1146, %add3A_1437 : i32
        %swap3A_1439 = arith.constant 0 : i32
        %swap3A_1440 = tpu.memref_slice %arg7[%scan3A_182, %swap3A_1439] : memref<2x32768xf32, #tpu.memory_space<vmem>> -> memref<1x32768xf32, #tpu.memory_space<vmem>>
        %swap3A_1441 = tpu.memref_squeeze %swap3A_1440 : memref<1x32768xf32, #tpu.memory_space<vmem>> -> memref<32768xf32, #tpu.memory_space<vmem>>
        %swap3A_1442 = arith.index_cast %add3A_1438 : i32 to index
        %swap3A_1443 = tpu.vector_load %swap3A_1441[%swap3A_1442] {strides = array<i32>} : memref<32768xf32, #tpu.memory_space<vmem>>, vector<16xf32>,
        tpu.vector_store %swap3A_1441[%swap3A_1442], %gather3A_1436 {strides = array<i32>} : memref<32768xf32, #tpu.memory_space<vmem>>, vector<16xf32>,
        %add3A_1444 = arith.constant 27 : i32
        %add3A_1445 = vector.broadcast %add3A_1444 : i32 to vector<16xi32>
        %add3A_1446 = arith.addi %add3A_1133, %add3A_1445 : vector<16xi32>
        %gather3A_1447 = tpu.vector_load_idx %arg4[%add3A_1446] : memref<8208xf32, #tpu.memory_space<vmem>>[vector<16xi32>], vector<16xf32>,
        %add3A_1448 = arith.constant 24960 : i32
        %add3A_1449 = arith.addi %add3A_1146, %add3A_1448 : i32
        %swap3A_1450 = arith.constant 0 : i32
        %swap3A_1451 = tpu.memref_slice %arg7[%scan3A_182, %swap3A_1450] : memref<2x32768xf32, #tpu.memory_space<vmem>> -> memref<1x32768xf32, #tpu.memory_space<vmem>>
        %swap3A_1452 = tpu.memref_squeeze %swap3A_1451 : memref<1x32768xf32, #tpu.memory_space<vmem>> -> memref<32768xf32, #tpu.memory_space<vmem>>
        %swap3A_1453 = arith.index_cast %add3A_1449 : i32 to index
        %swap3A_1454 = tpu.vector_load %swap3A_1452[%swap3A_1453] {strides = array<i32>} : memref<32768xf32, #tpu.memory_space<vmem>>, vector<16xf32>,
        tpu.vector_store %swap3A_1452[%swap3A_1453], %gather3A_1447 {strides = array<i32>} : memref<32768xf32, #tpu.memory_space<vmem>>, vector<16xf32>,
        %add3A_1455 = arith.constant 28 : i32
        %add3A_1456 = vector.broadcast %add3A_1455 : i32 to vector<16xi32>
        %add3A_1457 = arith.addi %add3A_1133, %add3A_1456 : vector<16xi32>
        %gather3A_1458 = tpu.vector_load_idx %arg4[%add3A_1457] : memref<8208xf32, #tpu.memory_space<vmem>>[vector<16xi32>], vector<16xf32>,
        %add3A_1459 = arith.constant 25088 : i32
        %add3A_1460 = arith.addi %add3A_1146, %add3A_1459 : i32
        %swap3A_1461 = arith.constant 0 : i32
        %swap3A_1462 = tpu.memref_slice %arg7[%scan3A_182, %swap3A_1461] : memref<2x32768xf32, #tpu.memory_space<vmem>> -> memref<1x32768xf32, #tpu.memory_space<vmem>>
        %swap3A_1463 = tpu.memref_squeeze %swap3A_1462 : memref<1x32768xf32, #tpu.memory_space<vmem>> -> memref<32768xf32, #tpu.memory_space<vmem>>
        %swap3A_1464 = arith.index_cast %add3A_1460 : i32 to index
        %swap3A_1465 = tpu.vector_load %swap3A_1463[%swap3A_1464] {strides = array<i32>} : memref<32768xf32, #tpu.memory_space<vmem>>, vector<16xf32>,
        tpu.vector_store %swap3A_1463[%swap3A_1464], %gather3A_1458 {strides = array<i32>} : memref<32768xf32, #tpu.memory_space<vmem>>, vector<16xf32>,
        %add3A_1466 = arith.constant 29 : i32
        %add3A_1467 = vector.broadcast %add3A_1466 : i32 to vector<16xi32>
        %add3A_1468 = arith.addi %add3A_1133, %add3A_1467 : vector<16xi32>
        %gather3A_1469 = tpu.vector_load_idx %arg4[%add3A_1468] : memref<8208xf32, #tpu.memory_space<vmem>>[vector<16xi32>], vector<16xf32>,
        %add3A_1470 = arith.constant 25216 : i32
        %add3A_1471 = arith.addi %add3A_1146, %add3A_1470 : i32
        %swap3A_1472 = arith.constant 0 : i32
        %swap3A_1473 = tpu.memref_slice %arg7[%scan3A_182, %swap3A_1472] : memref<2x32768xf32, #tpu.memory_space<vmem>> -> memref<1x32768xf32, #tpu.memory_space<vmem>>
        %swap3A_1474 = tpu.memref_squeeze %swap3A_1473 : memref<1x32768xf32, #tpu.memory_space<vmem>> -> memref<32768xf32, #tpu.memory_space<vmem>>
        %swap3A_1475 = arith.index_cast %add3A_1471 : i32 to index
        %swap3A_1476 = tpu.vector_load %swap3A_1474[%swap3A_1475] {strides = array<i32>} : memref<32768xf32, #tpu.memory_space<vmem>>, vector<16xf32>,
        tpu.vector_store %swap3A_1474[%swap3A_1475], %gather3A_1469 {strides = array<i32>} : memref<32768xf32, #tpu.memory_space<vmem>>, vector<16xf32>,
        %add3A_1477 = arith.constant 30 : i32
        %add3A_1478 = vector.broadcast %add3A_1477 : i32 to vector<16xi32>
        %add3A_1479 = arith.addi %add3A_1133, %add3A_1478 : vector<16xi32>
        %gather3A_1480 = tpu.vector_load_idx %arg4[%add3A_1479] : memref<8208xf32, #tpu.memory_space<vmem>>[vector<16xi32>], vector<16xf32>,
        %add3A_1481 = arith.constant 25344 : i32
        %add3A_1482 = arith.addi %add3A_1146, %add3A_1481 : i32
        %swap3A_1483 = arith.constant 0 : i32
        %swap3A_1484 = tpu.memref_slice %arg7[%scan3A_182, %swap3A_1483] : memref<2x32768xf32, #tpu.memory_space<vmem>> -> memref<1x32768xf32, #tpu.memory_space<vmem>>
        %swap3A_1485 = tpu.memref_squeeze %swap3A_1484 : memref<1x32768xf32, #tpu.memory_space<vmem>> -> memref<32768xf32, #tpu.memory_space<vmem>>
        %swap3A_1486 = arith.index_cast %add3A_1482 : i32 to index
        %swap3A_1487 = tpu.vector_load %swap3A_1485[%swap3A_1486] {strides = array<i32>} : memref<32768xf32, #tpu.memory_space<vmem>>, vector<16xf32>,
        tpu.vector_store %swap3A_1485[%swap3A_1486], %gather3A_1480 {strides = array<i32>} : memref<32768xf32, #tpu.memory_space<vmem>>, vector<16xf32>,
        %add3A_1488 = arith.constant 31 : i32
        %add3A_1489 = vector.broadcast %add3A_1488 : i32 to vector<16xi32>
        %add3A_1490 = arith.addi %add3A_1133, %add3A_1489 : vector<16xi32>
        %gather3A_1491 = tpu.vector_load_idx %arg4[%add3A_1490] : memref<8208xf32, #tpu.memory_space<vmem>>[vector<16xi32>], vector<16xf32>,
        %add3A_1492 = arith.constant 25472 : i32
        %add3A_1493 = arith.addi %add3A_1146, %add3A_1492 : i32
        %swap3A_1494 = arith.constant 0 : i32
        %swap3A_1495 = tpu.memref_slice %arg7[%scan3A_182, %swap3A_1494] : memref<2x32768xf32, #tpu.memory_space<vmem>> -> memref<1x32768xf32, #tpu.memory_space<vmem>>
        %swap3A_1496 = tpu.memref_squeeze %swap3A_1495 : memref<1x32768xf32, #tpu.memory_space<vmem>> -> memref<32768xf32, #tpu.memory_space<vmem>>
        %swap3A_1497 = arith.index_cast %add3A_1493 : i32 to index
        %swap3A_1498 = tpu.vector_load %swap3A_1496[%swap3A_1497] {strides = array<i32>} : memref<32768xf32, #tpu.memory_space<vmem>>, vector<16xf32>,
        tpu.vector_store %swap3A_1496[%swap3A_1497], %gather3A_1491 {strides = array<i32>} : memref<32768xf32, #tpu.memory_space<vmem>>, vector<16xf32>,
        %shift_right_logical3A_1499 = arith.constant 24 : i32
        %shift_right_logical3A_1500 = vector.broadcast %shift_right_logical3A_1499 : i32 to vector<16xi32>
        %shift_right_logical3A_1501 = arith.shrui %get3A_378, %shift_right_logical3A_1500 : vector<16xi32>
        %and3A_1502 = arith.constant 255 : i32
        %and3A_1503 = vector.broadcast %and3A_1502 : i32 to vector<16xi32>
        %and3A_1504 = arith.andi %shift_right_logical3A_1501, %and3A_1503 : vector<16xi32>
        %mul3A_1505 = arith.constant 32 : i32
        %mul3A_1506 = vector.broadcast %mul3A_1505 : i32 to vector<16xi32>
        %mul3A_1507 = arith.muli %and3A_1504, %mul3A_1506 : vector<16xi32>
        %add3A_1508 = arith.addi %mul3A_11, %mul3A_1507 : vector<16xi32>
        %mul3A_1509 = arith.constant 4 : i32
        %mul3A_1510 = arith.muli %add3A_372, %mul3A_1509 : i32
        %add3A_1511 = arith.constant 3 : i32
        %add3A_1512 = arith.addi %mul3A_1510, %add3A_1511 : i32
        %shift_right_logical3A_1513 = arith.constant 3 : i32
        %shift_right_logical3A_1514 = arith.shrui %add3A_1512, %shift_right_logical3A_1513 : i32
        %shift_left3A_1515 = arith.constant 10 : i32
        %shift_left3A_1516 = arith.shli %shift_right_logical3A_1514, %shift_left3A_1515 : i32
        %and3A_1517 = arith.constant 7 : i32
        %and3A_1518 = arith.andi %add3A_1512, %and3A_1517 : i32
        %shift_left3A_1519 = arith.constant 4 : i32
        %shift_left3A_1520 = arith.shli %and3A_1518, %shift_left3A_1519 : i32
        %add3A_1521 = arith.addi %shift_left3A_1516, %shift_left3A_1520 : i32
        %add3A_1522 = arith.constant 0 : i32
        %add3A_1523 = vector.broadcast %add3A_1522 : i32 to vector<16xi32>
        %add3A_1524 = arith.addi %add3A_1508, %add3A_1523 : vector<16xi32>
        %gather3A_1525 = tpu.vector_load_idx %arg4[%add3A_1524] : memref<8208xf32, #tpu.memory_space<vmem>>[vector<16xi32>], vector<16xf32>,
        %add3A_1526 = arith.constant 0 : i32
        %add3A_1527 = arith.addi %add3A_1521, %add3A_1526 : i32
        %swap3A_1528 = arith.constant 0 : i32
        %swap3A_1529 = tpu.memref_slice %arg7[%scan3A_182, %swap3A_1528] : memref<2x32768xf32, #tpu.memory_space<vmem>> -> memref<1x32768xf32, #tpu.memory_space<vmem>>
        %swap3A_1530 = tpu.memref_squeeze %swap3A_1529 : memref<1x32768xf32, #tpu.memory_space<vmem>> -> memref<32768xf32, #tpu.memory_space<vmem>>
        %swap3A_1531 = arith.index_cast %add3A_1527 : i32 to index
        %swap3A_1532 = tpu.vector_load %swap3A_1530[%swap3A_1531] {strides = array<i32>} : memref<32768xf32, #tpu.memory_space<vmem>>, vector<16xf32>,
        tpu.vector_store %swap3A_1530[%swap3A_1531], %gather3A_1525 {strides = array<i32>} : memref<32768xf32, #tpu.memory_space<vmem>>, vector<16xf32>,
        %add3A_1533 = arith.constant 1 : i32
        %add3A_1534 = vector.broadcast %add3A_1533 : i32 to vector<16xi32>
        %add3A_1535 = arith.addi %add3A_1508, %add3A_1534 : vector<16xi32>
        %gather3A_1536 = tpu.vector_load_idx %arg4[%add3A_1535] : memref<8208xf32, #tpu.memory_space<vmem>>[vector<16xi32>], vector<16xf32>,
        %add3A_1537 = arith.constant 128 : i32
        %add3A_1538 = arith.addi %add3A_1521, %add3A_1537 : i32
        %swap3A_1539 = arith.constant 0 : i32
        %swap3A_1540 = tpu.memref_slice %arg7[%scan3A_182, %swap3A_1539] : memref<2x32768xf32, #tpu.memory_space<vmem>> -> memref<1x32768xf32, #tpu.memory_space<vmem>>
        %swap3A_1541 = tpu.memref_squeeze %swap3A_1540 : memref<1x32768xf32, #tpu.memory_space<vmem>> -> memref<32768xf32, #tpu.memory_space<vmem>>
        %swap3A_1542 = arith.index_cast %add3A_1538 : i32 to index
        %swap3A_1543 = tpu.vector_load %swap3A_1541[%swap3A_1542] {strides = array<i32>} : memref<32768xf32, #tpu.memory_space<vmem>>, vector<16xf32>,
        tpu.vector_store %swap3A_1541[%swap3A_1542], %gather3A_1536 {strides = array<i32>} : memref<32768xf32, #tpu.memory_space<vmem>>, vector<16xf32>,
        %add3A_1544 = arith.constant 2 : i32
        %add3A_1545 = vector.broadcast %add3A_1544 : i32 to vector<16xi32>
        %add3A_1546 = arith.addi %add3A_1508, %add3A_1545 : vector<16xi32>
        %gather3A_1547 = tpu.vector_load_idx %arg4[%add3A_1546] : memref<8208xf32, #tpu.memory_space<vmem>>[vector<16xi32>], vector<16xf32>,
        %add3A_1548 = arith.constant 256 : i32
        %add3A_1549 = arith.addi %add3A_1521, %add3A_1548 : i32
        %swap3A_1550 = arith.constant 0 : i32
        %swap3A_1551 = tpu.memref_slice %arg7[%scan3A_182, %swap3A_1550] : memref<2x32768xf32, #tpu.memory_space<vmem>> -> memref<1x32768xf32, #tpu.memory_space<vmem>>
        %swap3A_1552 = tpu.memref_squeeze %swap3A_1551 : memref<1x32768xf32, #tpu.memory_space<vmem>> -> memref<32768xf32, #tpu.memory_space<vmem>>
        %swap3A_1553 = arith.index_cast %add3A_1549 : i32 to index
        %swap3A_1554 = tpu.vector_load %swap3A_1552[%swap3A_1553] {strides = array<i32>} : memref<32768xf32, #tpu.memory_space<vmem>>, vector<16xf32>,
        tpu.vector_store %swap3A_1552[%swap3A_1553], %gather3A_1547 {strides = array<i32>} : memref<32768xf32, #tpu.memory_space<vmem>>, vector<16xf32>,
        %add3A_1555 = arith.constant 3 : i32
        %add3A_1556 = vector.broadcast %add3A_1555 : i32 to vector<16xi32>
        %add3A_1557 = arith.addi %add3A_1508, %add3A_1556 : vector<16xi32>
        %gather3A_1558 = tpu.vector_load_idx %arg4[%add3A_1557] : memref<8208xf32, #tpu.memory_space<vmem>>[vector<16xi32>], vector<16xf32>,
        %add3A_1559 = arith.constant 384 : i32
        %add3A_1560 = arith.addi %add3A_1521, %add3A_1559 : i32
        %swap3A_1561 = arith.constant 0 : i32
        %swap3A_1562 = tpu.memref_slice %arg7[%scan3A_182, %swap3A_1561] : memref<2x32768xf32, #tpu.memory_space<vmem>> -> memref<1x32768xf32, #tpu.memory_space<vmem>>
        %swap3A_1563 = tpu.memref_squeeze %swap3A_1562 : memref<1x32768xf32, #tpu.memory_space<vmem>> -> memref<32768xf32, #tpu.memory_space<vmem>>
        %swap3A_1564 = arith.index_cast %add3A_1560 : i32 to index
        %swap3A_1565 = tpu.vector_load %swap3A_1563[%swap3A_1564] {strides = array<i32>} : memref<32768xf32, #tpu.memory_space<vmem>>, vector<16xf32>,
        tpu.vector_store %swap3A_1563[%swap3A_1564], %gather3A_1558 {strides = array<i32>} : memref<32768xf32, #tpu.memory_space<vmem>>, vector<16xf32>,
        %add3A_1566 = arith.constant 4 : i32
        %add3A_1567 = vector.broadcast %add3A_1566 : i32 to vector<16xi32>
        %add3A_1568 = arith.addi %add3A_1508, %add3A_1567 : vector<16xi32>
        %gather3A_1569 = tpu.vector_load_idx %arg4[%add3A_1568] : memref<8208xf32, #tpu.memory_space<vmem>>[vector<16xi32>], vector<16xf32>,
        %add3A_1570 = arith.constant 512 : i32
        %add3A_1571 = arith.addi %add3A_1521, %add3A_1570 : i32
        %swap3A_1572 = arith.constant 0 : i32
        %swap3A_1573 = tpu.memref_slice %arg7[%scan3A_182, %swap3A_1572] : memref<2x32768xf32, #tpu.memory_space<vmem>> -> memref<1x32768xf32, #tpu.memory_space<vmem>>
        %swap3A_1574 = tpu.memref_squeeze %swap3A_1573 : memref<1x32768xf32, #tpu.memory_space<vmem>> -> memref<32768xf32, #tpu.memory_space<vmem>>
        %swap3A_1575 = arith.index_cast %add3A_1571 : i32 to index
        %swap3A_1576 = tpu.vector_load %swap3A_1574[%swap3A_1575] {strides = array<i32>} : memref<32768xf32, #tpu.memory_space<vmem>>, vector<16xf32>,
        tpu.vector_store %swap3A_1574[%swap3A_1575], %gather3A_1569 {strides = array<i32>} : memref<32768xf32, #tpu.memory_space<vmem>>, vector<16xf32>,
        %add3A_1577 = arith.constant 5 : i32
        %add3A_1578 = vector.broadcast %add3A_1577 : i32 to vector<16xi32>
        %add3A_1579 = arith.addi %add3A_1508, %add3A_1578 : vector<16xi32>
        %gather3A_1580 = tpu.vector_load_idx %arg4[%add3A_1579] : memref<8208xf32, #tpu.memory_space<vmem>>[vector<16xi32>], vector<16xf32>,
        %add3A_1581 = arith.constant 640 : i32
        %add3A_1582 = arith.addi %add3A_1521, %add3A_1581 : i32
        %swap3A_1583 = arith.constant 0 : i32
        %swap3A_1584 = tpu.memref_slice %arg7[%scan3A_182, %swap3A_1583] : memref<2x32768xf32, #tpu.memory_space<vmem>> -> memref<1x32768xf32, #tpu.memory_space<vmem>>
        %swap3A_1585 = tpu.memref_squeeze %swap3A_1584 : memref<1x32768xf32, #tpu.memory_space<vmem>> -> memref<32768xf32, #tpu.memory_space<vmem>>
        %swap3A_1586 = arith.index_cast %add3A_1582 : i32 to index
        %swap3A_1587 = tpu.vector_load %swap3A_1585[%swap3A_1586] {strides = array<i32>} : memref<32768xf32, #tpu.memory_space<vmem>>, vector<16xf32>,
        tpu.vector_store %swap3A_1585[%swap3A_1586], %gather3A_1580 {strides = array<i32>} : memref<32768xf32, #tpu.memory_space<vmem>>, vector<16xf32>,
        %add3A_1588 = arith.constant 6 : i32
        %add3A_1589 = vector.broadcast %add3A_1588 : i32 to vector<16xi32>
        %add3A_1590 = arith.addi %add3A_1508, %add3A_1589 : vector<16xi32>
        %gather3A_1591 = tpu.vector_load_idx %arg4[%add3A_1590] : memref<8208xf32, #tpu.memory_space<vmem>>[vector<16xi32>], vector<16xf32>,
        %add3A_1592 = arith.constant 768 : i32
        %add3A_1593 = arith.addi %add3A_1521, %add3A_1592 : i32
        %swap3A_1594 = arith.constant 0 : i32
        %swap3A_1595 = tpu.memref_slice %arg7[%scan3A_182, %swap3A_1594] : memref<2x32768xf32, #tpu.memory_space<vmem>> -> memref<1x32768xf32, #tpu.memory_space<vmem>>
        %swap3A_1596 = tpu.memref_squeeze %swap3A_1595 : memref<1x32768xf32, #tpu.memory_space<vmem>> -> memref<32768xf32, #tpu.memory_space<vmem>>
        %swap3A_1597 = arith.index_cast %add3A_1593 : i32 to index
        %swap3A_1598 = tpu.vector_load %swap3A_1596[%swap3A_1597] {strides = array<i32>} : memref<32768xf32, #tpu.memory_space<vmem>>, vector<16xf32>,
        tpu.vector_store %swap3A_1596[%swap3A_1597], %gather3A_1591 {strides = array<i32>} : memref<32768xf32, #tpu.memory_space<vmem>>, vector<16xf32>,
        %add3A_1599 = arith.constant 7 : i32
        %add3A_1600 = vector.broadcast %add3A_1599 : i32 to vector<16xi32>
        %add3A_1601 = arith.addi %add3A_1508, %add3A_1600 : vector<16xi32>
        %gather3A_1602 = tpu.vector_load_idx %arg4[%add3A_1601] : memref<8208xf32, #tpu.memory_space<vmem>>[vector<16xi32>], vector<16xf32>,
        %add3A_1603 = arith.constant 896 : i32
        %add3A_1604 = arith.addi %add3A_1521, %add3A_1603 : i32
        %swap3A_1605 = arith.constant 0 : i32
        %swap3A_1606 = tpu.memref_slice %arg7[%scan3A_182, %swap3A_1605] : memref<2x32768xf32, #tpu.memory_space<vmem>> -> memref<1x32768xf32, #tpu.memory_space<vmem>>
        %swap3A_1607 = tpu.memref_squeeze %swap3A_1606 : memref<1x32768xf32, #tpu.memory_space<vmem>> -> memref<32768xf32, #tpu.memory_space<vmem>>
        %swap3A_1608 = arith.index_cast %add3A_1604 : i32 to index
        %swap3A_1609 = tpu.vector_load %swap3A_1607[%swap3A_1608] {strides = array<i32>} : memref<32768xf32, #tpu.memory_space<vmem>>, vector<16xf32>,
        tpu.vector_store %swap3A_1607[%swap3A_1608], %gather3A_1602 {strides = array<i32>} : memref<32768xf32, #tpu.memory_space<vmem>>, vector<16xf32>,
        %add3A_1610 = arith.constant 8 : i32
        %add3A_1611 = vector.broadcast %add3A_1610 : i32 to vector<16xi32>
        %add3A_1612 = arith.addi %add3A_1508, %add3A_1611 : vector<16xi32>
        %gather3A_1613 = tpu.vector_load_idx %arg4[%add3A_1612] : memref<8208xf32, #tpu.memory_space<vmem>>[vector<16xi32>], vector<16xf32>,
        %add3A_1614 = arith.constant 8192 : i32
        %add3A_1615 = arith.addi %add3A_1521, %add3A_1614 : i32
        %swap3A_1616 = arith.constant 0 : i32
        %swap3A_1617 = tpu.memref_slice %arg7[%scan3A_182, %swap3A_1616] : memref<2x32768xf32, #tpu.memory_space<vmem>> -> memref<1x32768xf32, #tpu.memory_space<vmem>>
        %swap3A_1618 = tpu.memref_squeeze %swap3A_1617 : memref<1x32768xf32, #tpu.memory_space<vmem>> -> memref<32768xf32, #tpu.memory_space<vmem>>
        %swap3A_1619 = arith.index_cast %add3A_1615 : i32 to index
        %swap3A_1620 = tpu.vector_load %swap3A_1618[%swap3A_1619] {strides = array<i32>} : memref<32768xf32, #tpu.memory_space<vmem>>, vector<16xf32>,
        tpu.vector_store %swap3A_1618[%swap3A_1619], %gather3A_1613 {strides = array<i32>} : memref<32768xf32, #tpu.memory_space<vmem>>, vector<16xf32>,
        %add3A_1621 = arith.constant 9 : i32
        %add3A_1622 = vector.broadcast %add3A_1621 : i32 to vector<16xi32>
        %add3A_1623 = arith.addi %add3A_1508, %add3A_1622 : vector<16xi32>
        %gather3A_1624 = tpu.vector_load_idx %arg4[%add3A_1623] : memref<8208xf32, #tpu.memory_space<vmem>>[vector<16xi32>], vector<16xf32>,
        %add3A_1625 = arith.constant 8320 : i32
        %add3A_1626 = arith.addi %add3A_1521, %add3A_1625 : i32
        %swap3A_1627 = arith.constant 0 : i32
        %swap3A_1628 = tpu.memref_slice %arg7[%scan3A_182, %swap3A_1627] : memref<2x32768xf32, #tpu.memory_space<vmem>> -> memref<1x32768xf32, #tpu.memory_space<vmem>>
        %swap3A_1629 = tpu.memref_squeeze %swap3A_1628 : memref<1x32768xf32, #tpu.memory_space<vmem>> -> memref<32768xf32, #tpu.memory_space<vmem>>
        %swap3A_1630 = arith.index_cast %add3A_1626 : i32 to index
        %swap3A_1631 = tpu.vector_load %swap3A_1629[%swap3A_1630] {strides = array<i32>} : memref<32768xf32, #tpu.memory_space<vmem>>, vector<16xf32>,
        tpu.vector_store %swap3A_1629[%swap3A_1630], %gather3A_1624 {strides = array<i32>} : memref<32768xf32, #tpu.memory_space<vmem>>, vector<16xf32>,
        %add3A_1632 = arith.constant 10 : i32
        %add3A_1633 = vector.broadcast %add3A_1632 : i32 to vector<16xi32>
        %add3A_1634 = arith.addi %add3A_1508, %add3A_1633 : vector<16xi32>
        %gather3A_1635 = tpu.vector_load_idx %arg4[%add3A_1634] : memref<8208xf32, #tpu.memory_space<vmem>>[vector<16xi32>], vector<16xf32>,
        %add3A_1636 = arith.constant 8448 : i32
        %add3A_1637 = arith.addi %add3A_1521, %add3A_1636 : i32
        %swap3A_1638 = arith.constant 0 : i32
        %swap3A_1639 = tpu.memref_slice %arg7[%scan3A_182, %swap3A_1638] : memref<2x32768xf32, #tpu.memory_space<vmem>> -> memref<1x32768xf32, #tpu.memory_space<vmem>>
        %swap3A_1640 = tpu.memref_squeeze %swap3A_1639 : memref<1x32768xf32, #tpu.memory_space<vmem>> -> memref<32768xf32, #tpu.memory_space<vmem>>
        %swap3A_1641 = arith.index_cast %add3A_1637 : i32 to index
        %swap3A_1642 = tpu.vector_load %swap3A_1640[%swap3A_1641] {strides = array<i32>} : memref<32768xf32, #tpu.memory_space<vmem>>, vector<16xf32>,
        tpu.vector_store %swap3A_1640[%swap3A_1641], %gather3A_1635 {strides = array<i32>} : memref<32768xf32, #tpu.memory_space<vmem>>, vector<16xf32>,
        %add3A_1643 = arith.constant 11 : i32
        %add3A_1644 = vector.broadcast %add3A_1643 : i32 to vector<16xi32>
        %add3A_1645 = arith.addi %add3A_1508, %add3A_1644 : vector<16xi32>
        %gather3A_1646 = tpu.vector_load_idx %arg4[%add3A_1645] : memref<8208xf32, #tpu.memory_space<vmem>>[vector<16xi32>], vector<16xf32>,
        %add3A_1647 = arith.constant 8576 : i32
        %add3A_1648 = arith.addi %add3A_1521, %add3A_1647 : i32
        %swap3A_1649 = arith.constant 0 : i32
        %swap3A_1650 = tpu.memref_slice %arg7[%scan3A_182, %swap3A_1649] : memref<2x32768xf32, #tpu.memory_space<vmem>> -> memref<1x32768xf32, #tpu.memory_space<vmem>>
        %swap3A_1651 = tpu.memref_squeeze %swap3A_1650 : memref<1x32768xf32, #tpu.memory_space<vmem>> -> memref<32768xf32, #tpu.memory_space<vmem>>
        %swap3A_1652 = arith.index_cast %add3A_1648 : i32 to index
        %swap3A_1653 = tpu.vector_load %swap3A_1651[%swap3A_1652] {strides = array<i32>} : memref<32768xf32, #tpu.memory_space<vmem>>, vector<16xf32>,
        tpu.vector_store %swap3A_1651[%swap3A_1652], %gather3A_1646 {strides = array<i32>} : memref<32768xf32, #tpu.memory_space<vmem>>, vector<16xf32>,
        %add3A_1654 = arith.constant 12 : i32
        %add3A_1655 = vector.broadcast %add3A_1654 : i32 to vector<16xi32>
        %add3A_1656 = arith.addi %add3A_1508, %add3A_1655 : vector<16xi32>
        %gather3A_1657 = tpu.vector_load_idx %arg4[%add3A_1656] : memref<8208xf32, #tpu.memory_space<vmem>>[vector<16xi32>], vector<16xf32>,
        %add3A_1658 = arith.constant 8704 : i32
        %add3A_1659 = arith.addi %add3A_1521, %add3A_1658 : i32
        %swap3A_1660 = arith.constant 0 : i32
        %swap3A_1661 = tpu.memref_slice %arg7[%scan3A_182, %swap3A_1660] : memref<2x32768xf32, #tpu.memory_space<vmem>> -> memref<1x32768xf32, #tpu.memory_space<vmem>>
        %swap3A_1662 = tpu.memref_squeeze %swap3A_1661 : memref<1x32768xf32, #tpu.memory_space<vmem>> -> memref<32768xf32, #tpu.memory_space<vmem>>
        %swap3A_1663 = arith.index_cast %add3A_1659 : i32 to index
        %swap3A_1664 = tpu.vector_load %swap3A_1662[%swap3A_1663] {strides = array<i32>} : memref<32768xf32, #tpu.memory_space<vmem>>, vector<16xf32>,
        tpu.vector_store %swap3A_1662[%swap3A_1663], %gather3A_1657 {strides = array<i32>} : memref<32768xf32, #tpu.memory_space<vmem>>, vector<16xf32>,
        %add3A_1665 = arith.constant 13 : i32
        %add3A_1666 = vector.broadcast %add3A_1665 : i32 to vector<16xi32>
        %add3A_1667 = arith.addi %add3A_1508, %add3A_1666 : vector<16xi32>
        %gather3A_1668 = tpu.vector_load_idx %arg4[%add3A_1667] : memref<8208xf32, #tpu.memory_space<vmem>>[vector<16xi32>], vector<16xf32>,
        %add3A_1669 = arith.constant 8832 : i32
        %add3A_1670 = arith.addi %add3A_1521, %add3A_1669 : i32
        %swap3A_1671 = arith.constant 0 : i32
        %swap3A_1672 = tpu.memref_slice %arg7[%scan3A_182, %swap3A_1671] : memref<2x32768xf32, #tpu.memory_space<vmem>> -> memref<1x32768xf32, #tpu.memory_space<vmem>>
        %swap3A_1673 = tpu.memref_squeeze %swap3A_1672 : memref<1x32768xf32, #tpu.memory_space<vmem>> -> memref<32768xf32, #tpu.memory_space<vmem>>
        %swap3A_1674 = arith.index_cast %add3A_1670 : i32 to index
        %swap3A_1675 = tpu.vector_load %swap3A_1673[%swap3A_1674] {strides = array<i32>} : memref<32768xf32, #tpu.memory_space<vmem>>, vector<16xf32>,
        tpu.vector_store %swap3A_1673[%swap3A_1674], %gather3A_1668 {strides = array<i32>} : memref<32768xf32, #tpu.memory_space<vmem>>, vector<16xf32>,
        %add3A_1676 = arith.constant 14 : i32
        %add3A_1677 = vector.broadcast %add3A_1676 : i32 to vector<16xi32>
        %add3A_1678 = arith.addi %add3A_1508, %add3A_1677 : vector<16xi32>
        %gather3A_1679 = tpu.vector_load_idx %arg4[%add3A_1678] : memref<8208xf32, #tpu.memory_space<vmem>>[vector<16xi32>], vector<16xf32>,
        %add3A_1680 = arith.constant 8960 : i32
        %add3A_1681 = arith.addi %add3A_1521, %add3A_1680 : i32
        %swap3A_1682 = arith.constant 0 : i32
        %swap3A_1683 = tpu.memref_slice %arg7[%scan3A_182, %swap3A_1682] : memref<2x32768xf32, #tpu.memory_space<vmem>> -> memref<1x32768xf32, #tpu.memory_space<vmem>>
        %swap3A_1684 = tpu.memref_squeeze %swap3A_1683 : memref<1x32768xf32, #tpu.memory_space<vmem>> -> memref<32768xf32, #tpu.memory_space<vmem>>
        %swap3A_1685 = arith.index_cast %add3A_1681 : i32 to index
        %swap3A_1686 = tpu.vector_load %swap3A_1684[%swap3A_1685] {strides = array<i32>} : memref<32768xf32, #tpu.memory_space<vmem>>, vector<16xf32>,
        tpu.vector_store %swap3A_1684[%swap3A_1685], %gather3A_1679 {strides = array<i32>} : memref<32768xf32, #tpu.memory_space<vmem>>, vector<16xf32>,
        %add3A_1687 = arith.constant 15 : i32
        %add3A_1688 = vector.broadcast %add3A_1687 : i32 to vector<16xi32>
        %add3A_1689 = arith.addi %add3A_1508, %add3A_1688 : vector<16xi32>
        %gather3A_1690 = tpu.vector_load_idx %arg4[%add3A_1689] : memref<8208xf32, #tpu.memory_space<vmem>>[vector<16xi32>], vector<16xf32>,
        %add3A_1691 = arith.constant 9088 : i32
        %add3A_1692 = arith.addi %add3A_1521, %add3A_1691 : i32
        %swap3A_1693 = arith.constant 0 : i32
        %swap3A_1694 = tpu.memref_slice %arg7[%scan3A_182, %swap3A_1693] : memref<2x32768xf32, #tpu.memory_space<vmem>> -> memref<1x32768xf32, #tpu.memory_space<vmem>>
        %swap3A_1695 = tpu.memref_squeeze %swap3A_1694 : memref<1x32768xf32, #tpu.memory_space<vmem>> -> memref<32768xf32, #tpu.memory_space<vmem>>
        %swap3A_1696 = arith.index_cast %add3A_1692 : i32 to index
        %swap3A_1697 = tpu.vector_load %swap3A_1695[%swap3A_1696] {strides = array<i32>} : memref<32768xf32, #tpu.memory_space<vmem>>, vector<16xf32>,
        tpu.vector_store %swap3A_1695[%swap3A_1696], %gather3A_1690 {strides = array<i32>} : memref<32768xf32, #tpu.memory_space<vmem>>, vector<16xf32>,
        %add3A_1698 = arith.constant 16 : i32
        %add3A_1699 = vector.broadcast %add3A_1698 : i32 to vector<16xi32>
        %add3A_1700 = arith.addi %add3A_1508, %add3A_1699 : vector<16xi32>
        %gather3A_1701 = tpu.vector_load_idx %arg4[%add3A_1700] : memref<8208xf32, #tpu.memory_space<vmem>>[vector<16xi32>], vector<16xf32>,
        %add3A_1702 = arith.constant 16384 : i32
        %add3A_1703 = arith.addi %add3A_1521, %add3A_1702 : i32
        %swap3A_1704 = arith.constant 0 : i32
        %swap3A_1705 = tpu.memref_slice %arg7[%scan3A_182, %swap3A_1704] : memref<2x32768xf32, #tpu.memory_space<vmem>> -> memref<1x32768xf32, #tpu.memory_space<vmem>>
        %swap3A_1706 = tpu.memref_squeeze %swap3A_1705 : memref<1x32768xf32, #tpu.memory_space<vmem>> -> memref<32768xf32, #tpu.memory_space<vmem>>
        %swap3A_1707 = arith.index_cast %add3A_1703 : i32 to index
        %swap3A_1708 = tpu.vector_load %swap3A_1706[%swap3A_1707] {strides = array<i32>} : memref<32768xf32, #tpu.memory_space<vmem>>, vector<16xf32>,
        tpu.vector_store %swap3A_1706[%swap3A_1707], %gather3A_1701 {strides = array<i32>} : memref<32768xf32, #tpu.memory_space<vmem>>, vector<16xf32>,
        %add3A_1709 = arith.constant 17 : i32
        %add3A_1710 = vector.broadcast %add3A_1709 : i32 to vector<16xi32>
        %add3A_1711 = arith.addi %add3A_1508, %add3A_1710 : vector<16xi32>
        %gather3A_1712 = tpu.vector_load_idx %arg4[%add3A_1711] : memref<8208xf32, #tpu.memory_space<vmem>>[vector<16xi32>], vector<16xf32>,
        %add3A_1713 = arith.constant 16512 : i32
        %add3A_1714 = arith.addi %add3A_1521, %add3A_1713 : i32
        %swap3A_1715 = arith.constant 0 : i32
        %swap3A_1716 = tpu.memref_slice %arg7[%scan3A_182, %swap3A_1715] : memref<2x32768xf32, #tpu.memory_space<vmem>> -> memref<1x32768xf32, #tpu.memory_space<vmem>>
        %swap3A_1717 = tpu.memref_squeeze %swap3A_1716 : memref<1x32768xf32, #tpu.memory_space<vmem>> -> memref<32768xf32, #tpu.memory_space<vmem>>
        %swap3A_1718 = arith.index_cast %add3A_1714 : i32 to index
        %swap3A_1719 = tpu.vector_load %swap3A_1717[%swap3A_1718] {strides = array<i32>} : memref<32768xf32, #tpu.memory_space<vmem>>, vector<16xf32>,
        tpu.vector_store %swap3A_1717[%swap3A_1718], %gather3A_1712 {strides = array<i32>} : memref<32768xf32, #tpu.memory_space<vmem>>, vector<16xf32>,
        %add3A_1720 = arith.constant 18 : i32
        %add3A_1721 = vector.broadcast %add3A_1720 : i32 to vector<16xi32>
        %add3A_1722 = arith.addi %add3A_1508, %add3A_1721 : vector<16xi32>
        %gather3A_1723 = tpu.vector_load_idx %arg4[%add3A_1722] : memref<8208xf32, #tpu.memory_space<vmem>>[vector<16xi32>], vector<16xf32>,
        %add3A_1724 = arith.constant 16640 : i32
        %add3A_1725 = arith.addi %add3A_1521, %add3A_1724 : i32
        %swap3A_1726 = arith.constant 0 : i32
        %swap3A_1727 = tpu.memref_slice %arg7[%scan3A_182, %swap3A_1726] : memref<2x32768xf32, #tpu.memory_space<vmem>> -> memref<1x32768xf32, #tpu.memory_space<vmem>>
        %swap3A_1728 = tpu.memref_squeeze %swap3A_1727 : memref<1x32768xf32, #tpu.memory_space<vmem>> -> memref<32768xf32, #tpu.memory_space<vmem>>
        %swap3A_1729 = arith.index_cast %add3A_1725 : i32 to index
        %swap3A_1730 = tpu.vector_load %swap3A_1728[%swap3A_1729] {strides = array<i32>} : memref<32768xf32, #tpu.memory_space<vmem>>, vector<16xf32>,
        tpu.vector_store %swap3A_1728[%swap3A_1729], %gather3A_1723 {strides = array<i32>} : memref<32768xf32, #tpu.memory_space<vmem>>, vector<16xf32>,
        %add3A_1731 = arith.constant 19 : i32
        %add3A_1732 = vector.broadcast %add3A_1731 : i32 to vector<16xi32>
        %add3A_1733 = arith.addi %add3A_1508, %add3A_1732 : vector<16xi32>
        %gather3A_1734 = tpu.vector_load_idx %arg4[%add3A_1733] : memref<8208xf32, #tpu.memory_space<vmem>>[vector<16xi32>], vector<16xf32>,
        %add3A_1735 = arith.constant 16768 : i32
        %add3A_1736 = arith.addi %add3A_1521, %add3A_1735 : i32
        %swap3A_1737 = arith.constant 0 : i32
        %swap3A_1738 = tpu.memref_slice %arg7[%scan3A_182, %swap3A_1737] : memref<2x32768xf32, #tpu.memory_space<vmem>> -> memref<1x32768xf32, #tpu.memory_space<vmem>>
        %swap3A_1739 = tpu.memref_squeeze %swap3A_1738 : memref<1x32768xf32, #tpu.memory_space<vmem>> -> memref<32768xf32, #tpu.memory_space<vmem>>
        %swap3A_1740 = arith.index_cast %add3A_1736 : i32 to index
        %swap3A_1741 = tpu.vector_load %swap3A_1739[%swap3A_1740] {strides = array<i32>} : memref<32768xf32, #tpu.memory_space<vmem>>, vector<16xf32>,
        tpu.vector_store %swap3A_1739[%swap3A_1740], %gather3A_1734 {strides = array<i32>} : memref<32768xf32, #tpu.memory_space<vmem>>, vector<16xf32>,
        %add3A_1742 = arith.constant 20 : i32
        %add3A_1743 = vector.broadcast %add3A_1742 : i32 to vector<16xi32>
        %add3A_1744 = arith.addi %add3A_1508, %add3A_1743 : vector<16xi32>
        %gather3A_1745 = tpu.vector_load_idx %arg4[%add3A_1744] : memref<8208xf32, #tpu.memory_space<vmem>>[vector<16xi32>], vector<16xf32>,
        %add3A_1746 = arith.constant 16896 : i32
        %add3A_1747 = arith.addi %add3A_1521, %add3A_1746 : i32
        %swap3A_1748 = arith.constant 0 : i32
        %swap3A_1749 = tpu.memref_slice %arg7[%scan3A_182, %swap3A_1748] : memref<2x32768xf32, #tpu.memory_space<vmem>> -> memref<1x32768xf32, #tpu.memory_space<vmem>>
        %swap3A_1750 = tpu.memref_squeeze %swap3A_1749 : memref<1x32768xf32, #tpu.memory_space<vmem>> -> memref<32768xf32, #tpu.memory_space<vmem>>
        %swap3A_1751 = arith.index_cast %add3A_1747 : i32 to index
        %swap3A_1752 = tpu.vector_load %swap3A_1750[%swap3A_1751] {strides = array<i32>} : memref<32768xf32, #tpu.memory_space<vmem>>, vector<16xf32>,
        tpu.vector_store %swap3A_1750[%swap3A_1751], %gather3A_1745 {strides = array<i32>} : memref<32768xf32, #tpu.memory_space<vmem>>, vector<16xf32>,
        %add3A_1753 = arith.constant 21 : i32
        %add3A_1754 = vector.broadcast %add3A_1753 : i32 to vector<16xi32>
        %add3A_1755 = arith.addi %add3A_1508, %add3A_1754 : vector<16xi32>
        %gather3A_1756 = tpu.vector_load_idx %arg4[%add3A_1755] : memref<8208xf32, #tpu.memory_space<vmem>>[vector<16xi32>], vector<16xf32>,
        %add3A_1757 = arith.constant 17024 : i32
        %add3A_1758 = arith.addi %add3A_1521, %add3A_1757 : i32
        %swap3A_1759 = arith.constant 0 : i32
        %swap3A_1760 = tpu.memref_slice %arg7[%scan3A_182, %swap3A_1759] : memref<2x32768xf32, #tpu.memory_space<vmem>> -> memref<1x32768xf32, #tpu.memory_space<vmem>>
        %swap3A_1761 = tpu.memref_squeeze %swap3A_1760 : memref<1x32768xf32, #tpu.memory_space<vmem>> -> memref<32768xf32, #tpu.memory_space<vmem>>
        %swap3A_1762 = arith.index_cast %add3A_1758 : i32 to index
        %swap3A_1763 = tpu.vector_load %swap3A_1761[%swap3A_1762] {strides = array<i32>} : memref<32768xf32, #tpu.memory_space<vmem>>, vector<16xf32>,
        tpu.vector_store %swap3A_1761[%swap3A_1762], %gather3A_1756 {strides = array<i32>} : memref<32768xf32, #tpu.memory_space<vmem>>, vector<16xf32>,
        %add3A_1764 = arith.constant 22 : i32
        %add3A_1765 = vector.broadcast %add3A_1764 : i32 to vector<16xi32>
        %add3A_1766 = arith.addi %add3A_1508, %add3A_1765 : vector<16xi32>
        %gather3A_1767 = tpu.vector_load_idx %arg4[%add3A_1766] : memref<8208xf32, #tpu.memory_space<vmem>>[vector<16xi32>], vector<16xf32>,
        %add3A_1768 = arith.constant 17152 : i32
        %add3A_1769 = arith.addi %add3A_1521, %add3A_1768 : i32
        %swap3A_1770 = arith.constant 0 : i32
        %swap3A_1771 = tpu.memref_slice %arg7[%scan3A_182, %swap3A_1770] : memref<2x32768xf32, #tpu.memory_space<vmem>> -> memref<1x32768xf32, #tpu.memory_space<vmem>>
        %swap3A_1772 = tpu.memref_squeeze %swap3A_1771 : memref<1x32768xf32, #tpu.memory_space<vmem>> -> memref<32768xf32, #tpu.memory_space<vmem>>
        %swap3A_1773 = arith.index_cast %add3A_1769 : i32 to index
        %swap3A_1774 = tpu.vector_load %swap3A_1772[%swap3A_1773] {strides = array<i32>} : memref<32768xf32, #tpu.memory_space<vmem>>, vector<16xf32>,
        tpu.vector_store %swap3A_1772[%swap3A_1773], %gather3A_1767 {strides = array<i32>} : memref<32768xf32, #tpu.memory_space<vmem>>, vector<16xf32>,
        %add3A_1775 = arith.constant 23 : i32
        %add3A_1776 = vector.broadcast %add3A_1775 : i32 to vector<16xi32>
        %add3A_1777 = arith.addi %add3A_1508, %add3A_1776 : vector<16xi32>
        %gather3A_1778 = tpu.vector_load_idx %arg4[%add3A_1777] : memref<8208xf32, #tpu.memory_space<vmem>>[vector<16xi32>], vector<16xf32>,
        %add3A_1779 = arith.constant 17280 : i32
        %add3A_1780 = arith.addi %add3A_1521, %add3A_1779 : i32
        %swap3A_1781 = arith.constant 0 : i32
        %swap3A_1782 = tpu.memref_slice %arg7[%scan3A_182, %swap3A_1781] : memref<2x32768xf32, #tpu.memory_space<vmem>> -> memref<1x32768xf32, #tpu.memory_space<vmem>>
        %swap3A_1783 = tpu.memref_squeeze %swap3A_1782 : memref<1x32768xf32, #tpu.memory_space<vmem>> -> memref<32768xf32, #tpu.memory_space<vmem>>
        %swap3A_1784 = arith.index_cast %add3A_1780 : i32 to index
        %swap3A_1785 = tpu.vector_load %swap3A_1783[%swap3A_1784] {strides = array<i32>} : memref<32768xf32, #tpu.memory_space<vmem>>, vector<16xf32>,
        tpu.vector_store %swap3A_1783[%swap3A_1784], %gather3A_1778 {strides = array<i32>} : memref<32768xf32, #tpu.memory_space<vmem>>, vector<16xf32>,
        %add3A_1786 = arith.constant 24 : i32
        %add3A_1787 = vector.broadcast %add3A_1786 : i32 to vector<16xi32>
        %add3A_1788 = arith.addi %add3A_1508, %add3A_1787 : vector<16xi32>
        %gather3A_1789 = tpu.vector_load_idx %arg4[%add3A_1788] : memref<8208xf32, #tpu.memory_space<vmem>>[vector<16xi32>], vector<16xf32>,
        %add3A_1790 = arith.constant 24576 : i32
        %add3A_1791 = arith.addi %add3A_1521, %add3A_1790 : i32
        %swap3A_1792 = arith.constant 0 : i32
        %swap3A_1793 = tpu.memref_slice %arg7[%scan3A_182, %swap3A_1792] : memref<2x32768xf32, #tpu.memory_space<vmem>> -> memref<1x32768xf32, #tpu.memory_space<vmem>>
        %swap3A_1794 = tpu.memref_squeeze %swap3A_1793 : memref<1x32768xf32, #tpu.memory_space<vmem>> -> memref<32768xf32, #tpu.memory_space<vmem>>
        %swap3A_1795 = arith.index_cast %add3A_1791 : i32 to index
        %swap3A_1796 = tpu.vector_load %swap3A_1794[%swap3A_1795] {strides = array<i32>} : memref<32768xf32, #tpu.memory_space<vmem>>, vector<16xf32>,
        tpu.vector_store %swap3A_1794[%swap3A_1795], %gather3A_1789 {strides = array<i32>} : memref<32768xf32, #tpu.memory_space<vmem>>, vector<16xf32>,
        %add3A_1797 = arith.constant 25 : i32
        %add3A_1798 = vector.broadcast %add3A_1797 : i32 to vector<16xi32>
        %add3A_1799 = arith.addi %add3A_1508, %add3A_1798 : vector<16xi32>
        %gather3A_1800 = tpu.vector_load_idx %arg4[%add3A_1799] : memref<8208xf32, #tpu.memory_space<vmem>>[vector<16xi32>], vector<16xf32>,
        %add3A_1801 = arith.constant 24704 : i32
        %add3A_1802 = arith.addi %add3A_1521, %add3A_1801 : i32
        %swap3A_1803 = arith.constant 0 : i32
        %swap3A_1804 = tpu.memref_slice %arg7[%scan3A_182, %swap3A_1803] : memref<2x32768xf32, #tpu.memory_space<vmem>> -> memref<1x32768xf32, #tpu.memory_space<vmem>>
        %swap3A_1805 = tpu.memref_squeeze %swap3A_1804 : memref<1x32768xf32, #tpu.memory_space<vmem>> -> memref<32768xf32, #tpu.memory_space<vmem>>
        %swap3A_1806 = arith.index_cast %add3A_1802 : i32 to index
        %swap3A_1807 = tpu.vector_load %swap3A_1805[%swap3A_1806] {strides = array<i32>} : memref<32768xf32, #tpu.memory_space<vmem>>, vector<16xf32>,
        tpu.vector_store %swap3A_1805[%swap3A_1806], %gather3A_1800 {strides = array<i32>} : memref<32768xf32, #tpu.memory_space<vmem>>, vector<16xf32>,
        %add3A_1808 = arith.constant 26 : i32
        %add3A_1809 = vector.broadcast %add3A_1808 : i32 to vector<16xi32>
        %add3A_1810 = arith.addi %add3A_1508, %add3A_1809 : vector<16xi32>
        %gather3A_1811 = tpu.vector_load_idx %arg4[%add3A_1810] : memref<8208xf32, #tpu.memory_space<vmem>>[vector<16xi32>], vector<16xf32>,
        %add3A_1812 = arith.constant 24832 : i32
        %add3A_1813 = arith.addi %add3A_1521, %add3A_1812 : i32
        %swap3A_1814 = arith.constant 0 : i32
        %swap3A_1815 = tpu.memref_slice %arg7[%scan3A_182, %swap3A_1814] : memref<2x32768xf32, #tpu.memory_space<vmem>> -> memref<1x32768xf32, #tpu.memory_space<vmem>>
        %swap3A_1816 = tpu.memref_squeeze %swap3A_1815 : memref<1x32768xf32, #tpu.memory_space<vmem>> -> memref<32768xf32, #tpu.memory_space<vmem>>
        %swap3A_1817 = arith.index_cast %add3A_1813 : i32 to index
        %swap3A_1818 = tpu.vector_load %swap3A_1816[%swap3A_1817] {strides = array<i32>} : memref<32768xf32, #tpu.memory_space<vmem>>, vector<16xf32>,
        tpu.vector_store %swap3A_1816[%swap3A_1817], %gather3A_1811 {strides = array<i32>} : memref<32768xf32, #tpu.memory_space<vmem>>, vector<16xf32>,
        %add3A_1819 = arith.constant 27 : i32
        %add3A_1820 = vector.broadcast %add3A_1819 : i32 to vector<16xi32>
        %add3A_1821 = arith.addi %add3A_1508, %add3A_1820 : vector<16xi32>
        %gather3A_1822 = tpu.vector_load_idx %arg4[%add3A_1821] : memref<8208xf32, #tpu.memory_space<vmem>>[vector<16xi32>], vector<16xf32>,
        %add3A_1823 = arith.constant 24960 : i32
        %add3A_1824 = arith.addi %add3A_1521, %add3A_1823 : i32
        %swap3A_1825 = arith.constant 0 : i32
        %swap3A_1826 = tpu.memref_slice %arg7[%scan3A_182, %swap3A_1825] : memref<2x32768xf32, #tpu.memory_space<vmem>> -> memref<1x32768xf32, #tpu.memory_space<vmem>>
        %swap3A_1827 = tpu.memref_squeeze %swap3A_1826 : memref<1x32768xf32, #tpu.memory_space<vmem>> -> memref<32768xf32, #tpu.memory_space<vmem>>
        %swap3A_1828 = arith.index_cast %add3A_1824 : i32 to index
        %swap3A_1829 = tpu.vector_load %swap3A_1827[%swap3A_1828] {strides = array<i32>} : memref<32768xf32, #tpu.memory_space<vmem>>, vector<16xf32>,
        tpu.vector_store %swap3A_1827[%swap3A_1828], %gather3A_1822 {strides = array<i32>} : memref<32768xf32, #tpu.memory_space<vmem>>, vector<16xf32>,
        %add3A_1830 = arith.constant 28 : i32
        %add3A_1831 = vector.broadcast %add3A_1830 : i32 to vector<16xi32>
        %add3A_1832 = arith.addi %add3A_1508, %add3A_1831 : vector<16xi32>
        %gather3A_1833 = tpu.vector_load_idx %arg4[%add3A_1832] : memref<8208xf32, #tpu.memory_space<vmem>>[vector<16xi32>], vector<16xf32>,
        %add3A_1834 = arith.constant 25088 : i32
        %add3A_1835 = arith.addi %add3A_1521, %add3A_1834 : i32
        %swap3A_1836 = arith.constant 0 : i32
        %swap3A_1837 = tpu.memref_slice %arg7[%scan3A_182, %swap3A_1836] : memref<2x32768xf32, #tpu.memory_space<vmem>> -> memref<1x32768xf32, #tpu.memory_space<vmem>>
        %swap3A_1838 = tpu.memref_squeeze %swap3A_1837 : memref<1x32768xf32, #tpu.memory_space<vmem>> -> memref<32768xf32, #tpu.memory_space<vmem>>
        %swap3A_1839 = arith.index_cast %add3A_1835 : i32 to index
        %swap3A_1840 = tpu.vector_load %swap3A_1838[%swap3A_1839] {strides = array<i32>} : memref<32768xf32, #tpu.memory_space<vmem>>, vector<16xf32>,
        tpu.vector_store %swap3A_1838[%swap3A_1839], %gather3A_1833 {strides = array<i32>} : memref<32768xf32, #tpu.memory_space<vmem>>, vector<16xf32>,
        %add3A_1841 = arith.constant 29 : i32
        %add3A_1842 = vector.broadcast %add3A_1841 : i32 to vector<16xi32>
        %add3A_1843 = arith.addi %add3A_1508, %add3A_1842 : vector<16xi32>
        %gather3A_1844 = tpu.vector_load_idx %arg4[%add3A_1843] : memref<8208xf32, #tpu.memory_space<vmem>>[vector<16xi32>], vector<16xf32>,
        %add3A_1845 = arith.constant 25216 : i32
        %add3A_1846 = arith.addi %add3A_1521, %add3A_1845 : i32
        %swap3A_1847 = arith.constant 0 : i32
        %swap3A_1848 = tpu.memref_slice %arg7[%scan3A_182, %swap3A_1847] : memref<2x32768xf32, #tpu.memory_space<vmem>> -> memref<1x32768xf32, #tpu.memory_space<vmem>>
        %swap3A_1849 = tpu.memref_squeeze %swap3A_1848 : memref<1x32768xf32, #tpu.memory_space<vmem>> -> memref<32768xf32, #tpu.memory_space<vmem>>
        %swap3A_1850 = arith.index_cast %add3A_1846 : i32 to index
        %swap3A_1851 = tpu.vector_load %swap3A_1849[%swap3A_1850] {strides = array<i32>} : memref<32768xf32, #tpu.memory_space<vmem>>, vector<16xf32>,
        tpu.vector_store %swap3A_1849[%swap3A_1850], %gather3A_1844 {strides = array<i32>} : memref<32768xf32, #tpu.memory_space<vmem>>, vector<16xf32>,
        %add3A_1852 = arith.constant 30 : i32
        %add3A_1853 = vector.broadcast %add3A_1852 : i32 to vector<16xi32>
        %add3A_1854 = arith.addi %add3A_1508, %add3A_1853 : vector<16xi32>
        %gather3A_1855 = tpu.vector_load_idx %arg4[%add3A_1854] : memref<8208xf32, #tpu.memory_space<vmem>>[vector<16xi32>], vector<16xf32>,
        %add3A_1856 = arith.constant 25344 : i32
        %add3A_1857 = arith.addi %add3A_1521, %add3A_1856 : i32
        %swap3A_1858 = arith.constant 0 : i32
        %swap3A_1859 = tpu.memref_slice %arg7[%scan3A_182, %swap3A_1858] : memref<2x32768xf32, #tpu.memory_space<vmem>> -> memref<1x32768xf32, #tpu.memory_space<vmem>>
        %swap3A_1860 = tpu.memref_squeeze %swap3A_1859 : memref<1x32768xf32, #tpu.memory_space<vmem>> -> memref<32768xf32, #tpu.memory_space<vmem>>
        %swap3A_1861 = arith.index_cast %add3A_1857 : i32 to index
        %swap3A_1862 = tpu.vector_load %swap3A_1860[%swap3A_1861] {strides = array<i32>} : memref<32768xf32, #tpu.memory_space<vmem>>, vector<16xf32>,
        tpu.vector_store %swap3A_1860[%swap3A_1861], %gather3A_1855 {strides = array<i32>} : memref<32768xf32, #tpu.memory_space<vmem>>, vector<16xf32>,
        %add3A_1863 = arith.constant 31 : i32
        %add3A_1864 = vector.broadcast %add3A_1863 : i32 to vector<16xi32>
        %add3A_1865 = arith.addi %add3A_1508, %add3A_1864 : vector<16xi32>
        %gather3A_1866 = tpu.vector_load_idx %arg4[%add3A_1865] : memref<8208xf32, #tpu.memory_space<vmem>>[vector<16xi32>], vector<16xf32>,
        %add3A_1867 = arith.constant 25472 : i32
        %add3A_1868 = arith.addi %add3A_1521, %add3A_1867 : i32
        %swap3A_1869 = arith.constant 0 : i32
        %swap3A_1870 = tpu.memref_slice %arg7[%scan3A_182, %swap3A_1869] : memref<2x32768xf32, #tpu.memory_space<vmem>> -> memref<1x32768xf32, #tpu.memory_space<vmem>>
        %swap3A_1871 = tpu.memref_squeeze %swap3A_1870 : memref<1x32768xf32, #tpu.memory_space<vmem>> -> memref<32768xf32, #tpu.memory_space<vmem>>
        %swap3A_1872 = arith.index_cast %add3A_1868 : i32 to index
        %swap3A_1873 = tpu.vector_load %swap3A_1871[%swap3A_1872] {strides = array<i32>} : memref<32768xf32, #tpu.memory_space<vmem>>, vector<16xf32>,
        tpu.vector_store %swap3A_1871[%swap3A_1872], %gather3A_1866 {strides = array<i32>} : memref<32768xf32, #tpu.memory_space<vmem>>, vector<16xf32>,
      }
      %scan3A_187 = arith.constant 16 : i32
      %add3A_188 = arith.constant 0 : i32
      %add3A_189 = arith.addi %add3A_188, %multiple_of3A_162 : i32
      %mul3A_190 = arith.constant 1024 : i32
      %mul3A_191 = arith.muli %add3A_189, %mul3A_190 : i32
      %dma_start3A_192 = arith.constant 0 : i32
      %dma_start3A_193 = arith.constant 0 : i32
      %dma_start3A_194 = tpu.memref_slice %arg7[%dma_start3A_192, %dma_start3A_193] : memref<2x32768xf32, #tpu.memory_space<vmem>> -> memref<1x32768xf32, #tpu.memory_space<vmem>>
      %dma_start3A_195 = tpu.memref_squeeze %dma_start3A_194 : memref<1x32768xf32, #tpu.memory_space<vmem>> -> memref<32768xf32, #tpu.memory_space<vmem>>
      %dma_start3A_196 = arith.constant 0 : i32
      %dma_start3A_197 = tpu.memref_slice %dma_start3A_195[%dma_start3A_196] : memref<32768xf32, #tpu.memory_space<vmem>> -> memref<8192xf32, #tpu.memory_space<vmem>>
      %dma_start3A_198 = tpu.memref_slice %arg3[%mul3A_191] : memref<104857600xf32, #tpu.memory_space<hbm>> -> memref<8192xf32, #tpu.memory_space<hbm>>
      %dma_start3A_199 = tpu.memref_slice %arg3[%mul3A_191] : memref<104857600xf32, #tpu.memory_space<hbm>> -> memref<8192xf32, #tpu.memory_space<hbm>>
      %dma_start3A_200 = arith.constant 0 : i32
      %dma_start3A_201 = tpu.memref_slice %arg7[%dma_start3A_192, %dma_start3A_200] : memref<2x32768xf32, #tpu.memory_space<vmem>> -> memref<1x32768xf32, #tpu.memory_space<vmem>>
      %dma_start3A_202 = tpu.memref_squeeze %dma_start3A_201 : memref<1x32768xf32, #tpu.memory_space<vmem>> -> memref<32768xf32, #tpu.memory_space<vmem>>
      %dma_start3A_203 = arith.constant 0 : i32
      %dma_start3A_204 = tpu.memref_slice %dma_start3A_202[%dma_start3A_203] : memref<32768xf32, #tpu.memory_space<vmem>> -> memref<8192xf32, #tpu.memory_space<vmem>>
      tpu.enqueue_dma source(%dma_start3A_204 : memref<8192xf32, #tpu.memory_space<vmem>>) target(%dma_start3A_199 : memref<8192xf32, #tpu.memory_space<hbm>>) target_semaphore(%arg8 : memref<!tpu.dma_semaphore, #tpu.memory_space<semaphore_mem>>)
      %add3A_205 = arith.constant 25600 : i32
      %add3A_206 = arith.addi %add3A_205, %multiple_of3A_162 : i32
      %mul3A_207 = arith.constant 1024 : i32
      %mul3A_208 = arith.muli %add3A_206, %mul3A_207 : i32
      %dma_start3A_209 = arith.constant 0 : i32
      %dma_start3A_210 = arith.constant 0 : i32
      %dma_start3A_211 = tpu.memref_slice %arg7[%dma_start3A_209, %dma_start3A_210] : memref<2x32768xf32, #tpu.memory_space<vmem>> -> memref<1x32768xf32, #tpu.memory_space<vmem>>
      %dma_start3A_212 = tpu.memref_squeeze %dma_start3A_211 : memref<1x32768xf32, #tpu.memory_space<vmem>> -> memref<32768xf32, #tpu.memory_space<vmem>>
      %dma_start3A_213 = arith.constant 8192 : i32
      %dma_start3A_214 = tpu.memref_slice %dma_start3A_212[%dma_start3A_213] : memref<32768xf32, #tpu.memory_space<vmem>> -> memref<8192xf32, #tpu.memory_space<vmem>>
      %dma_start3A_215 = tpu.memref_slice %arg3[%mul3A_208] : memref<104857600xf32, #tpu.memory_space<hbm>> -> memref<8192xf32, #tpu.memory_space<hbm>>
      %dma_start3A_216 = tpu.memref_slice %arg3[%mul3A_208] : memref<104857600xf32, #tpu.memory_space<hbm>> -> memref<8192xf32, #tpu.memory_space<hbm>>
      %dma_start3A_217 = arith.constant 0 : i32
      %dma_start3A_218 = tpu.memref_slice %arg7[%dma_start3A_209, %dma_start3A_217] : memref<2x32768xf32, #tpu.memory_space<vmem>> -> memref<1x32768xf32, #tpu.memory_space<vmem>>
      %dma_start3A_219 = tpu.memref_squeeze %dma_start3A_218 : memref<1x32768xf32, #tpu.memory_space<vmem>> -> memref<32768xf32, #tpu.memory_space<vmem>>
      %dma_start3A_220 = arith.constant 8192 : i32
      %dma_start3A_221 = tpu.memref_slice %dma_start3A_219[%dma_start3A_220] : memref<32768xf32, #tpu.memory_space<vmem>> -> memref<8192xf32, #tpu.memory_space<vmem>>
      tpu.enqueue_dma source(%dma_start3A_221 : memref<8192xf32, #tpu.memory_space<vmem>>) target(%dma_start3A_216 : memref<8192xf32, #tpu.memory_space<hbm>>) target_semaphore(%arg8 : memref<!tpu.dma_semaphore, #tpu.memory_space<semaphore_mem>>)
      %add3A_222 = arith.constant 51200 : i32
      %add3A_223 = arith.addi %add3A_222, %multiple_of3A_162 : i32
      %mul3A_224 = arith.constant 1024 : i32
      %mul3A_225 = arith.muli %add3A_223, %mul3A_224 : i32
      %dma_start3A_226 = arith.constant 0 : i32
      %dma_start3A_227 = arith.constant 0 : i32
      %dma_start3A_228 = tpu.memref_slice %arg7[%dma_start3A_226, %dma_start3A_227] : memref<2x32768xf32, #tpu.memory_space<vmem>> -> memref<1x32768xf32, #tpu.memory_space<vmem>>
      %dma_start3A_229 = tpu.memref_squeeze %dma_start3A_228 : memref<1x32768xf32, #tpu.memory_space<vmem>> -> memref<32768xf32, #tpu.memory_space<vmem>>
      %dma_start3A_230 = arith.constant 16384 : i32
      %dma_start3A_231 = tpu.memref_slice %dma_start3A_229[%dma_start3A_230] : memref<32768xf32, #tpu.memory_space<vmem>> -> memref<8192xf32, #tpu.memory_space<vmem>>
      %dma_start3A_232 = tpu.memref_slice %arg3[%mul3A_225] : memref<104857600xf32, #tpu.memory_space<hbm>> -> memref<8192xf32, #tpu.memory_space<hbm>>
      %dma_start3A_233 = tpu.memref_slice %arg3[%mul3A_225] : memref<104857600xf32, #tpu.memory_space<hbm>> -> memref<8192xf32, #tpu.memory_space<hbm>>
      %dma_start3A_234 = arith.constant 0 : i32
      %dma_start3A_235 = tpu.memref_slice %arg7[%dma_start3A_226, %dma_start3A_234] : memref<2x32768xf32, #tpu.memory_space<vmem>> -> memref<1x32768xf32, #tpu.memory_space<vmem>>
      %dma_start3A_236 = tpu.memref_squeeze %dma_start3A_235 : memref<1x32768xf32, #tpu.memory_space<vmem>> -> memref<32768xf32, #tpu.memory_space<vmem>>
      %dma_start3A_237 = arith.constant 16384 : i32
      %dma_start3A_238 = tpu.memref_slice %dma_start3A_236[%dma_start3A_237] : memref<32768xf32, #tpu.memory_space<vmem>> -> memref<8192xf32, #tpu.memory_space<vmem>>
      tpu.enqueue_dma source(%dma_start3A_238 : memref<8192xf32, #tpu.memory_space<vmem>>) target(%dma_start3A_233 : memref<8192xf32, #tpu.memory_space<hbm>>) target_semaphore(%arg8 : memref<!tpu.dma_semaphore, #tpu.memory_space<semaphore_mem>>)
      %add3A_239 = arith.constant 76800 : i32
      %add3A_240 = arith.addi %add3A_239, %multiple_of3A_162 : i32
      %mul3A_241 = arith.constant 1024 : i32
      %mul3A_242 = arith.muli %add3A_240, %mul3A_241 : i32
      %dma_start3A_243 = arith.constant 0 : i32
      %dma_start3A_244 = arith.constant 0 : i32
      %dma_start3A_245 = tpu.memref_slice %arg7[%dma_start3A_243, %dma_start3A_244] : memref<2x32768xf32, #tpu.memory_space<vmem>> -> memref<1x32768xf32, #tpu.memory_space<vmem>>
      %dma_start3A_246 = tpu.memref_squeeze %dma_start3A_245 : memref<1x32768xf32, #tpu.memory_space<vmem>> -> memref<32768xf32, #tpu.memory_space<vmem>>
      %dma_start3A_247 = arith.constant 24576 : i32
      %dma_start3A_248 = tpu.memref_slice %dma_start3A_246[%dma_start3A_247] : memref<32768xf32, #tpu.memory_space<vmem>> -> memref<8192xf32, #tpu.memory_space<vmem>>
      %dma_start3A_249 = tpu.memref_slice %arg3[%mul3A_242] : memref<104857600xf32, #tpu.memory_space<hbm>> -> memref<8192xf32, #tpu.memory_space<hbm>>
      %dma_start3A_250 = tpu.memref_slice %arg3[%mul3A_242] : memref<104857600xf32, #tpu.memory_space<hbm>> -> memref<8192xf32, #tpu.memory_space<hbm>>
      %dma_start3A_251 = arith.constant 0 : i32
      %dma_start3A_252 = tpu.memref_slice %arg7[%dma_start3A_243, %dma_start3A_251] : memref<2x32768xf32, #tpu.memory_space<vmem>> -> memref<1x32768xf32, #tpu.memory_space<vmem>>
      %dma_start3A_253 = tpu.memref_squeeze %dma_start3A_252 : memref<1x32768xf32, #tpu.memory_space<vmem>> -> memref<32768xf32, #tpu.memory_space<vmem>>
      %dma_start3A_254 = arith.constant 24576 : i32
      %dma_start3A_255 = tpu.memref_slice %dma_start3A_253[%dma_start3A_254] : memref<32768xf32, #tpu.memory_space<vmem>> -> memref<8192xf32, #tpu.memory_space<vmem>>
      tpu.enqueue_dma source(%dma_start3A_255 : memref<8192xf32, #tpu.memory_space<vmem>>) target(%dma_start3A_250 : memref<8192xf32, #tpu.memory_space<hbm>>) target_semaphore(%arg8 : memref<!tpu.dma_semaphore, #tpu.memory_space<semaphore_mem>>)
      %add3A_256 = arith.constant 1 : i32
      %add3A_257 = arith.addi %add3A_148, %add3A_256 : i32
      %mul3A_258 = arith.constant 1024 : i32
      %mul3A_259 = arith.muli %add3A_257, %mul3A_258 : i32
      %add3A_260 = arith.addi %mul3A_2, %mul3A_259 : i32
      %mul3A_261 = arith.constant 256 : i32
      %mul3A_262 = arith.muli %add3A_257, %mul3A_261 : i32
      %add3A_263 = arith.addi %mul3A_4, %mul3A_262 : i32
      %multiple_of3A_264 = tpu.assume_multiple %add3A_263, 256 : i32
      %mul3A_265 = arith.constant 800 : i32
      %mul3A_266 = arith.muli %add3A, %mul3A_265 : i32
      %mul3A_267 = arith.constant 8 : i32
      %mul3A_268 = arith.muli %add3A_257, %mul3A_267 : i32
      %add3A_269 = arith.addi %mul3A_266, %mul3A_268 : i32
      %multiple_of3A_270 = tpu.assume_multiple %add3A_269, 8 : i32
      %dma_wait3A_271 = arith.constant 1 : i32
      %dma_wait3A_272 = arith.constant 0 : i32
      %dma_wait3A_273 = tpu.memref_slice %arg6[%dma_wait3A_271, %dma_wait3A_272] : memref<2x256xi32, #tpu.memory_space<vmem>> -> memref<1x256xi32, #tpu.memory_space<vmem>>
      %dma_wait3A_274 = tpu.memref_squeeze %dma_wait3A_273 : memref<1x256xi32, #tpu.memory_space<vmem>> -> memref<256xi32, #tpu.memory_space<vmem>>
      %dma_wait3A_275 = tpu.memref_slice %arg2[%multiple_of3A_264] : memref<819712xi32, #tpu.memory_space<hbm>> -> memref<256xi32, #tpu.memory_space<hbm>>
      %dma_wait3A_276 = arith.constant 0 : i32
      %dma_wait3A_277 = tpu.memref_slice %arg6[%dma_wait3A_271, %dma_wait3A_276] : memref<2x256xi32, #tpu.memory_space<vmem>> -> memref<1x256xi32, #tpu.memory_space<vmem>>
      %dma_wait3A_278 = tpu.memref_squeeze %dma_wait3A_277 : memref<1x256xi32, #tpu.memory_space<vmem>> -> memref<256xi32, #tpu.memory_space<vmem>>
      %dma_wait3A_279 = tpu.memref_slice %arg2[%multiple_of3A_264] : memref<819712xi32, #tpu.memory_space<hbm>> -> memref<256xi32, #tpu.memory_space<hbm>>
      tpu.wait_dma2 semaphore(%arg11 : memref<!tpu.dma_semaphore, #tpu.memory_space<semaphore_mem>>) src(%dma_wait3A_279 : memref<256xi32, #tpu.memory_space<hbm>>) dst(%dma_wait3A_278 : memref<256xi32, #tpu.memory_space<vmem>>)
      %add3A_280 = arith.constant 1 : i32
      %add3A_281 = arith.addi %add3A_257, %add3A_280 : i32
      %lt3A_282 = arith.constant 100 : i32
      %lt3A_283 = arith.cmpi slt, %add3A_281, %lt3A_282 : i32
      %convert_element_type3A_284 = arith.extui %lt3A_283 : i1 to i32
      %cond3A_285 = arith.constant 0 : i32
      %cond3A_286 = arith.cmpi ne, %convert_element_type3A_284, %cond3A_285 : i32
      scf.if %cond3A_286 {
        %add3A_368 = arith.constant 256 : i32
        %add3A_369 = arith.addi %multiple_of3A_264, %add3A_368 : i32
        %dma_start3A_370 = arith.constant 0 : i32
        %dma_start3A_371 = arith.constant 0 : i32
        %dma_start3A_372 = tpu.memref_slice %arg6[%dma_start3A_370, %dma_start3A_371] : memref<2x256xi32, #tpu.memory_space<vmem>> -> memref<1x256xi32, #tpu.memory_space<vmem>>
        %dma_start3A_373 = tpu.memref_squeeze %dma_start3A_372 : memref<1x256xi32, #tpu.memory_space<vmem>> -> memref<256xi32, #tpu.memory_space<vmem>>
        %dma_start3A_374 = tpu.memref_slice %arg2[%add3A_369] : memref<819712xi32, #tpu.memory_space<hbm>> -> memref<256xi32, #tpu.memory_space<hbm>>
        %dma_start3A_375 = arith.constant 0 : i32
        %dma_start3A_376 = tpu.memref_slice %arg6[%dma_start3A_370, %dma_start3A_375] : memref<2x256xi32, #tpu.memory_space<vmem>> -> memref<1x256xi32, #tpu.memory_space<vmem>>
        %dma_start3A_377 = tpu.memref_squeeze %dma_start3A_376 : memref<1x256xi32, #tpu.memory_space<vmem>> -> memref<256xi32, #tpu.memory_space<vmem>>
        %dma_start3A_378 = tpu.memref_slice %arg2[%add3A_369] : memref<819712xi32, #tpu.memory_space<hbm>> -> memref<256xi32, #tpu.memory_space<hbm>>
        tpu.enqueue_dma source(%dma_start3A_378 : memref<256xi32, #tpu.memory_space<hbm>>) target(%dma_start3A_377 : memref<256xi32, #tpu.memory_space<vmem>>) target_semaphore(%arg10 : memref<!tpu.dma_semaphore, #tpu.memory_space<semaphore_mem>>)
      } else {
      }
      %ge3A_287 = arith.constant 2 : i32
      %ge3A_288 = arith.cmpi sge, %add3A_257, %ge3A_287 : i32
      %convert_element_type3A_289 = arith.extui %ge3A_288 : i1 to i32
      %cond3A_290 = arith.constant 1 : i32
      %cond3A_291 = arith.constant 0 : i32
      %cond3A_292 = arith.cmpi ne, %convert_element_type3A_289, %cond3A_291 : i32
      scf.if %cond3A_292 {
        %dma_wait3A_368 = arith.constant 0 : i32
        %dma_wait3A_369 = tpu.memref_slice %arg7[%cond3A_290, %dma_wait3A_368] : memref<2x32768xf32, #tpu.memory_space<vmem>> -> memref<1x32768xf32, #tpu.memory_space<vmem>>
        %dma_wait3A_370 = tpu.memref_squeeze %dma_wait3A_369 : memref<1x32768xf32, #tpu.memory_space<vmem>> -> memref<32768xf32, #tpu.memory_space<vmem>>
        %dma_wait3A_371 = arith.constant 0 : i32
        %dma_wait3A_372 = tpu.memref_slice %dma_wait3A_370[%dma_wait3A_371] : memref<32768xf32, #tpu.memory_space<vmem>> -> memref<8192xf32, #tpu.memory_space<vmem>>
        %dma_wait3A_373 = arith.constant 0 : i32
        %dma_wait3A_374 = tpu.memref_slice %arg3[%dma_wait3A_373] : memref<104857600xf32, #tpu.memory_space<hbm>> -> memref<8192xf32, #tpu.memory_space<hbm>>
        %dma_wait3A_375 = arith.constant 0 : i32
        %dma_wait3A_376 = tpu.memref_slice %arg7[%cond3A_290, %dma_wait3A_375] : memref<2x32768xf32, #tpu.memory_space<vmem>> -> memref<1x32768xf32, #tpu.memory_space<vmem>>
        %dma_wait3A_377 = tpu.memref_squeeze %dma_wait3A_376 : memref<1x32768xf32, #tpu.memory_space<vmem>> -> memref<32768xf32, #tpu.memory_space<vmem>>
        %dma_wait3A_378 = arith.constant 0 : i32
        %dma_wait3A_379 = tpu.memref_slice %dma_wait3A_377[%dma_wait3A_378] : memref<32768xf32, #tpu.memory_space<vmem>> -> memref<8192xf32, #tpu.memory_space<vmem>>
        %dma_wait3A_380 = arith.constant 0 : i32
        %dma_wait3A_381 = tpu.memref_slice %arg3[%dma_wait3A_380] : memref<104857600xf32, #tpu.memory_space<hbm>> -> memref<8192xf32, #tpu.memory_space<hbm>>
        tpu.wait_dma2 semaphore(%arg9 : memref<!tpu.dma_semaphore, #tpu.memory_space<semaphore_mem>>) src(%dma_wait3A_381 : memref<8192xf32, #tpu.memory_space<hbm>>) dst(%dma_wait3A_379 : memref<8192xf32, #tpu.memory_space<vmem>>)
        %dma_wait3A_382 = arith.constant 0 : i32
        %dma_wait3A_383 = tpu.memref_slice %arg7[%cond3A_290, %dma_wait3A_382] : memref<2x32768xf32, #tpu.memory_space<vmem>> -> memref<1x32768xf32, #tpu.memory_space<vmem>>
        %dma_wait3A_384 = tpu.memref_squeeze %dma_wait3A_383 : memref<1x32768xf32, #tpu.memory_space<vmem>> -> memref<32768xf32, #tpu.memory_space<vmem>>
        %dma_wait3A_385 = arith.constant 8192 : i32
        %dma_wait3A_386 = tpu.memref_slice %dma_wait3A_384[%dma_wait3A_385] : memref<32768xf32, #tpu.memory_space<vmem>> -> memref<8192xf32, #tpu.memory_space<vmem>>
        %dma_wait3A_387 = arith.constant 0 : i32
        %dma_wait3A_388 = tpu.memref_slice %arg3[%dma_wait3A_387] : memref<104857600xf32, #tpu.memory_space<hbm>> -> memref<8192xf32, #tpu.memory_space<hbm>>
        %dma_wait3A_389 = arith.constant 0 : i32
        %dma_wait3A_390 = tpu.memref_slice %arg7[%cond3A_290, %dma_wait3A_389] : memref<2x32768xf32, #tpu.memory_space<vmem>> -> memref<1x32768xf32, #tpu.memory_space<vmem>>
        %dma_wait3A_391 = tpu.memref_squeeze %dma_wait3A_390 : memref<1x32768xf32, #tpu.memory_space<vmem>> -> memref<32768xf32, #tpu.memory_space<vmem>>
        %dma_wait3A_392 = arith.constant 8192 : i32
        %dma_wait3A_393 = tpu.memref_slice %dma_wait3A_391[%dma_wait3A_392] : memref<32768xf32, #tpu.memory_space<vmem>> -> memref<8192xf32, #tpu.memory_space<vmem>>
        %dma_wait3A_394 = arith.constant 0 : i32
        %dma_wait3A_395 = tpu.memref_slice %arg3[%dma_wait3A_394] : memref<104857600xf32, #tpu.memory_space<hbm>> -> memref<8192xf32, #tpu.memory_space<hbm>>
        tpu.wait_dma2 semaphore(%arg9 : memref<!tpu.dma_semaphore, #tpu.memory_space<semaphore_mem>>) src(%dma_wait3A_395 : memref<8192xf32, #tpu.memory_space<hbm>>) dst(%dma_wait3A_393 : memref<8192xf32, #tpu.memory_space<vmem>>)
        %dma_wait3A_396 = arith.constant 0 : i32
        %dma_wait3A_397 = tpu.memref_slice %arg7[%cond3A_290, %dma_wait3A_396] : memref<2x32768xf32, #tpu.memory_space<vmem>> -> memref<1x32768xf32, #tpu.memory_space<vmem>>
        %dma_wait3A_398 = tpu.memref_squeeze %dma_wait3A_397 : memref<1x32768xf32, #tpu.memory_space<vmem>> -> memref<32768xf32, #tpu.memory_space<vmem>>
        %dma_wait3A_399 = arith.constant 16384 : i32
        %dma_wait3A_400 = tpu.memref_slice %dma_wait3A_398[%dma_wait3A_399] : memref<32768xf32, #tpu.memory_space<vmem>> -> memref<8192xf32, #tpu.memory_space<vmem>>
        %dma_wait3A_401 = arith.constant 0 : i32
        %dma_wait3A_402 = tpu.memref_slice %arg3[%dma_wait3A_401] : memref<104857600xf32, #tpu.memory_space<hbm>> -> memref<8192xf32, #tpu.memory_space<hbm>>
        %dma_wait3A_403 = arith.constant 0 : i32
        %dma_wait3A_404 = tpu.memref_slice %arg7[%cond3A_290, %dma_wait3A_403] : memref<2x32768xf32, #tpu.memory_space<vmem>> -> memref<1x32768xf32, #tpu.memory_space<vmem>>
        %dma_wait3A_405 = tpu.memref_squeeze %dma_wait3A_404 : memref<1x32768xf32, #tpu.memory_space<vmem>> -> memref<32768xf32, #tpu.memory_space<vmem>>
        %dma_wait3A_406 = arith.constant 16384 : i32
        %dma_wait3A_407 = tpu.memref_slice %dma_wait3A_405[%dma_wait3A_406] : memref<32768xf32, #tpu.memory_space<vmem>> -> memref<8192xf32, #tpu.memory_space<vmem>>
        %dma_wait3A_408 = arith.constant 0 : i32
        %dma_wait3A_409 = tpu.memref_slice %arg3[%dma_wait3A_408] : memref<104857600xf32, #tpu.memory_space<hbm>> -> memref<8192xf32, #tpu.memory_space<hbm>>
        tpu.wait_dma2 semaphore(%arg9 : memref<!tpu.dma_semaphore, #tpu.memory_space<semaphore_mem>>) src(%dma_wait3A_409 : memref<8192xf32, #tpu.memory_space<hbm>>) dst(%dma_wait3A_407 : memref<8192xf32, #tpu.memory_space<vmem>>)
        %dma_wait3A_410 = arith.constant 0 : i32
        %dma_wait3A_411 = tpu.memref_slice %arg7[%cond3A_290, %dma_wait3A_410] : memref<2x32768xf32, #tpu.memory_space<vmem>> -> memref<1x32768xf32, #tpu.memory_space<vmem>>
        %dma_wait3A_412 = tpu.memref_squeeze %dma_wait3A_411 : memref<1x32768xf32, #tpu.memory_space<vmem>> -> memref<32768xf32, #tpu.memory_space<vmem>>
        %dma_wait3A_413 = arith.constant 24576 : i32
        %dma_wait3A_414 = tpu.memref_slice %dma_wait3A_412[%dma_wait3A_413] : memref<32768xf32, #tpu.memory_space<vmem>> -> memref<8192xf32, #tpu.memory_space<vmem>>
        %dma_wait3A_415 = arith.constant 0 : i32
        %dma_wait3A_416 = tpu.memref_slice %arg3[%dma_wait3A_415] : memref<104857600xf32, #tpu.memory_space<hbm>> -> memref<8192xf32, #tpu.memory_space<hbm>>
        %dma_wait3A_417 = arith.constant 0 : i32
        %dma_wait3A_418 = tpu.memref_slice %arg7[%cond3A_290, %dma_wait3A_417] : memref<2x32768xf32, #tpu.memory_space<vmem>> -> memref<1x32768xf32, #tpu.memory_space<vmem>>
        %dma_wait3A_419 = tpu.memref_squeeze %dma_wait3A_418 : memref<1x32768xf32, #tpu.memory_space<vmem>> -> memref<32768xf32, #tpu.memory_space<vmem>>
        %dma_wait3A_420 = arith.constant 24576 : i32
        %dma_wait3A_421 = tpu.memref_slice %dma_wait3A_419[%dma_wait3A_420] : memref<32768xf32, #tpu.memory_space<vmem>> -> memref<8192xf32, #tpu.memory_space<vmem>>
        %dma_wait3A_422 = arith.constant 0 : i32
        %dma_wait3A_423 = tpu.memref_slice %arg3[%dma_wait3A_422] : memref<104857600xf32, #tpu.memory_space<hbm>> -> memref<8192xf32, #tpu.memory_space<hbm>>
        tpu.wait_dma2 semaphore(%arg9 : memref<!tpu.dma_semaphore, #tpu.memory_space<semaphore_mem>>) src(%dma_wait3A_423 : memref<8192xf32, #tpu.memory_space<hbm>>) dst(%dma_wait3A_421 : memref<8192xf32, #tpu.memory_space<vmem>>)
      } else {
      }
      %scan3A_293 = arith.constant 1 : i32
      %scan3A_294 = arith.constant 1 : i32
      %scan3A_295 = arith.constant 0 : i32
      %scan3A_296 = arith.constant 16 : i32
      %scan3A_297 = arith.addi %scan3A_295, %scan3A_296 : i32
      %scan3A_298 = arith.constant 1 : i32
      scf.for %scan3A_368 = %scan3A_295 to %scan3A_297 step %scan3A_298  : i32 {
        %mul3A_369 = arith.constant 1 : i32
        %mul3A_370 = arith.muli %scan3A_368, %mul3A_369 : i32
        %add3A_371 = arith.constant 0 : i32
        %add3A_372 = arith.addi %add3A_371, %mul3A_370 : i32
        %mul3A_373 = arith.constant 16 : i32
        %mul3A_374 = arith.muli %add3A_372, %mul3A_373 : i32
        %get3A = arith.constant 0 : i32
        %get3A_375 = tpu.memref_slice %arg6[%scan3A_293, %get3A] : memref<2x256xi32, #tpu.memory_space<vmem>> -> memref<1x256xi32, #tpu.memory_space<vmem>>
        %get3A_376 = tpu.memref_squeeze %get3A_375 : memref<1x256xi32, #tpu.memory_space<vmem>> -> memref<256xi32, #tpu.memory_space<vmem>>
        %get3A_377 = arith.index_cast %mul3A_374 : i32 to index
        %get3A_378 = tpu.vector_load %get3A_376[%get3A_377] {strides = array<i32>} : memref<256xi32, #tpu.memory_space<vmem>>, vector<16xi32>,
        %shift_right_logical3A = arith.constant 0 : i32
        %shift_right_logical3A_379 = vector.broadcast %shift_right_logical3A : i32 to vector<16xi32>
        %shift_right_logical3A_380 = arith.shrui %get3A_378, %shift_right_logical3A_379 : vector<16xi32>
        %and3A = arith.constant 255 : i32
        %and3A_381 = vector.broadcast %and3A : i32 to vector<16xi32>
        %and3A_382 = arith.andi %shift_right_logical3A_380, %and3A_381 : vector<16xi32>
        %mul3A_383 = arith.constant 32 : i32
        %mul3A_384 = vector.broadcast %mul3A_383 : i32 to vector<16xi32>
        %mul3A_385 = arith.muli %and3A_382, %mul3A_384 : vector<16xi32>
        %add3A_386 = arith.addi %mul3A_11, %mul3A_385 : vector<16xi32>
        %mul3A_387 = arith.constant 4 : i32
        %mul3A_388 = arith.muli %add3A_372, %mul3A_387 : i32
        %add3A_389 = arith.constant 0 : i32
        %add3A_390 = arith.addi %mul3A_388, %add3A_389 : i32
        %shift_right_logical3A_391 = arith.constant 3 : i32
        %shift_right_logical3A_392 = arith.shrui %add3A_390, %shift_right_logical3A_391 : i32
        %shift_left3A = arith.constant 10 : i32
        %shift_left3A_393 = arith.shli %shift_right_logical3A_392, %shift_left3A : i32
        %and3A_394 = arith.constant 7 : i32
        %and3A_395 = arith.andi %add3A_390, %and3A_394 : i32
        %shift_left3A_396 = arith.constant 4 : i32
        %shift_left3A_397 = arith.shli %and3A_395, %shift_left3A_396 : i32
        %add3A_398 = arith.addi %shift_left3A_393, %shift_left3A_397 : i32
        %add3A_399 = arith.constant 0 : i32
        %add3A_400 = vector.broadcast %add3A_399 : i32 to vector<16xi32>
        %add3A_401 = arith.addi %add3A_386, %add3A_400 : vector<16xi32>
        %gather3A = tpu.vector_load_idx %arg4[%add3A_401] : memref<8208xf32, #tpu.memory_space<vmem>>[vector<16xi32>], vector<16xf32>,
        %add3A_402 = arith.constant 0 : i32
        %add3A_403 = arith.addi %add3A_398, %add3A_402 : i32
        %swap3A = arith.constant 0 : i32
        %swap3A_404 = tpu.memref_slice %arg7[%scan3A_294, %swap3A] : memref<2x32768xf32, #tpu.memory_space<vmem>> -> memref<1x32768xf32, #tpu.memory_space<vmem>>
        %swap3A_405 = tpu.memref_squeeze %swap3A_404 : memref<1x32768xf32, #tpu.memory_space<vmem>> -> memref<32768xf32, #tpu.memory_space<vmem>>
        %swap3A_406 = arith.index_cast %add3A_403 : i32 to index
        %swap3A_407 = tpu.vector_load %swap3A_405[%swap3A_406] {strides = array<i32>} : memref<32768xf32, #tpu.memory_space<vmem>>, vector<16xf32>,
        tpu.vector_store %swap3A_405[%swap3A_406], %gather3A {strides = array<i32>} : memref<32768xf32, #tpu.memory_space<vmem>>, vector<16xf32>,
        %add3A_408 = arith.constant 1 : i32
        %add3A_409 = vector.broadcast %add3A_408 : i32 to vector<16xi32>
        %add3A_410 = arith.addi %add3A_386, %add3A_409 : vector<16xi32>
        %gather3A_411 = tpu.vector_load_idx %arg4[%add3A_410] : memref<8208xf32, #tpu.memory_space<vmem>>[vector<16xi32>], vector<16xf32>,
        %add3A_412 = arith.constant 128 : i32
        %add3A_413 = arith.addi %add3A_398, %add3A_412 : i32
        %swap3A_414 = arith.constant 0 : i32
        %swap3A_415 = tpu.memref_slice %arg7[%scan3A_294, %swap3A_414] : memref<2x32768xf32, #tpu.memory_space<vmem>> -> memref<1x32768xf32, #tpu.memory_space<vmem>>
        %swap3A_416 = tpu.memref_squeeze %swap3A_415 : memref<1x32768xf32, #tpu.memory_space<vmem>> -> memref<32768xf32, #tpu.memory_space<vmem>>
        %swap3A_417 = arith.index_cast %add3A_413 : i32 to index
        %swap3A_418 = tpu.vector_load %swap3A_416[%swap3A_417] {strides = array<i32>} : memref<32768xf32, #tpu.memory_space<vmem>>, vector<16xf32>,
        tpu.vector_store %swap3A_416[%swap3A_417], %gather3A_411 {strides = array<i32>} : memref<32768xf32, #tpu.memory_space<vmem>>, vector<16xf32>,
        %add3A_419 = arith.constant 2 : i32
        %add3A_420 = vector.broadcast %add3A_419 : i32 to vector<16xi32>
        %add3A_421 = arith.addi %add3A_386, %add3A_420 : vector<16xi32>
        %gather3A_422 = tpu.vector_load_idx %arg4[%add3A_421] : memref<8208xf32, #tpu.memory_space<vmem>>[vector<16xi32>], vector<16xf32>,
        %add3A_423 = arith.constant 256 : i32
        %add3A_424 = arith.addi %add3A_398, %add3A_423 : i32
        %swap3A_425 = arith.constant 0 : i32
        %swap3A_426 = tpu.memref_slice %arg7[%scan3A_294, %swap3A_425] : memref<2x32768xf32, #tpu.memory_space<vmem>> -> memref<1x32768xf32, #tpu.memory_space<vmem>>
        %swap3A_427 = tpu.memref_squeeze %swap3A_426 : memref<1x32768xf32, #tpu.memory_space<vmem>> -> memref<32768xf32, #tpu.memory_space<vmem>>
        %swap3A_428 = arith.index_cast %add3A_424 : i32 to index
        %swap3A_429 = tpu.vector_load %swap3A_427[%swap3A_428] {strides = array<i32>} : memref<32768xf32, #tpu.memory_space<vmem>>, vector<16xf32>,
        tpu.vector_store %swap3A_427[%swap3A_428], %gather3A_422 {strides = array<i32>} : memref<32768xf32, #tpu.memory_space<vmem>>, vector<16xf32>,
        %add3A_430 = arith.constant 3 : i32
        %add3A_431 = vector.broadcast %add3A_430 : i32 to vector<16xi32>
        %add3A_432 = arith.addi %add3A_386, %add3A_431 : vector<16xi32>
        %gather3A_433 = tpu.vector_load_idx %arg4[%add3A_432] : memref<8208xf32, #tpu.memory_space<vmem>>[vector<16xi32>], vector<16xf32>,
        %add3A_434 = arith.constant 384 : i32
        %add3A_435 = arith.addi %add3A_398, %add3A_434 : i32
        %swap3A_436 = arith.constant 0 : i32
        %swap3A_437 = tpu.memref_slice %arg7[%scan3A_294, %swap3A_436] : memref<2x32768xf32, #tpu.memory_space<vmem>> -> memref<1x32768xf32, #tpu.memory_space<vmem>>
        %swap3A_438 = tpu.memref_squeeze %swap3A_437 : memref<1x32768xf32, #tpu.memory_space<vmem>> -> memref<32768xf32, #tpu.memory_space<vmem>>
        %swap3A_439 = arith.index_cast %add3A_435 : i32 to index
        %swap3A_440 = tpu.vector_load %swap3A_438[%swap3A_439] {strides = array<i32>} : memref<32768xf32, #tpu.memory_space<vmem>>, vector<16xf32>,
        tpu.vector_store %swap3A_438[%swap3A_439], %gather3A_433 {strides = array<i32>} : memref<32768xf32, #tpu.memory_space<vmem>>, vector<16xf32>,
        %add3A_441 = arith.constant 4 : i32
        %add3A_442 = vector.broadcast %add3A_441 : i32 to vector<16xi32>
        %add3A_443 = arith.addi %add3A_386, %add3A_442 : vector<16xi32>
        %gather3A_444 = tpu.vector_load_idx %arg4[%add3A_443] : memref<8208xf32, #tpu.memory_space<vmem>>[vector<16xi32>], vector<16xf32>,
        %add3A_445 = arith.constant 512 : i32
        %add3A_446 = arith.addi %add3A_398, %add3A_445 : i32
        %swap3A_447 = arith.constant 0 : i32
        %swap3A_448 = tpu.memref_slice %arg7[%scan3A_294, %swap3A_447] : memref<2x32768xf32, #tpu.memory_space<vmem>> -> memref<1x32768xf32, #tpu.memory_space<vmem>>
        %swap3A_449 = tpu.memref_squeeze %swap3A_448 : memref<1x32768xf32, #tpu.memory_space<vmem>> -> memref<32768xf32, #tpu.memory_space<vmem>>
        %swap3A_450 = arith.index_cast %add3A_446 : i32 to index
        %swap3A_451 = tpu.vector_load %swap3A_449[%swap3A_450] {strides = array<i32>} : memref<32768xf32, #tpu.memory_space<vmem>>, vector<16xf32>,
        tpu.vector_store %swap3A_449[%swap3A_450], %gather3A_444 {strides = array<i32>} : memref<32768xf32, #tpu.memory_space<vmem>>, vector<16xf32>,
        %add3A_452 = arith.constant 5 : i32
        %add3A_453 = vector.broadcast %add3A_452 : i32 to vector<16xi32>
        %add3A_454 = arith.addi %add3A_386, %add3A_453 : vector<16xi32>
        %gather3A_455 = tpu.vector_load_idx %arg4[%add3A_454] : memref<8208xf32, #tpu.memory_space<vmem>>[vector<16xi32>], vector<16xf32>,
        %add3A_456 = arith.constant 640 : i32
        %add3A_457 = arith.addi %add3A_398, %add3A_456 : i32
        %swap3A_458 = arith.constant 0 : i32
        %swap3A_459 = tpu.memref_slice %arg7[%scan3A_294, %swap3A_458] : memref<2x32768xf32, #tpu.memory_space<vmem>> -> memref<1x32768xf32, #tpu.memory_space<vmem>>
        %swap3A_460 = tpu.memref_squeeze %swap3A_459 : memref<1x32768xf32, #tpu.memory_space<vmem>> -> memref<32768xf32, #tpu.memory_space<vmem>>
        %swap3A_461 = arith.index_cast %add3A_457 : i32 to index
        %swap3A_462 = tpu.vector_load %swap3A_460[%swap3A_461] {strides = array<i32>} : memref<32768xf32, #tpu.memory_space<vmem>>, vector<16xf32>,
        tpu.vector_store %swap3A_460[%swap3A_461], %gather3A_455 {strides = array<i32>} : memref<32768xf32, #tpu.memory_space<vmem>>, vector<16xf32>,
        %add3A_463 = arith.constant 6 : i32
        %add3A_464 = vector.broadcast %add3A_463 : i32 to vector<16xi32>
        %add3A_465 = arith.addi %add3A_386, %add3A_464 : vector<16xi32>
        %gather3A_466 = tpu.vector_load_idx %arg4[%add3A_465] : memref<8208xf32, #tpu.memory_space<vmem>>[vector<16xi32>], vector<16xf32>,
        %add3A_467 = arith.constant 768 : i32
        %add3A_468 = arith.addi %add3A_398, %add3A_467 : i32
        %swap3A_469 = arith.constant 0 : i32
        %swap3A_470 = tpu.memref_slice %arg7[%scan3A_294, %swap3A_469] : memref<2x32768xf32, #tpu.memory_space<vmem>> -> memref<1x32768xf32, #tpu.memory_space<vmem>>
        %swap3A_471 = tpu.memref_squeeze %swap3A_470 : memref<1x32768xf32, #tpu.memory_space<vmem>> -> memref<32768xf32, #tpu.memory_space<vmem>>
        %swap3A_472 = arith.index_cast %add3A_468 : i32 to index
        %swap3A_473 = tpu.vector_load %swap3A_471[%swap3A_472] {strides = array<i32>} : memref<32768xf32, #tpu.memory_space<vmem>>, vector<16xf32>,
        tpu.vector_store %swap3A_471[%swap3A_472], %gather3A_466 {strides = array<i32>} : memref<32768xf32, #tpu.memory_space<vmem>>, vector<16xf32>,
        %add3A_474 = arith.constant 7 : i32
        %add3A_475 = vector.broadcast %add3A_474 : i32 to vector<16xi32>
        %add3A_476 = arith.addi %add3A_386, %add3A_475 : vector<16xi32>
        %gather3A_477 = tpu.vector_load_idx %arg4[%add3A_476] : memref<8208xf32, #tpu.memory_space<vmem>>[vector<16xi32>], vector<16xf32>,
        %add3A_478 = arith.constant 896 : i32
        %add3A_479 = arith.addi %add3A_398, %add3A_478 : i32
        %swap3A_480 = arith.constant 0 : i32
        %swap3A_481 = tpu.memref_slice %arg7[%scan3A_294, %swap3A_480] : memref<2x32768xf32, #tpu.memory_space<vmem>> -> memref<1x32768xf32, #tpu.memory_space<vmem>>
        %swap3A_482 = tpu.memref_squeeze %swap3A_481 : memref<1x32768xf32, #tpu.memory_space<vmem>> -> memref<32768xf32, #tpu.memory_space<vmem>>
        %swap3A_483 = arith.index_cast %add3A_479 : i32 to index
        %swap3A_484 = tpu.vector_load %swap3A_482[%swap3A_483] {strides = array<i32>} : memref<32768xf32, #tpu.memory_space<vmem>>, vector<16xf32>,
        tpu.vector_store %swap3A_482[%swap3A_483], %gather3A_477 {strides = array<i32>} : memref<32768xf32, #tpu.memory_space<vmem>>, vector<16xf32>,
        %add3A_485 = arith.constant 8 : i32
        %add3A_486 = vector.broadcast %add3A_485 : i32 to vector<16xi32>
        %add3A_487 = arith.addi %add3A_386, %add3A_486 : vector<16xi32>
        %gather3A_488 = tpu.vector_load_idx %arg4[%add3A_487] : memref<8208xf32, #tpu.memory_space<vmem>>[vector<16xi32>], vector<16xf32>,
        %add3A_489 = arith.constant 8192 : i32
        %add3A_490 = arith.addi %add3A_398, %add3A_489 : i32
        %swap3A_491 = arith.constant 0 : i32
        %swap3A_492 = tpu.memref_slice %arg7[%scan3A_294, %swap3A_491] : memref<2x32768xf32, #tpu.memory_space<vmem>> -> memref<1x32768xf32, #tpu.memory_space<vmem>>
        %swap3A_493 = tpu.memref_squeeze %swap3A_492 : memref<1x32768xf32, #tpu.memory_space<vmem>> -> memref<32768xf32, #tpu.memory_space<vmem>>
        %swap3A_494 = arith.index_cast %add3A_490 : i32 to index
        %swap3A_495 = tpu.vector_load %swap3A_493[%swap3A_494] {strides = array<i32>} : memref<32768xf32, #tpu.memory_space<vmem>>, vector<16xf32>,
        tpu.vector_store %swap3A_493[%swap3A_494], %gather3A_488 {strides = array<i32>} : memref<32768xf32, #tpu.memory_space<vmem>>, vector<16xf32>,
        %add3A_496 = arith.constant 9 : i32
        %add3A_497 = vector.broadcast %add3A_496 : i32 to vector<16xi32>
        %add3A_498 = arith.addi %add3A_386, %add3A_497 : vector<16xi32>
        %gather3A_499 = tpu.vector_load_idx %arg4[%add3A_498] : memref<8208xf32, #tpu.memory_space<vmem>>[vector<16xi32>], vector<16xf32>,
        %add3A_500 = arith.constant 8320 : i32
        %add3A_501 = arith.addi %add3A_398, %add3A_500 : i32
        %swap3A_502 = arith.constant 0 : i32
        %swap3A_503 = tpu.memref_slice %arg7[%scan3A_294, %swap3A_502] : memref<2x32768xf32, #tpu.memory_space<vmem>> -> memref<1x32768xf32, #tpu.memory_space<vmem>>
        %swap3A_504 = tpu.memref_squeeze %swap3A_503 : memref<1x32768xf32, #tpu.memory_space<vmem>> -> memref<32768xf32, #tpu.memory_space<vmem>>
        %swap3A_505 = arith.index_cast %add3A_501 : i32 to index
        %swap3A_506 = tpu.vector_load %swap3A_504[%swap3A_505] {strides = array<i32>} : memref<32768xf32, #tpu.memory_space<vmem>>, vector<16xf32>,
        tpu.vector_store %swap3A_504[%swap3A_505], %gather3A_499 {strides = array<i32>} : memref<32768xf32, #tpu.memory_space<vmem>>, vector<16xf32>,
        %add3A_507 = arith.constant 10 : i32
        %add3A_508 = vector.broadcast %add3A_507 : i32 to vector<16xi32>
        %add3A_509 = arith.addi %add3A_386, %add3A_508 : vector<16xi32>
        %gather3A_510 = tpu.vector_load_idx %arg4[%add3A_509] : memref<8208xf32, #tpu.memory_space<vmem>>[vector<16xi32>], vector<16xf32>,
        %add3A_511 = arith.constant 8448 : i32
        %add3A_512 = arith.addi %add3A_398, %add3A_511 : i32
        %swap3A_513 = arith.constant 0 : i32
        %swap3A_514 = tpu.memref_slice %arg7[%scan3A_294, %swap3A_513] : memref<2x32768xf32, #tpu.memory_space<vmem>> -> memref<1x32768xf32, #tpu.memory_space<vmem>>
        %swap3A_515 = tpu.memref_squeeze %swap3A_514 : memref<1x32768xf32, #tpu.memory_space<vmem>> -> memref<32768xf32, #tpu.memory_space<vmem>>
        %swap3A_516 = arith.index_cast %add3A_512 : i32 to index
        %swap3A_517 = tpu.vector_load %swap3A_515[%swap3A_516] {strides = array<i32>} : memref<32768xf32, #tpu.memory_space<vmem>>, vector<16xf32>,
        tpu.vector_store %swap3A_515[%swap3A_516], %gather3A_510 {strides = array<i32>} : memref<32768xf32, #tpu.memory_space<vmem>>, vector<16xf32>,
        %add3A_518 = arith.constant 11 : i32
        %add3A_519 = vector.broadcast %add3A_518 : i32 to vector<16xi32>
        %add3A_520 = arith.addi %add3A_386, %add3A_519 : vector<16xi32>
        %gather3A_521 = tpu.vector_load_idx %arg4[%add3A_520] : memref<8208xf32, #tpu.memory_space<vmem>>[vector<16xi32>], vector<16xf32>,
        %add3A_522 = arith.constant 8576 : i32
        %add3A_523 = arith.addi %add3A_398, %add3A_522 : i32
        %swap3A_524 = arith.constant 0 : i32
        %swap3A_525 = tpu.memref_slice %arg7[%scan3A_294, %swap3A_524] : memref<2x32768xf32, #tpu.memory_space<vmem>> -> memref<1x32768xf32, #tpu.memory_space<vmem>>
        %swap3A_526 = tpu.memref_squeeze %swap3A_525 : memref<1x32768xf32, #tpu.memory_space<vmem>> -> memref<32768xf32, #tpu.memory_space<vmem>>
        %swap3A_527 = arith.index_cast %add3A_523 : i32 to index
        %swap3A_528 = tpu.vector_load %swap3A_526[%swap3A_527] {strides = array<i32>} : memref<32768xf32, #tpu.memory_space<vmem>>, vector<16xf32>,
        tpu.vector_store %swap3A_526[%swap3A_527], %gather3A_521 {strides = array<i32>} : memref<32768xf32, #tpu.memory_space<vmem>>, vector<16xf32>,
        %add3A_529 = arith.constant 12 : i32
        %add3A_530 = vector.broadcast %add3A_529 : i32 to vector<16xi32>
        %add3A_531 = arith.addi %add3A_386, %add3A_530 : vector<16xi32>
        %gather3A_532 = tpu.vector_load_idx %arg4[%add3A_531] : memref<8208xf32, #tpu.memory_space<vmem>>[vector<16xi32>], vector<16xf32>,
        %add3A_533 = arith.constant 8704 : i32
        %add3A_534 = arith.addi %add3A_398, %add3A_533 : i32
        %swap3A_535 = arith.constant 0 : i32
        %swap3A_536 = tpu.memref_slice %arg7[%scan3A_294, %swap3A_535] : memref<2x32768xf32, #tpu.memory_space<vmem>> -> memref<1x32768xf32, #tpu.memory_space<vmem>>
        %swap3A_537 = tpu.memref_squeeze %swap3A_536 : memref<1x32768xf32, #tpu.memory_space<vmem>> -> memref<32768xf32, #tpu.memory_space<vmem>>
        %swap3A_538 = arith.index_cast %add3A_534 : i32 to index
        %swap3A_539 = tpu.vector_load %swap3A_537[%swap3A_538] {strides = array<i32>} : memref<32768xf32, #tpu.memory_space<vmem>>, vector<16xf32>,
        tpu.vector_store %swap3A_537[%swap3A_538], %gather3A_532 {strides = array<i32>} : memref<32768xf32, #tpu.memory_space<vmem>>, vector<16xf32>,
        %add3A_540 = arith.constant 13 : i32
        %add3A_541 = vector.broadcast %add3A_540 : i32 to vector<16xi32>
        %add3A_542 = arith.addi %add3A_386, %add3A_541 : vector<16xi32>
        %gather3A_543 = tpu.vector_load_idx %arg4[%add3A_542] : memref<8208xf32, #tpu.memory_space<vmem>>[vector<16xi32>], vector<16xf32>,
        %add3A_544 = arith.constant 8832 : i32
        %add3A_545 = arith.addi %add3A_398, %add3A_544 : i32
        %swap3A_546 = arith.constant 0 : i32
        %swap3A_547 = tpu.memref_slice %arg7[%scan3A_294, %swap3A_546] : memref<2x32768xf32, #tpu.memory_space<vmem>> -> memref<1x32768xf32, #tpu.memory_space<vmem>>
        %swap3A_548 = tpu.memref_squeeze %swap3A_547 : memref<1x32768xf32, #tpu.memory_space<vmem>> -> memref<32768xf32, #tpu.memory_space<vmem>>
        %swap3A_549 = arith.index_cast %add3A_545 : i32 to index
        %swap3A_550 = tpu.vector_load %swap3A_548[%swap3A_549] {strides = array<i32>} : memref<32768xf32, #tpu.memory_space<vmem>>, vector<16xf32>,
        tpu.vector_store %swap3A_548[%swap3A_549], %gather3A_543 {strides = array<i32>} : memref<32768xf32, #tpu.memory_space<vmem>>, vector<16xf32>,
        %add3A_551 = arith.constant 14 : i32
        %add3A_552 = vector.broadcast %add3A_551 : i32 to vector<16xi32>
        %add3A_553 = arith.addi %add3A_386, %add3A_552 : vector<16xi32>
        %gather3A_554 = tpu.vector_load_idx %arg4[%add3A_553] : memref<8208xf32, #tpu.memory_space<vmem>>[vector<16xi32>], vector<16xf32>,
        %add3A_555 = arith.constant 8960 : i32
        %add3A_556 = arith.addi %add3A_398, %add3A_555 : i32
        %swap3A_557 = arith.constant 0 : i32
        %swap3A_558 = tpu.memref_slice %arg7[%scan3A_294, %swap3A_557] : memref<2x32768xf32, #tpu.memory_space<vmem>> -> memref<1x32768xf32, #tpu.memory_space<vmem>>
        %swap3A_559 = tpu.memref_squeeze %swap3A_558 : memref<1x32768xf32, #tpu.memory_space<vmem>> -> memref<32768xf32, #tpu.memory_space<vmem>>
        %swap3A_560 = arith.index_cast %add3A_556 : i32 to index
        %swap3A_561 = tpu.vector_load %swap3A_559[%swap3A_560] {strides = array<i32>} : memref<32768xf32, #tpu.memory_space<vmem>>, vector<16xf32>,
        tpu.vector_store %swap3A_559[%swap3A_560], %gather3A_554 {strides = array<i32>} : memref<32768xf32, #tpu.memory_space<vmem>>, vector<16xf32>,
        %add3A_562 = arith.constant 15 : i32
        %add3A_563 = vector.broadcast %add3A_562 : i32 to vector<16xi32>
        %add3A_564 = arith.addi %add3A_386, %add3A_563 : vector<16xi32>
        %gather3A_565 = tpu.vector_load_idx %arg4[%add3A_564] : memref<8208xf32, #tpu.memory_space<vmem>>[vector<16xi32>], vector<16xf32>,
        %add3A_566 = arith.constant 9088 : i32
        %add3A_567 = arith.addi %add3A_398, %add3A_566 : i32
        %swap3A_568 = arith.constant 0 : i32
        %swap3A_569 = tpu.memref_slice %arg7[%scan3A_294, %swap3A_568] : memref<2x32768xf32, #tpu.memory_space<vmem>> -> memref<1x32768xf32, #tpu.memory_space<vmem>>
        %swap3A_570 = tpu.memref_squeeze %swap3A_569 : memref<1x32768xf32, #tpu.memory_space<vmem>> -> memref<32768xf32, #tpu.memory_space<vmem>>
        %swap3A_571 = arith.index_cast %add3A_567 : i32 to index
        %swap3A_572 = tpu.vector_load %swap3A_570[%swap3A_571] {strides = array<i32>} : memref<32768xf32, #tpu.memory_space<vmem>>, vector<16xf32>,
        tpu.vector_store %swap3A_570[%swap3A_571], %gather3A_565 {strides = array<i32>} : memref<32768xf32, #tpu.memory_space<vmem>>, vector<16xf32>,
        %add3A_573 = arith.constant 16 : i32
        %add3A_574 = vector.broadcast %add3A_573 : i32 to vector<16xi32>
        %add3A_575 = arith.addi %add3A_386, %add3A_574 : vector<16xi32>
        %gather3A_576 = tpu.vector_load_idx %arg4[%add3A_575] : memref<8208xf32, #tpu.memory_space<vmem>>[vector<16xi32>], vector<16xf32>,
        %add3A_577 = arith.constant 16384 : i32
        %add3A_578 = arith.addi %add3A_398, %add3A_577 : i32
        %swap3A_579 = arith.constant 0 : i32
        %swap3A_580 = tpu.memref_slice %arg7[%scan3A_294, %swap3A_579] : memref<2x32768xf32, #tpu.memory_space<vmem>> -> memref<1x32768xf32, #tpu.memory_space<vmem>>
        %swap3A_581 = tpu.memref_squeeze %swap3A_580 : memref<1x32768xf32, #tpu.memory_space<vmem>> -> memref<32768xf32, #tpu.memory_space<vmem>>
        %swap3A_582 = arith.index_cast %add3A_578 : i32 to index
        %swap3A_583 = tpu.vector_load %swap3A_581[%swap3A_582] {strides = array<i32>} : memref<32768xf32, #tpu.memory_space<vmem>>, vector<16xf32>,
        tpu.vector_store %swap3A_581[%swap3A_582], %gather3A_576 {strides = array<i32>} : memref<32768xf32, #tpu.memory_space<vmem>>, vector<16xf32>,
        %add3A_584 = arith.constant 17 : i32
        %add3A_585 = vector.broadcast %add3A_584 : i32 to vector<16xi32>
        %add3A_586 = arith.addi %add3A_386, %add3A_585 : vector<16xi32>
        %gather3A_587 = tpu.vector_load_idx %arg4[%add3A_586] : memref<8208xf32, #tpu.memory_space<vmem>>[vector<16xi32>], vector<16xf32>,
        %add3A_588 = arith.constant 16512 : i32
        %add3A_589 = arith.addi %add3A_398, %add3A_588 : i32
        %swap3A_590 = arith.constant 0 : i32
        %swap3A_591 = tpu.memref_slice %arg7[%scan3A_294, %swap3A_590] : memref<2x32768xf32, #tpu.memory_space<vmem>> -> memref<1x32768xf32, #tpu.memory_space<vmem>>
        %swap3A_592 = tpu.memref_squeeze %swap3A_591 : memref<1x32768xf32, #tpu.memory_space<vmem>> -> memref<32768xf32, #tpu.memory_space<vmem>>
        %swap3A_593 = arith.index_cast %add3A_589 : i32 to index
        %swap3A_594 = tpu.vector_load %swap3A_592[%swap3A_593] {strides = array<i32>} : memref<32768xf32, #tpu.memory_space<vmem>>, vector<16xf32>,
        tpu.vector_store %swap3A_592[%swap3A_593], %gather3A_587 {strides = array<i32>} : memref<32768xf32, #tpu.memory_space<vmem>>, vector<16xf32>,
        %add3A_595 = arith.constant 18 : i32
        %add3A_596 = vector.broadcast %add3A_595 : i32 to vector<16xi32>
        %add3A_597 = arith.addi %add3A_386, %add3A_596 : vector<16xi32>
        %gather3A_598 = tpu.vector_load_idx %arg4[%add3A_597] : memref<8208xf32, #tpu.memory_space<vmem>>[vector<16xi32>], vector<16xf32>,
        %add3A_599 = arith.constant 16640 : i32
        %add3A_600 = arith.addi %add3A_398, %add3A_599 : i32
        %swap3A_601 = arith.constant 0 : i32
        %swap3A_602 = tpu.memref_slice %arg7[%scan3A_294, %swap3A_601] : memref<2x32768xf32, #tpu.memory_space<vmem>> -> memref<1x32768xf32, #tpu.memory_space<vmem>>
        %swap3A_603 = tpu.memref_squeeze %swap3A_602 : memref<1x32768xf32, #tpu.memory_space<vmem>> -> memref<32768xf32, #tpu.memory_space<vmem>>
        %swap3A_604 = arith.index_cast %add3A_600 : i32 to index
        %swap3A_605 = tpu.vector_load %swap3A_603[%swap3A_604] {strides = array<i32>} : memref<32768xf32, #tpu.memory_space<vmem>>, vector<16xf32>,
        tpu.vector_store %swap3A_603[%swap3A_604], %gather3A_598 {strides = array<i32>} : memref<32768xf32, #tpu.memory_space<vmem>>, vector<16xf32>,
        %add3A_606 = arith.constant 19 : i32
        %add3A_607 = vector.broadcast %add3A_606 : i32 to vector<16xi32>
        %add3A_608 = arith.addi %add3A_386, %add3A_607 : vector<16xi32>
        %gather3A_609 = tpu.vector_load_idx %arg4[%add3A_608] : memref<8208xf32, #tpu.memory_space<vmem>>[vector<16xi32>], vector<16xf32>,
        %add3A_610 = arith.constant 16768 : i32
        %add3A_611 = arith.addi %add3A_398, %add3A_610 : i32
        %swap3A_612 = arith.constant 0 : i32
        %swap3A_613 = tpu.memref_slice %arg7[%scan3A_294, %swap3A_612] : memref<2x32768xf32, #tpu.memory_space<vmem>> -> memref<1x32768xf32, #tpu.memory_space<vmem>>
        %swap3A_614 = tpu.memref_squeeze %swap3A_613 : memref<1x32768xf32, #tpu.memory_space<vmem>> -> memref<32768xf32, #tpu.memory_space<vmem>>
        %swap3A_615 = arith.index_cast %add3A_611 : i32 to index
        %swap3A_616 = tpu.vector_load %swap3A_614[%swap3A_615] {strides = array<i32>} : memref<32768xf32, #tpu.memory_space<vmem>>, vector<16xf32>,
        tpu.vector_store %swap3A_614[%swap3A_615], %gather3A_609 {strides = array<i32>} : memref<32768xf32, #tpu.memory_space<vmem>>, vector<16xf32>,
        %add3A_617 = arith.constant 20 : i32
        %add3A_618 = vector.broadcast %add3A_617 : i32 to vector<16xi32>
        %add3A_619 = arith.addi %add3A_386, %add3A_618 : vector<16xi32>
        %gather3A_620 = tpu.vector_load_idx %arg4[%add3A_619] : memref<8208xf32, #tpu.memory_space<vmem>>[vector<16xi32>], vector<16xf32>,
        %add3A_621 = arith.constant 16896 : i32
        %add3A_622 = arith.addi %add3A_398, %add3A_621 : i32
        %swap3A_623 = arith.constant 0 : i32
        %swap3A_624 = tpu.memref_slice %arg7[%scan3A_294, %swap3A_623] : memref<2x32768xf32, #tpu.memory_space<vmem>> -> memref<1x32768xf32, #tpu.memory_space<vmem>>
        %swap3A_625 = tpu.memref_squeeze %swap3A_624 : memref<1x32768xf32, #tpu.memory_space<vmem>> -> memref<32768xf32, #tpu.memory_space<vmem>>
        %swap3A_626 = arith.index_cast %add3A_622 : i32 to index
        %swap3A_627 = tpu.vector_load %swap3A_625[%swap3A_626] {strides = array<i32>} : memref<32768xf32, #tpu.memory_space<vmem>>, vector<16xf32>,
        tpu.vector_store %swap3A_625[%swap3A_626], %gather3A_620 {strides = array<i32>} : memref<32768xf32, #tpu.memory_space<vmem>>, vector<16xf32>,
        %add3A_628 = arith.constant 21 : i32
        %add3A_629 = vector.broadcast %add3A_628 : i32 to vector<16xi32>
        %add3A_630 = arith.addi %add3A_386, %add3A_629 : vector<16xi32>
        %gather3A_631 = tpu.vector_load_idx %arg4[%add3A_630] : memref<8208xf32, #tpu.memory_space<vmem>>[vector<16xi32>], vector<16xf32>,
        %add3A_632 = arith.constant 17024 : i32
        %add3A_633 = arith.addi %add3A_398, %add3A_632 : i32
        %swap3A_634 = arith.constant 0 : i32
        %swap3A_635 = tpu.memref_slice %arg7[%scan3A_294, %swap3A_634] : memref<2x32768xf32, #tpu.memory_space<vmem>> -> memref<1x32768xf32, #tpu.memory_space<vmem>>
        %swap3A_636 = tpu.memref_squeeze %swap3A_635 : memref<1x32768xf32, #tpu.memory_space<vmem>> -> memref<32768xf32, #tpu.memory_space<vmem>>
        %swap3A_637 = arith.index_cast %add3A_633 : i32 to index
        %swap3A_638 = tpu.vector_load %swap3A_636[%swap3A_637] {strides = array<i32>} : memref<32768xf32, #tpu.memory_space<vmem>>, vector<16xf32>,
        tpu.vector_store %swap3A_636[%swap3A_637], %gather3A_631 {strides = array<i32>} : memref<32768xf32, #tpu.memory_space<vmem>>, vector<16xf32>,
        %add3A_639 = arith.constant 22 : i32
        %add3A_640 = vector.broadcast %add3A_639 : i32 to vector<16xi32>
        %add3A_641 = arith.addi %add3A_386, %add3A_640 : vector<16xi32>
        %gather3A_642 = tpu.vector_load_idx %arg4[%add3A_641] : memref<8208xf32, #tpu.memory_space<vmem>>[vector<16xi32>], vector<16xf32>,
        %add3A_643 = arith.constant 17152 : i32
        %add3A_644 = arith.addi %add3A_398, %add3A_643 : i32
        %swap3A_645 = arith.constant 0 : i32
        %swap3A_646 = tpu.memref_slice %arg7[%scan3A_294, %swap3A_645] : memref<2x32768xf32, #tpu.memory_space<vmem>> -> memref<1x32768xf32, #tpu.memory_space<vmem>>
        %swap3A_647 = tpu.memref_squeeze %swap3A_646 : memref<1x32768xf32, #tpu.memory_space<vmem>> -> memref<32768xf32, #tpu.memory_space<vmem>>
        %swap3A_648 = arith.index_cast %add3A_644 : i32 to index
        %swap3A_649 = tpu.vector_load %swap3A_647[%swap3A_648] {strides = array<i32>} : memref<32768xf32, #tpu.memory_space<vmem>>, vector<16xf32>,
        tpu.vector_store %swap3A_647[%swap3A_648], %gather3A_642 {strides = array<i32>} : memref<32768xf32, #tpu.memory_space<vmem>>, vector<16xf32>,
        %add3A_650 = arith.constant 23 : i32
        %add3A_651 = vector.broadcast %add3A_650 : i32 to vector<16xi32>
        %add3A_652 = arith.addi %add3A_386, %add3A_651 : vector<16xi32>
        %gather3A_653 = tpu.vector_load_idx %arg4[%add3A_652] : memref<8208xf32, #tpu.memory_space<vmem>>[vector<16xi32>], vector<16xf32>,
        %add3A_654 = arith.constant 17280 : i32
        %add3A_655 = arith.addi %add3A_398, %add3A_654 : i32
        %swap3A_656 = arith.constant 0 : i32
        %swap3A_657 = tpu.memref_slice %arg7[%scan3A_294, %swap3A_656] : memref<2x32768xf32, #tpu.memory_space<vmem>> -> memref<1x32768xf32, #tpu.memory_space<vmem>>
        %swap3A_658 = tpu.memref_squeeze %swap3A_657 : memref<1x32768xf32, #tpu.memory_space<vmem>> -> memref<32768xf32, #tpu.memory_space<vmem>>
        %swap3A_659 = arith.index_cast %add3A_655 : i32 to index
        %swap3A_660 = tpu.vector_load %swap3A_658[%swap3A_659] {strides = array<i32>} : memref<32768xf32, #tpu.memory_space<vmem>>, vector<16xf32>,
        tpu.vector_store %swap3A_658[%swap3A_659], %gather3A_653 {strides = array<i32>} : memref<32768xf32, #tpu.memory_space<vmem>>, vector<16xf32>,
        %add3A_661 = arith.constant 24 : i32
        %add3A_662 = vector.broadcast %add3A_661 : i32 to vector<16xi32>
        %add3A_663 = arith.addi %add3A_386, %add3A_662 : vector<16xi32>
        %gather3A_664 = tpu.vector_load_idx %arg4[%add3A_663] : memref<8208xf32, #tpu.memory_space<vmem>>[vector<16xi32>], vector<16xf32>,
        %add3A_665 = arith.constant 24576 : i32
        %add3A_666 = arith.addi %add3A_398, %add3A_665 : i32
        %swap3A_667 = arith.constant 0 : i32
        %swap3A_668 = tpu.memref_slice %arg7[%scan3A_294, %swap3A_667] : memref<2x32768xf32, #tpu.memory_space<vmem>> -> memref<1x32768xf32, #tpu.memory_space<vmem>>
        %swap3A_669 = tpu.memref_squeeze %swap3A_668 : memref<1x32768xf32, #tpu.memory_space<vmem>> -> memref<32768xf32, #tpu.memory_space<vmem>>
        %swap3A_670 = arith.index_cast %add3A_666 : i32 to index
        %swap3A_671 = tpu.vector_load %swap3A_669[%swap3A_670] {strides = array<i32>} : memref<32768xf32, #tpu.memory_space<vmem>>, vector<16xf32>,
        tpu.vector_store %swap3A_669[%swap3A_670], %gather3A_664 {strides = array<i32>} : memref<32768xf32, #tpu.memory_space<vmem>>, vector<16xf32>,
        %add3A_672 = arith.constant 25 : i32
        %add3A_673 = vector.broadcast %add3A_672 : i32 to vector<16xi32>
        %add3A_674 = arith.addi %add3A_386, %add3A_673 : vector<16xi32>
        %gather3A_675 = tpu.vector_load_idx %arg4[%add3A_674] : memref<8208xf32, #tpu.memory_space<vmem>>[vector<16xi32>], vector<16xf32>,
        %add3A_676 = arith.constant 24704 : i32
        %add3A_677 = arith.addi %add3A_398, %add3A_676 : i32
        %swap3A_678 = arith.constant 0 : i32
        %swap3A_679 = tpu.memref_slice %arg7[%scan3A_294, %swap3A_678] : memref<2x32768xf32, #tpu.memory_space<vmem>> -> memref<1x32768xf32, #tpu.memory_space<vmem>>
        %swap3A_680 = tpu.memref_squeeze %swap3A_679 : memref<1x32768xf32, #tpu.memory_space<vmem>> -> memref<32768xf32, #tpu.memory_space<vmem>>
        %swap3A_681 = arith.index_cast %add3A_677 : i32 to index
        %swap3A_682 = tpu.vector_load %swap3A_680[%swap3A_681] {strides = array<i32>} : memref<32768xf32, #tpu.memory_space<vmem>>, vector<16xf32>,
        tpu.vector_store %swap3A_680[%swap3A_681], %gather3A_675 {strides = array<i32>} : memref<32768xf32, #tpu.memory_space<vmem>>, vector<16xf32>,
        %add3A_683 = arith.constant 26 : i32
        %add3A_684 = vector.broadcast %add3A_683 : i32 to vector<16xi32>
        %add3A_685 = arith.addi %add3A_386, %add3A_684 : vector<16xi32>
        %gather3A_686 = tpu.vector_load_idx %arg4[%add3A_685] : memref<8208xf32, #tpu.memory_space<vmem>>[vector<16xi32>], vector<16xf32>,
        %add3A_687 = arith.constant 24832 : i32
        %add3A_688 = arith.addi %add3A_398, %add3A_687 : i32
        %swap3A_689 = arith.constant 0 : i32
        %swap3A_690 = tpu.memref_slice %arg7[%scan3A_294, %swap3A_689] : memref<2x32768xf32, #tpu.memory_space<vmem>> -> memref<1x32768xf32, #tpu.memory_space<vmem>>
        %swap3A_691 = tpu.memref_squeeze %swap3A_690 : memref<1x32768xf32, #tpu.memory_space<vmem>> -> memref<32768xf32, #tpu.memory_space<vmem>>
        %swap3A_692 = arith.index_cast %add3A_688 : i32 to index
        %swap3A_693 = tpu.vector_load %swap3A_691[%swap3A_692] {strides = array<i32>} : memref<32768xf32, #tpu.memory_space<vmem>>, vector<16xf32>,
        tpu.vector_store %swap3A_691[%swap3A_692], %gather3A_686 {strides = array<i32>} : memref<32768xf32, #tpu.memory_space<vmem>>, vector<16xf32>,
        %add3A_694 = arith.constant 27 : i32
        %add3A_695 = vector.broadcast %add3A_694 : i32 to vector<16xi32>
        %add3A_696 = arith.addi %add3A_386, %add3A_695 : vector<16xi32>
        %gather3A_697 = tpu.vector_load_idx %arg4[%add3A_696] : memref<8208xf32, #tpu.memory_space<vmem>>[vector<16xi32>], vector<16xf32>,
        %add3A_698 = arith.constant 24960 : i32
        %add3A_699 = arith.addi %add3A_398, %add3A_698 : i32
        %swap3A_700 = arith.constant 0 : i32
        %swap3A_701 = tpu.memref_slice %arg7[%scan3A_294, %swap3A_700] : memref<2x32768xf32, #tpu.memory_space<vmem>> -> memref<1x32768xf32, #tpu.memory_space<vmem>>
        %swap3A_702 = tpu.memref_squeeze %swap3A_701 : memref<1x32768xf32, #tpu.memory_space<vmem>> -> memref<32768xf32, #tpu.memory_space<vmem>>
        %swap3A_703 = arith.index_cast %add3A_699 : i32 to index
        %swap3A_704 = tpu.vector_load %swap3A_702[%swap3A_703] {strides = array<i32>} : memref<32768xf32, #tpu.memory_space<vmem>>, vector<16xf32>,
        tpu.vector_store %swap3A_702[%swap3A_703], %gather3A_697 {strides = array<i32>} : memref<32768xf32, #tpu.memory_space<vmem>>, vector<16xf32>,
        %add3A_705 = arith.constant 28 : i32
        %add3A_706 = vector.broadcast %add3A_705 : i32 to vector<16xi32>
        %add3A_707 = arith.addi %add3A_386, %add3A_706 : vector<16xi32>
        %gather3A_708 = tpu.vector_load_idx %arg4[%add3A_707] : memref<8208xf32, #tpu.memory_space<vmem>>[vector<16xi32>], vector<16xf32>,
        %add3A_709 = arith.constant 25088 : i32
        %add3A_710 = arith.addi %add3A_398, %add3A_709 : i32
        %swap3A_711 = arith.constant 0 : i32
        %swap3A_712 = tpu.memref_slice %arg7[%scan3A_294, %swap3A_711] : memref<2x32768xf32, #tpu.memory_space<vmem>> -> memref<1x32768xf32, #tpu.memory_space<vmem>>
        %swap3A_713 = tpu.memref_squeeze %swap3A_712 : memref<1x32768xf32, #tpu.memory_space<vmem>> -> memref<32768xf32, #tpu.memory_space<vmem>>
        %swap3A_714 = arith.index_cast %add3A_710 : i32 to index
        %swap3A_715 = tpu.vector_load %swap3A_713[%swap3A_714] {strides = array<i32>} : memref<32768xf32, #tpu.memory_space<vmem>>, vector<16xf32>,
        tpu.vector_store %swap3A_713[%swap3A_714], %gather3A_708 {strides = array<i32>} : memref<32768xf32, #tpu.memory_space<vmem>>, vector<16xf32>,
        %add3A_716 = arith.constant 29 : i32
        %add3A_717 = vector.broadcast %add3A_716 : i32 to vector<16xi32>
        %add3A_718 = arith.addi %add3A_386, %add3A_717 : vector<16xi32>
        %gather3A_719 = tpu.vector_load_idx %arg4[%add3A_718] : memref<8208xf32, #tpu.memory_space<vmem>>[vector<16xi32>], vector<16xf32>,
        %add3A_720 = arith.constant 25216 : i32
        %add3A_721 = arith.addi %add3A_398, %add3A_720 : i32
        %swap3A_722 = arith.constant 0 : i32
        %swap3A_723 = tpu.memref_slice %arg7[%scan3A_294, %swap3A_722] : memref<2x32768xf32, #tpu.memory_space<vmem>> -> memref<1x32768xf32, #tpu.memory_space<vmem>>
        %swap3A_724 = tpu.memref_squeeze %swap3A_723 : memref<1x32768xf32, #tpu.memory_space<vmem>> -> memref<32768xf32, #tpu.memory_space<vmem>>
        %swap3A_725 = arith.index_cast %add3A_721 : i32 to index
        %swap3A_726 = tpu.vector_load %swap3A_724[%swap3A_725] {strides = array<i32>} : memref<32768xf32, #tpu.memory_space<vmem>>, vector<16xf32>,
        tpu.vector_store %swap3A_724[%swap3A_725], %gather3A_719 {strides = array<i32>} : memref<32768xf32, #tpu.memory_space<vmem>>, vector<16xf32>,
        %add3A_727 = arith.constant 30 : i32
        %add3A_728 = vector.broadcast %add3A_727 : i32 to vector<16xi32>
        %add3A_729 = arith.addi %add3A_386, %add3A_728 : vector<16xi32>
        %gather3A_730 = tpu.vector_load_idx %arg4[%add3A_729] : memref<8208xf32, #tpu.memory_space<vmem>>[vector<16xi32>], vector<16xf32>,
        %add3A_731 = arith.constant 25344 : i32
        %add3A_732 = arith.addi %add3A_398, %add3A_731 : i32
        %swap3A_733 = arith.constant 0 : i32
        %swap3A_734 = tpu.memref_slice %arg7[%scan3A_294, %swap3A_733] : memref<2x32768xf32, #tpu.memory_space<vmem>> -> memref<1x32768xf32, #tpu.memory_space<vmem>>
        %swap3A_735 = tpu.memref_squeeze %swap3A_734 : memref<1x32768xf32, #tpu.memory_space<vmem>> -> memref<32768xf32, #tpu.memory_space<vmem>>
        %swap3A_736 = arith.index_cast %add3A_732 : i32 to index
        %swap3A_737 = tpu.vector_load %swap3A_735[%swap3A_736] {strides = array<i32>} : memref<32768xf32, #tpu.memory_space<vmem>>, vector<16xf32>,
        tpu.vector_store %swap3A_735[%swap3A_736], %gather3A_730 {strides = array<i32>} : memref<32768xf32, #tpu.memory_space<vmem>>, vector<16xf32>,
        %add3A_738 = arith.constant 31 : i32
        %add3A_739 = vector.broadcast %add3A_738 : i32 to vector<16xi32>
        %add3A_740 = arith.addi %add3A_386, %add3A_739 : vector<16xi32>
        %gather3A_741 = tpu.vector_load_idx %arg4[%add3A_740] : memref<8208xf32, #tpu.memory_space<vmem>>[vector<16xi32>], vector<16xf32>,
        %add3A_742 = arith.constant 25472 : i32
        %add3A_743 = arith.addi %add3A_398, %add3A_742 : i32
        %swap3A_744 = arith.constant 0 : i32
        %swap3A_745 = tpu.memref_slice %arg7[%scan3A_294, %swap3A_744] : memref<2x32768xf32, #tpu.memory_space<vmem>> -> memref<1x32768xf32, #tpu.memory_space<vmem>>
        %swap3A_746 = tpu.memref_squeeze %swap3A_745 : memref<1x32768xf32, #tpu.memory_space<vmem>> -> memref<32768xf32, #tpu.memory_space<vmem>>
        %swap3A_747 = arith.index_cast %add3A_743 : i32 to index
        %swap3A_748 = tpu.vector_load %swap3A_746[%swap3A_747] {strides = array<i32>} : memref<32768xf32, #tpu.memory_space<vmem>>, vector<16xf32>,
        tpu.vector_store %swap3A_746[%swap3A_747], %gather3A_741 {strides = array<i32>} : memref<32768xf32, #tpu.memory_space<vmem>>, vector<16xf32>,
        %shift_right_logical3A_749 = arith.constant 8 : i32
        %shift_right_logical3A_750 = vector.broadcast %shift_right_logical3A_749 : i32 to vector<16xi32>
        %shift_right_logical3A_751 = arith.shrui %get3A_378, %shift_right_logical3A_750 : vector<16xi32>
        %and3A_752 = arith.constant 255 : i32
        %and3A_753 = vector.broadcast %and3A_752 : i32 to vector<16xi32>
        %and3A_754 = arith.andi %shift_right_logical3A_751, %and3A_753 : vector<16xi32>
        %mul3A_755 = arith.constant 32 : i32
        %mul3A_756 = vector.broadcast %mul3A_755 : i32 to vector<16xi32>
        %mul3A_757 = arith.muli %and3A_754, %mul3A_756 : vector<16xi32>
        %add3A_758 = arith.addi %mul3A_11, %mul3A_757 : vector<16xi32>
        %mul3A_759 = arith.constant 4 : i32
        %mul3A_760 = arith.muli %add3A_372, %mul3A_759 : i32
        %add3A_761 = arith.constant 1 : i32
        %add3A_762 = arith.addi %mul3A_760, %add3A_761 : i32
        %shift_right_logical3A_763 = arith.constant 3 : i32
        %shift_right_logical3A_764 = arith.shrui %add3A_762, %shift_right_logical3A_763 : i32
        %shift_left3A_765 = arith.constant 10 : i32
        %shift_left3A_766 = arith.shli %shift_right_logical3A_764, %shift_left3A_765 : i32
        %and3A_767 = arith.constant 7 : i32
        %and3A_768 = arith.andi %add3A_762, %and3A_767 : i32
        %shift_left3A_769 = arith.constant 4 : i32
        %shift_left3A_770 = arith.shli %and3A_768, %shift_left3A_769 : i32
        %add3A_771 = arith.addi %shift_left3A_766, %shift_left3A_770 : i32
        %add3A_772 = arith.constant 0 : i32
        %add3A_773 = vector.broadcast %add3A_772 : i32 to vector<16xi32>
        %add3A_774 = arith.addi %add3A_758, %add3A_773 : vector<16xi32>
        %gather3A_775 = tpu.vector_load_idx %arg4[%add3A_774] : memref<8208xf32, #tpu.memory_space<vmem>>[vector<16xi32>], vector<16xf32>,
        %add3A_776 = arith.constant 0 : i32
        %add3A_777 = arith.addi %add3A_771, %add3A_776 : i32
        %swap3A_778 = arith.constant 0 : i32
        %swap3A_779 = tpu.memref_slice %arg7[%scan3A_294, %swap3A_778] : memref<2x32768xf32, #tpu.memory_space<vmem>> -> memref<1x32768xf32, #tpu.memory_space<vmem>>
        %swap3A_780 = tpu.memref_squeeze %swap3A_779 : memref<1x32768xf32, #tpu.memory_space<vmem>> -> memref<32768xf32, #tpu.memory_space<vmem>>
        %swap3A_781 = arith.index_cast %add3A_777 : i32 to index
        %swap3A_782 = tpu.vector_load %swap3A_780[%swap3A_781] {strides = array<i32>} : memref<32768xf32, #tpu.memory_space<vmem>>, vector<16xf32>,
        tpu.vector_store %swap3A_780[%swap3A_781], %gather3A_775 {strides = array<i32>} : memref<32768xf32, #tpu.memory_space<vmem>>, vector<16xf32>,
        %add3A_783 = arith.constant 1 : i32
        %add3A_784 = vector.broadcast %add3A_783 : i32 to vector<16xi32>
        %add3A_785 = arith.addi %add3A_758, %add3A_784 : vector<16xi32>
        %gather3A_786 = tpu.vector_load_idx %arg4[%add3A_785] : memref<8208xf32, #tpu.memory_space<vmem>>[vector<16xi32>], vector<16xf32>,
        %add3A_787 = arith.constant 128 : i32
        %add3A_788 = arith.addi %add3A_771, %add3A_787 : i32
        %swap3A_789 = arith.constant 0 : i32
        %swap3A_790 = tpu.memref_slice %arg7[%scan3A_294, %swap3A_789] : memref<2x32768xf32, #tpu.memory_space<vmem>> -> memref<1x32768xf32, #tpu.memory_space<vmem>>
        %swap3A_791 = tpu.memref_squeeze %swap3A_790 : memref<1x32768xf32, #tpu.memory_space<vmem>> -> memref<32768xf32, #tpu.memory_space<vmem>>
        %swap3A_792 = arith.index_cast %add3A_788 : i32 to index
        %swap3A_793 = tpu.vector_load %swap3A_791[%swap3A_792] {strides = array<i32>} : memref<32768xf32, #tpu.memory_space<vmem>>, vector<16xf32>,
        tpu.vector_store %swap3A_791[%swap3A_792], %gather3A_786 {strides = array<i32>} : memref<32768xf32, #tpu.memory_space<vmem>>, vector<16xf32>,
        %add3A_794 = arith.constant 2 : i32
        %add3A_795 = vector.broadcast %add3A_794 : i32 to vector<16xi32>
        %add3A_796 = arith.addi %add3A_758, %add3A_795 : vector<16xi32>
        %gather3A_797 = tpu.vector_load_idx %arg4[%add3A_796] : memref<8208xf32, #tpu.memory_space<vmem>>[vector<16xi32>], vector<16xf32>,
        %add3A_798 = arith.constant 256 : i32
        %add3A_799 = arith.addi %add3A_771, %add3A_798 : i32
        %swap3A_800 = arith.constant 0 : i32
        %swap3A_801 = tpu.memref_slice %arg7[%scan3A_294, %swap3A_800] : memref<2x32768xf32, #tpu.memory_space<vmem>> -> memref<1x32768xf32, #tpu.memory_space<vmem>>
        %swap3A_802 = tpu.memref_squeeze %swap3A_801 : memref<1x32768xf32, #tpu.memory_space<vmem>> -> memref<32768xf32, #tpu.memory_space<vmem>>
        %swap3A_803 = arith.index_cast %add3A_799 : i32 to index
        %swap3A_804 = tpu.vector_load %swap3A_802[%swap3A_803] {strides = array<i32>} : memref<32768xf32, #tpu.memory_space<vmem>>, vector<16xf32>,
        tpu.vector_store %swap3A_802[%swap3A_803], %gather3A_797 {strides = array<i32>} : memref<32768xf32, #tpu.memory_space<vmem>>, vector<16xf32>,
        %add3A_805 = arith.constant 3 : i32
        %add3A_806 = vector.broadcast %add3A_805 : i32 to vector<16xi32>
        %add3A_807 = arith.addi %add3A_758, %add3A_806 : vector<16xi32>
        %gather3A_808 = tpu.vector_load_idx %arg4[%add3A_807] : memref<8208xf32, #tpu.memory_space<vmem>>[vector<16xi32>], vector<16xf32>,
        %add3A_809 = arith.constant 384 : i32
        %add3A_810 = arith.addi %add3A_771, %add3A_809 : i32
        %swap3A_811 = arith.constant 0 : i32
        %swap3A_812 = tpu.memref_slice %arg7[%scan3A_294, %swap3A_811] : memref<2x32768xf32, #tpu.memory_space<vmem>> -> memref<1x32768xf32, #tpu.memory_space<vmem>>
        %swap3A_813 = tpu.memref_squeeze %swap3A_812 : memref<1x32768xf32, #tpu.memory_space<vmem>> -> memref<32768xf32, #tpu.memory_space<vmem>>
        %swap3A_814 = arith.index_cast %add3A_810 : i32 to index
        %swap3A_815 = tpu.vector_load %swap3A_813[%swap3A_814] {strides = array<i32>} : memref<32768xf32, #tpu.memory_space<vmem>>, vector<16xf32>,
        tpu.vector_store %swap3A_813[%swap3A_814], %gather3A_808 {strides = array<i32>} : memref<32768xf32, #tpu.memory_space<vmem>>, vector<16xf32>,
        %add3A_816 = arith.constant 4 : i32
        %add3A_817 = vector.broadcast %add3A_816 : i32 to vector<16xi32>
        %add3A_818 = arith.addi %add3A_758, %add3A_817 : vector<16xi32>
        %gather3A_819 = tpu.vector_load_idx %arg4[%add3A_818] : memref<8208xf32, #tpu.memory_space<vmem>>[vector<16xi32>], vector<16xf32>,
        %add3A_820 = arith.constant 512 : i32
        %add3A_821 = arith.addi %add3A_771, %add3A_820 : i32
        %swap3A_822 = arith.constant 0 : i32
        %swap3A_823 = tpu.memref_slice %arg7[%scan3A_294, %swap3A_822] : memref<2x32768xf32, #tpu.memory_space<vmem>> -> memref<1x32768xf32, #tpu.memory_space<vmem>>
        %swap3A_824 = tpu.memref_squeeze %swap3A_823 : memref<1x32768xf32, #tpu.memory_space<vmem>> -> memref<32768xf32, #tpu.memory_space<vmem>>
        %swap3A_825 = arith.index_cast %add3A_821 : i32 to index
        %swap3A_826 = tpu.vector_load %swap3A_824[%swap3A_825] {strides = array<i32>} : memref<32768xf32, #tpu.memory_space<vmem>>, vector<16xf32>,
        tpu.vector_store %swap3A_824[%swap3A_825], %gather3A_819 {strides = array<i32>} : memref<32768xf32, #tpu.memory_space<vmem>>, vector<16xf32>,
        %add3A_827 = arith.constant 5 : i32
        %add3A_828 = vector.broadcast %add3A_827 : i32 to vector<16xi32>
        %add3A_829 = arith.addi %add3A_758, %add3A_828 : vector<16xi32>
        %gather3A_830 = tpu.vector_load_idx %arg4[%add3A_829] : memref<8208xf32, #tpu.memory_space<vmem>>[vector<16xi32>], vector<16xf32>,
        %add3A_831 = arith.constant 640 : i32
        %add3A_832 = arith.addi %add3A_771, %add3A_831 : i32
        %swap3A_833 = arith.constant 0 : i32
        %swap3A_834 = tpu.memref_slice %arg7[%scan3A_294, %swap3A_833] : memref<2x32768xf32, #tpu.memory_space<vmem>> -> memref<1x32768xf32, #tpu.memory_space<vmem>>
        %swap3A_835 = tpu.memref_squeeze %swap3A_834 : memref<1x32768xf32, #tpu.memory_space<vmem>> -> memref<32768xf32, #tpu.memory_space<vmem>>
        %swap3A_836 = arith.index_cast %add3A_832 : i32 to index
        %swap3A_837 = tpu.vector_load %swap3A_835[%swap3A_836] {strides = array<i32>} : memref<32768xf32, #tpu.memory_space<vmem>>, vector<16xf32>,
        tpu.vector_store %swap3A_835[%swap3A_836], %gather3A_830 {strides = array<i32>} : memref<32768xf32, #tpu.memory_space<vmem>>, vector<16xf32>,
        %add3A_838 = arith.constant 6 : i32
        %add3A_839 = vector.broadcast %add3A_838 : i32 to vector<16xi32>
        %add3A_840 = arith.addi %add3A_758, %add3A_839 : vector<16xi32>
        %gather3A_841 = tpu.vector_load_idx %arg4[%add3A_840] : memref<8208xf32, #tpu.memory_space<vmem>>[vector<16xi32>], vector<16xf32>,
        %add3A_842 = arith.constant 768 : i32
        %add3A_843 = arith.addi %add3A_771, %add3A_842 : i32
        %swap3A_844 = arith.constant 0 : i32
        %swap3A_845 = tpu.memref_slice %arg7[%scan3A_294, %swap3A_844] : memref<2x32768xf32, #tpu.memory_space<vmem>> -> memref<1x32768xf32, #tpu.memory_space<vmem>>
        %swap3A_846 = tpu.memref_squeeze %swap3A_845 : memref<1x32768xf32, #tpu.memory_space<vmem>> -> memref<32768xf32, #tpu.memory_space<vmem>>
        %swap3A_847 = arith.index_cast %add3A_843 : i32 to index
        %swap3A_848 = tpu.vector_load %swap3A_846[%swap3A_847] {strides = array<i32>} : memref<32768xf32, #tpu.memory_space<vmem>>, vector<16xf32>,
        tpu.vector_store %swap3A_846[%swap3A_847], %gather3A_841 {strides = array<i32>} : memref<32768xf32, #tpu.memory_space<vmem>>, vector<16xf32>,
        %add3A_849 = arith.constant 7 : i32
        %add3A_850 = vector.broadcast %add3A_849 : i32 to vector<16xi32>
        %add3A_851 = arith.addi %add3A_758, %add3A_850 : vector<16xi32>
        %gather3A_852 = tpu.vector_load_idx %arg4[%add3A_851] : memref<8208xf32, #tpu.memory_space<vmem>>[vector<16xi32>], vector<16xf32>,
        %add3A_853 = arith.constant 896 : i32
        %add3A_854 = arith.addi %add3A_771, %add3A_853 : i32
        %swap3A_855 = arith.constant 0 : i32
        %swap3A_856 = tpu.memref_slice %arg7[%scan3A_294, %swap3A_855] : memref<2x32768xf32, #tpu.memory_space<vmem>> -> memref<1x32768xf32, #tpu.memory_space<vmem>>
        %swap3A_857 = tpu.memref_squeeze %swap3A_856 : memref<1x32768xf32, #tpu.memory_space<vmem>> -> memref<32768xf32, #tpu.memory_space<vmem>>
        %swap3A_858 = arith.index_cast %add3A_854 : i32 to index
        %swap3A_859 = tpu.vector_load %swap3A_857[%swap3A_858] {strides = array<i32>} : memref<32768xf32, #tpu.memory_space<vmem>>, vector<16xf32>,
        tpu.vector_store %swap3A_857[%swap3A_858], %gather3A_852 {strides = array<i32>} : memref<32768xf32, #tpu.memory_space<vmem>>, vector<16xf32>,
        %add3A_860 = arith.constant 8 : i32
        %add3A_861 = vector.broadcast %add3A_860 : i32 to vector<16xi32>
        %add3A_862 = arith.addi %add3A_758, %add3A_861 : vector<16xi32>
        %gather3A_863 = tpu.vector_load_idx %arg4[%add3A_862] : memref<8208xf32, #tpu.memory_space<vmem>>[vector<16xi32>], vector<16xf32>,
        %add3A_864 = arith.constant 8192 : i32
        %add3A_865 = arith.addi %add3A_771, %add3A_864 : i32
        %swap3A_866 = arith.constant 0 : i32
        %swap3A_867 = tpu.memref_slice %arg7[%scan3A_294, %swap3A_866] : memref<2x32768xf32, #tpu.memory_space<vmem>> -> memref<1x32768xf32, #tpu.memory_space<vmem>>
        %swap3A_868 = tpu.memref_squeeze %swap3A_867 : memref<1x32768xf32, #tpu.memory_space<vmem>> -> memref<32768xf32, #tpu.memory_space<vmem>>
        %swap3A_869 = arith.index_cast %add3A_865 : i32 to index
        %swap3A_870 = tpu.vector_load %swap3A_868[%swap3A_869] {strides = array<i32>} : memref<32768xf32, #tpu.memory_space<vmem>>, vector<16xf32>,
        tpu.vector_store %swap3A_868[%swap3A_869], %gather3A_863 {strides = array<i32>} : memref<32768xf32, #tpu.memory_space<vmem>>, vector<16xf32>,
        %add3A_871 = arith.constant 9 : i32
        %add3A_872 = vector.broadcast %add3A_871 : i32 to vector<16xi32>
        %add3A_873 = arith.addi %add3A_758, %add3A_872 : vector<16xi32>
        %gather3A_874 = tpu.vector_load_idx %arg4[%add3A_873] : memref<8208xf32, #tpu.memory_space<vmem>>[vector<16xi32>], vector<16xf32>,
        %add3A_875 = arith.constant 8320 : i32
        %add3A_876 = arith.addi %add3A_771, %add3A_875 : i32
        %swap3A_877 = arith.constant 0 : i32
        %swap3A_878 = tpu.memref_slice %arg7[%scan3A_294, %swap3A_877] : memref<2x32768xf32, #tpu.memory_space<vmem>> -> memref<1x32768xf32, #tpu.memory_space<vmem>>
        %swap3A_879 = tpu.memref_squeeze %swap3A_878 : memref<1x32768xf32, #tpu.memory_space<vmem>> -> memref<32768xf32, #tpu.memory_space<vmem>>
        %swap3A_880 = arith.index_cast %add3A_876 : i32 to index
        %swap3A_881 = tpu.vector_load %swap3A_879[%swap3A_880] {strides = array<i32>} : memref<32768xf32, #tpu.memory_space<vmem>>, vector<16xf32>,
        tpu.vector_store %swap3A_879[%swap3A_880], %gather3A_874 {strides = array<i32>} : memref<32768xf32, #tpu.memory_space<vmem>>, vector<16xf32>,
        %add3A_882 = arith.constant 10 : i32
        %add3A_883 = vector.broadcast %add3A_882 : i32 to vector<16xi32>
        %add3A_884 = arith.addi %add3A_758, %add3A_883 : vector<16xi32>
        %gather3A_885 = tpu.vector_load_idx %arg4[%add3A_884] : memref<8208xf32, #tpu.memory_space<vmem>>[vector<16xi32>], vector<16xf32>,
        %add3A_886 = arith.constant 8448 : i32
        %add3A_887 = arith.addi %add3A_771, %add3A_886 : i32
        %swap3A_888 = arith.constant 0 : i32
        %swap3A_889 = tpu.memref_slice %arg7[%scan3A_294, %swap3A_888] : memref<2x32768xf32, #tpu.memory_space<vmem>> -> memref<1x32768xf32, #tpu.memory_space<vmem>>
        %swap3A_890 = tpu.memref_squeeze %swap3A_889 : memref<1x32768xf32, #tpu.memory_space<vmem>> -> memref<32768xf32, #tpu.memory_space<vmem>>
        %swap3A_891 = arith.index_cast %add3A_887 : i32 to index
        %swap3A_892 = tpu.vector_load %swap3A_890[%swap3A_891] {strides = array<i32>} : memref<32768xf32, #tpu.memory_space<vmem>>, vector<16xf32>,
        tpu.vector_store %swap3A_890[%swap3A_891], %gather3A_885 {strides = array<i32>} : memref<32768xf32, #tpu.memory_space<vmem>>, vector<16xf32>,
        %add3A_893 = arith.constant 11 : i32
        %add3A_894 = vector.broadcast %add3A_893 : i32 to vector<16xi32>
        %add3A_895 = arith.addi %add3A_758, %add3A_894 : vector<16xi32>
        %gather3A_896 = tpu.vector_load_idx %arg4[%add3A_895] : memref<8208xf32, #tpu.memory_space<vmem>>[vector<16xi32>], vector<16xf32>,
        %add3A_897 = arith.constant 8576 : i32
        %add3A_898 = arith.addi %add3A_771, %add3A_897 : i32
        %swap3A_899 = arith.constant 0 : i32
        %swap3A_900 = tpu.memref_slice %arg7[%scan3A_294, %swap3A_899] : memref<2x32768xf32, #tpu.memory_space<vmem>> -> memref<1x32768xf32, #tpu.memory_space<vmem>>
        %swap3A_901 = tpu.memref_squeeze %swap3A_900 : memref<1x32768xf32, #tpu.memory_space<vmem>> -> memref<32768xf32, #tpu.memory_space<vmem>>
        %swap3A_902 = arith.index_cast %add3A_898 : i32 to index
        %swap3A_903 = tpu.vector_load %swap3A_901[%swap3A_902] {strides = array<i32>} : memref<32768xf32, #tpu.memory_space<vmem>>, vector<16xf32>,
        tpu.vector_store %swap3A_901[%swap3A_902], %gather3A_896 {strides = array<i32>} : memref<32768xf32, #tpu.memory_space<vmem>>, vector<16xf32>,
        %add3A_904 = arith.constant 12 : i32
        %add3A_905 = vector.broadcast %add3A_904 : i32 to vector<16xi32>
        %add3A_906 = arith.addi %add3A_758, %add3A_905 : vector<16xi32>
        %gather3A_907 = tpu.vector_load_idx %arg4[%add3A_906] : memref<8208xf32, #tpu.memory_space<vmem>>[vector<16xi32>], vector<16xf32>,
        %add3A_908 = arith.constant 8704 : i32
        %add3A_909 = arith.addi %add3A_771, %add3A_908 : i32
        %swap3A_910 = arith.constant 0 : i32
        %swap3A_911 = tpu.memref_slice %arg7[%scan3A_294, %swap3A_910] : memref<2x32768xf32, #tpu.memory_space<vmem>> -> memref<1x32768xf32, #tpu.memory_space<vmem>>
        %swap3A_912 = tpu.memref_squeeze %swap3A_911 : memref<1x32768xf32, #tpu.memory_space<vmem>> -> memref<32768xf32, #tpu.memory_space<vmem>>
        %swap3A_913 = arith.index_cast %add3A_909 : i32 to index
        %swap3A_914 = tpu.vector_load %swap3A_912[%swap3A_913] {strides = array<i32>} : memref<32768xf32, #tpu.memory_space<vmem>>, vector<16xf32>,
        tpu.vector_store %swap3A_912[%swap3A_913], %gather3A_907 {strides = array<i32>} : memref<32768xf32, #tpu.memory_space<vmem>>, vector<16xf32>,
        %add3A_915 = arith.constant 13 : i32
        %add3A_916 = vector.broadcast %add3A_915 : i32 to vector<16xi32>
        %add3A_917 = arith.addi %add3A_758, %add3A_916 : vector<16xi32>
        %gather3A_918 = tpu.vector_load_idx %arg4[%add3A_917] : memref<8208xf32, #tpu.memory_space<vmem>>[vector<16xi32>], vector<16xf32>,
        %add3A_919 = arith.constant 8832 : i32
        %add3A_920 = arith.addi %add3A_771, %add3A_919 : i32
        %swap3A_921 = arith.constant 0 : i32
        %swap3A_922 = tpu.memref_slice %arg7[%scan3A_294, %swap3A_921] : memref<2x32768xf32, #tpu.memory_space<vmem>> -> memref<1x32768xf32, #tpu.memory_space<vmem>>
        %swap3A_923 = tpu.memref_squeeze %swap3A_922 : memref<1x32768xf32, #tpu.memory_space<vmem>> -> memref<32768xf32, #tpu.memory_space<vmem>>
        %swap3A_924 = arith.index_cast %add3A_920 : i32 to index
        %swap3A_925 = tpu.vector_load %swap3A_923[%swap3A_924] {strides = array<i32>} : memref<32768xf32, #tpu.memory_space<vmem>>, vector<16xf32>,
        tpu.vector_store %swap3A_923[%swap3A_924], %gather3A_918 {strides = array<i32>} : memref<32768xf32, #tpu.memory_space<vmem>>, vector<16xf32>,
        %add3A_926 = arith.constant 14 : i32
        %add3A_927 = vector.broadcast %add3A_926 : i32 to vector<16xi32>
        %add3A_928 = arith.addi %add3A_758, %add3A_927 : vector<16xi32>
        %gather3A_929 = tpu.vector_load_idx %arg4[%add3A_928] : memref<8208xf32, #tpu.memory_space<vmem>>[vector<16xi32>], vector<16xf32>,
        %add3A_930 = arith.constant 8960 : i32
        %add3A_931 = arith.addi %add3A_771, %add3A_930 : i32
        %swap3A_932 = arith.constant 0 : i32
        %swap3A_933 = tpu.memref_slice %arg7[%scan3A_294, %swap3A_932] : memref<2x32768xf32, #tpu.memory_space<vmem>> -> memref<1x32768xf32, #tpu.memory_space<vmem>>
        %swap3A_934 = tpu.memref_squeeze %swap3A_933 : memref<1x32768xf32, #tpu.memory_space<vmem>> -> memref<32768xf32, #tpu.memory_space<vmem>>
        %swap3A_935 = arith.index_cast %add3A_931 : i32 to index
        %swap3A_936 = tpu.vector_load %swap3A_934[%swap3A_935] {strides = array<i32>} : memref<32768xf32, #tpu.memory_space<vmem>>, vector<16xf32>,
        tpu.vector_store %swap3A_934[%swap3A_935], %gather3A_929 {strides = array<i32>} : memref<32768xf32, #tpu.memory_space<vmem>>, vector<16xf32>,
        %add3A_937 = arith.constant 15 : i32
        %add3A_938 = vector.broadcast %add3A_937 : i32 to vector<16xi32>
        %add3A_939 = arith.addi %add3A_758, %add3A_938 : vector<16xi32>
        %gather3A_940 = tpu.vector_load_idx %arg4[%add3A_939] : memref<8208xf32, #tpu.memory_space<vmem>>[vector<16xi32>], vector<16xf32>,
        %add3A_941 = arith.constant 9088 : i32
        %add3A_942 = arith.addi %add3A_771, %add3A_941 : i32
        %swap3A_943 = arith.constant 0 : i32
        %swap3A_944 = tpu.memref_slice %arg7[%scan3A_294, %swap3A_943] : memref<2x32768xf32, #tpu.memory_space<vmem>> -> memref<1x32768xf32, #tpu.memory_space<vmem>>
        %swap3A_945 = tpu.memref_squeeze %swap3A_944 : memref<1x32768xf32, #tpu.memory_space<vmem>> -> memref<32768xf32, #tpu.memory_space<vmem>>
        %swap3A_946 = arith.index_cast %add3A_942 : i32 to index
        %swap3A_947 = tpu.vector_load %swap3A_945[%swap3A_946] {strides = array<i32>} : memref<32768xf32, #tpu.memory_space<vmem>>, vector<16xf32>,
        tpu.vector_store %swap3A_945[%swap3A_946], %gather3A_940 {strides = array<i32>} : memref<32768xf32, #tpu.memory_space<vmem>>, vector<16xf32>,
        %add3A_948 = arith.constant 16 : i32
        %add3A_949 = vector.broadcast %add3A_948 : i32 to vector<16xi32>
        %add3A_950 = arith.addi %add3A_758, %add3A_949 : vector<16xi32>
        %gather3A_951 = tpu.vector_load_idx %arg4[%add3A_950] : memref<8208xf32, #tpu.memory_space<vmem>>[vector<16xi32>], vector<16xf32>,
        %add3A_952 = arith.constant 16384 : i32
        %add3A_953 = arith.addi %add3A_771, %add3A_952 : i32
        %swap3A_954 = arith.constant 0 : i32
        %swap3A_955 = tpu.memref_slice %arg7[%scan3A_294, %swap3A_954] : memref<2x32768xf32, #tpu.memory_space<vmem>> -> memref<1x32768xf32, #tpu.memory_space<vmem>>
        %swap3A_956 = tpu.memref_squeeze %swap3A_955 : memref<1x32768xf32, #tpu.memory_space<vmem>> -> memref<32768xf32, #tpu.memory_space<vmem>>
        %swap3A_957 = arith.index_cast %add3A_953 : i32 to index
        %swap3A_958 = tpu.vector_load %swap3A_956[%swap3A_957] {strides = array<i32>} : memref<32768xf32, #tpu.memory_space<vmem>>, vector<16xf32>,
        tpu.vector_store %swap3A_956[%swap3A_957], %gather3A_951 {strides = array<i32>} : memref<32768xf32, #tpu.memory_space<vmem>>, vector<16xf32>,
        %add3A_959 = arith.constant 17 : i32
        %add3A_960 = vector.broadcast %add3A_959 : i32 to vector<16xi32>
        %add3A_961 = arith.addi %add3A_758, %add3A_960 : vector<16xi32>
        %gather3A_962 = tpu.vector_load_idx %arg4[%add3A_961] : memref<8208xf32, #tpu.memory_space<vmem>>[vector<16xi32>], vector<16xf32>,
        %add3A_963 = arith.constant 16512 : i32
        %add3A_964 = arith.addi %add3A_771, %add3A_963 : i32
        %swap3A_965 = arith.constant 0 : i32
        %swap3A_966 = tpu.memref_slice %arg7[%scan3A_294, %swap3A_965] : memref<2x32768xf32, #tpu.memory_space<vmem>> -> memref<1x32768xf32, #tpu.memory_space<vmem>>
        %swap3A_967 = tpu.memref_squeeze %swap3A_966 : memref<1x32768xf32, #tpu.memory_space<vmem>> -> memref<32768xf32, #tpu.memory_space<vmem>>
        %swap3A_968 = arith.index_cast %add3A_964 : i32 to index
        %swap3A_969 = tpu.vector_load %swap3A_967[%swap3A_968] {strides = array<i32>} : memref<32768xf32, #tpu.memory_space<vmem>>, vector<16xf32>,
        tpu.vector_store %swap3A_967[%swap3A_968], %gather3A_962 {strides = array<i32>} : memref<32768xf32, #tpu.memory_space<vmem>>, vector<16xf32>,
        %add3A_970 = arith.constant 18 : i32
        %add3A_971 = vector.broadcast %add3A_970 : i32 to vector<16xi32>
        %add3A_972 = arith.addi %add3A_758, %add3A_971 : vector<16xi32>
        %gather3A_973 = tpu.vector_load_idx %arg4[%add3A_972] : memref<8208xf32, #tpu.memory_space<vmem>>[vector<16xi32>], vector<16xf32>,
        %add3A_974 = arith.constant 16640 : i32
        %add3A_975 = arith.addi %add3A_771, %add3A_974 : i32
        %swap3A_976 = arith.constant 0 : i32
        %swap3A_977 = tpu.memref_slice %arg7[%scan3A_294, %swap3A_976] : memref<2x32768xf32, #tpu.memory_space<vmem>> -> memref<1x32768xf32, #tpu.memory_space<vmem>>
        %swap3A_978 = tpu.memref_squeeze %swap3A_977 : memref<1x32768xf32, #tpu.memory_space<vmem>> -> memref<32768xf32, #tpu.memory_space<vmem>>
        %swap3A_979 = arith.index_cast %add3A_975 : i32 to index
        %swap3A_980 = tpu.vector_load %swap3A_978[%swap3A_979] {strides = array<i32>} : memref<32768xf32, #tpu.memory_space<vmem>>, vector<16xf32>,
        tpu.vector_store %swap3A_978[%swap3A_979], %gather3A_973 {strides = array<i32>} : memref<32768xf32, #tpu.memory_space<vmem>>, vector<16xf32>,
        %add3A_981 = arith.constant 19 : i32
        %add3A_982 = vector.broadcast %add3A_981 : i32 to vector<16xi32>
        %add3A_983 = arith.addi %add3A_758, %add3A_982 : vector<16xi32>
        %gather3A_984 = tpu.vector_load_idx %arg4[%add3A_983] : memref<8208xf32, #tpu.memory_space<vmem>>[vector<16xi32>], vector<16xf32>,
        %add3A_985 = arith.constant 16768 : i32
        %add3A_986 = arith.addi %add3A_771, %add3A_985 : i32
        %swap3A_987 = arith.constant 0 : i32
        %swap3A_988 = tpu.memref_slice %arg7[%scan3A_294, %swap3A_987] : memref<2x32768xf32, #tpu.memory_space<vmem>> -> memref<1x32768xf32, #tpu.memory_space<vmem>>
        %swap3A_989 = tpu.memref_squeeze %swap3A_988 : memref<1x32768xf32, #tpu.memory_space<vmem>> -> memref<32768xf32, #tpu.memory_space<vmem>>
        %swap3A_990 = arith.index_cast %add3A_986 : i32 to index
        %swap3A_991 = tpu.vector_load %swap3A_989[%swap3A_990] {strides = array<i32>} : memref<32768xf32, #tpu.memory_space<vmem>>, vector<16xf32>,
        tpu.vector_store %swap3A_989[%swap3A_990], %gather3A_984 {strides = array<i32>} : memref<32768xf32, #tpu.memory_space<vmem>>, vector<16xf32>,
        %add3A_992 = arith.constant 20 : i32
        %add3A_993 = vector.broadcast %add3A_992 : i32 to vector<16xi32>
        %add3A_994 = arith.addi %add3A_758, %add3A_993 : vector<16xi32>
        %gather3A_995 = tpu.vector_load_idx %arg4[%add3A_994] : memref<8208xf32, #tpu.memory_space<vmem>>[vector<16xi32>], vector<16xf32>,
        %add3A_996 = arith.constant 16896 : i32
        %add3A_997 = arith.addi %add3A_771, %add3A_996 : i32
        %swap3A_998 = arith.constant 0 : i32
        %swap3A_999 = tpu.memref_slice %arg7[%scan3A_294, %swap3A_998] : memref<2x32768xf32, #tpu.memory_space<vmem>> -> memref<1x32768xf32, #tpu.memory_space<vmem>>
        %swap3A_1000 = tpu.memref_squeeze %swap3A_999 : memref<1x32768xf32, #tpu.memory_space<vmem>> -> memref<32768xf32, #tpu.memory_space<vmem>>
        %swap3A_1001 = arith.index_cast %add3A_997 : i32 to index
        %swap3A_1002 = tpu.vector_load %swap3A_1000[%swap3A_1001] {strides = array<i32>} : memref<32768xf32, #tpu.memory_space<vmem>>, vector<16xf32>,
        tpu.vector_store %swap3A_1000[%swap3A_1001], %gather3A_995 {strides = array<i32>} : memref<32768xf32, #tpu.memory_space<vmem>>, vector<16xf32>,
        %add3A_1003 = arith.constant 21 : i32
        %add3A_1004 = vector.broadcast %add3A_1003 : i32 to vector<16xi32>
        %add3A_1005 = arith.addi %add3A_758, %add3A_1004 : vector<16xi32>
        %gather3A_1006 = tpu.vector_load_idx %arg4[%add3A_1005] : memref<8208xf32, #tpu.memory_space<vmem>>[vector<16xi32>], vector<16xf32>,
        %add3A_1007 = arith.constant 17024 : i32
        %add3A_1008 = arith.addi %add3A_771, %add3A_1007 : i32
        %swap3A_1009 = arith.constant 0 : i32
        %swap3A_1010 = tpu.memref_slice %arg7[%scan3A_294, %swap3A_1009] : memref<2x32768xf32, #tpu.memory_space<vmem>> -> memref<1x32768xf32, #tpu.memory_space<vmem>>
        %swap3A_1011 = tpu.memref_squeeze %swap3A_1010 : memref<1x32768xf32, #tpu.memory_space<vmem>> -> memref<32768xf32, #tpu.memory_space<vmem>>
        %swap3A_1012 = arith.index_cast %add3A_1008 : i32 to index
        %swap3A_1013 = tpu.vector_load %swap3A_1011[%swap3A_1012] {strides = array<i32>} : memref<32768xf32, #tpu.memory_space<vmem>>, vector<16xf32>,
        tpu.vector_store %swap3A_1011[%swap3A_1012], %gather3A_1006 {strides = array<i32>} : memref<32768xf32, #tpu.memory_space<vmem>>, vector<16xf32>,
        %add3A_1014 = arith.constant 22 : i32
        %add3A_1015 = vector.broadcast %add3A_1014 : i32 to vector<16xi32>
        %add3A_1016 = arith.addi %add3A_758, %add3A_1015 : vector<16xi32>
        %gather3A_1017 = tpu.vector_load_idx %arg4[%add3A_1016] : memref<8208xf32, #tpu.memory_space<vmem>>[vector<16xi32>], vector<16xf32>,
        %add3A_1018 = arith.constant 17152 : i32
        %add3A_1019 = arith.addi %add3A_771, %add3A_1018 : i32
        %swap3A_1020 = arith.constant 0 : i32
        %swap3A_1021 = tpu.memref_slice %arg7[%scan3A_294, %swap3A_1020] : memref<2x32768xf32, #tpu.memory_space<vmem>> -> memref<1x32768xf32, #tpu.memory_space<vmem>>
        %swap3A_1022 = tpu.memref_squeeze %swap3A_1021 : memref<1x32768xf32, #tpu.memory_space<vmem>> -> memref<32768xf32, #tpu.memory_space<vmem>>
        %swap3A_1023 = arith.index_cast %add3A_1019 : i32 to index
        %swap3A_1024 = tpu.vector_load %swap3A_1022[%swap3A_1023] {strides = array<i32>} : memref<32768xf32, #tpu.memory_space<vmem>>, vector<16xf32>,
        tpu.vector_store %swap3A_1022[%swap3A_1023], %gather3A_1017 {strides = array<i32>} : memref<32768xf32, #tpu.memory_space<vmem>>, vector<16xf32>,
        %add3A_1025 = arith.constant 23 : i32
        %add3A_1026 = vector.broadcast %add3A_1025 : i32 to vector<16xi32>
        %add3A_1027 = arith.addi %add3A_758, %add3A_1026 : vector<16xi32>
        %gather3A_1028 = tpu.vector_load_idx %arg4[%add3A_1027] : memref<8208xf32, #tpu.memory_space<vmem>>[vector<16xi32>], vector<16xf32>,
        %add3A_1029 = arith.constant 17280 : i32
        %add3A_1030 = arith.addi %add3A_771, %add3A_1029 : i32
        %swap3A_1031 = arith.constant 0 : i32
        %swap3A_1032 = tpu.memref_slice %arg7[%scan3A_294, %swap3A_1031] : memref<2x32768xf32, #tpu.memory_space<vmem>> -> memref<1x32768xf32, #tpu.memory_space<vmem>>
        %swap3A_1033 = tpu.memref_squeeze %swap3A_1032 : memref<1x32768xf32, #tpu.memory_space<vmem>> -> memref<32768xf32, #tpu.memory_space<vmem>>
        %swap3A_1034 = arith.index_cast %add3A_1030 : i32 to index
        %swap3A_1035 = tpu.vector_load %swap3A_1033[%swap3A_1034] {strides = array<i32>} : memref<32768xf32, #tpu.memory_space<vmem>>, vector<16xf32>,
        tpu.vector_store %swap3A_1033[%swap3A_1034], %gather3A_1028 {strides = array<i32>} : memref<32768xf32, #tpu.memory_space<vmem>>, vector<16xf32>,
        %add3A_1036 = arith.constant 24 : i32
        %add3A_1037 = vector.broadcast %add3A_1036 : i32 to vector<16xi32>
        %add3A_1038 = arith.addi %add3A_758, %add3A_1037 : vector<16xi32>
        %gather3A_1039 = tpu.vector_load_idx %arg4[%add3A_1038] : memref<8208xf32, #tpu.memory_space<vmem>>[vector<16xi32>], vector<16xf32>,
        %add3A_1040 = arith.constant 24576 : i32
        %add3A_1041 = arith.addi %add3A_771, %add3A_1040 : i32
        %swap3A_1042 = arith.constant 0 : i32
        %swap3A_1043 = tpu.memref_slice %arg7[%scan3A_294, %swap3A_1042] : memref<2x32768xf32, #tpu.memory_space<vmem>> -> memref<1x32768xf32, #tpu.memory_space<vmem>>
        %swap3A_1044 = tpu.memref_squeeze %swap3A_1043 : memref<1x32768xf32, #tpu.memory_space<vmem>> -> memref<32768xf32, #tpu.memory_space<vmem>>
        %swap3A_1045 = arith.index_cast %add3A_1041 : i32 to index
        %swap3A_1046 = tpu.vector_load %swap3A_1044[%swap3A_1045] {strides = array<i32>} : memref<32768xf32, #tpu.memory_space<vmem>>, vector<16xf32>,
        tpu.vector_store %swap3A_1044[%swap3A_1045], %gather3A_1039 {strides = array<i32>} : memref<32768xf32, #tpu.memory_space<vmem>>, vector<16xf32>,
        %add3A_1047 = arith.constant 25 : i32
        %add3A_1048 = vector.broadcast %add3A_1047 : i32 to vector<16xi32>
        %add3A_1049 = arith.addi %add3A_758, %add3A_1048 : vector<16xi32>
        %gather3A_1050 = tpu.vector_load_idx %arg4[%add3A_1049] : memref<8208xf32, #tpu.memory_space<vmem>>[vector<16xi32>], vector<16xf32>,
        %add3A_1051 = arith.constant 24704 : i32
        %add3A_1052 = arith.addi %add3A_771, %add3A_1051 : i32
        %swap3A_1053 = arith.constant 0 : i32
        %swap3A_1054 = tpu.memref_slice %arg7[%scan3A_294, %swap3A_1053] : memref<2x32768xf32, #tpu.memory_space<vmem>> -> memref<1x32768xf32, #tpu.memory_space<vmem>>
        %swap3A_1055 = tpu.memref_squeeze %swap3A_1054 : memref<1x32768xf32, #tpu.memory_space<vmem>> -> memref<32768xf32, #tpu.memory_space<vmem>>
        %swap3A_1056 = arith.index_cast %add3A_1052 : i32 to index
        %swap3A_1057 = tpu.vector_load %swap3A_1055[%swap3A_1056] {strides = array<i32>} : memref<32768xf32, #tpu.memory_space<vmem>>, vector<16xf32>,
        tpu.vector_store %swap3A_1055[%swap3A_1056], %gather3A_1050 {strides = array<i32>} : memref<32768xf32, #tpu.memory_space<vmem>>, vector<16xf32>,
        %add3A_1058 = arith.constant 26 : i32
        %add3A_1059 = vector.broadcast %add3A_1058 : i32 to vector<16xi32>
        %add3A_1060 = arith.addi %add3A_758, %add3A_1059 : vector<16xi32>
        %gather3A_1061 = tpu.vector_load_idx %arg4[%add3A_1060] : memref<8208xf32, #tpu.memory_space<vmem>>[vector<16xi32>], vector<16xf32>,
        %add3A_1062 = arith.constant 24832 : i32
        %add3A_1063 = arith.addi %add3A_771, %add3A_1062 : i32
        %swap3A_1064 = arith.constant 0 : i32
        %swap3A_1065 = tpu.memref_slice %arg7[%scan3A_294, %swap3A_1064] : memref<2x32768xf32, #tpu.memory_space<vmem>> -> memref<1x32768xf32, #tpu.memory_space<vmem>>
        %swap3A_1066 = tpu.memref_squeeze %swap3A_1065 : memref<1x32768xf32, #tpu.memory_space<vmem>> -> memref<32768xf32, #tpu.memory_space<vmem>>
        %swap3A_1067 = arith.index_cast %add3A_1063 : i32 to index
        %swap3A_1068 = tpu.vector_load %swap3A_1066[%swap3A_1067] {strides = array<i32>} : memref<32768xf32, #tpu.memory_space<vmem>>, vector<16xf32>,
        tpu.vector_store %swap3A_1066[%swap3A_1067], %gather3A_1061 {strides = array<i32>} : memref<32768xf32, #tpu.memory_space<vmem>>, vector<16xf32>,
        %add3A_1069 = arith.constant 27 : i32
        %add3A_1070 = vector.broadcast %add3A_1069 : i32 to vector<16xi32>
        %add3A_1071 = arith.addi %add3A_758, %add3A_1070 : vector<16xi32>
        %gather3A_1072 = tpu.vector_load_idx %arg4[%add3A_1071] : memref<8208xf32, #tpu.memory_space<vmem>>[vector<16xi32>], vector<16xf32>,
        %add3A_1073 = arith.constant 24960 : i32
        %add3A_1074 = arith.addi %add3A_771, %add3A_1073 : i32
        %swap3A_1075 = arith.constant 0 : i32
        %swap3A_1076 = tpu.memref_slice %arg7[%scan3A_294, %swap3A_1075] : memref<2x32768xf32, #tpu.memory_space<vmem>> -> memref<1x32768xf32, #tpu.memory_space<vmem>>
        %swap3A_1077 = tpu.memref_squeeze %swap3A_1076 : memref<1x32768xf32, #tpu.memory_space<vmem>> -> memref<32768xf32, #tpu.memory_space<vmem>>
        %swap3A_1078 = arith.index_cast %add3A_1074 : i32 to index
        %swap3A_1079 = tpu.vector_load %swap3A_1077[%swap3A_1078] {strides = array<i32>} : memref<32768xf32, #tpu.memory_space<vmem>>, vector<16xf32>,
        tpu.vector_store %swap3A_1077[%swap3A_1078], %gather3A_1072 {strides = array<i32>} : memref<32768xf32, #tpu.memory_space<vmem>>, vector<16xf32>,
        %add3A_1080 = arith.constant 28 : i32
        %add3A_1081 = vector.broadcast %add3A_1080 : i32 to vector<16xi32>
        %add3A_1082 = arith.addi %add3A_758, %add3A_1081 : vector<16xi32>
        %gather3A_1083 = tpu.vector_load_idx %arg4[%add3A_1082] : memref<8208xf32, #tpu.memory_space<vmem>>[vector<16xi32>], vector<16xf32>,
        %add3A_1084 = arith.constant 25088 : i32
        %add3A_1085 = arith.addi %add3A_771, %add3A_1084 : i32
        %swap3A_1086 = arith.constant 0 : i32
        %swap3A_1087 = tpu.memref_slice %arg7[%scan3A_294, %swap3A_1086] : memref<2x32768xf32, #tpu.memory_space<vmem>> -> memref<1x32768xf32, #tpu.memory_space<vmem>>
        %swap3A_1088 = tpu.memref_squeeze %swap3A_1087 : memref<1x32768xf32, #tpu.memory_space<vmem>> -> memref<32768xf32, #tpu.memory_space<vmem>>
        %swap3A_1089 = arith.index_cast %add3A_1085 : i32 to index
        %swap3A_1090 = tpu.vector_load %swap3A_1088[%swap3A_1089] {strides = array<i32>} : memref<32768xf32, #tpu.memory_space<vmem>>, vector<16xf32>,
        tpu.vector_store %swap3A_1088[%swap3A_1089], %gather3A_1083 {strides = array<i32>} : memref<32768xf32, #tpu.memory_space<vmem>>, vector<16xf32>,
        %add3A_1091 = arith.constant 29 : i32
        %add3A_1092 = vector.broadcast %add3A_1091 : i32 to vector<16xi32>
        %add3A_1093 = arith.addi %add3A_758, %add3A_1092 : vector<16xi32>
        %gather3A_1094 = tpu.vector_load_idx %arg4[%add3A_1093] : memref<8208xf32, #tpu.memory_space<vmem>>[vector<16xi32>], vector<16xf32>,
        %add3A_1095 = arith.constant 25216 : i32
        %add3A_1096 = arith.addi %add3A_771, %add3A_1095 : i32
        %swap3A_1097 = arith.constant 0 : i32
        %swap3A_1098 = tpu.memref_slice %arg7[%scan3A_294, %swap3A_1097] : memref<2x32768xf32, #tpu.memory_space<vmem>> -> memref<1x32768xf32, #tpu.memory_space<vmem>>
        %swap3A_1099 = tpu.memref_squeeze %swap3A_1098 : memref<1x32768xf32, #tpu.memory_space<vmem>> -> memref<32768xf32, #tpu.memory_space<vmem>>
        %swap3A_1100 = arith.index_cast %add3A_1096 : i32 to index
        %swap3A_1101 = tpu.vector_load %swap3A_1099[%swap3A_1100] {strides = array<i32>} : memref<32768xf32, #tpu.memory_space<vmem>>, vector<16xf32>,
        tpu.vector_store %swap3A_1099[%swap3A_1100], %gather3A_1094 {strides = array<i32>} : memref<32768xf32, #tpu.memory_space<vmem>>, vector<16xf32>,
        %add3A_1102 = arith.constant 30 : i32
        %add3A_1103 = vector.broadcast %add3A_1102 : i32 to vector<16xi32>
        %add3A_1104 = arith.addi %add3A_758, %add3A_1103 : vector<16xi32>
        %gather3A_1105 = tpu.vector_load_idx %arg4[%add3A_1104] : memref<8208xf32, #tpu.memory_space<vmem>>[vector<16xi32>], vector<16xf32>,
        %add3A_1106 = arith.constant 25344 : i32
        %add3A_1107 = arith.addi %add3A_771, %add3A_1106 : i32
        %swap3A_1108 = arith.constant 0 : i32
        %swap3A_1109 = tpu.memref_slice %arg7[%scan3A_294, %swap3A_1108] : memref<2x32768xf32, #tpu.memory_space<vmem>> -> memref<1x32768xf32, #tpu.memory_space<vmem>>
        %swap3A_1110 = tpu.memref_squeeze %swap3A_1109 : memref<1x32768xf32, #tpu.memory_space<vmem>> -> memref<32768xf32, #tpu.memory_space<vmem>>
        %swap3A_1111 = arith.index_cast %add3A_1107 : i32 to index
        %swap3A_1112 = tpu.vector_load %swap3A_1110[%swap3A_1111] {strides = array<i32>} : memref<32768xf32, #tpu.memory_space<vmem>>, vector<16xf32>,
        tpu.vector_store %swap3A_1110[%swap3A_1111], %gather3A_1105 {strides = array<i32>} : memref<32768xf32, #tpu.memory_space<vmem>>, vector<16xf32>,
        %add3A_1113 = arith.constant 31 : i32
        %add3A_1114 = vector.broadcast %add3A_1113 : i32 to vector<16xi32>
        %add3A_1115 = arith.addi %add3A_758, %add3A_1114 : vector<16xi32>
        %gather3A_1116 = tpu.vector_load_idx %arg4[%add3A_1115] : memref<8208xf32, #tpu.memory_space<vmem>>[vector<16xi32>], vector<16xf32>,
        %add3A_1117 = arith.constant 25472 : i32
        %add3A_1118 = arith.addi %add3A_771, %add3A_1117 : i32
        %swap3A_1119 = arith.constant 0 : i32
        %swap3A_1120 = tpu.memref_slice %arg7[%scan3A_294, %swap3A_1119] : memref<2x32768xf32, #tpu.memory_space<vmem>> -> memref<1x32768xf32, #tpu.memory_space<vmem>>
        %swap3A_1121 = tpu.memref_squeeze %swap3A_1120 : memref<1x32768xf32, #tpu.memory_space<vmem>> -> memref<32768xf32, #tpu.memory_space<vmem>>
        %swap3A_1122 = arith.index_cast %add3A_1118 : i32 to index
        %swap3A_1123 = tpu.vector_load %swap3A_1121[%swap3A_1122] {strides = array<i32>} : memref<32768xf32, #tpu.memory_space<vmem>>, vector<16xf32>,
        tpu.vector_store %swap3A_1121[%swap3A_1122], %gather3A_1116 {strides = array<i32>} : memref<32768xf32, #tpu.memory_space<vmem>>, vector<16xf32>,
        %shift_right_logical3A_1124 = arith.constant 16 : i32
        %shift_right_logical3A_1125 = vector.broadcast %shift_right_logical3A_1124 : i32 to vector<16xi32>
        %shift_right_logical3A_1126 = arith.shrui %get3A_378, %shift_right_logical3A_1125 : vector<16xi32>
        %and3A_1127 = arith.constant 255 : i32
        %and3A_1128 = vector.broadcast %and3A_1127 : i32 to vector<16xi32>
        %and3A_1129 = arith.andi %shift_right_logical3A_1126, %and3A_1128 : vector<16xi32>
        %mul3A_1130 = arith.constant 32 : i32
        %mul3A_1131 = vector.broadcast %mul3A_1130 : i32 to vector<16xi32>
        %mul3A_1132 = arith.muli %and3A_1129, %mul3A_1131 : vector<16xi32>
        %add3A_1133 = arith.addi %mul3A_11, %mul3A_1132 : vector<16xi32>
        %mul3A_1134 = arith.constant 4 : i32
        %mul3A_1135 = arith.muli %add3A_372, %mul3A_1134 : i32
        %add3A_1136 = arith.constant 2 : i32
        %add3A_1137 = arith.addi %mul3A_1135, %add3A_1136 : i32
        %shift_right_logical3A_1138 = arith.constant 3 : i32
        %shift_right_logical3A_1139 = arith.shrui %add3A_1137, %shift_right_logical3A_1138 : i32
        %shift_left3A_1140 = arith.constant 10 : i32
        %shift_left3A_1141 = arith.shli %shift_right_logical3A_1139, %shift_left3A_1140 : i32
        %and3A_1142 = arith.constant 7 : i32
        %and3A_1143 = arith.andi %add3A_1137, %and3A_1142 : i32
        %shift_left3A_1144 = arith.constant 4 : i32
        %shift_left3A_1145 = arith.shli %and3A_1143, %shift_left3A_1144 : i32
        %add3A_1146 = arith.addi %shift_left3A_1141, %shift_left3A_1145 : i32
        %add3A_1147 = arith.constant 0 : i32
        %add3A_1148 = vector.broadcast %add3A_1147 : i32 to vector<16xi32>
        %add3A_1149 = arith.addi %add3A_1133, %add3A_1148 : vector<16xi32>
        %gather3A_1150 = tpu.vector_load_idx %arg4[%add3A_1149] : memref<8208xf32, #tpu.memory_space<vmem>>[vector<16xi32>], vector<16xf32>,
        %add3A_1151 = arith.constant 0 : i32
        %add3A_1152 = arith.addi %add3A_1146, %add3A_1151 : i32
        %swap3A_1153 = arith.constant 0 : i32
        %swap3A_1154 = tpu.memref_slice %arg7[%scan3A_294, %swap3A_1153] : memref<2x32768xf32, #tpu.memory_space<vmem>> -> memref<1x32768xf32, #tpu.memory_space<vmem>>
        %swap3A_1155 = tpu.memref_squeeze %swap3A_1154 : memref<1x32768xf32, #tpu.memory_space<vmem>> -> memref<32768xf32, #tpu.memory_space<vmem>>
        %swap3A_1156 = arith.index_cast %add3A_1152 : i32 to index
        %swap3A_1157 = tpu.vector_load %swap3A_1155[%swap3A_1156] {strides = array<i32>} : memref<32768xf32, #tpu.memory_space<vmem>>, vector<16xf32>,
        tpu.vector_store %swap3A_1155[%swap3A_1156], %gather3A_1150 {strides = array<i32>} : memref<32768xf32, #tpu.memory_space<vmem>>, vector<16xf32>,
        %add3A_1158 = arith.constant 1 : i32
        %add3A_1159 = vector.broadcast %add3A_1158 : i32 to vector<16xi32>
        %add3A_1160 = arith.addi %add3A_1133, %add3A_1159 : vector<16xi32>
        %gather3A_1161 = tpu.vector_load_idx %arg4[%add3A_1160] : memref<8208xf32, #tpu.memory_space<vmem>>[vector<16xi32>], vector<16xf32>,
        %add3A_1162 = arith.constant 128 : i32
        %add3A_1163 = arith.addi %add3A_1146, %add3A_1162 : i32
        %swap3A_1164 = arith.constant 0 : i32
        %swap3A_1165 = tpu.memref_slice %arg7[%scan3A_294, %swap3A_1164] : memref<2x32768xf32, #tpu.memory_space<vmem>> -> memref<1x32768xf32, #tpu.memory_space<vmem>>
        %swap3A_1166 = tpu.memref_squeeze %swap3A_1165 : memref<1x32768xf32, #tpu.memory_space<vmem>> -> memref<32768xf32, #tpu.memory_space<vmem>>
        %swap3A_1167 = arith.index_cast %add3A_1163 : i32 to index
        %swap3A_1168 = tpu.vector_load %swap3A_1166[%swap3A_1167] {strides = array<i32>} : memref<32768xf32, #tpu.memory_space<vmem>>, vector<16xf32>,
        tpu.vector_store %swap3A_1166[%swap3A_1167], %gather3A_1161 {strides = array<i32>} : memref<32768xf32, #tpu.memory_space<vmem>>, vector<16xf32>,
        %add3A_1169 = arith.constant 2 : i32
        %add3A_1170 = vector.broadcast %add3A_1169 : i32 to vector<16xi32>
        %add3A_1171 = arith.addi %add3A_1133, %add3A_1170 : vector<16xi32>
        %gather3A_1172 = tpu.vector_load_idx %arg4[%add3A_1171] : memref<8208xf32, #tpu.memory_space<vmem>>[vector<16xi32>], vector<16xf32>,
        %add3A_1173 = arith.constant 256 : i32
        %add3A_1174 = arith.addi %add3A_1146, %add3A_1173 : i32
        %swap3A_1175 = arith.constant 0 : i32
        %swap3A_1176 = tpu.memref_slice %arg7[%scan3A_294, %swap3A_1175] : memref<2x32768xf32, #tpu.memory_space<vmem>> -> memref<1x32768xf32, #tpu.memory_space<vmem>>
        %swap3A_1177 = tpu.memref_squeeze %swap3A_1176 : memref<1x32768xf32, #tpu.memory_space<vmem>> -> memref<32768xf32, #tpu.memory_space<vmem>>
        %swap3A_1178 = arith.index_cast %add3A_1174 : i32 to index
        %swap3A_1179 = tpu.vector_load %swap3A_1177[%swap3A_1178] {strides = array<i32>} : memref<32768xf32, #tpu.memory_space<vmem>>, vector<16xf32>,
        tpu.vector_store %swap3A_1177[%swap3A_1178], %gather3A_1172 {strides = array<i32>} : memref<32768xf32, #tpu.memory_space<vmem>>, vector<16xf32>,
        %add3A_1180 = arith.constant 3 : i32
        %add3A_1181 = vector.broadcast %add3A_1180 : i32 to vector<16xi32>
        %add3A_1182 = arith.addi %add3A_1133, %add3A_1181 : vector<16xi32>
        %gather3A_1183 = tpu.vector_load_idx %arg4[%add3A_1182] : memref<8208xf32, #tpu.memory_space<vmem>>[vector<16xi32>], vector<16xf32>,
        %add3A_1184 = arith.constant 384 : i32
        %add3A_1185 = arith.addi %add3A_1146, %add3A_1184 : i32
        %swap3A_1186 = arith.constant 0 : i32
        %swap3A_1187 = tpu.memref_slice %arg7[%scan3A_294, %swap3A_1186] : memref<2x32768xf32, #tpu.memory_space<vmem>> -> memref<1x32768xf32, #tpu.memory_space<vmem>>
        %swap3A_1188 = tpu.memref_squeeze %swap3A_1187 : memref<1x32768xf32, #tpu.memory_space<vmem>> -> memref<32768xf32, #tpu.memory_space<vmem>>
        %swap3A_1189 = arith.index_cast %add3A_1185 : i32 to index
        %swap3A_1190 = tpu.vector_load %swap3A_1188[%swap3A_1189] {strides = array<i32>} : memref<32768xf32, #tpu.memory_space<vmem>>, vector<16xf32>,
        tpu.vector_store %swap3A_1188[%swap3A_1189], %gather3A_1183 {strides = array<i32>} : memref<32768xf32, #tpu.memory_space<vmem>>, vector<16xf32>,
        %add3A_1191 = arith.constant 4 : i32
        %add3A_1192 = vector.broadcast %add3A_1191 : i32 to vector<16xi32>
        %add3A_1193 = arith.addi %add3A_1133, %add3A_1192 : vector<16xi32>
        %gather3A_1194 = tpu.vector_load_idx %arg4[%add3A_1193] : memref<8208xf32, #tpu.memory_space<vmem>>[vector<16xi32>], vector<16xf32>,
        %add3A_1195 = arith.constant 512 : i32
        %add3A_1196 = arith.addi %add3A_1146, %add3A_1195 : i32
        %swap3A_1197 = arith.constant 0 : i32
        %swap3A_1198 = tpu.memref_slice %arg7[%scan3A_294, %swap3A_1197] : memref<2x32768xf32, #tpu.memory_space<vmem>> -> memref<1x32768xf32, #tpu.memory_space<vmem>>
        %swap3A_1199 = tpu.memref_squeeze %swap3A_1198 : memref<1x32768xf32, #tpu.memory_space<vmem>> -> memref<32768xf32, #tpu.memory_space<vmem>>
        %swap3A_1200 = arith.index_cast %add3A_1196 : i32 to index
        %swap3A_1201 = tpu.vector_load %swap3A_1199[%swap3A_1200] {strides = array<i32>} : memref<32768xf32, #tpu.memory_space<vmem>>, vector<16xf32>,
        tpu.vector_store %swap3A_1199[%swap3A_1200], %gather3A_1194 {strides = array<i32>} : memref<32768xf32, #tpu.memory_space<vmem>>, vector<16xf32>,
        %add3A_1202 = arith.constant 5 : i32
        %add3A_1203 = vector.broadcast %add3A_1202 : i32 to vector<16xi32>
        %add3A_1204 = arith.addi %add3A_1133, %add3A_1203 : vector<16xi32>
        %gather3A_1205 = tpu.vector_load_idx %arg4[%add3A_1204] : memref<8208xf32, #tpu.memory_space<vmem>>[vector<16xi32>], vector<16xf32>,
        %add3A_1206 = arith.constant 640 : i32
        %add3A_1207 = arith.addi %add3A_1146, %add3A_1206 : i32
        %swap3A_1208 = arith.constant 0 : i32
        %swap3A_1209 = tpu.memref_slice %arg7[%scan3A_294, %swap3A_1208] : memref<2x32768xf32, #tpu.memory_space<vmem>> -> memref<1x32768xf32, #tpu.memory_space<vmem>>
        %swap3A_1210 = tpu.memref_squeeze %swap3A_1209 : memref<1x32768xf32, #tpu.memory_space<vmem>> -> memref<32768xf32, #tpu.memory_space<vmem>>
        %swap3A_1211 = arith.index_cast %add3A_1207 : i32 to index
        %swap3A_1212 = tpu.vector_load %swap3A_1210[%swap3A_1211] {strides = array<i32>} : memref<32768xf32, #tpu.memory_space<vmem>>, vector<16xf32>,
        tpu.vector_store %swap3A_1210[%swap3A_1211], %gather3A_1205 {strides = array<i32>} : memref<32768xf32, #tpu.memory_space<vmem>>, vector<16xf32>,
        %add3A_1213 = arith.constant 6 : i32
        %add3A_1214 = vector.broadcast %add3A_1213 : i32 to vector<16xi32>
        %add3A_1215 = arith.addi %add3A_1133, %add3A_1214 : vector<16xi32>
        %gather3A_1216 = tpu.vector_load_idx %arg4[%add3A_1215] : memref<8208xf32, #tpu.memory_space<vmem>>[vector<16xi32>], vector<16xf32>,
        %add3A_1217 = arith.constant 768 : i32
        %add3A_1218 = arith.addi %add3A_1146, %add3A_1217 : i32
        %swap3A_1219 = arith.constant 0 : i32
        %swap3A_1220 = tpu.memref_slice %arg7[%scan3A_294, %swap3A_1219] : memref<2x32768xf32, #tpu.memory_space<vmem>> -> memref<1x32768xf32, #tpu.memory_space<vmem>>
        %swap3A_1221 = tpu.memref_squeeze %swap3A_1220 : memref<1x32768xf32, #tpu.memory_space<vmem>> -> memref<32768xf32, #tpu.memory_space<vmem>>
        %swap3A_1222 = arith.index_cast %add3A_1218 : i32 to index
        %swap3A_1223 = tpu.vector_load %swap3A_1221[%swap3A_1222] {strides = array<i32>} : memref<32768xf32, #tpu.memory_space<vmem>>, vector<16xf32>,
        tpu.vector_store %swap3A_1221[%swap3A_1222], %gather3A_1216 {strides = array<i32>} : memref<32768xf32, #tpu.memory_space<vmem>>, vector<16xf32>,
        %add3A_1224 = arith.constant 7 : i32
        %add3A_1225 = vector.broadcast %add3A_1224 : i32 to vector<16xi32>
        %add3A_1226 = arith.addi %add3A_1133, %add3A_1225 : vector<16xi32>
        %gather3A_1227 = tpu.vector_load_idx %arg4[%add3A_1226] : memref<8208xf32, #tpu.memory_space<vmem>>[vector<16xi32>], vector<16xf32>,
        %add3A_1228 = arith.constant 896 : i32
        %add3A_1229 = arith.addi %add3A_1146, %add3A_1228 : i32
        %swap3A_1230 = arith.constant 0 : i32
        %swap3A_1231 = tpu.memref_slice %arg7[%scan3A_294, %swap3A_1230] : memref<2x32768xf32, #tpu.memory_space<vmem>> -> memref<1x32768xf32, #tpu.memory_space<vmem>>
        %swap3A_1232 = tpu.memref_squeeze %swap3A_1231 : memref<1x32768xf32, #tpu.memory_space<vmem>> -> memref<32768xf32, #tpu.memory_space<vmem>>
        %swap3A_1233 = arith.index_cast %add3A_1229 : i32 to index
        %swap3A_1234 = tpu.vector_load %swap3A_1232[%swap3A_1233] {strides = array<i32>} : memref<32768xf32, #tpu.memory_space<vmem>>, vector<16xf32>,
        tpu.vector_store %swap3A_1232[%swap3A_1233], %gather3A_1227 {strides = array<i32>} : memref<32768xf32, #tpu.memory_space<vmem>>, vector<16xf32>,
        %add3A_1235 = arith.constant 8 : i32
        %add3A_1236 = vector.broadcast %add3A_1235 : i32 to vector<16xi32>
        %add3A_1237 = arith.addi %add3A_1133, %add3A_1236 : vector<16xi32>
        %gather3A_1238 = tpu.vector_load_idx %arg4[%add3A_1237] : memref<8208xf32, #tpu.memory_space<vmem>>[vector<16xi32>], vector<16xf32>,
        %add3A_1239 = arith.constant 8192 : i32
        %add3A_1240 = arith.addi %add3A_1146, %add3A_1239 : i32
        %swap3A_1241 = arith.constant 0 : i32
        %swap3A_1242 = tpu.memref_slice %arg7[%scan3A_294, %swap3A_1241] : memref<2x32768xf32, #tpu.memory_space<vmem>> -> memref<1x32768xf32, #tpu.memory_space<vmem>>
        %swap3A_1243 = tpu.memref_squeeze %swap3A_1242 : memref<1x32768xf32, #tpu.memory_space<vmem>> -> memref<32768xf32, #tpu.memory_space<vmem>>
        %swap3A_1244 = arith.index_cast %add3A_1240 : i32 to index
        %swap3A_1245 = tpu.vector_load %swap3A_1243[%swap3A_1244] {strides = array<i32>} : memref<32768xf32, #tpu.memory_space<vmem>>, vector<16xf32>,
        tpu.vector_store %swap3A_1243[%swap3A_1244], %gather3A_1238 {strides = array<i32>} : memref<32768xf32, #tpu.memory_space<vmem>>, vector<16xf32>,
        %add3A_1246 = arith.constant 9 : i32
        %add3A_1247 = vector.broadcast %add3A_1246 : i32 to vector<16xi32>
        %add3A_1248 = arith.addi %add3A_1133, %add3A_1247 : vector<16xi32>
        %gather3A_1249 = tpu.vector_load_idx %arg4[%add3A_1248] : memref<8208xf32, #tpu.memory_space<vmem>>[vector<16xi32>], vector<16xf32>,
        %add3A_1250 = arith.constant 8320 : i32
        %add3A_1251 = arith.addi %add3A_1146, %add3A_1250 : i32
        %swap3A_1252 = arith.constant 0 : i32
        %swap3A_1253 = tpu.memref_slice %arg7[%scan3A_294, %swap3A_1252] : memref<2x32768xf32, #tpu.memory_space<vmem>> -> memref<1x32768xf32, #tpu.memory_space<vmem>>
        %swap3A_1254 = tpu.memref_squeeze %swap3A_1253 : memref<1x32768xf32, #tpu.memory_space<vmem>> -> memref<32768xf32, #tpu.memory_space<vmem>>
        %swap3A_1255 = arith.index_cast %add3A_1251 : i32 to index
        %swap3A_1256 = tpu.vector_load %swap3A_1254[%swap3A_1255] {strides = array<i32>} : memref<32768xf32, #tpu.memory_space<vmem>>, vector<16xf32>,
        tpu.vector_store %swap3A_1254[%swap3A_1255], %gather3A_1249 {strides = array<i32>} : memref<32768xf32, #tpu.memory_space<vmem>>, vector<16xf32>,
        %add3A_1257 = arith.constant 10 : i32
        %add3A_1258 = vector.broadcast %add3A_1257 : i32 to vector<16xi32>
        %add3A_1259 = arith.addi %add3A_1133, %add3A_1258 : vector<16xi32>
        %gather3A_1260 = tpu.vector_load_idx %arg4[%add3A_1259] : memref<8208xf32, #tpu.memory_space<vmem>>[vector<16xi32>], vector<16xf32>,
        %add3A_1261 = arith.constant 8448 : i32
        %add3A_1262 = arith.addi %add3A_1146, %add3A_1261 : i32
        %swap3A_1263 = arith.constant 0 : i32
        %swap3A_1264 = tpu.memref_slice %arg7[%scan3A_294, %swap3A_1263] : memref<2x32768xf32, #tpu.memory_space<vmem>> -> memref<1x32768xf32, #tpu.memory_space<vmem>>
        %swap3A_1265 = tpu.memref_squeeze %swap3A_1264 : memref<1x32768xf32, #tpu.memory_space<vmem>> -> memref<32768xf32, #tpu.memory_space<vmem>>
        %swap3A_1266 = arith.index_cast %add3A_1262 : i32 to index
        %swap3A_1267 = tpu.vector_load %swap3A_1265[%swap3A_1266] {strides = array<i32>} : memref<32768xf32, #tpu.memory_space<vmem>>, vector<16xf32>,
        tpu.vector_store %swap3A_1265[%swap3A_1266], %gather3A_1260 {strides = array<i32>} : memref<32768xf32, #tpu.memory_space<vmem>>, vector<16xf32>,
        %add3A_1268 = arith.constant 11 : i32
        %add3A_1269 = vector.broadcast %add3A_1268 : i32 to vector<16xi32>
        %add3A_1270 = arith.addi %add3A_1133, %add3A_1269 : vector<16xi32>
        %gather3A_1271 = tpu.vector_load_idx %arg4[%add3A_1270] : memref<8208xf32, #tpu.memory_space<vmem>>[vector<16xi32>], vector<16xf32>,
        %add3A_1272 = arith.constant 8576 : i32
        %add3A_1273 = arith.addi %add3A_1146, %add3A_1272 : i32
        %swap3A_1274 = arith.constant 0 : i32
        %swap3A_1275 = tpu.memref_slice %arg7[%scan3A_294, %swap3A_1274] : memref<2x32768xf32, #tpu.memory_space<vmem>> -> memref<1x32768xf32, #tpu.memory_space<vmem>>
        %swap3A_1276 = tpu.memref_squeeze %swap3A_1275 : memref<1x32768xf32, #tpu.memory_space<vmem>> -> memref<32768xf32, #tpu.memory_space<vmem>>
        %swap3A_1277 = arith.index_cast %add3A_1273 : i32 to index
        %swap3A_1278 = tpu.vector_load %swap3A_1276[%swap3A_1277] {strides = array<i32>} : memref<32768xf32, #tpu.memory_space<vmem>>, vector<16xf32>,
        tpu.vector_store %swap3A_1276[%swap3A_1277], %gather3A_1271 {strides = array<i32>} : memref<32768xf32, #tpu.memory_space<vmem>>, vector<16xf32>,
        %add3A_1279 = arith.constant 12 : i32
        %add3A_1280 = vector.broadcast %add3A_1279 : i32 to vector<16xi32>
        %add3A_1281 = arith.addi %add3A_1133, %add3A_1280 : vector<16xi32>
        %gather3A_1282 = tpu.vector_load_idx %arg4[%add3A_1281] : memref<8208xf32, #tpu.memory_space<vmem>>[vector<16xi32>], vector<16xf32>,
        %add3A_1283 = arith.constant 8704 : i32
        %add3A_1284 = arith.addi %add3A_1146, %add3A_1283 : i32
        %swap3A_1285 = arith.constant 0 : i32
        %swap3A_1286 = tpu.memref_slice %arg7[%scan3A_294, %swap3A_1285] : memref<2x32768xf32, #tpu.memory_space<vmem>> -> memref<1x32768xf32, #tpu.memory_space<vmem>>
        %swap3A_1287 = tpu.memref_squeeze %swap3A_1286 : memref<1x32768xf32, #tpu.memory_space<vmem>> -> memref<32768xf32, #tpu.memory_space<vmem>>
        %swap3A_1288 = arith.index_cast %add3A_1284 : i32 to index
        %swap3A_1289 = tpu.vector_load %swap3A_1287[%swap3A_1288] {strides = array<i32>} : memref<32768xf32, #tpu.memory_space<vmem>>, vector<16xf32>,
        tpu.vector_store %swap3A_1287[%swap3A_1288], %gather3A_1282 {strides = array<i32>} : memref<32768xf32, #tpu.memory_space<vmem>>, vector<16xf32>,
        %add3A_1290 = arith.constant 13 : i32
        %add3A_1291 = vector.broadcast %add3A_1290 : i32 to vector<16xi32>
        %add3A_1292 = arith.addi %add3A_1133, %add3A_1291 : vector<16xi32>
        %gather3A_1293 = tpu.vector_load_idx %arg4[%add3A_1292] : memref<8208xf32, #tpu.memory_space<vmem>>[vector<16xi32>], vector<16xf32>,
        %add3A_1294 = arith.constant 8832 : i32
        %add3A_1295 = arith.addi %add3A_1146, %add3A_1294 : i32
        %swap3A_1296 = arith.constant 0 : i32
        %swap3A_1297 = tpu.memref_slice %arg7[%scan3A_294, %swap3A_1296] : memref<2x32768xf32, #tpu.memory_space<vmem>> -> memref<1x32768xf32, #tpu.memory_space<vmem>>
        %swap3A_1298 = tpu.memref_squeeze %swap3A_1297 : memref<1x32768xf32, #tpu.memory_space<vmem>> -> memref<32768xf32, #tpu.memory_space<vmem>>
        %swap3A_1299 = arith.index_cast %add3A_1295 : i32 to index
        %swap3A_1300 = tpu.vector_load %swap3A_1298[%swap3A_1299] {strides = array<i32>} : memref<32768xf32, #tpu.memory_space<vmem>>, vector<16xf32>,
        tpu.vector_store %swap3A_1298[%swap3A_1299], %gather3A_1293 {strides = array<i32>} : memref<32768xf32, #tpu.memory_space<vmem>>, vector<16xf32>,
        %add3A_1301 = arith.constant 14 : i32
        %add3A_1302 = vector.broadcast %add3A_1301 : i32 to vector<16xi32>
        %add3A_1303 = arith.addi %add3A_1133, %add3A_1302 : vector<16xi32>
        %gather3A_1304 = tpu.vector_load_idx %arg4[%add3A_1303] : memref<8208xf32, #tpu.memory_space<vmem>>[vector<16xi32>], vector<16xf32>,
        %add3A_1305 = arith.constant 8960 : i32
        %add3A_1306 = arith.addi %add3A_1146, %add3A_1305 : i32
        %swap3A_1307 = arith.constant 0 : i32
        %swap3A_1308 = tpu.memref_slice %arg7[%scan3A_294, %swap3A_1307] : memref<2x32768xf32, #tpu.memory_space<vmem>> -> memref<1x32768xf32, #tpu.memory_space<vmem>>
        %swap3A_1309 = tpu.memref_squeeze %swap3A_1308 : memref<1x32768xf32, #tpu.memory_space<vmem>> -> memref<32768xf32, #tpu.memory_space<vmem>>
        %swap3A_1310 = arith.index_cast %add3A_1306 : i32 to index
        %swap3A_1311 = tpu.vector_load %swap3A_1309[%swap3A_1310] {strides = array<i32>} : memref<32768xf32, #tpu.memory_space<vmem>>, vector<16xf32>,
        tpu.vector_store %swap3A_1309[%swap3A_1310], %gather3A_1304 {strides = array<i32>} : memref<32768xf32, #tpu.memory_space<vmem>>, vector<16xf32>,
        %add3A_1312 = arith.constant 15 : i32
        %add3A_1313 = vector.broadcast %add3A_1312 : i32 to vector<16xi32>
        %add3A_1314 = arith.addi %add3A_1133, %add3A_1313 : vector<16xi32>
        %gather3A_1315 = tpu.vector_load_idx %arg4[%add3A_1314] : memref<8208xf32, #tpu.memory_space<vmem>>[vector<16xi32>], vector<16xf32>,
        %add3A_1316 = arith.constant 9088 : i32
        %add3A_1317 = arith.addi %add3A_1146, %add3A_1316 : i32
        %swap3A_1318 = arith.constant 0 : i32
        %swap3A_1319 = tpu.memref_slice %arg7[%scan3A_294, %swap3A_1318] : memref<2x32768xf32, #tpu.memory_space<vmem>> -> memref<1x32768xf32, #tpu.memory_space<vmem>>
        %swap3A_1320 = tpu.memref_squeeze %swap3A_1319 : memref<1x32768xf32, #tpu.memory_space<vmem>> -> memref<32768xf32, #tpu.memory_space<vmem>>
        %swap3A_1321 = arith.index_cast %add3A_1317 : i32 to index
        %swap3A_1322 = tpu.vector_load %swap3A_1320[%swap3A_1321] {strides = array<i32>} : memref<32768xf32, #tpu.memory_space<vmem>>, vector<16xf32>,
        tpu.vector_store %swap3A_1320[%swap3A_1321], %gather3A_1315 {strides = array<i32>} : memref<32768xf32, #tpu.memory_space<vmem>>, vector<16xf32>,
        %add3A_1323 = arith.constant 16 : i32
        %add3A_1324 = vector.broadcast %add3A_1323 : i32 to vector<16xi32>
        %add3A_1325 = arith.addi %add3A_1133, %add3A_1324 : vector<16xi32>
        %gather3A_1326 = tpu.vector_load_idx %arg4[%add3A_1325] : memref<8208xf32, #tpu.memory_space<vmem>>[vector<16xi32>], vector<16xf32>,
        %add3A_1327 = arith.constant 16384 : i32
        %add3A_1328 = arith.addi %add3A_1146, %add3A_1327 : i32
        %swap3A_1329 = arith.constant 0 : i32
        %swap3A_1330 = tpu.memref_slice %arg7[%scan3A_294, %swap3A_1329] : memref<2x32768xf32, #tpu.memory_space<vmem>> -> memref<1x32768xf32, #tpu.memory_space<vmem>>
        %swap3A_1331 = tpu.memref_squeeze %swap3A_1330 : memref<1x32768xf32, #tpu.memory_space<vmem>> -> memref<32768xf32, #tpu.memory_space<vmem>>
        %swap3A_1332 = arith.index_cast %add3A_1328 : i32 to index
        %swap3A_1333 = tpu.vector_load %swap3A_1331[%swap3A_1332] {strides = array<i32>} : memref<32768xf32, #tpu.memory_space<vmem>>, vector<16xf32>,
        tpu.vector_store %swap3A_1331[%swap3A_1332], %gather3A_1326 {strides = array<i32>} : memref<32768xf32, #tpu.memory_space<vmem>>, vector<16xf32>,
        %add3A_1334 = arith.constant 17 : i32
        %add3A_1335 = vector.broadcast %add3A_1334 : i32 to vector<16xi32>
        %add3A_1336 = arith.addi %add3A_1133, %add3A_1335 : vector<16xi32>
        %gather3A_1337 = tpu.vector_load_idx %arg4[%add3A_1336] : memref<8208xf32, #tpu.memory_space<vmem>>[vector<16xi32>], vector<16xf32>,
        %add3A_1338 = arith.constant 16512 : i32
        %add3A_1339 = arith.addi %add3A_1146, %add3A_1338 : i32
        %swap3A_1340 = arith.constant 0 : i32
        %swap3A_1341 = tpu.memref_slice %arg7[%scan3A_294, %swap3A_1340] : memref<2x32768xf32, #tpu.memory_space<vmem>> -> memref<1x32768xf32, #tpu.memory_space<vmem>>
        %swap3A_1342 = tpu.memref_squeeze %swap3A_1341 : memref<1x32768xf32, #tpu.memory_space<vmem>> -> memref<32768xf32, #tpu.memory_space<vmem>>
        %swap3A_1343 = arith.index_cast %add3A_1339 : i32 to index
        %swap3A_1344 = tpu.vector_load %swap3A_1342[%swap3A_1343] {strides = array<i32>} : memref<32768xf32, #tpu.memory_space<vmem>>, vector<16xf32>,
        tpu.vector_store %swap3A_1342[%swap3A_1343], %gather3A_1337 {strides = array<i32>} : memref<32768xf32, #tpu.memory_space<vmem>>, vector<16xf32>,
        %add3A_1345 = arith.constant 18 : i32
        %add3A_1346 = vector.broadcast %add3A_1345 : i32 to vector<16xi32>
        %add3A_1347 = arith.addi %add3A_1133, %add3A_1346 : vector<16xi32>
        %gather3A_1348 = tpu.vector_load_idx %arg4[%add3A_1347] : memref<8208xf32, #tpu.memory_space<vmem>>[vector<16xi32>], vector<16xf32>,
        %add3A_1349 = arith.constant 16640 : i32
        %add3A_1350 = arith.addi %add3A_1146, %add3A_1349 : i32
        %swap3A_1351 = arith.constant 0 : i32
        %swap3A_1352 = tpu.memref_slice %arg7[%scan3A_294, %swap3A_1351] : memref<2x32768xf32, #tpu.memory_space<vmem>> -> memref<1x32768xf32, #tpu.memory_space<vmem>>
        %swap3A_1353 = tpu.memref_squeeze %swap3A_1352 : memref<1x32768xf32, #tpu.memory_space<vmem>> -> memref<32768xf32, #tpu.memory_space<vmem>>
        %swap3A_1354 = arith.index_cast %add3A_1350 : i32 to index
        %swap3A_1355 = tpu.vector_load %swap3A_1353[%swap3A_1354] {strides = array<i32>} : memref<32768xf32, #tpu.memory_space<vmem>>, vector<16xf32>,
        tpu.vector_store %swap3A_1353[%swap3A_1354], %gather3A_1348 {strides = array<i32>} : memref<32768xf32, #tpu.memory_space<vmem>>, vector<16xf32>,
        %add3A_1356 = arith.constant 19 : i32
        %add3A_1357 = vector.broadcast %add3A_1356 : i32 to vector<16xi32>
        %add3A_1358 = arith.addi %add3A_1133, %add3A_1357 : vector<16xi32>
        %gather3A_1359 = tpu.vector_load_idx %arg4[%add3A_1358] : memref<8208xf32, #tpu.memory_space<vmem>>[vector<16xi32>], vector<16xf32>,
        %add3A_1360 = arith.constant 16768 : i32
        %add3A_1361 = arith.addi %add3A_1146, %add3A_1360 : i32
        %swap3A_1362 = arith.constant 0 : i32
        %swap3A_1363 = tpu.memref_slice %arg7[%scan3A_294, %swap3A_1362] : memref<2x32768xf32, #tpu.memory_space<vmem>> -> memref<1x32768xf32, #tpu.memory_space<vmem>>
        %swap3A_1364 = tpu.memref_squeeze %swap3A_1363 : memref<1x32768xf32, #tpu.memory_space<vmem>> -> memref<32768xf32, #tpu.memory_space<vmem>>
        %swap3A_1365 = arith.index_cast %add3A_1361 : i32 to index
        %swap3A_1366 = tpu.vector_load %swap3A_1364[%swap3A_1365] {strides = array<i32>} : memref<32768xf32, #tpu.memory_space<vmem>>, vector<16xf32>,
        tpu.vector_store %swap3A_1364[%swap3A_1365], %gather3A_1359 {strides = array<i32>} : memref<32768xf32, #tpu.memory_space<vmem>>, vector<16xf32>,
        %add3A_1367 = arith.constant 20 : i32
        %add3A_1368 = vector.broadcast %add3A_1367 : i32 to vector<16xi32>
        %add3A_1369 = arith.addi %add3A_1133, %add3A_1368 : vector<16xi32>
        %gather3A_1370 = tpu.vector_load_idx %arg4[%add3A_1369] : memref<8208xf32, #tpu.memory_space<vmem>>[vector<16xi32>], vector<16xf32>,
        %add3A_1371 = arith.constant 16896 : i32
        %add3A_1372 = arith.addi %add3A_1146, %add3A_1371 : i32
        %swap3A_1373 = arith.constant 0 : i32
        %swap3A_1374 = tpu.memref_slice %arg7[%scan3A_294, %swap3A_1373] : memref<2x32768xf32, #tpu.memory_space<vmem>> -> memref<1x32768xf32, #tpu.memory_space<vmem>>
        %swap3A_1375 = tpu.memref_squeeze %swap3A_1374 : memref<1x32768xf32, #tpu.memory_space<vmem>> -> memref<32768xf32, #tpu.memory_space<vmem>>
        %swap3A_1376 = arith.index_cast %add3A_1372 : i32 to index
        %swap3A_1377 = tpu.vector_load %swap3A_1375[%swap3A_1376] {strides = array<i32>} : memref<32768xf32, #tpu.memory_space<vmem>>, vector<16xf32>,
        tpu.vector_store %swap3A_1375[%swap3A_1376], %gather3A_1370 {strides = array<i32>} : memref<32768xf32, #tpu.memory_space<vmem>>, vector<16xf32>,
        %add3A_1378 = arith.constant 21 : i32
        %add3A_1379 = vector.broadcast %add3A_1378 : i32 to vector<16xi32>
        %add3A_1380 = arith.addi %add3A_1133, %add3A_1379 : vector<16xi32>
        %gather3A_1381 = tpu.vector_load_idx %arg4[%add3A_1380] : memref<8208xf32, #tpu.memory_space<vmem>>[vector<16xi32>], vector<16xf32>,
        %add3A_1382 = arith.constant 17024 : i32
        %add3A_1383 = arith.addi %add3A_1146, %add3A_1382 : i32
        %swap3A_1384 = arith.constant 0 : i32
        %swap3A_1385 = tpu.memref_slice %arg7[%scan3A_294, %swap3A_1384] : memref<2x32768xf32, #tpu.memory_space<vmem>> -> memref<1x32768xf32, #tpu.memory_space<vmem>>
        %swap3A_1386 = tpu.memref_squeeze %swap3A_1385 : memref<1x32768xf32, #tpu.memory_space<vmem>> -> memref<32768xf32, #tpu.memory_space<vmem>>
        %swap3A_1387 = arith.index_cast %add3A_1383 : i32 to index
        %swap3A_1388 = tpu.vector_load %swap3A_1386[%swap3A_1387] {strides = array<i32>} : memref<32768xf32, #tpu.memory_space<vmem>>, vector<16xf32>,
        tpu.vector_store %swap3A_1386[%swap3A_1387], %gather3A_1381 {strides = array<i32>} : memref<32768xf32, #tpu.memory_space<vmem>>, vector<16xf32>,
        %add3A_1389 = arith.constant 22 : i32
        %add3A_1390 = vector.broadcast %add3A_1389 : i32 to vector<16xi32>
        %add3A_1391 = arith.addi %add3A_1133, %add3A_1390 : vector<16xi32>
        %gather3A_1392 = tpu.vector_load_idx %arg4[%add3A_1391] : memref<8208xf32, #tpu.memory_space<vmem>>[vector<16xi32>], vector<16xf32>,
        %add3A_1393 = arith.constant 17152 : i32
        %add3A_1394 = arith.addi %add3A_1146, %add3A_1393 : i32
        %swap3A_1395 = arith.constant 0 : i32
        %swap3A_1396 = tpu.memref_slice %arg7[%scan3A_294, %swap3A_1395] : memref<2x32768xf32, #tpu.memory_space<vmem>> -> memref<1x32768xf32, #tpu.memory_space<vmem>>
        %swap3A_1397 = tpu.memref_squeeze %swap3A_1396 : memref<1x32768xf32, #tpu.memory_space<vmem>> -> memref<32768xf32, #tpu.memory_space<vmem>>
        %swap3A_1398 = arith.index_cast %add3A_1394 : i32 to index
        %swap3A_1399 = tpu.vector_load %swap3A_1397[%swap3A_1398] {strides = array<i32>} : memref<32768xf32, #tpu.memory_space<vmem>>, vector<16xf32>,
        tpu.vector_store %swap3A_1397[%swap3A_1398], %gather3A_1392 {strides = array<i32>} : memref<32768xf32, #tpu.memory_space<vmem>>, vector<16xf32>,
        %add3A_1400 = arith.constant 23 : i32
        %add3A_1401 = vector.broadcast %add3A_1400 : i32 to vector<16xi32>
        %add3A_1402 = arith.addi %add3A_1133, %add3A_1401 : vector<16xi32>
        %gather3A_1403 = tpu.vector_load_idx %arg4[%add3A_1402] : memref<8208xf32, #tpu.memory_space<vmem>>[vector<16xi32>], vector<16xf32>,
        %add3A_1404 = arith.constant 17280 : i32
        %add3A_1405 = arith.addi %add3A_1146, %add3A_1404 : i32
        %swap3A_1406 = arith.constant 0 : i32
        %swap3A_1407 = tpu.memref_slice %arg7[%scan3A_294, %swap3A_1406] : memref<2x32768xf32, #tpu.memory_space<vmem>> -> memref<1x32768xf32, #tpu.memory_space<vmem>>
        %swap3A_1408 = tpu.memref_squeeze %swap3A_1407 : memref<1x32768xf32, #tpu.memory_space<vmem>> -> memref<32768xf32, #tpu.memory_space<vmem>>
        %swap3A_1409 = arith.index_cast %add3A_1405 : i32 to index
        %swap3A_1410 = tpu.vector_load %swap3A_1408[%swap3A_1409] {strides = array<i32>} : memref<32768xf32, #tpu.memory_space<vmem>>, vector<16xf32>,
        tpu.vector_store %swap3A_1408[%swap3A_1409], %gather3A_1403 {strides = array<i32>} : memref<32768xf32, #tpu.memory_space<vmem>>, vector<16xf32>,
        %add3A_1411 = arith.constant 24 : i32
        %add3A_1412 = vector.broadcast %add3A_1411 : i32 to vector<16xi32>
        %add3A_1413 = arith.addi %add3A_1133, %add3A_1412 : vector<16xi32>
        %gather3A_1414 = tpu.vector_load_idx %arg4[%add3A_1413] : memref<8208xf32, #tpu.memory_space<vmem>>[vector<16xi32>], vector<16xf32>,
        %add3A_1415 = arith.constant 24576 : i32
        %add3A_1416 = arith.addi %add3A_1146, %add3A_1415 : i32
        %swap3A_1417 = arith.constant 0 : i32
        %swap3A_1418 = tpu.memref_slice %arg7[%scan3A_294, %swap3A_1417] : memref<2x32768xf32, #tpu.memory_space<vmem>> -> memref<1x32768xf32, #tpu.memory_space<vmem>>
        %swap3A_1419 = tpu.memref_squeeze %swap3A_1418 : memref<1x32768xf32, #tpu.memory_space<vmem>> -> memref<32768xf32, #tpu.memory_space<vmem>>
        %swap3A_1420 = arith.index_cast %add3A_1416 : i32 to index
        %swap3A_1421 = tpu.vector_load %swap3A_1419[%swap3A_1420] {strides = array<i32>} : memref<32768xf32, #tpu.memory_space<vmem>>, vector<16xf32>,
        tpu.vector_store %swap3A_1419[%swap3A_1420], %gather3A_1414 {strides = array<i32>} : memref<32768xf32, #tpu.memory_space<vmem>>, vector<16xf32>,
        %add3A_1422 = arith.constant 25 : i32
        %add3A_1423 = vector.broadcast %add3A_1422 : i32 to vector<16xi32>
        %add3A_1424 = arith.addi %add3A_1133, %add3A_1423 : vector<16xi32>
        %gather3A_1425 = tpu.vector_load_idx %arg4[%add3A_1424] : memref<8208xf32, #tpu.memory_space<vmem>>[vector<16xi32>], vector<16xf32>,
        %add3A_1426 = arith.constant 24704 : i32
        %add3A_1427 = arith.addi %add3A_1146, %add3A_1426 : i32
        %swap3A_1428 = arith.constant 0 : i32
        %swap3A_1429 = tpu.memref_slice %arg7[%scan3A_294, %swap3A_1428] : memref<2x32768xf32, #tpu.memory_space<vmem>> -> memref<1x32768xf32, #tpu.memory_space<vmem>>
        %swap3A_1430 = tpu.memref_squeeze %swap3A_1429 : memref<1x32768xf32, #tpu.memory_space<vmem>> -> memref<32768xf32, #tpu.memory_space<vmem>>
        %swap3A_1431 = arith.index_cast %add3A_1427 : i32 to index
        %swap3A_1432 = tpu.vector_load %swap3A_1430[%swap3A_1431] {strides = array<i32>} : memref<32768xf32, #tpu.memory_space<vmem>>, vector<16xf32>,
        tpu.vector_store %swap3A_1430[%swap3A_1431], %gather3A_1425 {strides = array<i32>} : memref<32768xf32, #tpu.memory_space<vmem>>, vector<16xf32>,
        %add3A_1433 = arith.constant 26 : i32
        %add3A_1434 = vector.broadcast %add3A_1433 : i32 to vector<16xi32>
        %add3A_1435 = arith.addi %add3A_1133, %add3A_1434 : vector<16xi32>
        %gather3A_1436 = tpu.vector_load_idx %arg4[%add3A_1435] : memref<8208xf32, #tpu.memory_space<vmem>>[vector<16xi32>], vector<16xf32>,
        %add3A_1437 = arith.constant 24832 : i32
        %add3A_1438 = arith.addi %add3A_1146, %add3A_1437 : i32
        %swap3A_1439 = arith.constant 0 : i32
        %swap3A_1440 = tpu.memref_slice %arg7[%scan3A_294, %swap3A_1439] : memref<2x32768xf32, #tpu.memory_space<vmem>> -> memref<1x32768xf32, #tpu.memory_space<vmem>>
        %swap3A_1441 = tpu.memref_squeeze %swap3A_1440 : memref<1x32768xf32, #tpu.memory_space<vmem>> -> memref<32768xf32, #tpu.memory_space<vmem>>
        %swap3A_1442 = arith.index_cast %add3A_1438 : i32 to index
        %swap3A_1443 = tpu.vector_load %swap3A_1441[%swap3A_1442] {strides = array<i32>} : memref<32768xf32, #tpu.memory_space<vmem>>, vector<16xf32>,
        tpu.vector_store %swap3A_1441[%swap3A_1442], %gather3A_1436 {strides = array<i32>} : memref<32768xf32, #tpu.memory_space<vmem>>, vector<16xf32>,
        %add3A_1444 = arith.constant 27 : i32
        %add3A_1445 = vector.broadcast %add3A_1444 : i32 to vector<16xi32>
        %add3A_1446 = arith.addi %add3A_1133, %add3A_1445 : vector<16xi32>
        %gather3A_1447 = tpu.vector_load_idx %arg4[%add3A_1446] : memref<8208xf32, #tpu.memory_space<vmem>>[vector<16xi32>], vector<16xf32>,
        %add3A_1448 = arith.constant 24960 : i32
        %add3A_1449 = arith.addi %add3A_1146, %add3A_1448 : i32
        %swap3A_1450 = arith.constant 0 : i32
        %swap3A_1451 = tpu.memref_slice %arg7[%scan3A_294, %swap3A_1450] : memref<2x32768xf32, #tpu.memory_space<vmem>> -> memref<1x32768xf32, #tpu.memory_space<vmem>>
        %swap3A_1452 = tpu.memref_squeeze %swap3A_1451 : memref<1x32768xf32, #tpu.memory_space<vmem>> -> memref<32768xf32, #tpu.memory_space<vmem>>
        %swap3A_1453 = arith.index_cast %add3A_1449 : i32 to index
        %swap3A_1454 = tpu.vector_load %swap3A_1452[%swap3A_1453] {strides = array<i32>} : memref<32768xf32, #tpu.memory_space<vmem>>, vector<16xf32>,
        tpu.vector_store %swap3A_1452[%swap3A_1453], %gather3A_1447 {strides = array<i32>} : memref<32768xf32, #tpu.memory_space<vmem>>, vector<16xf32>,
        %add3A_1455 = arith.constant 28 : i32
        %add3A_1456 = vector.broadcast %add3A_1455 : i32 to vector<16xi32>
        %add3A_1457 = arith.addi %add3A_1133, %add3A_1456 : vector<16xi32>
        %gather3A_1458 = tpu.vector_load_idx %arg4[%add3A_1457] : memref<8208xf32, #tpu.memory_space<vmem>>[vector<16xi32>], vector<16xf32>,
        %add3A_1459 = arith.constant 25088 : i32
        %add3A_1460 = arith.addi %add3A_1146, %add3A_1459 : i32
        %swap3A_1461 = arith.constant 0 : i32
        %swap3A_1462 = tpu.memref_slice %arg7[%scan3A_294, %swap3A_1461] : memref<2x32768xf32, #tpu.memory_space<vmem>> -> memref<1x32768xf32, #tpu.memory_space<vmem>>
        %swap3A_1463 = tpu.memref_squeeze %swap3A_1462 : memref<1x32768xf32, #tpu.memory_space<vmem>> -> memref<32768xf32, #tpu.memory_space<vmem>>
        %swap3A_1464 = arith.index_cast %add3A_1460 : i32 to index
        %swap3A_1465 = tpu.vector_load %swap3A_1463[%swap3A_1464] {strides = array<i32>} : memref<32768xf32, #tpu.memory_space<vmem>>, vector<16xf32>,
        tpu.vector_store %swap3A_1463[%swap3A_1464], %gather3A_1458 {strides = array<i32>} : memref<32768xf32, #tpu.memory_space<vmem>>, vector<16xf32>,
        %add3A_1466 = arith.constant 29 : i32
        %add3A_1467 = vector.broadcast %add3A_1466 : i32 to vector<16xi32>
        %add3A_1468 = arith.addi %add3A_1133, %add3A_1467 : vector<16xi32>
        %gather3A_1469 = tpu.vector_load_idx %arg4[%add3A_1468] : memref<8208xf32, #tpu.memory_space<vmem>>[vector<16xi32>], vector<16xf32>,
        %add3A_1470 = arith.constant 25216 : i32
        %add3A_1471 = arith.addi %add3A_1146, %add3A_1470 : i32
        %swap3A_1472 = arith.constant 0 : i32
        %swap3A_1473 = tpu.memref_slice %arg7[%scan3A_294, %swap3A_1472] : memref<2x32768xf32, #tpu.memory_space<vmem>> -> memref<1x32768xf32, #tpu.memory_space<vmem>>
        %swap3A_1474 = tpu.memref_squeeze %swap3A_1473 : memref<1x32768xf32, #tpu.memory_space<vmem>> -> memref<32768xf32, #tpu.memory_space<vmem>>
        %swap3A_1475 = arith.index_cast %add3A_1471 : i32 to index
        %swap3A_1476 = tpu.vector_load %swap3A_1474[%swap3A_1475] {strides = array<i32>} : memref<32768xf32, #tpu.memory_space<vmem>>, vector<16xf32>,
        tpu.vector_store %swap3A_1474[%swap3A_1475], %gather3A_1469 {strides = array<i32>} : memref<32768xf32, #tpu.memory_space<vmem>>, vector<16xf32>,
        %add3A_1477 = arith.constant 30 : i32
        %add3A_1478 = vector.broadcast %add3A_1477 : i32 to vector<16xi32>
        %add3A_1479 = arith.addi %add3A_1133, %add3A_1478 : vector<16xi32>
        %gather3A_1480 = tpu.vector_load_idx %arg4[%add3A_1479] : memref<8208xf32, #tpu.memory_space<vmem>>[vector<16xi32>], vector<16xf32>,
        %add3A_1481 = arith.constant 25344 : i32
        %add3A_1482 = arith.addi %add3A_1146, %add3A_1481 : i32
        %swap3A_1483 = arith.constant 0 : i32
        %swap3A_1484 = tpu.memref_slice %arg7[%scan3A_294, %swap3A_1483] : memref<2x32768xf32, #tpu.memory_space<vmem>> -> memref<1x32768xf32, #tpu.memory_space<vmem>>
        %swap3A_1485 = tpu.memref_squeeze %swap3A_1484 : memref<1x32768xf32, #tpu.memory_space<vmem>> -> memref<32768xf32, #tpu.memory_space<vmem>>
        %swap3A_1486 = arith.index_cast %add3A_1482 : i32 to index
        %swap3A_1487 = tpu.vector_load %swap3A_1485[%swap3A_1486] {strides = array<i32>} : memref<32768xf32, #tpu.memory_space<vmem>>, vector<16xf32>,
        tpu.vector_store %swap3A_1485[%swap3A_1486], %gather3A_1480 {strides = array<i32>} : memref<32768xf32, #tpu.memory_space<vmem>>, vector<16xf32>,
        %add3A_1488 = arith.constant 31 : i32
        %add3A_1489 = vector.broadcast %add3A_1488 : i32 to vector<16xi32>
        %add3A_1490 = arith.addi %add3A_1133, %add3A_1489 : vector<16xi32>
        %gather3A_1491 = tpu.vector_load_idx %arg4[%add3A_1490] : memref<8208xf32, #tpu.memory_space<vmem>>[vector<16xi32>], vector<16xf32>,
        %add3A_1492 = arith.constant 25472 : i32
        %add3A_1493 = arith.addi %add3A_1146, %add3A_1492 : i32
        %swap3A_1494 = arith.constant 0 : i32
        %swap3A_1495 = tpu.memref_slice %arg7[%scan3A_294, %swap3A_1494] : memref<2x32768xf32, #tpu.memory_space<vmem>> -> memref<1x32768xf32, #tpu.memory_space<vmem>>
        %swap3A_1496 = tpu.memref_squeeze %swap3A_1495 : memref<1x32768xf32, #tpu.memory_space<vmem>> -> memref<32768xf32, #tpu.memory_space<vmem>>
        %swap3A_1497 = arith.index_cast %add3A_1493 : i32 to index
        %swap3A_1498 = tpu.vector_load %swap3A_1496[%swap3A_1497] {strides = array<i32>} : memref<32768xf32, #tpu.memory_space<vmem>>, vector<16xf32>,
        tpu.vector_store %swap3A_1496[%swap3A_1497], %gather3A_1491 {strides = array<i32>} : memref<32768xf32, #tpu.memory_space<vmem>>, vector<16xf32>,
        %shift_right_logical3A_1499 = arith.constant 24 : i32
        %shift_right_logical3A_1500 = vector.broadcast %shift_right_logical3A_1499 : i32 to vector<16xi32>
        %shift_right_logical3A_1501 = arith.shrui %get3A_378, %shift_right_logical3A_1500 : vector<16xi32>
        %and3A_1502 = arith.constant 255 : i32
        %and3A_1503 = vector.broadcast %and3A_1502 : i32 to vector<16xi32>
        %and3A_1504 = arith.andi %shift_right_logical3A_1501, %and3A_1503 : vector<16xi32>
        %mul3A_1505 = arith.constant 32 : i32
        %mul3A_1506 = vector.broadcast %mul3A_1505 : i32 to vector<16xi32>
        %mul3A_1507 = arith.muli %and3A_1504, %mul3A_1506 : vector<16xi32>
        %add3A_1508 = arith.addi %mul3A_11, %mul3A_1507 : vector<16xi32>
        %mul3A_1509 = arith.constant 4 : i32
        %mul3A_1510 = arith.muli %add3A_372, %mul3A_1509 : i32
        %add3A_1511 = arith.constant 3 : i32
        %add3A_1512 = arith.addi %mul3A_1510, %add3A_1511 : i32
        %shift_right_logical3A_1513 = arith.constant 3 : i32
        %shift_right_logical3A_1514 = arith.shrui %add3A_1512, %shift_right_logical3A_1513 : i32
        %shift_left3A_1515 = arith.constant 10 : i32
        %shift_left3A_1516 = arith.shli %shift_right_logical3A_1514, %shift_left3A_1515 : i32
        %and3A_1517 = arith.constant 7 : i32
        %and3A_1518 = arith.andi %add3A_1512, %and3A_1517 : i32
        %shift_left3A_1519 = arith.constant 4 : i32
        %shift_left3A_1520 = arith.shli %and3A_1518, %shift_left3A_1519 : i32
        %add3A_1521 = arith.addi %shift_left3A_1516, %shift_left3A_1520 : i32
        %add3A_1522 = arith.constant 0 : i32
        %add3A_1523 = vector.broadcast %add3A_1522 : i32 to vector<16xi32>
        %add3A_1524 = arith.addi %add3A_1508, %add3A_1523 : vector<16xi32>
        %gather3A_1525 = tpu.vector_load_idx %arg4[%add3A_1524] : memref<8208xf32, #tpu.memory_space<vmem>>[vector<16xi32>], vector<16xf32>,
        %add3A_1526 = arith.constant 0 : i32
        %add3A_1527 = arith.addi %add3A_1521, %add3A_1526 : i32
        %swap3A_1528 = arith.constant 0 : i32
        %swap3A_1529 = tpu.memref_slice %arg7[%scan3A_294, %swap3A_1528] : memref<2x32768xf32, #tpu.memory_space<vmem>> -> memref<1x32768xf32, #tpu.memory_space<vmem>>
        %swap3A_1530 = tpu.memref_squeeze %swap3A_1529 : memref<1x32768xf32, #tpu.memory_space<vmem>> -> memref<32768xf32, #tpu.memory_space<vmem>>
        %swap3A_1531 = arith.index_cast %add3A_1527 : i32 to index
        %swap3A_1532 = tpu.vector_load %swap3A_1530[%swap3A_1531] {strides = array<i32>} : memref<32768xf32, #tpu.memory_space<vmem>>, vector<16xf32>,
        tpu.vector_store %swap3A_1530[%swap3A_1531], %gather3A_1525 {strides = array<i32>} : memref<32768xf32, #tpu.memory_space<vmem>>, vector<16xf32>,
        %add3A_1533 = arith.constant 1 : i32
        %add3A_1534 = vector.broadcast %add3A_1533 : i32 to vector<16xi32>
        %add3A_1535 = arith.addi %add3A_1508, %add3A_1534 : vector<16xi32>
        %gather3A_1536 = tpu.vector_load_idx %arg4[%add3A_1535] : memref<8208xf32, #tpu.memory_space<vmem>>[vector<16xi32>], vector<16xf32>,
        %add3A_1537 = arith.constant 128 : i32
        %add3A_1538 = arith.addi %add3A_1521, %add3A_1537 : i32
        %swap3A_1539 = arith.constant 0 : i32
        %swap3A_1540 = tpu.memref_slice %arg7[%scan3A_294, %swap3A_1539] : memref<2x32768xf32, #tpu.memory_space<vmem>> -> memref<1x32768xf32, #tpu.memory_space<vmem>>
        %swap3A_1541 = tpu.memref_squeeze %swap3A_1540 : memref<1x32768xf32, #tpu.memory_space<vmem>> -> memref<32768xf32, #tpu.memory_space<vmem>>
        %swap3A_1542 = arith.index_cast %add3A_1538 : i32 to index
        %swap3A_1543 = tpu.vector_load %swap3A_1541[%swap3A_1542] {strides = array<i32>} : memref<32768xf32, #tpu.memory_space<vmem>>, vector<16xf32>,
        tpu.vector_store %swap3A_1541[%swap3A_1542], %gather3A_1536 {strides = array<i32>} : memref<32768xf32, #tpu.memory_space<vmem>>, vector<16xf32>,
        %add3A_1544 = arith.constant 2 : i32
        %add3A_1545 = vector.broadcast %add3A_1544 : i32 to vector<16xi32>
        %add3A_1546 = arith.addi %add3A_1508, %add3A_1545 : vector<16xi32>
        %gather3A_1547 = tpu.vector_load_idx %arg4[%add3A_1546] : memref<8208xf32, #tpu.memory_space<vmem>>[vector<16xi32>], vector<16xf32>,
        %add3A_1548 = arith.constant 256 : i32
        %add3A_1549 = arith.addi %add3A_1521, %add3A_1548 : i32
        %swap3A_1550 = arith.constant 0 : i32
        %swap3A_1551 = tpu.memref_slice %arg7[%scan3A_294, %swap3A_1550] : memref<2x32768xf32, #tpu.memory_space<vmem>> -> memref<1x32768xf32, #tpu.memory_space<vmem>>
        %swap3A_1552 = tpu.memref_squeeze %swap3A_1551 : memref<1x32768xf32, #tpu.memory_space<vmem>> -> memref<32768xf32, #tpu.memory_space<vmem>>
        %swap3A_1553 = arith.index_cast %add3A_1549 : i32 to index
        %swap3A_1554 = tpu.vector_load %swap3A_1552[%swap3A_1553] {strides = array<i32>} : memref<32768xf32, #tpu.memory_space<vmem>>, vector<16xf32>,
        tpu.vector_store %swap3A_1552[%swap3A_1553], %gather3A_1547 {strides = array<i32>} : memref<32768xf32, #tpu.memory_space<vmem>>, vector<16xf32>,
        %add3A_1555 = arith.constant 3 : i32
        %add3A_1556 = vector.broadcast %add3A_1555 : i32 to vector<16xi32>
        %add3A_1557 = arith.addi %add3A_1508, %add3A_1556 : vector<16xi32>
        %gather3A_1558 = tpu.vector_load_idx %arg4[%add3A_1557] : memref<8208xf32, #tpu.memory_space<vmem>>[vector<16xi32>], vector<16xf32>,
        %add3A_1559 = arith.constant 384 : i32
        %add3A_1560 = arith.addi %add3A_1521, %add3A_1559 : i32
        %swap3A_1561 = arith.constant 0 : i32
        %swap3A_1562 = tpu.memref_slice %arg7[%scan3A_294, %swap3A_1561] : memref<2x32768xf32, #tpu.memory_space<vmem>> -> memref<1x32768xf32, #tpu.memory_space<vmem>>
        %swap3A_1563 = tpu.memref_squeeze %swap3A_1562 : memref<1x32768xf32, #tpu.memory_space<vmem>> -> memref<32768xf32, #tpu.memory_space<vmem>>
        %swap3A_1564 = arith.index_cast %add3A_1560 : i32 to index
        %swap3A_1565 = tpu.vector_load %swap3A_1563[%swap3A_1564] {strides = array<i32>} : memref<32768xf32, #tpu.memory_space<vmem>>, vector<16xf32>,
        tpu.vector_store %swap3A_1563[%swap3A_1564], %gather3A_1558 {strides = array<i32>} : memref<32768xf32, #tpu.memory_space<vmem>>, vector<16xf32>,
        %add3A_1566 = arith.constant 4 : i32
        %add3A_1567 = vector.broadcast %add3A_1566 : i32 to vector<16xi32>
        %add3A_1568 = arith.addi %add3A_1508, %add3A_1567 : vector<16xi32>
        %gather3A_1569 = tpu.vector_load_idx %arg4[%add3A_1568] : memref<8208xf32, #tpu.memory_space<vmem>>[vector<16xi32>], vector<16xf32>,
        %add3A_1570 = arith.constant 512 : i32
        %add3A_1571 = arith.addi %add3A_1521, %add3A_1570 : i32
        %swap3A_1572 = arith.constant 0 : i32
        %swap3A_1573 = tpu.memref_slice %arg7[%scan3A_294, %swap3A_1572] : memref<2x32768xf32, #tpu.memory_space<vmem>> -> memref<1x32768xf32, #tpu.memory_space<vmem>>
        %swap3A_1574 = tpu.memref_squeeze %swap3A_1573 : memref<1x32768xf32, #tpu.memory_space<vmem>> -> memref<32768xf32, #tpu.memory_space<vmem>>
        %swap3A_1575 = arith.index_cast %add3A_1571 : i32 to index
        %swap3A_1576 = tpu.vector_load %swap3A_1574[%swap3A_1575] {strides = array<i32>} : memref<32768xf32, #tpu.memory_space<vmem>>, vector<16xf32>,
        tpu.vector_store %swap3A_1574[%swap3A_1575], %gather3A_1569 {strides = array<i32>} : memref<32768xf32, #tpu.memory_space<vmem>>, vector<16xf32>,
        %add3A_1577 = arith.constant 5 : i32
        %add3A_1578 = vector.broadcast %add3A_1577 : i32 to vector<16xi32>
        %add3A_1579 = arith.addi %add3A_1508, %add3A_1578 : vector<16xi32>
        %gather3A_1580 = tpu.vector_load_idx %arg4[%add3A_1579] : memref<8208xf32, #tpu.memory_space<vmem>>[vector<16xi32>], vector<16xf32>,
        %add3A_1581 = arith.constant 640 : i32
        %add3A_1582 = arith.addi %add3A_1521, %add3A_1581 : i32
        %swap3A_1583 = arith.constant 0 : i32
        %swap3A_1584 = tpu.memref_slice %arg7[%scan3A_294, %swap3A_1583] : memref<2x32768xf32, #tpu.memory_space<vmem>> -> memref<1x32768xf32, #tpu.memory_space<vmem>>
        %swap3A_1585 = tpu.memref_squeeze %swap3A_1584 : memref<1x32768xf32, #tpu.memory_space<vmem>> -> memref<32768xf32, #tpu.memory_space<vmem>>
        %swap3A_1586 = arith.index_cast %add3A_1582 : i32 to index
        %swap3A_1587 = tpu.vector_load %swap3A_1585[%swap3A_1586] {strides = array<i32>} : memref<32768xf32, #tpu.memory_space<vmem>>, vector<16xf32>,
        tpu.vector_store %swap3A_1585[%swap3A_1586], %gather3A_1580 {strides = array<i32>} : memref<32768xf32, #tpu.memory_space<vmem>>, vector<16xf32>,
        %add3A_1588 = arith.constant 6 : i32
        %add3A_1589 = vector.broadcast %add3A_1588 : i32 to vector<16xi32>
        %add3A_1590 = arith.addi %add3A_1508, %add3A_1589 : vector<16xi32>
        %gather3A_1591 = tpu.vector_load_idx %arg4[%add3A_1590] : memref<8208xf32, #tpu.memory_space<vmem>>[vector<16xi32>], vector<16xf32>,
        %add3A_1592 = arith.constant 768 : i32
        %add3A_1593 = arith.addi %add3A_1521, %add3A_1592 : i32
        %swap3A_1594 = arith.constant 0 : i32
        %swap3A_1595 = tpu.memref_slice %arg7[%scan3A_294, %swap3A_1594] : memref<2x32768xf32, #tpu.memory_space<vmem>> -> memref<1x32768xf32, #tpu.memory_space<vmem>>
        %swap3A_1596 = tpu.memref_squeeze %swap3A_1595 : memref<1x32768xf32, #tpu.memory_space<vmem>> -> memref<32768xf32, #tpu.memory_space<vmem>>
        %swap3A_1597 = arith.index_cast %add3A_1593 : i32 to index
        %swap3A_1598 = tpu.vector_load %swap3A_1596[%swap3A_1597] {strides = array<i32>} : memref<32768xf32, #tpu.memory_space<vmem>>, vector<16xf32>,
        tpu.vector_store %swap3A_1596[%swap3A_1597], %gather3A_1591 {strides = array<i32>} : memref<32768xf32, #tpu.memory_space<vmem>>, vector<16xf32>,
        %add3A_1599 = arith.constant 7 : i32
        %add3A_1600 = vector.broadcast %add3A_1599 : i32 to vector<16xi32>
        %add3A_1601 = arith.addi %add3A_1508, %add3A_1600 : vector<16xi32>
        %gather3A_1602 = tpu.vector_load_idx %arg4[%add3A_1601] : memref<8208xf32, #tpu.memory_space<vmem>>[vector<16xi32>], vector<16xf32>,
        %add3A_1603 = arith.constant 896 : i32
        %add3A_1604 = arith.addi %add3A_1521, %add3A_1603 : i32
        %swap3A_1605 = arith.constant 0 : i32
        %swap3A_1606 = tpu.memref_slice %arg7[%scan3A_294, %swap3A_1605] : memref<2x32768xf32, #tpu.memory_space<vmem>> -> memref<1x32768xf32, #tpu.memory_space<vmem>>
        %swap3A_1607 = tpu.memref_squeeze %swap3A_1606 : memref<1x32768xf32, #tpu.memory_space<vmem>> -> memref<32768xf32, #tpu.memory_space<vmem>>
        %swap3A_1608 = arith.index_cast %add3A_1604 : i32 to index
        %swap3A_1609 = tpu.vector_load %swap3A_1607[%swap3A_1608] {strides = array<i32>} : memref<32768xf32, #tpu.memory_space<vmem>>, vector<16xf32>,
        tpu.vector_store %swap3A_1607[%swap3A_1608], %gather3A_1602 {strides = array<i32>} : memref<32768xf32, #tpu.memory_space<vmem>>, vector<16xf32>,
        %add3A_1610 = arith.constant 8 : i32
        %add3A_1611 = vector.broadcast %add3A_1610 : i32 to vector<16xi32>
        %add3A_1612 = arith.addi %add3A_1508, %add3A_1611 : vector<16xi32>
        %gather3A_1613 = tpu.vector_load_idx %arg4[%add3A_1612] : memref<8208xf32, #tpu.memory_space<vmem>>[vector<16xi32>], vector<16xf32>,
        %add3A_1614 = arith.constant 8192 : i32
        %add3A_1615 = arith.addi %add3A_1521, %add3A_1614 : i32
        %swap3A_1616 = arith.constant 0 : i32
        %swap3A_1617 = tpu.memref_slice %arg7[%scan3A_294, %swap3A_1616] : memref<2x32768xf32, #tpu.memory_space<vmem>> -> memref<1x32768xf32, #tpu.memory_space<vmem>>
        %swap3A_1618 = tpu.memref_squeeze %swap3A_1617 : memref<1x32768xf32, #tpu.memory_space<vmem>> -> memref<32768xf32, #tpu.memory_space<vmem>>
        %swap3A_1619 = arith.index_cast %add3A_1615 : i32 to index
        %swap3A_1620 = tpu.vector_load %swap3A_1618[%swap3A_1619] {strides = array<i32>} : memref<32768xf32, #tpu.memory_space<vmem>>, vector<16xf32>,
        tpu.vector_store %swap3A_1618[%swap3A_1619], %gather3A_1613 {strides = array<i32>} : memref<32768xf32, #tpu.memory_space<vmem>>, vector<16xf32>,
        %add3A_1621 = arith.constant 9 : i32
        %add3A_1622 = vector.broadcast %add3A_1621 : i32 to vector<16xi32>
        %add3A_1623 = arith.addi %add3A_1508, %add3A_1622 : vector<16xi32>
        %gather3A_1624 = tpu.vector_load_idx %arg4[%add3A_1623] : memref<8208xf32, #tpu.memory_space<vmem>>[vector<16xi32>], vector<16xf32>,
        %add3A_1625 = arith.constant 8320 : i32
        %add3A_1626 = arith.addi %add3A_1521, %add3A_1625 : i32
        %swap3A_1627 = arith.constant 0 : i32
        %swap3A_1628 = tpu.memref_slice %arg7[%scan3A_294, %swap3A_1627] : memref<2x32768xf32, #tpu.memory_space<vmem>> -> memref<1x32768xf32, #tpu.memory_space<vmem>>
        %swap3A_1629 = tpu.memref_squeeze %swap3A_1628 : memref<1x32768xf32, #tpu.memory_space<vmem>> -> memref<32768xf32, #tpu.memory_space<vmem>>
        %swap3A_1630 = arith.index_cast %add3A_1626 : i32 to index
        %swap3A_1631 = tpu.vector_load %swap3A_1629[%swap3A_1630] {strides = array<i32>} : memref<32768xf32, #tpu.memory_space<vmem>>, vector<16xf32>,
        tpu.vector_store %swap3A_1629[%swap3A_1630], %gather3A_1624 {strides = array<i32>} : memref<32768xf32, #tpu.memory_space<vmem>>, vector<16xf32>,
        %add3A_1632 = arith.constant 10 : i32
        %add3A_1633 = vector.broadcast %add3A_1632 : i32 to vector<16xi32>
        %add3A_1634 = arith.addi %add3A_1508, %add3A_1633 : vector<16xi32>
        %gather3A_1635 = tpu.vector_load_idx %arg4[%add3A_1634] : memref<8208xf32, #tpu.memory_space<vmem>>[vector<16xi32>], vector<16xf32>,
        %add3A_1636 = arith.constant 8448 : i32
        %add3A_1637 = arith.addi %add3A_1521, %add3A_1636 : i32
        %swap3A_1638 = arith.constant 0 : i32
        %swap3A_1639 = tpu.memref_slice %arg7[%scan3A_294, %swap3A_1638] : memref<2x32768xf32, #tpu.memory_space<vmem>> -> memref<1x32768xf32, #tpu.memory_space<vmem>>
        %swap3A_1640 = tpu.memref_squeeze %swap3A_1639 : memref<1x32768xf32, #tpu.memory_space<vmem>> -> memref<32768xf32, #tpu.memory_space<vmem>>
        %swap3A_1641 = arith.index_cast %add3A_1637 : i32 to index
        %swap3A_1642 = tpu.vector_load %swap3A_1640[%swap3A_1641] {strides = array<i32>} : memref<32768xf32, #tpu.memory_space<vmem>>, vector<16xf32>,
        tpu.vector_store %swap3A_1640[%swap3A_1641], %gather3A_1635 {strides = array<i32>} : memref<32768xf32, #tpu.memory_space<vmem>>, vector<16xf32>,
        %add3A_1643 = arith.constant 11 : i32
        %add3A_1644 = vector.broadcast %add3A_1643 : i32 to vector<16xi32>
        %add3A_1645 = arith.addi %add3A_1508, %add3A_1644 : vector<16xi32>
        %gather3A_1646 = tpu.vector_load_idx %arg4[%add3A_1645] : memref<8208xf32, #tpu.memory_space<vmem>>[vector<16xi32>], vector<16xf32>,
        %add3A_1647 = arith.constant 8576 : i32
        %add3A_1648 = arith.addi %add3A_1521, %add3A_1647 : i32
        %swap3A_1649 = arith.constant 0 : i32
        %swap3A_1650 = tpu.memref_slice %arg7[%scan3A_294, %swap3A_1649] : memref<2x32768xf32, #tpu.memory_space<vmem>> -> memref<1x32768xf32, #tpu.memory_space<vmem>>
        %swap3A_1651 = tpu.memref_squeeze %swap3A_1650 : memref<1x32768xf32, #tpu.memory_space<vmem>> -> memref<32768xf32, #tpu.memory_space<vmem>>
        %swap3A_1652 = arith.index_cast %add3A_1648 : i32 to index
        %swap3A_1653 = tpu.vector_load %swap3A_1651[%swap3A_1652] {strides = array<i32>} : memref<32768xf32, #tpu.memory_space<vmem>>, vector<16xf32>,
        tpu.vector_store %swap3A_1651[%swap3A_1652], %gather3A_1646 {strides = array<i32>} : memref<32768xf32, #tpu.memory_space<vmem>>, vector<16xf32>,
        %add3A_1654 = arith.constant 12 : i32
        %add3A_1655 = vector.broadcast %add3A_1654 : i32 to vector<16xi32>
        %add3A_1656 = arith.addi %add3A_1508, %add3A_1655 : vector<16xi32>
        %gather3A_1657 = tpu.vector_load_idx %arg4[%add3A_1656] : memref<8208xf32, #tpu.memory_space<vmem>>[vector<16xi32>], vector<16xf32>,
        %add3A_1658 = arith.constant 8704 : i32
        %add3A_1659 = arith.addi %add3A_1521, %add3A_1658 : i32
        %swap3A_1660 = arith.constant 0 : i32
        %swap3A_1661 = tpu.memref_slice %arg7[%scan3A_294, %swap3A_1660] : memref<2x32768xf32, #tpu.memory_space<vmem>> -> memref<1x32768xf32, #tpu.memory_space<vmem>>
        %swap3A_1662 = tpu.memref_squeeze %swap3A_1661 : memref<1x32768xf32, #tpu.memory_space<vmem>> -> memref<32768xf32, #tpu.memory_space<vmem>>
        %swap3A_1663 = arith.index_cast %add3A_1659 : i32 to index
        %swap3A_1664 = tpu.vector_load %swap3A_1662[%swap3A_1663] {strides = array<i32>} : memref<32768xf32, #tpu.memory_space<vmem>>, vector<16xf32>,
        tpu.vector_store %swap3A_1662[%swap3A_1663], %gather3A_1657 {strides = array<i32>} : memref<32768xf32, #tpu.memory_space<vmem>>, vector<16xf32>,
        %add3A_1665 = arith.constant 13 : i32
        %add3A_1666 = vector.broadcast %add3A_1665 : i32 to vector<16xi32>
        %add3A_1667 = arith.addi %add3A_1508, %add3A_1666 : vector<16xi32>
        %gather3A_1668 = tpu.vector_load_idx %arg4[%add3A_1667] : memref<8208xf32, #tpu.memory_space<vmem>>[vector<16xi32>], vector<16xf32>,
        %add3A_1669 = arith.constant 8832 : i32
        %add3A_1670 = arith.addi %add3A_1521, %add3A_1669 : i32
        %swap3A_1671 = arith.constant 0 : i32
        %swap3A_1672 = tpu.memref_slice %arg7[%scan3A_294, %swap3A_1671] : memref<2x32768xf32, #tpu.memory_space<vmem>> -> memref<1x32768xf32, #tpu.memory_space<vmem>>
        %swap3A_1673 = tpu.memref_squeeze %swap3A_1672 : memref<1x32768xf32, #tpu.memory_space<vmem>> -> memref<32768xf32, #tpu.memory_space<vmem>>
        %swap3A_1674 = arith.index_cast %add3A_1670 : i32 to index
        %swap3A_1675 = tpu.vector_load %swap3A_1673[%swap3A_1674] {strides = array<i32>} : memref<32768xf32, #tpu.memory_space<vmem>>, vector<16xf32>,
        tpu.vector_store %swap3A_1673[%swap3A_1674], %gather3A_1668 {strides = array<i32>} : memref<32768xf32, #tpu.memory_space<vmem>>, vector<16xf32>,
        %add3A_1676 = arith.constant 14 : i32
        %add3A_1677 = vector.broadcast %add3A_1676 : i32 to vector<16xi32>
        %add3A_1678 = arith.addi %add3A_1508, %add3A_1677 : vector<16xi32>
        %gather3A_1679 = tpu.vector_load_idx %arg4[%add3A_1678] : memref<8208xf32, #tpu.memory_space<vmem>>[vector<16xi32>], vector<16xf32>,
        %add3A_1680 = arith.constant 8960 : i32
        %add3A_1681 = arith.addi %add3A_1521, %add3A_1680 : i32
        %swap3A_1682 = arith.constant 0 : i32
        %swap3A_1683 = tpu.memref_slice %arg7[%scan3A_294, %swap3A_1682] : memref<2x32768xf32, #tpu.memory_space<vmem>> -> memref<1x32768xf32, #tpu.memory_space<vmem>>
        %swap3A_1684 = tpu.memref_squeeze %swap3A_1683 : memref<1x32768xf32, #tpu.memory_space<vmem>> -> memref<32768xf32, #tpu.memory_space<vmem>>
        %swap3A_1685 = arith.index_cast %add3A_1681 : i32 to index
        %swap3A_1686 = tpu.vector_load %swap3A_1684[%swap3A_1685] {strides = array<i32>} : memref<32768xf32, #tpu.memory_space<vmem>>, vector<16xf32>,
        tpu.vector_store %swap3A_1684[%swap3A_1685], %gather3A_1679 {strides = array<i32>} : memref<32768xf32, #tpu.memory_space<vmem>>, vector<16xf32>,
        %add3A_1687 = arith.constant 15 : i32
        %add3A_1688 = vector.broadcast %add3A_1687 : i32 to vector<16xi32>
        %add3A_1689 = arith.addi %add3A_1508, %add3A_1688 : vector<16xi32>
        %gather3A_1690 = tpu.vector_load_idx %arg4[%add3A_1689] : memref<8208xf32, #tpu.memory_space<vmem>>[vector<16xi32>], vector<16xf32>,
        %add3A_1691 = arith.constant 9088 : i32
        %add3A_1692 = arith.addi %add3A_1521, %add3A_1691 : i32
        %swap3A_1693 = arith.constant 0 : i32
        %swap3A_1694 = tpu.memref_slice %arg7[%scan3A_294, %swap3A_1693] : memref<2x32768xf32, #tpu.memory_space<vmem>> -> memref<1x32768xf32, #tpu.memory_space<vmem>>
        %swap3A_1695 = tpu.memref_squeeze %swap3A_1694 : memref<1x32768xf32, #tpu.memory_space<vmem>> -> memref<32768xf32, #tpu.memory_space<vmem>>
        %swap3A_1696 = arith.index_cast %add3A_1692 : i32 to index
        %swap3A_1697 = tpu.vector_load %swap3A_1695[%swap3A_1696] {strides = array<i32>} : memref<32768xf32, #tpu.memory_space<vmem>>, vector<16xf32>,
        tpu.vector_store %swap3A_1695[%swap3A_1696], %gather3A_1690 {strides = array<i32>} : memref<32768xf32, #tpu.memory_space<vmem>>, vector<16xf32>,
        %add3A_1698 = arith.constant 16 : i32
        %add3A_1699 = vector.broadcast %add3A_1698 : i32 to vector<16xi32>
        %add3A_1700 = arith.addi %add3A_1508, %add3A_1699 : vector<16xi32>
        %gather3A_1701 = tpu.vector_load_idx %arg4[%add3A_1700] : memref<8208xf32, #tpu.memory_space<vmem>>[vector<16xi32>], vector<16xf32>,
        %add3A_1702 = arith.constant 16384 : i32
        %add3A_1703 = arith.addi %add3A_1521, %add3A_1702 : i32
        %swap3A_1704 = arith.constant 0 : i32
        %swap3A_1705 = tpu.memref_slice %arg7[%scan3A_294, %swap3A_1704] : memref<2x32768xf32, #tpu.memory_space<vmem>> -> memref<1x32768xf32, #tpu.memory_space<vmem>>
        %swap3A_1706 = tpu.memref_squeeze %swap3A_1705 : memref<1x32768xf32, #tpu.memory_space<vmem>> -> memref<32768xf32, #tpu.memory_space<vmem>>
        %swap3A_1707 = arith.index_cast %add3A_1703 : i32 to index
        %swap3A_1708 = tpu.vector_load %swap3A_1706[%swap3A_1707] {strides = array<i32>} : memref<32768xf32, #tpu.memory_space<vmem>>, vector<16xf32>,
        tpu.vector_store %swap3A_1706[%swap3A_1707], %gather3A_1701 {strides = array<i32>} : memref<32768xf32, #tpu.memory_space<vmem>>, vector<16xf32>,
        %add3A_1709 = arith.constant 17 : i32
        %add3A_1710 = vector.broadcast %add3A_1709 : i32 to vector<16xi32>
        %add3A_1711 = arith.addi %add3A_1508, %add3A_1710 : vector<16xi32>
        %gather3A_1712 = tpu.vector_load_idx %arg4[%add3A_1711] : memref<8208xf32, #tpu.memory_space<vmem>>[vector<16xi32>], vector<16xf32>,
        %add3A_1713 = arith.constant 16512 : i32
        %add3A_1714 = arith.addi %add3A_1521, %add3A_1713 : i32
        %swap3A_1715 = arith.constant 0 : i32
        %swap3A_1716 = tpu.memref_slice %arg7[%scan3A_294, %swap3A_1715] : memref<2x32768xf32, #tpu.memory_space<vmem>> -> memref<1x32768xf32, #tpu.memory_space<vmem>>
        %swap3A_1717 = tpu.memref_squeeze %swap3A_1716 : memref<1x32768xf32, #tpu.memory_space<vmem>> -> memref<32768xf32, #tpu.memory_space<vmem>>
        %swap3A_1718 = arith.index_cast %add3A_1714 : i32 to index
        %swap3A_1719 = tpu.vector_load %swap3A_1717[%swap3A_1718] {strides = array<i32>} : memref<32768xf32, #tpu.memory_space<vmem>>, vector<16xf32>,
        tpu.vector_store %swap3A_1717[%swap3A_1718], %gather3A_1712 {strides = array<i32>} : memref<32768xf32, #tpu.memory_space<vmem>>, vector<16xf32>,
        %add3A_1720 = arith.constant 18 : i32
        %add3A_1721 = vector.broadcast %add3A_1720 : i32 to vector<16xi32>
        %add3A_1722 = arith.addi %add3A_1508, %add3A_1721 : vector<16xi32>
        %gather3A_1723 = tpu.vector_load_idx %arg4[%add3A_1722] : memref<8208xf32, #tpu.memory_space<vmem>>[vector<16xi32>], vector<16xf32>,
        %add3A_1724 = arith.constant 16640 : i32
        %add3A_1725 = arith.addi %add3A_1521, %add3A_1724 : i32
        %swap3A_1726 = arith.constant 0 : i32
        %swap3A_1727 = tpu.memref_slice %arg7[%scan3A_294, %swap3A_1726] : memref<2x32768xf32, #tpu.memory_space<vmem>> -> memref<1x32768xf32, #tpu.memory_space<vmem>>
        %swap3A_1728 = tpu.memref_squeeze %swap3A_1727 : memref<1x32768xf32, #tpu.memory_space<vmem>> -> memref<32768xf32, #tpu.memory_space<vmem>>
        %swap3A_1729 = arith.index_cast %add3A_1725 : i32 to index
        %swap3A_1730 = tpu.vector_load %swap3A_1728[%swap3A_1729] {strides = array<i32>} : memref<32768xf32, #tpu.memory_space<vmem>>, vector<16xf32>,
        tpu.vector_store %swap3A_1728[%swap3A_1729], %gather3A_1723 {strides = array<i32>} : memref<32768xf32, #tpu.memory_space<vmem>>, vector<16xf32>,
        %add3A_1731 = arith.constant 19 : i32
        %add3A_1732 = vector.broadcast %add3A_1731 : i32 to vector<16xi32>
        %add3A_1733 = arith.addi %add3A_1508, %add3A_1732 : vector<16xi32>
        %gather3A_1734 = tpu.vector_load_idx %arg4[%add3A_1733] : memref<8208xf32, #tpu.memory_space<vmem>>[vector<16xi32>], vector<16xf32>,
        %add3A_1735 = arith.constant 16768 : i32
        %add3A_1736 = arith.addi %add3A_1521, %add3A_1735 : i32
        %swap3A_1737 = arith.constant 0 : i32
        %swap3A_1738 = tpu.memref_slice %arg7[%scan3A_294, %swap3A_1737] : memref<2x32768xf32, #tpu.memory_space<vmem>> -> memref<1x32768xf32, #tpu.memory_space<vmem>>
        %swap3A_1739 = tpu.memref_squeeze %swap3A_1738 : memref<1x32768xf32, #tpu.memory_space<vmem>> -> memref<32768xf32, #tpu.memory_space<vmem>>
        %swap3A_1740 = arith.index_cast %add3A_1736 : i32 to index
        %swap3A_1741 = tpu.vector_load %swap3A_1739[%swap3A_1740] {strides = array<i32>} : memref<32768xf32, #tpu.memory_space<vmem>>, vector<16xf32>,
        tpu.vector_store %swap3A_1739[%swap3A_1740], %gather3A_1734 {strides = array<i32>} : memref<32768xf32, #tpu.memory_space<vmem>>, vector<16xf32>,
        %add3A_1742 = arith.constant 20 : i32
        %add3A_1743 = vector.broadcast %add3A_1742 : i32 to vector<16xi32>
        %add3A_1744 = arith.addi %add3A_1508, %add3A_1743 : vector<16xi32>
        %gather3A_1745 = tpu.vector_load_idx %arg4[%add3A_1744] : memref<8208xf32, #tpu.memory_space<vmem>>[vector<16xi32>], vector<16xf32>,
        %add3A_1746 = arith.constant 16896 : i32
        %add3A_1747 = arith.addi %add3A_1521, %add3A_1746 : i32
        %swap3A_1748 = arith.constant 0 : i32
        %swap3A_1749 = tpu.memref_slice %arg7[%scan3A_294, %swap3A_1748] : memref<2x32768xf32, #tpu.memory_space<vmem>> -> memref<1x32768xf32, #tpu.memory_space<vmem>>
        %swap3A_1750 = tpu.memref_squeeze %swap3A_1749 : memref<1x32768xf32, #tpu.memory_space<vmem>> -> memref<32768xf32, #tpu.memory_space<vmem>>
        %swap3A_1751 = arith.index_cast %add3A_1747 : i32 to index
        %swap3A_1752 = tpu.vector_load %swap3A_1750[%swap3A_1751] {strides = array<i32>} : memref<32768xf32, #tpu.memory_space<vmem>>, vector<16xf32>,
        tpu.vector_store %swap3A_1750[%swap3A_1751], %gather3A_1745 {strides = array<i32>} : memref<32768xf32, #tpu.memory_space<vmem>>, vector<16xf32>,
        %add3A_1753 = arith.constant 21 : i32
        %add3A_1754 = vector.broadcast %add3A_1753 : i32 to vector<16xi32>
        %add3A_1755 = arith.addi %add3A_1508, %add3A_1754 : vector<16xi32>
        %gather3A_1756 = tpu.vector_load_idx %arg4[%add3A_1755] : memref<8208xf32, #tpu.memory_space<vmem>>[vector<16xi32>], vector<16xf32>,
        %add3A_1757 = arith.constant 17024 : i32
        %add3A_1758 = arith.addi %add3A_1521, %add3A_1757 : i32
        %swap3A_1759 = arith.constant 0 : i32
        %swap3A_1760 = tpu.memref_slice %arg7[%scan3A_294, %swap3A_1759] : memref<2x32768xf32, #tpu.memory_space<vmem>> -> memref<1x32768xf32, #tpu.memory_space<vmem>>
        %swap3A_1761 = tpu.memref_squeeze %swap3A_1760 : memref<1x32768xf32, #tpu.memory_space<vmem>> -> memref<32768xf32, #tpu.memory_space<vmem>>
        %swap3A_1762 = arith.index_cast %add3A_1758 : i32 to index
        %swap3A_1763 = tpu.vector_load %swap3A_1761[%swap3A_1762] {strides = array<i32>} : memref<32768xf32, #tpu.memory_space<vmem>>, vector<16xf32>,
        tpu.vector_store %swap3A_1761[%swap3A_1762], %gather3A_1756 {strides = array<i32>} : memref<32768xf32, #tpu.memory_space<vmem>>, vector<16xf32>,
        %add3A_1764 = arith.constant 22 : i32
        %add3A_1765 = vector.broadcast %add3A_1764 : i32 to vector<16xi32>
        %add3A_1766 = arith.addi %add3A_1508, %add3A_1765 : vector<16xi32>
        %gather3A_1767 = tpu.vector_load_idx %arg4[%add3A_1766] : memref<8208xf32, #tpu.memory_space<vmem>>[vector<16xi32>], vector<16xf32>,
        %add3A_1768 = arith.constant 17152 : i32
        %add3A_1769 = arith.addi %add3A_1521, %add3A_1768 : i32
        %swap3A_1770 = arith.constant 0 : i32
        %swap3A_1771 = tpu.memref_slice %arg7[%scan3A_294, %swap3A_1770] : memref<2x32768xf32, #tpu.memory_space<vmem>> -> memref<1x32768xf32, #tpu.memory_space<vmem>>
        %swap3A_1772 = tpu.memref_squeeze %swap3A_1771 : memref<1x32768xf32, #tpu.memory_space<vmem>> -> memref<32768xf32, #tpu.memory_space<vmem>>
        %swap3A_1773 = arith.index_cast %add3A_1769 : i32 to index
        %swap3A_1774 = tpu.vector_load %swap3A_1772[%swap3A_1773] {strides = array<i32>} : memref<32768xf32, #tpu.memory_space<vmem>>, vector<16xf32>,
        tpu.vector_store %swap3A_1772[%swap3A_1773], %gather3A_1767 {strides = array<i32>} : memref<32768xf32, #tpu.memory_space<vmem>>, vector<16xf32>,
        %add3A_1775 = arith.constant 23 : i32
        %add3A_1776 = vector.broadcast %add3A_1775 : i32 to vector<16xi32>
        %add3A_1777 = arith.addi %add3A_1508, %add3A_1776 : vector<16xi32>
        %gather3A_1778 = tpu.vector_load_idx %arg4[%add3A_1777] : memref<8208xf32, #tpu.memory_space<vmem>>[vector<16xi32>], vector<16xf32>,
        %add3A_1779 = arith.constant 17280 : i32
        %add3A_1780 = arith.addi %add3A_1521, %add3A_1779 : i32
        %swap3A_1781 = arith.constant 0 : i32
        %swap3A_1782 = tpu.memref_slice %arg7[%scan3A_294, %swap3A_1781] : memref<2x32768xf32, #tpu.memory_space<vmem>> -> memref<1x32768xf32, #tpu.memory_space<vmem>>
        %swap3A_1783 = tpu.memref_squeeze %swap3A_1782 : memref<1x32768xf32, #tpu.memory_space<vmem>> -> memref<32768xf32, #tpu.memory_space<vmem>>
        %swap3A_1784 = arith.index_cast %add3A_1780 : i32 to index
        %swap3A_1785 = tpu.vector_load %swap3A_1783[%swap3A_1784] {strides = array<i32>} : memref<32768xf32, #tpu.memory_space<vmem>>, vector<16xf32>,
        tpu.vector_store %swap3A_1783[%swap3A_1784], %gather3A_1778 {strides = array<i32>} : memref<32768xf32, #tpu.memory_space<vmem>>, vector<16xf32>,
        %add3A_1786 = arith.constant 24 : i32
        %add3A_1787 = vector.broadcast %add3A_1786 : i32 to vector<16xi32>
        %add3A_1788 = arith.addi %add3A_1508, %add3A_1787 : vector<16xi32>
        %gather3A_1789 = tpu.vector_load_idx %arg4[%add3A_1788] : memref<8208xf32, #tpu.memory_space<vmem>>[vector<16xi32>], vector<16xf32>,
        %add3A_1790 = arith.constant 24576 : i32
        %add3A_1791 = arith.addi %add3A_1521, %add3A_1790 : i32
        %swap3A_1792 = arith.constant 0 : i32
        %swap3A_1793 = tpu.memref_slice %arg7[%scan3A_294, %swap3A_1792] : memref<2x32768xf32, #tpu.memory_space<vmem>> -> memref<1x32768xf32, #tpu.memory_space<vmem>>
        %swap3A_1794 = tpu.memref_squeeze %swap3A_1793 : memref<1x32768xf32, #tpu.memory_space<vmem>> -> memref<32768xf32, #tpu.memory_space<vmem>>
        %swap3A_1795 = arith.index_cast %add3A_1791 : i32 to index
        %swap3A_1796 = tpu.vector_load %swap3A_1794[%swap3A_1795] {strides = array<i32>} : memref<32768xf32, #tpu.memory_space<vmem>>, vector<16xf32>,
        tpu.vector_store %swap3A_1794[%swap3A_1795], %gather3A_1789 {strides = array<i32>} : memref<32768xf32, #tpu.memory_space<vmem>>, vector<16xf32>,
        %add3A_1797 = arith.constant 25 : i32
        %add3A_1798 = vector.broadcast %add3A_1797 : i32 to vector<16xi32>
        %add3A_1799 = arith.addi %add3A_1508, %add3A_1798 : vector<16xi32>
        %gather3A_1800 = tpu.vector_load_idx %arg4[%add3A_1799] : memref<8208xf32, #tpu.memory_space<vmem>>[vector<16xi32>], vector<16xf32>,
        %add3A_1801 = arith.constant 24704 : i32
        %add3A_1802 = arith.addi %add3A_1521, %add3A_1801 : i32
        %swap3A_1803 = arith.constant 0 : i32
        %swap3A_1804 = tpu.memref_slice %arg7[%scan3A_294, %swap3A_1803] : memref<2x32768xf32, #tpu.memory_space<vmem>> -> memref<1x32768xf32, #tpu.memory_space<vmem>>
        %swap3A_1805 = tpu.memref_squeeze %swap3A_1804 : memref<1x32768xf32, #tpu.memory_space<vmem>> -> memref<32768xf32, #tpu.memory_space<vmem>>
        %swap3A_1806 = arith.index_cast %add3A_1802 : i32 to index
        %swap3A_1807 = tpu.vector_load %swap3A_1805[%swap3A_1806] {strides = array<i32>} : memref<32768xf32, #tpu.memory_space<vmem>>, vector<16xf32>,
        tpu.vector_store %swap3A_1805[%swap3A_1806], %gather3A_1800 {strides = array<i32>} : memref<32768xf32, #tpu.memory_space<vmem>>, vector<16xf32>,
        %add3A_1808 = arith.constant 26 : i32
        %add3A_1809 = vector.broadcast %add3A_1808 : i32 to vector<16xi32>
        %add3A_1810 = arith.addi %add3A_1508, %add3A_1809 : vector<16xi32>
        %gather3A_1811 = tpu.vector_load_idx %arg4[%add3A_1810] : memref<8208xf32, #tpu.memory_space<vmem>>[vector<16xi32>], vector<16xf32>,
        %add3A_1812 = arith.constant 24832 : i32
        %add3A_1813 = arith.addi %add3A_1521, %add3A_1812 : i32
        %swap3A_1814 = arith.constant 0 : i32
        %swap3A_1815 = tpu.memref_slice %arg7[%scan3A_294, %swap3A_1814] : memref<2x32768xf32, #tpu.memory_space<vmem>> -> memref<1x32768xf32, #tpu.memory_space<vmem>>
        %swap3A_1816 = tpu.memref_squeeze %swap3A_1815 : memref<1x32768xf32, #tpu.memory_space<vmem>> -> memref<32768xf32, #tpu.memory_space<vmem>>
        %swap3A_1817 = arith.index_cast %add3A_1813 : i32 to index
        %swap3A_1818 = tpu.vector_load %swap3A_1816[%swap3A_1817] {strides = array<i32>} : memref<32768xf32, #tpu.memory_space<vmem>>, vector<16xf32>,
        tpu.vector_store %swap3A_1816[%swap3A_1817], %gather3A_1811 {strides = array<i32>} : memref<32768xf32, #tpu.memory_space<vmem>>, vector<16xf32>,
        %add3A_1819 = arith.constant 27 : i32
        %add3A_1820 = vector.broadcast %add3A_1819 : i32 to vector<16xi32>
        %add3A_1821 = arith.addi %add3A_1508, %add3A_1820 : vector<16xi32>
        %gather3A_1822 = tpu.vector_load_idx %arg4[%add3A_1821] : memref<8208xf32, #tpu.memory_space<vmem>>[vector<16xi32>], vector<16xf32>,
        %add3A_1823 = arith.constant 24960 : i32
        %add3A_1824 = arith.addi %add3A_1521, %add3A_1823 : i32
        %swap3A_1825 = arith.constant 0 : i32
        %swap3A_1826 = tpu.memref_slice %arg7[%scan3A_294, %swap3A_1825] : memref<2x32768xf32, #tpu.memory_space<vmem>> -> memref<1x32768xf32, #tpu.memory_space<vmem>>
        %swap3A_1827 = tpu.memref_squeeze %swap3A_1826 : memref<1x32768xf32, #tpu.memory_space<vmem>> -> memref<32768xf32, #tpu.memory_space<vmem>>
        %swap3A_1828 = arith.index_cast %add3A_1824 : i32 to index
        %swap3A_1829 = tpu.vector_load %swap3A_1827[%swap3A_1828] {strides = array<i32>} : memref<32768xf32, #tpu.memory_space<vmem>>, vector<16xf32>,
        tpu.vector_store %swap3A_1827[%swap3A_1828], %gather3A_1822 {strides = array<i32>} : memref<32768xf32, #tpu.memory_space<vmem>>, vector<16xf32>,
        %add3A_1830 = arith.constant 28 : i32
        %add3A_1831 = vector.broadcast %add3A_1830 : i32 to vector<16xi32>
        %add3A_1832 = arith.addi %add3A_1508, %add3A_1831 : vector<16xi32>
        %gather3A_1833 = tpu.vector_load_idx %arg4[%add3A_1832] : memref<8208xf32, #tpu.memory_space<vmem>>[vector<16xi32>], vector<16xf32>,
        %add3A_1834 = arith.constant 25088 : i32
        %add3A_1835 = arith.addi %add3A_1521, %add3A_1834 : i32
        %swap3A_1836 = arith.constant 0 : i32
        %swap3A_1837 = tpu.memref_slice %arg7[%scan3A_294, %swap3A_1836] : memref<2x32768xf32, #tpu.memory_space<vmem>> -> memref<1x32768xf32, #tpu.memory_space<vmem>>
        %swap3A_1838 = tpu.memref_squeeze %swap3A_1837 : memref<1x32768xf32, #tpu.memory_space<vmem>> -> memref<32768xf32, #tpu.memory_space<vmem>>
        %swap3A_1839 = arith.index_cast %add3A_1835 : i32 to index
        %swap3A_1840 = tpu.vector_load %swap3A_1838[%swap3A_1839] {strides = array<i32>} : memref<32768xf32, #tpu.memory_space<vmem>>, vector<16xf32>,
        tpu.vector_store %swap3A_1838[%swap3A_1839], %gather3A_1833 {strides = array<i32>} : memref<32768xf32, #tpu.memory_space<vmem>>, vector<16xf32>,
        %add3A_1841 = arith.constant 29 : i32
        %add3A_1842 = vector.broadcast %add3A_1841 : i32 to vector<16xi32>
        %add3A_1843 = arith.addi %add3A_1508, %add3A_1842 : vector<16xi32>
        %gather3A_1844 = tpu.vector_load_idx %arg4[%add3A_1843] : memref<8208xf32, #tpu.memory_space<vmem>>[vector<16xi32>], vector<16xf32>,
        %add3A_1845 = arith.constant 25216 : i32
        %add3A_1846 = arith.addi %add3A_1521, %add3A_1845 : i32
        %swap3A_1847 = arith.constant 0 : i32
        %swap3A_1848 = tpu.memref_slice %arg7[%scan3A_294, %swap3A_1847] : memref<2x32768xf32, #tpu.memory_space<vmem>> -> memref<1x32768xf32, #tpu.memory_space<vmem>>
        %swap3A_1849 = tpu.memref_squeeze %swap3A_1848 : memref<1x32768xf32, #tpu.memory_space<vmem>> -> memref<32768xf32, #tpu.memory_space<vmem>>
        %swap3A_1850 = arith.index_cast %add3A_1846 : i32 to index
        %swap3A_1851 = tpu.vector_load %swap3A_1849[%swap3A_1850] {strides = array<i32>} : memref<32768xf32, #tpu.memory_space<vmem>>, vector<16xf32>,
        tpu.vector_store %swap3A_1849[%swap3A_1850], %gather3A_1844 {strides = array<i32>} : memref<32768xf32, #tpu.memory_space<vmem>>, vector<16xf32>,
        %add3A_1852 = arith.constant 30 : i32
        %add3A_1853 = vector.broadcast %add3A_1852 : i32 to vector<16xi32>
        %add3A_1854 = arith.addi %add3A_1508, %add3A_1853 : vector<16xi32>
        %gather3A_1855 = tpu.vector_load_idx %arg4[%add3A_1854] : memref<8208xf32, #tpu.memory_space<vmem>>[vector<16xi32>], vector<16xf32>,
        %add3A_1856 = arith.constant 25344 : i32
        %add3A_1857 = arith.addi %add3A_1521, %add3A_1856 : i32
        %swap3A_1858 = arith.constant 0 : i32
        %swap3A_1859 = tpu.memref_slice %arg7[%scan3A_294, %swap3A_1858] : memref<2x32768xf32, #tpu.memory_space<vmem>> -> memref<1x32768xf32, #tpu.memory_space<vmem>>
        %swap3A_1860 = tpu.memref_squeeze %swap3A_1859 : memref<1x32768xf32, #tpu.memory_space<vmem>> -> memref<32768xf32, #tpu.memory_space<vmem>>
        %swap3A_1861 = arith.index_cast %add3A_1857 : i32 to index
        %swap3A_1862 = tpu.vector_load %swap3A_1860[%swap3A_1861] {strides = array<i32>} : memref<32768xf32, #tpu.memory_space<vmem>>, vector<16xf32>,
        tpu.vector_store %swap3A_1860[%swap3A_1861], %gather3A_1855 {strides = array<i32>} : memref<32768xf32, #tpu.memory_space<vmem>>, vector<16xf32>,
        %add3A_1863 = arith.constant 31 : i32
        %add3A_1864 = vector.broadcast %add3A_1863 : i32 to vector<16xi32>
        %add3A_1865 = arith.addi %add3A_1508, %add3A_1864 : vector<16xi32>
        %gather3A_1866 = tpu.vector_load_idx %arg4[%add3A_1865] : memref<8208xf32, #tpu.memory_space<vmem>>[vector<16xi32>], vector<16xf32>,
        %add3A_1867 = arith.constant 25472 : i32
        %add3A_1868 = arith.addi %add3A_1521, %add3A_1867 : i32
        %swap3A_1869 = arith.constant 0 : i32
        %swap3A_1870 = tpu.memref_slice %arg7[%scan3A_294, %swap3A_1869] : memref<2x32768xf32, #tpu.memory_space<vmem>> -> memref<1x32768xf32, #tpu.memory_space<vmem>>
        %swap3A_1871 = tpu.memref_squeeze %swap3A_1870 : memref<1x32768xf32, #tpu.memory_space<vmem>> -> memref<32768xf32, #tpu.memory_space<vmem>>
        %swap3A_1872 = arith.index_cast %add3A_1868 : i32 to index
        %swap3A_1873 = tpu.vector_load %swap3A_1871[%swap3A_1872] {strides = array<i32>} : memref<32768xf32, #tpu.memory_space<vmem>>, vector<16xf32>,
        tpu.vector_store %swap3A_1871[%swap3A_1872], %gather3A_1866 {strides = array<i32>} : memref<32768xf32, #tpu.memory_space<vmem>>, vector<16xf32>,
      }
      %scan3A_299 = arith.constant 16 : i32
      %add3A_300 = arith.constant 0 : i32
      %add3A_301 = arith.addi %add3A_300, %multiple_of3A_270 : i32
      %mul3A_302 = arith.constant 1024 : i32
      %mul3A_303 = arith.muli %add3A_301, %mul3A_302 : i32
      %dma_start3A_304 = arith.constant 1 : i32
      %dma_start3A_305 = arith.constant 0 : i32
      %dma_start3A_306 = tpu.memref_slice %arg7[%dma_start3A_304, %dma_start3A_305] : memref<2x32768xf32, #tpu.memory_space<vmem>> -> memref<1x32768xf32, #tpu.memory_space<vmem>>
      %dma_start3A_307 = tpu.memref_squeeze %dma_start3A_306 : memref<1x32768xf32, #tpu.memory_space<vmem>> -> memref<32768xf32, #tpu.memory_space<vmem>>
      %dma_start3A_308 = arith.constant 0 : i32
      %dma_start3A_309 = tpu.memref_slice %dma_start3A_307[%dma_start3A_308] : memref<32768xf32, #tpu.memory_space<vmem>> -> memref<8192xf32, #tpu.memory_space<vmem>>
      %dma_start3A_310 = tpu.memref_slice %arg3[%mul3A_303] : memref<104857600xf32, #tpu.memory_space<hbm>> -> memref<8192xf32, #tpu.memory_space<hbm>>
      %dma_start3A_311 = tpu.memref_slice %arg3[%mul3A_303] : memref<104857600xf32, #tpu.memory_space<hbm>> -> memref<8192xf32, #tpu.memory_space<hbm>>
      %dma_start3A_312 = arith.constant 0 : i32
      %dma_start3A_313 = tpu.memref_slice %arg7[%dma_start3A_304, %dma_start3A_312] : memref<2x32768xf32, #tpu.memory_space<vmem>> -> memref<1x32768xf32, #tpu.memory_space<vmem>>
      %dma_start3A_314 = tpu.memref_squeeze %dma_start3A_313 : memref<1x32768xf32, #tpu.memory_space<vmem>> -> memref<32768xf32, #tpu.memory_space<vmem>>
      %dma_start3A_315 = arith.constant 0 : i32
      %dma_start3A_316 = tpu.memref_slice %dma_start3A_314[%dma_start3A_315] : memref<32768xf32, #tpu.memory_space<vmem>> -> memref<8192xf32, #tpu.memory_space<vmem>>
      tpu.enqueue_dma source(%dma_start3A_316 : memref<8192xf32, #tpu.memory_space<vmem>>) target(%dma_start3A_311 : memref<8192xf32, #tpu.memory_space<hbm>>) target_semaphore(%arg9 : memref<!tpu.dma_semaphore, #tpu.memory_space<semaphore_mem>>)
      %add3A_317 = arith.constant 25600 : i32
      %add3A_318 = arith.addi %add3A_317, %multiple_of3A_270 : i32
      %mul3A_319 = arith.constant 1024 : i32
      %mul3A_320 = arith.muli %add3A_318, %mul3A_319 : i32
      %dma_start3A_321 = arith.constant 1 : i32
      %dma_start3A_322 = arith.constant 0 : i32
      %dma_start3A_323 = tpu.memref_slice %arg7[%dma_start3A_321, %dma_start3A_322] : memref<2x32768xf32, #tpu.memory_space<vmem>> -> memref<1x32768xf32, #tpu.memory_space<vmem>>
      %dma_start3A_324 = tpu.memref_squeeze %dma_start3A_323 : memref<1x32768xf32, #tpu.memory_space<vmem>> -> memref<32768xf32, #tpu.memory_space<vmem>>
      %dma_start3A_325 = arith.constant 8192 : i32
      %dma_start3A_326 = tpu.memref_slice %dma_start3A_324[%dma_start3A_325] : memref<32768xf32, #tpu.memory_space<vmem>> -> memref<8192xf32, #tpu.memory_space<vmem>>
      %dma_start3A_327 = tpu.memref_slice %arg3[%mul3A_320] : memref<104857600xf32, #tpu.memory_space<hbm>> -> memref<8192xf32, #tpu.memory_space<hbm>>
      %dma_start3A_328 = tpu.memref_slice %arg3[%mul3A_320] : memref<104857600xf32, #tpu.memory_space<hbm>> -> memref<8192xf32, #tpu.memory_space<hbm>>
      %dma_start3A_329 = arith.constant 0 : i32
      %dma_start3A_330 = tpu.memref_slice %arg7[%dma_start3A_321, %dma_start3A_329] : memref<2x32768xf32, #tpu.memory_space<vmem>> -> memref<1x32768xf32, #tpu.memory_space<vmem>>
      %dma_start3A_331 = tpu.memref_squeeze %dma_start3A_330 : memref<1x32768xf32, #tpu.memory_space<vmem>> -> memref<32768xf32, #tpu.memory_space<vmem>>
      %dma_start3A_332 = arith.constant 8192 : i32
      %dma_start3A_333 = tpu.memref_slice %dma_start3A_331[%dma_start3A_332] : memref<32768xf32, #tpu.memory_space<vmem>> -> memref<8192xf32, #tpu.memory_space<vmem>>
      tpu.enqueue_dma source(%dma_start3A_333 : memref<8192xf32, #tpu.memory_space<vmem>>) target(%dma_start3A_328 : memref<8192xf32, #tpu.memory_space<hbm>>) target_semaphore(%arg9 : memref<!tpu.dma_semaphore, #tpu.memory_space<semaphore_mem>>)
      %add3A_334 = arith.constant 51200 : i32
      %add3A_335 = arith.addi %add3A_334, %multiple_of3A_270 : i32
      %mul3A_336 = arith.constant 1024 : i32
      %mul3A_337 = arith.muli %add3A_335, %mul3A_336 : i32
      %dma_start3A_338 = arith.constant 1 : i32
      %dma_start3A_339 = arith.constant 0 : i32
      %dma_start3A_340 = tpu.memref_slice %arg7[%dma_start3A_338, %dma_start3A_339] : memref<2x32768xf32, #tpu.memory_space<vmem>> -> memref<1x32768xf32, #tpu.memory_space<vmem>>
      %dma_start3A_341 = tpu.memref_squeeze %dma_start3A_340 : memref<1x32768xf32, #tpu.memory_space<vmem>> -> memref<32768xf32, #tpu.memory_space<vmem>>
      %dma_start3A_342 = arith.constant 16384 : i32
      %dma_start3A_343 = tpu.memref_slice %dma_start3A_341[%dma_start3A_342] : memref<32768xf32, #tpu.memory_space<vmem>> -> memref<8192xf32, #tpu.memory_space<vmem>>
      %dma_start3A_344 = tpu.memref_slice %arg3[%mul3A_337] : memref<104857600xf32, #tpu.memory_space<hbm>> -> memref<8192xf32, #tpu.memory_space<hbm>>
      %dma_start3A_345 = tpu.memref_slice %arg3[%mul3A_337] : memref<104857600xf32, #tpu.memory_space<hbm>> -> memref<8192xf32, #tpu.memory_space<hbm>>
      %dma_start3A_346 = arith.constant 0 : i32
      %dma_start3A_347 = tpu.memref_slice %arg7[%dma_start3A_338, %dma_start3A_346] : memref<2x32768xf32, #tpu.memory_space<vmem>> -> memref<1x32768xf32, #tpu.memory_space<vmem>>
      %dma_start3A_348 = tpu.memref_squeeze %dma_start3A_347 : memref<1x32768xf32, #tpu.memory_space<vmem>> -> memref<32768xf32, #tpu.memory_space<vmem>>
      %dma_start3A_349 = arith.constant 16384 : i32
      %dma_start3A_350 = tpu.memref_slice %dma_start3A_348[%dma_start3A_349] : memref<32768xf32, #tpu.memory_space<vmem>> -> memref<8192xf32, #tpu.memory_space<vmem>>
      tpu.enqueue_dma source(%dma_start3A_350 : memref<8192xf32, #tpu.memory_space<vmem>>) target(%dma_start3A_345 : memref<8192xf32, #tpu.memory_space<hbm>>) target_semaphore(%arg9 : memref<!tpu.dma_semaphore, #tpu.memory_space<semaphore_mem>>)
      %add3A_351 = arith.constant 76800 : i32
      %add3A_352 = arith.addi %add3A_351, %multiple_of3A_270 : i32
      %mul3A_353 = arith.constant 1024 : i32
      %mul3A_354 = arith.muli %add3A_352, %mul3A_353 : i32
      %dma_start3A_355 = arith.constant 1 : i32
      %dma_start3A_356 = arith.constant 0 : i32
      %dma_start3A_357 = tpu.memref_slice %arg7[%dma_start3A_355, %dma_start3A_356] : memref<2x32768xf32, #tpu.memory_space<vmem>> -> memref<1x32768xf32, #tpu.memory_space<vmem>>
      %dma_start3A_358 = tpu.memref_squeeze %dma_start3A_357 : memref<1x32768xf32, #tpu.memory_space<vmem>> -> memref<32768xf32, #tpu.memory_space<vmem>>
      %dma_start3A_359 = arith.constant 24576 : i32
      %dma_start3A_360 = tpu.memref_slice %dma_start3A_358[%dma_start3A_359] : memref<32768xf32, #tpu.memory_space<vmem>> -> memref<8192xf32, #tpu.memory_space<vmem>>
      %dma_start3A_361 = tpu.memref_slice %arg3[%mul3A_354] : memref<104857600xf32, #tpu.memory_space<hbm>> -> memref<8192xf32, #tpu.memory_space<hbm>>
      %dma_start3A_362 = tpu.memref_slice %arg3[%mul3A_354] : memref<104857600xf32, #tpu.memory_space<hbm>> -> memref<8192xf32, #tpu.memory_space<hbm>>
      %dma_start3A_363 = arith.constant 0 : i32
      %dma_start3A_364 = tpu.memref_slice %arg7[%dma_start3A_355, %dma_start3A_363] : memref<2x32768xf32, #tpu.memory_space<vmem>> -> memref<1x32768xf32, #tpu.memory_space<vmem>>
      %dma_start3A_365 = tpu.memref_squeeze %dma_start3A_364 : memref<1x32768xf32, #tpu.memory_space<vmem>> -> memref<32768xf32, #tpu.memory_space<vmem>>
      %dma_start3A_366 = arith.constant 24576 : i32
      %dma_start3A_367 = tpu.memref_slice %dma_start3A_365[%dma_start3A_366] : memref<32768xf32, #tpu.memory_space<vmem>> -> memref<8192xf32, #tpu.memory_space<vmem>>
      tpu.enqueue_dma source(%dma_start3A_367 : memref<8192xf32, #tpu.memory_space<vmem>>) target(%dma_start3A_362 : memref<8192xf32, #tpu.memory_space<hbm>>) target_semaphore(%arg9 : memref<!tpu.dma_semaphore, #tpu.memory_space<semaphore_mem>>)
    }
    %scan3A_24 = arith.constant 50 : i32
    %dma_wait3A = arith.constant 0 : i32
    %dma_wait3A_25 = arith.constant 0 : i32
    %dma_wait3A_26 = tpu.memref_slice %arg7[%dma_wait3A, %dma_wait3A_25] : memref<2x32768xf32, #tpu.memory_space<vmem>> -> memref<1x32768xf32, #tpu.memory_space<vmem>>
    %dma_wait3A_27 = tpu.memref_squeeze %dma_wait3A_26 : memref<1x32768xf32, #tpu.memory_space<vmem>> -> memref<32768xf32, #tpu.memory_space<vmem>>
    %dma_wait3A_28 = arith.constant 0 : i32
    %dma_wait3A_29 = tpu.memref_slice %dma_wait3A_27[%dma_wait3A_28] : memref<32768xf32, #tpu.memory_space<vmem>> -> memref<8192xf32, #tpu.memory_space<vmem>>
    %dma_wait3A_30 = arith.constant 0 : i32
    %dma_wait3A_31 = tpu.memref_slice %arg3[%dma_wait3A_30] : memref<104857600xf32, #tpu.memory_space<hbm>> -> memref<8192xf32, #tpu.memory_space<hbm>>
    %dma_wait3A_32 = arith.constant 0 : i32
    %dma_wait3A_33 = tpu.memref_slice %arg7[%dma_wait3A, %dma_wait3A_32] : memref<2x32768xf32, #tpu.memory_space<vmem>> -> memref<1x32768xf32, #tpu.memory_space<vmem>>
    %dma_wait3A_34 = tpu.memref_squeeze %dma_wait3A_33 : memref<1x32768xf32, #tpu.memory_space<vmem>> -> memref<32768xf32, #tpu.memory_space<vmem>>
    %dma_wait3A_35 = arith.constant 0 : i32
    %dma_wait3A_36 = tpu.memref_slice %dma_wait3A_34[%dma_wait3A_35] : memref<32768xf32, #tpu.memory_space<vmem>> -> memref<8192xf32, #tpu.memory_space<vmem>>
    %dma_wait3A_37 = arith.constant 0 : i32
    %dma_wait3A_38 = tpu.memref_slice %arg3[%dma_wait3A_37] : memref<104857600xf32, #tpu.memory_space<hbm>> -> memref<8192xf32, #tpu.memory_space<hbm>>
    tpu.wait_dma2 semaphore(%arg8 : memref<!tpu.dma_semaphore, #tpu.memory_space<semaphore_mem>>) src(%dma_wait3A_38 : memref<8192xf32, #tpu.memory_space<hbm>>) dst(%dma_wait3A_36 : memref<8192xf32, #tpu.memory_space<vmem>>)
    %dma_wait3A_39 = arith.constant 0 : i32
    %dma_wait3A_40 = arith.constant 0 : i32
    %dma_wait3A_41 = tpu.memref_slice %arg7[%dma_wait3A_39, %dma_wait3A_40] : memref<2x32768xf32, #tpu.memory_space<vmem>> -> memref<1x32768xf32, #tpu.memory_space<vmem>>
    %dma_wait3A_42 = tpu.memref_squeeze %dma_wait3A_41 : memref<1x32768xf32, #tpu.memory_space<vmem>> -> memref<32768xf32, #tpu.memory_space<vmem>>
    %dma_wait3A_43 = arith.constant 8192 : i32
    %dma_wait3A_44 = tpu.memref_slice %dma_wait3A_42[%dma_wait3A_43] : memref<32768xf32, #tpu.memory_space<vmem>> -> memref<8192xf32, #tpu.memory_space<vmem>>
    %dma_wait3A_45 = arith.constant 0 : i32
    %dma_wait3A_46 = tpu.memref_slice %arg3[%dma_wait3A_45] : memref<104857600xf32, #tpu.memory_space<hbm>> -> memref<8192xf32, #tpu.memory_space<hbm>>
    %dma_wait3A_47 = arith.constant 0 : i32
    %dma_wait3A_48 = tpu.memref_slice %arg7[%dma_wait3A_39, %dma_wait3A_47] : memref<2x32768xf32, #tpu.memory_space<vmem>> -> memref<1x32768xf32, #tpu.memory_space<vmem>>
    %dma_wait3A_49 = tpu.memref_squeeze %dma_wait3A_48 : memref<1x32768xf32, #tpu.memory_space<vmem>> -> memref<32768xf32, #tpu.memory_space<vmem>>
    %dma_wait3A_50 = arith.constant 8192 : i32
    %dma_wait3A_51 = tpu.memref_slice %dma_wait3A_49[%dma_wait3A_50] : memref<32768xf32, #tpu.memory_space<vmem>> -> memref<8192xf32, #tpu.memory_space<vmem>>
    %dma_wait3A_52 = arith.constant 0 : i32
    %dma_wait3A_53 = tpu.memref_slice %arg3[%dma_wait3A_52] : memref<104857600xf32, #tpu.memory_space<hbm>> -> memref<8192xf32, #tpu.memory_space<hbm>>
    tpu.wait_dma2 semaphore(%arg8 : memref<!tpu.dma_semaphore, #tpu.memory_space<semaphore_mem>>) src(%dma_wait3A_53 : memref<8192xf32, #tpu.memory_space<hbm>>) dst(%dma_wait3A_51 : memref<8192xf32, #tpu.memory_space<vmem>>)
    %dma_wait3A_54 = arith.constant 0 : i32
    %dma_wait3A_55 = arith.constant 0 : i32
    %dma_wait3A_56 = tpu.memref_slice %arg7[%dma_wait3A_54, %dma_wait3A_55] : memref<2x32768xf32, #tpu.memory_space<vmem>> -> memref<1x32768xf32, #tpu.memory_space<vmem>>
    %dma_wait3A_57 = tpu.memref_squeeze %dma_wait3A_56 : memref<1x32768xf32, #tpu.memory_space<vmem>> -> memref<32768xf32, #tpu.memory_space<vmem>>
    %dma_wait3A_58 = arith.constant 16384 : i32
    %dma_wait3A_59 = tpu.memref_slice %dma_wait3A_57[%dma_wait3A_58] : memref<32768xf32, #tpu.memory_space<vmem>> -> memref<8192xf32, #tpu.memory_space<vmem>>
    %dma_wait3A_60 = arith.constant 0 : i32
    %dma_wait3A_61 = tpu.memref_slice %arg3[%dma_wait3A_60] : memref<104857600xf32, #tpu.memory_space<hbm>> -> memref<8192xf32, #tpu.memory_space<hbm>>
    %dma_wait3A_62 = arith.constant 0 : i32
    %dma_wait3A_63 = tpu.memref_slice %arg7[%dma_wait3A_54, %dma_wait3A_62] : memref<2x32768xf32, #tpu.memory_space<vmem>> -> memref<1x32768xf32, #tpu.memory_space<vmem>>
    %dma_wait3A_64 = tpu.memref_squeeze %dma_wait3A_63 : memref<1x32768xf32, #tpu.memory_space<vmem>> -> memref<32768xf32, #tpu.memory_space<vmem>>
    %dma_wait3A_65 = arith.constant 16384 : i32
    %dma_wait3A_66 = tpu.memref_slice %dma_wait3A_64[%dma_wait3A_65] : memref<32768xf32, #tpu.memory_space<vmem>> -> memref<8192xf32, #tpu.memory_space<vmem>>
    %dma_wait3A_67 = arith.constant 0 : i32
    %dma_wait3A_68 = tpu.memref_slice %arg3[%dma_wait3A_67] : memref<104857600xf32, #tpu.memory_space<hbm>> -> memref<8192xf32, #tpu.memory_space<hbm>>
    tpu.wait_dma2 semaphore(%arg8 : memref<!tpu.dma_semaphore, #tpu.memory_space<semaphore_mem>>) src(%dma_wait3A_68 : memref<8192xf32, #tpu.memory_space<hbm>>) dst(%dma_wait3A_66 : memref<8192xf32, #tpu.memory_space<vmem>>)
    %dma_wait3A_69 = arith.constant 0 : i32
    %dma_wait3A_70 = arith.constant 0 : i32
    %dma_wait3A_71 = tpu.memref_slice %arg7[%dma_wait3A_69, %dma_wait3A_70] : memref<2x32768xf32, #tpu.memory_space<vmem>> -> memref<1x32768xf32, #tpu.memory_space<vmem>>
    %dma_wait3A_72 = tpu.memref_squeeze %dma_wait3A_71 : memref<1x32768xf32, #tpu.memory_space<vmem>> -> memref<32768xf32, #tpu.memory_space<vmem>>
    %dma_wait3A_73 = arith.constant 24576 : i32
    %dma_wait3A_74 = tpu.memref_slice %dma_wait3A_72[%dma_wait3A_73] : memref<32768xf32, #tpu.memory_space<vmem>> -> memref<8192xf32, #tpu.memory_space<vmem>>
    %dma_wait3A_75 = arith.constant 0 : i32
    %dma_wait3A_76 = tpu.memref_slice %arg3[%dma_wait3A_75] : memref<104857600xf32, #tpu.memory_space<hbm>> -> memref<8192xf32, #tpu.memory_space<hbm>>
    %dma_wait3A_77 = arith.constant 0 : i32
    %dma_wait3A_78 = tpu.memref_slice %arg7[%dma_wait3A_69, %dma_wait3A_77] : memref<2x32768xf32, #tpu.memory_space<vmem>> -> memref<1x32768xf32, #tpu.memory_space<vmem>>
    %dma_wait3A_79 = tpu.memref_squeeze %dma_wait3A_78 : memref<1x32768xf32, #tpu.memory_space<vmem>> -> memref<32768xf32, #tpu.memory_space<vmem>>
    %dma_wait3A_80 = arith.constant 24576 : i32
    %dma_wait3A_81 = tpu.memref_slice %dma_wait3A_79[%dma_wait3A_80] : memref<32768xf32, #tpu.memory_space<vmem>> -> memref<8192xf32, #tpu.memory_space<vmem>>
    %dma_wait3A_82 = arith.constant 0 : i32
    %dma_wait3A_83 = tpu.memref_slice %arg3[%dma_wait3A_82] : memref<104857600xf32, #tpu.memory_space<hbm>> -> memref<8192xf32, #tpu.memory_space<hbm>>
    tpu.wait_dma2 semaphore(%arg8 : memref<!tpu.dma_semaphore, #tpu.memory_space<semaphore_mem>>) src(%dma_wait3A_83 : memref<8192xf32, #tpu.memory_space<hbm>>) dst(%dma_wait3A_81 : memref<8192xf32, #tpu.memory_space<vmem>>)
    %dma_wait3A_84 = arith.constant 1 : i32
    %dma_wait3A_85 = arith.constant 0 : i32
    %dma_wait3A_86 = tpu.memref_slice %arg7[%dma_wait3A_84, %dma_wait3A_85] : memref<2x32768xf32, #tpu.memory_space<vmem>> -> memref<1x32768xf32, #tpu.memory_space<vmem>>
    %dma_wait3A_87 = tpu.memref_squeeze %dma_wait3A_86 : memref<1x32768xf32, #tpu.memory_space<vmem>> -> memref<32768xf32, #tpu.memory_space<vmem>>
    %dma_wait3A_88 = arith.constant 0 : i32
    %dma_wait3A_89 = tpu.memref_slice %dma_wait3A_87[%dma_wait3A_88] : memref<32768xf32, #tpu.memory_space<vmem>> -> memref<8192xf32, #tpu.memory_space<vmem>>
    %dma_wait3A_90 = arith.constant 0 : i32
    %dma_wait3A_91 = tpu.memref_slice %arg3[%dma_wait3A_90] : memref<104857600xf32, #tpu.memory_space<hbm>> -> memref<8192xf32, #tpu.memory_space<hbm>>
    %dma_wait3A_92 = arith.constant 0 : i32
    %dma_wait3A_93 = tpu.memref_slice %arg7[%dma_wait3A_84, %dma_wait3A_92] : memref<2x32768xf32, #tpu.memory_space<vmem>> -> memref<1x32768xf32, #tpu.memory_space<vmem>>
    %dma_wait3A_94 = tpu.memref_squeeze %dma_wait3A_93 : memref<1x32768xf32, #tpu.memory_space<vmem>> -> memref<32768xf32, #tpu.memory_space<vmem>>
    %dma_wait3A_95 = arith.constant 0 : i32
    %dma_wait3A_96 = tpu.memref_slice %dma_wait3A_94[%dma_wait3A_95] : memref<32768xf32, #tpu.memory_space<vmem>> -> memref<8192xf32, #tpu.memory_space<vmem>>
    %dma_wait3A_97 = arith.constant 0 : i32
    %dma_wait3A_98 = tpu.memref_slice %arg3[%dma_wait3A_97] : memref<104857600xf32, #tpu.memory_space<hbm>> -> memref<8192xf32, #tpu.memory_space<hbm>>
    tpu.wait_dma2 semaphore(%arg9 : memref<!tpu.dma_semaphore, #tpu.memory_space<semaphore_mem>>) src(%dma_wait3A_98 : memref<8192xf32, #tpu.memory_space<hbm>>) dst(%dma_wait3A_96 : memref<8192xf32, #tpu.memory_space<vmem>>)
    %dma_wait3A_99 = arith.constant 1 : i32
    %dma_wait3A_100 = arith.constant 0 : i32
    %dma_wait3A_101 = tpu.memref_slice %arg7[%dma_wait3A_99, %dma_wait3A_100] : memref<2x32768xf32, #tpu.memory_space<vmem>> -> memref<1x32768xf32, #tpu.memory_space<vmem>>
    %dma_wait3A_102 = tpu.memref_squeeze %dma_wait3A_101 : memref<1x32768xf32, #tpu.memory_space<vmem>> -> memref<32768xf32, #tpu.memory_space<vmem>>
    %dma_wait3A_103 = arith.constant 8192 : i32
    %dma_wait3A_104 = tpu.memref_slice %dma_wait3A_102[%dma_wait3A_103] : memref<32768xf32, #tpu.memory_space<vmem>> -> memref<8192xf32, #tpu.memory_space<vmem>>
    %dma_wait3A_105 = arith.constant 0 : i32
    %dma_wait3A_106 = tpu.memref_slice %arg3[%dma_wait3A_105] : memref<104857600xf32, #tpu.memory_space<hbm>> -> memref<8192xf32, #tpu.memory_space<hbm>>
    %dma_wait3A_107 = arith.constant 0 : i32
    %dma_wait3A_108 = tpu.memref_slice %arg7[%dma_wait3A_99, %dma_wait3A_107] : memref<2x32768xf32, #tpu.memory_space<vmem>> -> memref<1x32768xf32, #tpu.memory_space<vmem>>
    %dma_wait3A_109 = tpu.memref_squeeze %dma_wait3A_108 : memref<1x32768xf32, #tpu.memory_space<vmem>> -> memref<32768xf32, #tpu.memory_space<vmem>>
    %dma_wait3A_110 = arith.constant 8192 : i32
    %dma_wait3A_111 = tpu.memref_slice %dma_wait3A_109[%dma_wait3A_110] : memref<32768xf32, #tpu.memory_space<vmem>> -> memref<8192xf32, #tpu.memory_space<vmem>>
    %dma_wait3A_112 = arith.constant 0 : i32
    %dma_wait3A_113 = tpu.memref_slice %arg3[%dma_wait3A_112] : memref<104857600xf32, #tpu.memory_space<hbm>> -> memref<8192xf32, #tpu.memory_space<hbm>>
    tpu.wait_dma2 semaphore(%arg9 : memref<!tpu.dma_semaphore, #tpu.memory_space<semaphore_mem>>) src(%dma_wait3A_113 : memref<8192xf32, #tpu.memory_space<hbm>>) dst(%dma_wait3A_111 : memref<8192xf32, #tpu.memory_space<vmem>>)
    %dma_wait3A_114 = arith.constant 1 : i32
    %dma_wait3A_115 = arith.constant 0 : i32
    %dma_wait3A_116 = tpu.memref_slice %arg7[%dma_wait3A_114, %dma_wait3A_115] : memref<2x32768xf32, #tpu.memory_space<vmem>> -> memref<1x32768xf32, #tpu.memory_space<vmem>>
    %dma_wait3A_117 = tpu.memref_squeeze %dma_wait3A_116 : memref<1x32768xf32, #tpu.memory_space<vmem>> -> memref<32768xf32, #tpu.memory_space<vmem>>
    %dma_wait3A_118 = arith.constant 16384 : i32
    %dma_wait3A_119 = tpu.memref_slice %dma_wait3A_117[%dma_wait3A_118] : memref<32768xf32, #tpu.memory_space<vmem>> -> memref<8192xf32, #tpu.memory_space<vmem>>
    %dma_wait3A_120 = arith.constant 0 : i32
    %dma_wait3A_121 = tpu.memref_slice %arg3[%dma_wait3A_120] : memref<104857600xf32, #tpu.memory_space<hbm>> -> memref<8192xf32, #tpu.memory_space<hbm>>
    %dma_wait3A_122 = arith.constant 0 : i32
    %dma_wait3A_123 = tpu.memref_slice %arg7[%dma_wait3A_114, %dma_wait3A_122] : memref<2x32768xf32, #tpu.memory_space<vmem>> -> memref<1x32768xf32, #tpu.memory_space<vmem>>
    %dma_wait3A_124 = tpu.memref_squeeze %dma_wait3A_123 : memref<1x32768xf32, #tpu.memory_space<vmem>> -> memref<32768xf32, #tpu.memory_space<vmem>>
    %dma_wait3A_125 = arith.constant 16384 : i32
    %dma_wait3A_126 = tpu.memref_slice %dma_wait3A_124[%dma_wait3A_125] : memref<32768xf32, #tpu.memory_space<vmem>> -> memref<8192xf32, #tpu.memory_space<vmem>>
    %dma_wait3A_127 = arith.constant 0 : i32
    %dma_wait3A_128 = tpu.memref_slice %arg3[%dma_wait3A_127] : memref<104857600xf32, #tpu.memory_space<hbm>> -> memref<8192xf32, #tpu.memory_space<hbm>>
    tpu.wait_dma2 semaphore(%arg9 : memref<!tpu.dma_semaphore, #tpu.memory_space<semaphore_mem>>) src(%dma_wait3A_128 : memref<8192xf32, #tpu.memory_space<hbm>>) dst(%dma_wait3A_126 : memref<8192xf32, #tpu.memory_space<vmem>>)
    %dma_wait3A_129 = arith.constant 1 : i32
    %dma_wait3A_130 = arith.constant 0 : i32
    %dma_wait3A_131 = tpu.memref_slice %arg7[%dma_wait3A_129, %dma_wait3A_130] : memref<2x32768xf32, #tpu.memory_space<vmem>> -> memref<1x32768xf32, #tpu.memory_space<vmem>>
    %dma_wait3A_132 = tpu.memref_squeeze %dma_wait3A_131 : memref<1x32768xf32, #tpu.memory_space<vmem>> -> memref<32768xf32, #tpu.memory_space<vmem>>
    %dma_wait3A_133 = arith.constant 24576 : i32
    %dma_wait3A_134 = tpu.memref_slice %dma_wait3A_132[%dma_wait3A_133] : memref<32768xf32, #tpu.memory_space<vmem>> -> memref<8192xf32, #tpu.memory_space<vmem>>
    %dma_wait3A_135 = arith.constant 0 : i32
    %dma_wait3A_136 = tpu.memref_slice %arg3[%dma_wait3A_135] : memref<104857600xf32, #tpu.memory_space<hbm>> -> memref<8192xf32, #tpu.memory_space<hbm>>
    %dma_wait3A_137 = arith.constant 0 : i32
    %dma_wait3A_138 = tpu.memref_slice %arg7[%dma_wait3A_129, %dma_wait3A_137] : memref<2x32768xf32, #tpu.memory_space<vmem>> -> memref<1x32768xf32, #tpu.memory_space<vmem>>
    %dma_wait3A_139 = tpu.memref_squeeze %dma_wait3A_138 : memref<1x32768xf32, #tpu.memory_space<vmem>> -> memref<32768xf32, #tpu.memory_space<vmem>>
    %dma_wait3A_140 = arith.constant 24576 : i32
    %dma_wait3A_141 = tpu.memref_slice %dma_wait3A_139[%dma_wait3A_140] : memref<32768xf32, #tpu.memory_space<vmem>> -> memref<8192xf32, #tpu.memory_space<vmem>>
    %dma_wait3A_142 = arith.constant 0 : i32
    %dma_wait3A_143 = tpu.memref_slice %arg3[%dma_wait3A_142] : memref<104857600xf32, #tpu.memory_space<hbm>> -> memref<8192xf32, #tpu.memory_space<hbm>>
    tpu.wait_dma2 semaphore(%arg9 : memref<!tpu.dma_semaphore, #tpu.memory_space<semaphore_mem>>) src(%dma_wait3A_143 : memref<8192xf32, #tpu.memory_space<hbm>>) dst(%dma_wait3A_141 : memref<8192xf32, #tpu.memory_space<vmem>>)
    return
  }
}

</mosaic_0001>

<sc_bundles>
// kernel: kernel.3.cloned.1.call-start
scs
__scs_entry_jumppad:
0x0: {  	(pc) =	sbr.rel $0x88, $3  }
0x1: {  	(tag) =	ssettag $0x0;
	lr =	simm.s32 $0x1  }
0x2: {  	[smem:$0x3F9F] =	sst lr;
	_ =	strace $0xD0000000  }
0x3: {  	_ = 	snop  }
0x4: {  	_ = 	snop  }
0x5: {  	_ = 	snop  }
0x6: {  	_ = 	snop  }
0x7: {  	_ = 	snop  }
__scs_overlays_trampoline_lowered:
0x8: {  	[smem:$0x3FAE] =	sst s0  }
0x9: {  	[smem:$0x3FAF] =	sst s1  }
0xa: {  	[smem:$0x3FB0] =	sst s2  }
0xb: {  	[smem:$0x3FB1] =	sst s3  }
0xc: {  	[smem:$0x3FB2] =	sst s4  }
0xd: {  	[smem:$0x3FB3] =	sst s5  }
0xe: {  	[smem:$0x3FB4] =	sst s6  }
0xf: {  	[smem:$0x3FB5] =	sst s7  }
0x10: {  	[smem:$0x3FB6] =	sst s8  }
0x11: {  	[smem:$0x3FB7] =	sst s9;
	s0 =	simm.s32 @!p0 $0x0  }
0x12: {  	s1 =	sld [smem:$0x3F9D];
	s0 =	simm.s32 @p0 $0x1  }
0x13: {  	[smem:$0x3FB8] =	sst s0;
	s0 =	simm.s32 @!p1 $0x0  }
0x14: {  	s2 =	sld [smem:$0x3F9C];
	s0 =	simm.s32 @p1 $0x1  }
0x15: {  	[smem:$0x3FB9] =	sst s0;
	s0 =	simm.s32 @!p2 $0x0  }
0x16: {  	s3 =	sld [smem:$0x3FDB];
	s0 =	simm.s32 @p2 $0x1  }
0x17: {  	s4 =	simm.s32 $0x1BF5;
	[smem:$0x3FBB] =	sst s0  }
0x18: {  	s0 =	sld [smem:$0x3F9E];
	_ =	swait.ge [sflag:s4], $0x0  }
0x19: {  	s7 =	sld [smem:$0x3F9F]  }
0x1a: {  	s8 =	sadd.s32 $0xFFFFE003, lr  }
0x1b: {  	s9 =	sadd.s32 $0xFFFFFEF7, lr;
	s5 =	simm.s32 $0xFFFFFFFF;
	p2 =	slt.u32 s8, $0xFFFFF086  }
0x1c: {  	p1 =	slt.u32 s9, $0xF7A;
	s5 =	simm.s32 @!p2 $0x0  }
0x1d: {  	s5 =	simm.s32 @p1 $0x1;
	p0 =	seq.s32 s7, s2  }
0x1e: {  	s7 =	smul.u32 @!p0 $0xF7A, s2;
	p2 =	seq.s32 @!p0 s5, $0x0  }
0x1f: {  	s9 =	smul.u32 $0xF7A, s1;
	s8 =	simm.s32 @!p0 $0x1BF5;
	p2 =	por !p2, p0  }
0x20: {  	[sflag:s8] =	ssyncset.s32 @!p0 $0xFFFFF086;
	s6 =	sadd.s32 @!p0 s3, s7;
	s7 =	simm.s32 @!p0 $0x108  }
0x21: {  	s3 =	sadd.s32 s3, s9;
	s6 =	sadd.s32 @!p0 $0x88, s6;
	s7 =	simm.s32 @p2 $0x1082  }
0x22: {  	[simem:s7], [sflag:s8] =	dma.local @!p0 [hbm:s6], $0xF7A  }
0x23: {  	s9 =	sor.u32 $0xD0000000, s2;
	s6 =	simm.s32 $0x108;
	_ =	swait.ge @!p0 [sflag:s8], $0x0  }
0x24: {  	s3 =	sadd.s32 $0x88, s3;
	s6 =	simm.s32 @!p1 $0x1082;
	[sflag:s4] =	ssyncset.s32 $0xFFFFF086  }
0x25: {  	[simem:s6], [sflag:s4] =	dma.local [hbm:s3], $0xF7A  }
0x26: {  	[smem:$0x3F9F] =	sst s1;
	(tag) =	ssettag s2;
	_ =	strace s9  }
0x27: {  	s1 =	sld [smem:$0x3FAF]  }
0x28: {  	s2 =	sld [smem:$0x3FB0]  }
0x29: {  	s4 =	sld [smem:$0x3FB2]  }
0x2a: {  	p0 =	seq.s32 s5, $0x0;
	s5 =	sld [smem:$0x3FB3]  }
0x2b: {  	s6 =	sld [smem:$0x3FB4]  }
0x2c: {  	s7 =	sld [smem:$0x3FB5]  }
0x2d: {  	s3 =	simm.s32 $0x108;
	s8 =	sld [smem:$0x3FB6]  }
0x2e: {  	s3 =	simm.s32 @!p0 $0x1082;
	s9 =	sld [smem:$0x3FB7]  }
0x2f: {  	lr =	sadd.s32 s0, s3;
	s0 =	sld [smem:$0x3FAE]  }
0x30: {  	s3 =	sld [smem:$0x3FB1]  }
0x31: {  	[smem:$0x3FBA] =	sst s10  }
0x32: {  	s10 =	sld [smem:$0x3FB8];
	_ =	sdelay $0x3  }
0x33: {  	p0 =	seq.s32 s10, $0x1;
	s10 =	sld [smem:$0x3FBA];
	_ =	sdelay $0x3  }
0x34: {  	[smem:$0x3FBA] =	sst s10  }
0x35: {  	s10 =	sld [smem:$0x3FB9];
	_ =	sdelay $0x3  }
0x36: {  	p1 =	seq.s32 s10, $0x1;
	s10 =	sld [smem:$0x3FBA];
	_ =	sdelay $0x3  }
0x37: {  	[smem:$0x3FBA] =	sst s10  }
0x38: {  	s10 =	sld [smem:$0x3FBB]  }
0x39: {  	_ = 	snop;
	(pc) =	sbr.ind lr, $3  }
0x3a: {  	_ = 	snop  }
0x3b: {  	_ = 	snop  }
0x3c: {  	p2 =	seq.s32 s10, $0x1;
	s10 =	sld [smem:$0x3FBA]  }
0x3d: {  	_ =	shalt  }
0x3e: {  	_ =	shalt  }
0x3f: {  	_ =	shalt  }
0x40: {  	_ =	shalt  }
0x41: {  	_ =	shalt  }
0x42: {  	_ =	shalt  }
0x43: {  	_ =	shalt  }
0x44: {  	_ =	shalt  }
0x45: {  	_ =	shalt  }
0x46: {  	_ =	shalt  }
0x47: {  	_ =	shalt  }
0x48: {  	_ =	shalt  }
0x49: {  	_ =	shalt  }
0x4a: {  	_ =	shalt  }
0x4b: {  	_ =	shalt  }
0x4c: {  	_ =	shalt  }
0x4d: {  	_ =	shalt  }
0x4e: {  	_ =	shalt  }
0x4f: {  	_ =	shalt  }
0x50: {  	_ =	shalt  }
0x51: {  	_ =	shalt  }
0x52: {  	_ =	shalt  }
0x53: {  	_ =	shalt  }
0x54: {  	_ =	shalt  }
0x55: {  	_ =	shalt  }
0x56: {  	_ =	shalt  }
0x57: {  	_ =	shalt  }
0x58: {  	_ =	shalt  }
0x59: {  	_ =	shalt  }
0x5a: {  	_ =	shalt  }
0x5b: {  	_ =	shalt  }
0x5c: {  	_ =	shalt  }
0x5d: {  	_ =	shalt  }
0x5e: {  	_ =	shalt  }
0x5f: {  	_ =	shalt  }
0x60: {  	_ =	shalt  }
0x61: {  	_ =	shalt  }
0x62: {  	_ =	shalt  }
0x63: {  	_ =	shalt  }
0x64: {  	_ =	shalt  }
0x65: {  	_ =	shalt  }
0x66: {  	_ =	shalt  }
0x67: {  	_ =	shalt  }
0x68: {  	_ =	shalt  }
0x69: {  	_ =	shalt  }
0x6a: {  	_ =	shalt  }
0x6b: {  	_ =	shalt  }
0x6c: {  	_ =	shalt  }
0x6d: {  	_ =	shalt  }
0x6e: {  	_ =	shalt  }
0x6f: {  	_ =	shalt  }
0x70: {  	_ =	shalt  }
0x71: {  	_ =	shalt  }
0x72: {  	_ =	shalt  }
0x73: {  	_ =	shalt  }
0x74: {  	_ =	shalt  }
0x75: {  	_ =	shalt  }
0x76: {  	_ =	shalt  }
0x77: {  	_ =	shalt  }
0x78: {  	_ =	shalt  }
0x79: {  	_ =	shalt  }
0x7a: {  	_ =	shalt  }
0x7b: {  	_ =	shalt  }
0x7c: {  	_ =	shalt  }
0x7d: {  	_ =	shalt  }
0x7e: {  	_ =	shalt  }
0x7f: {  	_ =	shalt  }
0x80: {  	_ =	shalt  }
0x81: {  	_ =	shalt  }
0x82: {  	_ =	shalt  }
0x83: {  	_ =	shalt  }
0x84: {  	_ =	shalt  }
0x85: {  	_ =	shalt  }
0x86: {  	_ =	shalt  }
0x87: {  	_ =	shalt  }
.Lfunc_end0:
.L_simem_size_0:
called_computation_lowered:
.L_overlay_start_0:
0x88: {  	s2 =	sld [smem:$0x3FD9]  }
0x89: {  	s3 =	sld [smem:$0x3FFE];
	_ =	sdelay $0x1  }
0x8a: {  	s1 =	srdreg.scid  }
0x8b: {  	s0 =	sand.u32 $0x1, s1  }
0x8c: {  	s17 =	sshll.u32 s0, $0xA;
	s2 =	sadd.s32 s3, s2  }
0x8d: {  	s2 =	sadd.s32 s2, s17  }
0x8e: {  	[smem:$0x3FC6] =	sst s2  }
0x8f: {  	_ = 	snop  }
0x90: {  	s2 =	sld [smem:$0x3FD0];
	(tm) =	ssettm $0x1  }
0x91: {  	s18 =	sld [smem:$0x3FFB];
	_ =	sdelay $0x3  }
0x92: {  	_ =	strace s18  }
0x93: {  	s3 =	sld [smem:$0x3FFC];
	_ =	sdelay $0x3  }
0x94: {  	_ =	strace s3  }
0x95: {  	s3 =	sld [smem:$0x3FFD];
	_ =	sdelay $0x3  }
0x96: {  	_ =	strace s3  }
0x97: {  	_ =	strace $0x8FFFFFFF  }
0x98: {  	s19 =	sld [smem:$0x3FDB];
	_ =	sdelay $0x1  }
0x99: {  	s4 =	simm.s32 $_scs_section_size  }
0x9a: {  	s5 =	simm.s32 $_size__tile_overlayer_lowered;
	s6 =	simm.s32 $_tile_overlayer_lowered  }
0x9b: {  	s22 =	simm.s32 $0x1BFF;
	s21 =	sshll.u32 s6, $0x1;
	s3 =	sadd.s32 s4, s19  }
0x9c: {  	s7 =	simm.s32 $0x0;
	s20 =	sshll.u32 s5, $0x1;
	s5 =	sadd.s32 s21, s3  }
0x9d: {  	[timem:s7], [sflag:s22] =	dma.local [hbm:s5], s20  }
0x9e: {  	_ =	swait.ge [sflag:s22], s20  }
0x9f: {  	s4 =	ssub.s32 $0x0, s20;
	[sflag:s22] =	ssyncset.done $0x0  }
0xa0: {  	[sflag:s22] =	ssyncadd.s32 s4;
	_ =	sdelay $0x1  }
0xa1: {  	s23 =	simm.s32 $0x1B8B  }
0xa2: {  	_ =	swait.ge [sflag:s23], $0x1  }
0xa3: {  	[sflag:s23] =	ssyncset.done $0x0  }
0xa4: {  	s25 =	simm.s32 $0x1B8E;
	s24 =	sld [smem:$0x3FFE];
	[sflag:s23] =	ssyncadd.s32 $0xFFFFFFFF  }
0xa5: {  	s26 =	simm.s32 $execute0_lowered;
	[smem:$0x3FD2] =	sst s25  }
0xa6: {  	s5 =	sshll.u32 s26, $0x1;
	_ =	strace $0x80000046;
	[dreg:$0x1] =	wrdreg $0xFFFFFFFF  }
0xa7: {  	s28 =	simm.s32 $_size_execute0_lowered;
	s3 =	sadd.s32 s3, s5;
	[dreg:$0x0] =	wrdreg $0x0  }
0xa8: {  	s5 =	sshll.u32 s28, $0x1;
	[dreg:$0x2] =	wrdreg s3  }
0xa9: {  	[dreg:$0x3] =	wrdreg s5  }
0xaa: {  	[dreg:$0x4] =	wrdreg $0xC0  }
0xab: {  	_ =	task [dreg:s7], $0x5FFFF  }
0xac: {  	[dreg:$0x1] =	wrdreg $0xFFFFFFFF  }
0xad: {  	[dreg:$0x0] =	wrdreg $0x60  }
0xae: {  	[dreg:$0x2] =	wrdreg s24  }
0xaf: {  	[dreg:$0x3] =	wrdreg s2  }
0xb0: {  	[dreg:$0x4] =	wrdreg $0x9  }
0xb1: {  	_ =	task.clear_ibuf [dreg:s7], $0x5FFFF;
	_ =	strace $0x90000046  }
0xb2: {  	s29 =	simm.s32 $0x9;
	_ =	strace $0x80000048  }
0xb3: {  	_ =	swait.ge [sflag:s29], $0x1  }
0xb4: {  	[sflag:s29] =	ssyncadd.s32 $0xFFFFFFFF  }
0xb5: {  	_ =	strace $0x90000048  }
0xb6: {  	_ =	sfence  }
0xb7: {  	s30 =	sld [smem:$0x0];
	_ =	sdelay $0x2  }
0xb8: {  	s31 =	sshll.u32 s1, $0xD;
	s1 =	sshrl.u32 s1, $0x2  }
0xb9: {  	s3 =	sand.u32 $0x4000, s31;
	s1 =	sadd.s32 s1, s30  }
0xba: {  	s0 =	sor.u32 s3, s0;
	s1 =	sshll.u32 s1, $0x11  }
0xbb: {  	s0 =	sor.u32 s1, s0  }
0xbc: {  	s0 =	sadd.s32 $0x8F2B, s0  }
0xbd: {  	[sflag:s0] =	ssyncadd.remote.s32 $0x1  }
0xbe: {  	_ =	sfence.sel $0xFFFF  }
0xbf: {  	[dreg:$0x0] =	wrdreg $0xFFFFFFFF;
	(pc) =	sbr.abs _section_cstart, $3  }
0xc0: {  	[dreg:$0x1] =	wrdreg $0xFFFFFFFF  }
0xc1: {  	_ =	task.clear_ibuf [dreg:s7], $0x2FFFF;
	_ =	strace $0x9FFFFFFF  }
0xc2: {  	(tm) =	ssettm $0x7FFFFFFF  }
0xc3: {  	_ =	shalt  }
tec
execute0_lowered:
.L_overlay_start_1:
0x0: {  	(tag) =	ssettag $0x1  }
0x1: {  	v1 =	vlaneseq.u32  }
0x2: {  	v2 =	vimm.s32 $0x7654321;
	v3 =	vimm.s32 $0x10765432;
	v9 =	vimm.s32 $0x32107654  }
0x3: {  	v10 =	vimm.s32 $0x43210765;
	v12 =	vimm.s32 $0x65432107;
	v0 =	vmul.u32 $0x201, v1  }
0x4: {  	v4 =	vunpack.c.l.s4.s8 v2;
	v5 =	vunpack.c.l.s4.s8 v3;
	v3 =	vimm.s32 $0x21076543  }
0x5: {  	s0 =	srdreg.scid;
	v1 =	vand.u32 $0x7, v1;
	v9 =	vunpack.c.l.s4.s8 v9;
	v11 =	vunpack.c.l.s4.s8 v10  }
0x6: {  	s2 =	stileid.u32;
	s1 =	rddreg [dreg:$0x0];
	v10 =	vimm.s32 $0x54321076;
	v15 =	vunpack.c.l.s4.s8 v12;
	v7 =	vunpack.c.l.s4.s8 v3  }
0x7: {  	s3 =	rddreg [dreg:$0x1];
	s4 =	simm.s32 $0x0;
	s16 =	simm.s32 $0x5;
	v13 =	vunpack.c.l.s4.s8 v10;
	v2 =	vadd.s32 $0x1, v0;
	v3 =	vunpack.c.0.s8.s32 v4  }
0x8: {  	s18 =	simm.s32 $0x3;
	s19 =	simm.s32 $0x2310;
	s20 =	simm.s32 $0x2410;
	v4 =	vadd.s32 $0x2, v0;
	v5 =	vunpack.c.0.s8.s32 v5;
	v6 =	vadd.s32 $0x3, v0  }
0x9: {  	s21 =	simm.s32 $0x4410;
	s22 =	simm.s32 $0x6410;
	s23 =	simm.s32 $0x8410;
	v8 =	vadd.s32 $0x4, v0;
	v9 =	vunpack.c.0.s8.s32 v9;
	v10 =	vadd.s32 $0x5, v0  }
0xa: {  	s24 =	simm.s32 $0x4;
	s28 =	simm.s32 $0xE410;
	s29 =	simm.s32 $0x10410;
	v11 =	vunpack.c.0.s8.s32 v11;
	v12 =	vadd.s32 $0x6, v0;
	v14 =	vadd.s32 $0x7, v0  }
0xb: {  	s30 =	simm.s32 $0x1;
	s31 =	simm.s32 $0x2;
	s0 =	sand.u32 $0x1, s0;
	v15 =	vunpack.c.0.s8.s32 v15;
	v16 =	vadd.s32 $0x8, v0;
	v17 =	vadd.s32 $0x9, v0  }
0xc: {  	s2 =	sshll.u32 s2, $0x1;
	[smem:$0x7FF] =	sst s4;
	s25 =	sadd.s32 $0x19000, s1;
	v18 =	vadd.s32 $0xA, v0;
	v19 =	vadd.s32 $0xB, v0;
	v20 =	vadd.s32 $0xC, v0  }
0xd: {  	s8 =	sadd.s32 $0x20, s1;
	s10 =	sadd.s32 $0x320000, s3;
	s11 =	sadd.s32 $0x640000, s3;
	v21 =	vadd.s32 $0xD, v0;
	v22 =	vadd.s32 $0xE, v0;
	v23 =	vadd.s32 $0xF, v0  }
0xe: {  	s12 =	sadd.s32 $0x960000, s3;
	s2 =	sor.u32 s0, s2;
	s0 =	ssub.s32 $0x2, s0;
	v24 =	vadd.s32 $0x10, v0;
	v25 =	vadd.s32 $0x11, v0;
	v26 =	vadd.s32 $0x12, v0  }
0xf: {  	_ =	strace $0x80000047;
	s5 =	smul.u32 $0x6400, s2;
	s6 =	sshrl.u32 s0, $0x1;
	v27 =	vadd.s32 $0x13, v0;
	v28 =	vadd.s32 $0x14, v0;
	v29 =	vadd.s32 $0x15, v0  }
0x10: {  	[dreg:$0x3] =	wrdreg s25;
	s25 =	simm.s32 $0xA410;
	v30 =	vadd.s32 $0x16, v0;
	v31 =	vadd.s32 $0x17, v0;
	v32 =	vadd.s32 $0x18, v0;
	s0 =	ssub.s32 s0, s6  }
0x11: {  	s9 =	smul.u32 $0x19000, s2;
	v33 =	vadd.s32 $0x19, v0;
	v34 =	vadd.s32 $0x1A, v0;
	v35 =	vadd.s32 $0x1B, v0;
	s7 =	sshrl.u32 s5, $0x3;
	s0 =	smax.u32 s0, $0x1  }
0x12: {  	v36 =	vadd.s32 $0x1C, v0;
	v37 =	vadd.s32 $0x1D, v0;
	v38 =	vadd.s32 $0x1E, v0;
	s2 =	simm.s32 $0x0;
	s26 =	sadd.s32 s1, s7;
	[dreg:$0x5] =	wrdreg s0  }
0x13: {  	v39 =	vadd.s32 $0x1F, v0;
	v7 =	vunpack.c.0.s8.s32 v7;
	v13 =	vunpack.c.0.s8.s32 v13;
	s13 =	sor.u32 $0x100, s5;
	[dreg:$0x4] =	wrdreg s26;
	s26 =	simm.s32 $0xC410  }
.LBB2_1:
0x14: {  	s0 =	rddreg [dreg:$0x3];
	s6 =	simm.s32 $0x2010  }
0x15: {  	[tilespmem:s6], [sflag:$0x5] =	stream.linear.gather [hbm4b:s0+s4], $0x200, $0x38;
	[tilespmem:$0x12410] =	vst v63  }
0x16: {  	_ =	swait.ge [sflag:s16], $0x200  }
0x17: {  	[sflag:s16] =	ssyncset.done $0x0  }
0x18: {  	[sflag:s16] =	ssyncadd.s32 $0xFFFFFE00  }
0x19: {  	v40 =	vld [tilespmem:$0x2010];
	_ =	sdelay $0x4  }
0x1a: {  	[tilespmem:s4+$0x0] =	vst v40  }
0x1b: {  	v40 =	vld [tilespmem:$0x2020];
	_ =	sdelay $0x3  }
0x1c: {  	s17 =	sand.u32 $0x1FFF, s4  }
0x1d: {  	[tilespmem:s17+$0x10] =	vst v40  }
0x1e: {  	v40 =	vld [tilespmem:$0x2030];
	_ =	sdelay $0x4  }
0x1f: {  	[tilespmem:s17+$0x20] =	vst v40  }
0x20: {  	v40 =	vld [tilespmem:$0x2040];
	_ =	sdelay $0x4  }
0x21: {  	[tilespmem:s17+$0x30] =	vst v40  }
0x22: {  	v40 =	vld [tilespmem:$0x2050];
	_ =	sdelay $0x4  }
0x23: {  	[tilespmem:s17+$0x40] =	vst v40  }
0x24: {  	v40 =	vld [tilespmem:$0x2060];
	_ =	sdelay $0x4  }
0x25: {  	[tilespmem:s17+$0x50] =	vst v40  }
0x26: {  	v40 =	vld [tilespmem:$0x2070];
	_ =	sdelay $0x4  }
0x27: {  	[tilespmem:s17+$0x60] =	vst v40  }
0x28: {  	v40 =	vld [tilespmem:$0x2080];
	_ =	sdelay $0x4  }
0x29: {  	[tilespmem:s17+$0x70] =	vst v40  }
0x2a: {  	v40 =	vld [tilespmem:$0x2090];
	_ =	sdelay $0x4  }
0x2b: {  	[tilespmem:s17+$0x80] =	vst v40  }
0x2c: {  	v40 =	vld [tilespmem:$0x20A0];
	_ =	sdelay $0x4  }
0x2d: {  	[tilespmem:s17+$0x90] =	vst v40  }
0x2e: {  	v40 =	vld [tilespmem:$0x20B0];
	_ =	sdelay $0x4  }
0x2f: {  	[tilespmem:s17+$0xA0] =	vst v40  }
0x30: {  	v40 =	vld [tilespmem:$0x20C0];
	_ =	sdelay $0x4  }
0x31: {  	[tilespmem:s17+$0xB0] =	vst v40  }
0x32: {  	v40 =	vld [tilespmem:$0x20D0];
	_ =	sdelay $0x4  }
0x33: {  	[tilespmem:s17+$0xC0] =	vst v40  }
0x34: {  	v40 =	vld [tilespmem:$0x20E0];
	_ =	sdelay $0x4  }
0x35: {  	[tilespmem:s17+$0xD0] =	vst v40  }
0x36: {  	v40 =	vld [tilespmem:$0x20F0];
	_ =	sdelay $0x4  }
0x37: {  	[tilespmem:s17+$0xE0] =	vst v40  }
0x38: {  	v40 =	vld [tilespmem:$0x2100];
	_ =	sdelay $0x4  }
0x39: {  	[tilespmem:s17+$0xF0] =	vst v40  }
0x3a: {  	v40 =	vld [tilespmem:$0x2110];
	_ =	sdelay $0x4  }
0x3b: {  	[tilespmem:s17+$0x100] =	vst v40  }
0x3c: {  	v40 =	vld [tilespmem:$0x2120];
	_ =	sdelay $0x4  }
0x3d: {  	[tilespmem:s17+$0x110] =	vst v40  }
0x3e: {  	v40 =	vld [tilespmem:$0x2130];
	_ =	sdelay $0x4  }
0x3f: {  	[tilespmem:s17+$0x120] =	vst v40  }
0x40: {  	v40 =	vld [tilespmem:$0x2140];
	_ =	sdelay $0x4  }
0x41: {  	[tilespmem:s17+$0x130] =	vst v40  }
0x42: {  	v40 =	vld [tilespmem:$0x2150];
	_ =	sdelay $0x4  }
0x43: {  	[tilespmem:s17+$0x140] =	vst v40  }
0x44: {  	v40 =	vld [tilespmem:$0x2160];
	_ =	sdelay $0x4  }
0x45: {  	[tilespmem:s17+$0x150] =	vst v40  }
0x46: {  	v40 =	vld [tilespmem:$0x2170];
	_ =	sdelay $0x4  }
0x47: {  	[tilespmem:s17+$0x160] =	vst v40  }
0x48: {  	v40 =	vld [tilespmem:$0x2180];
	_ =	sdelay $0x4  }
0x49: {  	[tilespmem:s17+$0x170] =	vst v40  }
0x4a: {  	v40 =	vld [tilespmem:$0x2190];
	_ =	sdelay $0x4  }
0x4b: {  	[tilespmem:s17+$0x180] =	vst v40  }
0x4c: {  	v40 =	vld [tilespmem:$0x21A0];
	_ =	sdelay $0x4  }
0x4d: {  	[tilespmem:s17+$0x190] =	vst v40  }
0x4e: {  	v40 =	vld [tilespmem:$0x21B0];
	_ =	sdelay $0x4  }
0x4f: {  	[tilespmem:s17+$0x1A0] =	vst v40  }
0x50: {  	v40 =	vld [tilespmem:$0x21C0];
	_ =	sdelay $0x4  }
0x51: {  	[tilespmem:s17+$0x1B0] =	vst v40  }
0x52: {  	v40 =	vld [tilespmem:$0x21D0];
	_ =	sdelay $0x4  }
0x53: {  	[tilespmem:s17+$0x1C0] =	vst v40  }
0x54: {  	v40 =	vld [tilespmem:$0x21E0];
	_ =	sdelay $0x4  }
0x55: {  	[tilespmem:s17+$0x1D0] =	vst v40  }
0x56: {  	v40 =	vld [tilespmem:$0x21F0];
	_ =	sdelay $0x4  }
0x57: {  	[tilespmem:s17+$0x1E0] =	vst v40  }
0x58: {  	v40 =	vld [tilespmem:$0x2200];
	_ =	sdelay $0x4  }
0x59: {  	[tilespmem:s17+$0x1F0] =	vst v40  }
0x5a: {  	s7 =	simm.s32 $0x402;
	s0 =	simm.s32 $0x201;
	s6 =	simm.s32 $0x0;
	v40 =	vld [tilespmem:$0x2010]  }
.LBB2_2:
0x5b: {  	p0 =	sne.s32 s7, $0x1E0F;
	_ =	sdelay $0x2  }
0x5c: {  	s6 =	sadd.s32 $0x201, s6  }
0x5d: {  	[tilespmem:s6+$0x0] =	vst v40  }
0x5e: {  	v40 =	vld [tilespmem:$0x2020];
	_ =	sdelay $0x3  }
0x5f: {  	s14 =	sand.u32 $0x1FFF, s0;
	s0 =	smov.u32 s7  }
0x60: {  	[tilespmem:s14+$0x10] =	vst v40  }
0x61: {  	v40 =	vld [tilespmem:$0x2030];
	_ =	sdelay $0x4  }
0x62: {  	[tilespmem:s14+$0x20] =	vst v40  }
0x63: {  	v40 =	vld [tilespmem:$0x2040];
	_ =	sdelay $0x4  }
0x64: {  	[tilespmem:s14+$0x30] =	vst v40  }
0x65: {  	v40 =	vld [tilespmem:$0x2050];
	_ =	sdelay $0x4  }
0x66: {  	[tilespmem:s14+$0x40] =	vst v40  }
0x67: {  	v40 =	vld [tilespmem:$0x2060];
	_ =	sdelay $0x4  }
0x68: {  	[tilespmem:s14+$0x50] =	vst v40  }
0x69: {  	v40 =	vld [tilespmem:$0x2070];
	_ =	sdelay $0x4  }
0x6a: {  	[tilespmem:s14+$0x60] =	vst v40  }
0x6b: {  	v40 =	vld [tilespmem:$0x2080];
	_ =	sdelay $0x4  }
0x6c: {  	[tilespmem:s14+$0x70] =	vst v40  }
0x6d: {  	v40 =	vld [tilespmem:$0x2090];
	_ =	sdelay $0x4  }
0x6e: {  	[tilespmem:s14+$0x80] =	vst v40  }
0x6f: {  	v40 =	vld [tilespmem:$0x20A0];
	_ =	sdelay $0x4  }
0x70: {  	[tilespmem:s14+$0x90] =	vst v40  }
0x71: {  	v40 =	vld [tilespmem:$0x20B0];
	_ =	sdelay $0x4  }
0x72: {  	[tilespmem:s14+$0xA0] =	vst v40  }
0x73: {  	v40 =	vld [tilespmem:$0x20C0];
	_ =	sdelay $0x4  }
0x74: {  	[tilespmem:s14+$0xB0] =	vst v40  }
0x75: {  	v40 =	vld [tilespmem:$0x20D0];
	_ =	sdelay $0x4  }
0x76: {  	[tilespmem:s14+$0xC0] =	vst v40  }
0x77: {  	v40 =	vld [tilespmem:$0x20E0];
	_ =	sdelay $0x4  }
0x78: {  	[tilespmem:s14+$0xD0] =	vst v40  }
0x79: {  	v40 =	vld [tilespmem:$0x20F0];
	_ =	sdelay $0x4  }
0x7a: {  	[tilespmem:s14+$0xE0] =	vst v40  }
0x7b: {  	v40 =	vld [tilespmem:$0x2100];
	_ =	sdelay $0x4  }
0x7c: {  	[tilespmem:s14+$0xF0] =	vst v40  }
0x7d: {  	v40 =	vld [tilespmem:$0x2110];
	_ =	sdelay $0x4  }
0x7e: {  	[tilespmem:s14+$0x100] =	vst v40  }
0x7f: {  	v40 =	vld [tilespmem:$0x2120];
	_ =	sdelay $0x4  }
0x80: {  	[tilespmem:s14+$0x110] =	vst v40  }
0x81: {  	v40 =	vld [tilespmem:$0x2130];
	_ =	sdelay $0x4  }
0x82: {  	[tilespmem:s14+$0x120] =	vst v40  }
0x83: {  	v40 =	vld [tilespmem:$0x2140];
	_ =	sdelay $0x4  }
0x84: {  	[tilespmem:s14+$0x130] =	vst v40  }
0x85: {  	v40 =	vld [tilespmem:$0x2150];
	_ =	sdelay $0x4  }
0x86: {  	[tilespmem:s14+$0x140] =	vst v40  }
0x87: {  	v40 =	vld [tilespmem:$0x2160];
	_ =	sdelay $0x4  }
0x88: {  	[tilespmem:s14+$0x150] =	vst v40  }
0x89: {  	v40 =	vld [tilespmem:$0x2170];
	_ =	sdelay $0x4  }
0x8a: {  	[tilespmem:s14+$0x160] =	vst v40  }
0x8b: {  	v40 =	vld [tilespmem:$0x2180];
	_ =	sdelay $0x4  }
0x8c: {  	[tilespmem:s14+$0x170] =	vst v40  }
0x8d: {  	v40 =	vld [tilespmem:$0x2190];
	_ =	sdelay $0x4  }
0x8e: {  	[tilespmem:s14+$0x180] =	vst v40  }
0x8f: {  	v40 =	vld [tilespmem:$0x21A0];
	_ =	sdelay $0x4  }
0x90: {  	[tilespmem:s14+$0x190] =	vst v40  }
0x91: {  	v40 =	vld [tilespmem:$0x21B0];
	_ =	sdelay $0x4  }
0x92: {  	[tilespmem:s14+$0x1A0] =	vst v40  }
0x93: {  	v40 =	vld [tilespmem:$0x21C0];
	_ =	sdelay $0x4  }
0x94: {  	[tilespmem:s14+$0x1B0] =	vst v40  }
0x95: {  	v40 =	vld [tilespmem:$0x21D0];
	_ =	sdelay $0x4  }
0x96: {  	[tilespmem:s14+$0x1C0] =	vst v40  }
0x97: {  	v40 =	vld [tilespmem:$0x21E0];
	_ =	sdelay $0x4  }
0x98: {  	[tilespmem:s14+$0x1D0] =	vst v40  }
0x99: {  	v40 =	vld [tilespmem:$0x21F0];
	_ =	sdelay $0x4  }
0x9a: {  	[tilespmem:s14+$0x1E0] =	vst v40  }
0x9b: {  	v40 =	vld [tilespmem:$0x2200];
	_ =	sdelay $0x1  }
.Ltmp0:
0x9c: {  	(pc) =	sbr.rel @p0 .LBB2_2-.Ltmp0, $3  }
0x9d: {  	_ =	sdelay $0x1  }
0x9e: {  	[tilespmem:s14+$0x1F0] =	vst v40  }
0x9f: {  	s7 =	sadd.s32 $0x201, s7;
	v40 =	vld [tilespmem:$0x2010]  }
0xa0: {  	_ =	sdelay $0x2  }
0xa1: {  	s6 =	sadd.s32 $0x201, s6  }
0xa2: {  	[tilespmem:s6+$0x0] =	vst v40  }
0xa3: {  	v40 =	vld [tilespmem:$0x2020];
	_ =	sdelay $0x3  }
0xa4: {  	s0 =	sand.u32 $0x1FFF, s0  }
0xa5: {  	[tilespmem:s0+$0x10] =	vst v40  }
0xa6: {  	v40 =	vld [tilespmem:$0x2030];
	_ =	sdelay $0x4  }
0xa7: {  	[tilespmem:s0+$0x20] =	vst v40  }
0xa8: {  	v40 =	vld [tilespmem:$0x2040];
	_ =	sdelay $0x4  }
0xa9: {  	[tilespmem:s0+$0x30] =	vst v40  }
0xaa: {  	v40 =	vld [tilespmem:$0x2050];
	_ =	sdelay $0x4  }
0xab: {  	[tilespmem:s0+$0x40] =	vst v40  }
0xac: {  	v40 =	vld [tilespmem:$0x2060];
	_ =	sdelay $0x4  }
0xad: {  	[tilespmem:s0+$0x50] =	vst v40  }
0xae: {  	v40 =	vld [tilespmem:$0x2070];
	_ =	sdelay $0x4  }
0xaf: {  	[tilespmem:s0+$0x60] =	vst v40  }
0xb0: {  	v40 =	vld [tilespmem:$0x2080];
	_ =	sdelay $0x4  }
0xb1: {  	[tilespmem:s0+$0x70] =	vst v40  }
0xb2: {  	v40 =	vld [tilespmem:$0x2090];
	_ =	sdelay $0x4  }
0xb3: {  	[tilespmem:s0+$0x80] =	vst v40  }
0xb4: {  	v40 =	vld [tilespmem:$0x20A0];
	_ =	sdelay $0x4  }
0xb5: {  	[tilespmem:s0+$0x90] =	vst v40  }
0xb6: {  	v40 =	vld [tilespmem:$0x20B0];
	_ =	sdelay $0x4  }
0xb7: {  	[tilespmem:s0+$0xA0] =	vst v40  }
0xb8: {  	v40 =	vld [tilespmem:$0x20C0];
	_ =	sdelay $0x4  }
0xb9: {  	[tilespmem:s0+$0xB0] =	vst v40  }
0xba: {  	v40 =	vld [tilespmem:$0x20D0];
	_ =	sdelay $0x4  }
0xbb: {  	[tilespmem:s0+$0xC0] =	vst v40  }
0xbc: {  	v40 =	vld [tilespmem:$0x20E0];
	_ =	sdelay $0x4  }
0xbd: {  	[tilespmem:s0+$0xD0] =	vst v40  }
0xbe: {  	v40 =	vld [tilespmem:$0x20F0];
	_ =	sdelay $0x4  }
0xbf: {  	[tilespmem:s0+$0xE0] =	vst v40  }
0xc0: {  	v40 =	vld [tilespmem:$0x2100];
	_ =	sdelay $0x4  }
0xc1: {  	[tilespmem:s0+$0xF0] =	vst v40  }
0xc2: {  	v40 =	vld [tilespmem:$0x2110];
	_ =	sdelay $0x4  }
0xc3: {  	[tilespmem:s0+$0x100] =	vst v40  }
0xc4: {  	v40 =	vld [tilespmem:$0x2120];
	_ =	sdelay $0x4  }
0xc5: {  	[tilespmem:s0+$0x110] =	vst v40  }
0xc6: {  	v40 =	vld [tilespmem:$0x2130];
	_ =	sdelay $0x4  }
0xc7: {  	[tilespmem:s0+$0x120] =	vst v40  }
0xc8: {  	v40 =	vld [tilespmem:$0x2140];
	_ =	sdelay $0x4  }
0xc9: {  	[tilespmem:s0+$0x130] =	vst v40  }
0xca: {  	v40 =	vld [tilespmem:$0x2150];
	_ =	sdelay $0x4  }
0xcb: {  	[tilespmem:s0+$0x140] =	vst v40  }
0xcc: {  	v40 =	vld [tilespmem:$0x2160];
	_ =	sdelay $0x4  }
0xcd: {  	[tilespmem:s0+$0x150] =	vst v40  }
0xce: {  	v40 =	vld [tilespmem:$0x2170];
	_ =	sdelay $0x4  }
0xcf: {  	[tilespmem:s0+$0x160] =	vst v40  }
0xd0: {  	v40 =	vld [tilespmem:$0x2180];
	_ =	sdelay $0x4  }
0xd1: {  	[tilespmem:s0+$0x170] =	vst v40  }
0xd2: {  	v40 =	vld [tilespmem:$0x2190];
	_ =	sdelay $0x4  }
0xd3: {  	[tilespmem:s0+$0x180] =	vst v40  }
0xd4: {  	v40 =	vld [tilespmem:$0x21A0];
	_ =	sdelay $0x4  }
0xd5: {  	[tilespmem:s0+$0x190] =	vst v40  }
0xd6: {  	v40 =	vld [tilespmem:$0x21B0];
	_ =	sdelay $0x4  }
0xd7: {  	[tilespmem:s0+$0x1A0] =	vst v40  }
0xd8: {  	v40 =	vld [tilespmem:$0x21C0];
	_ =	sdelay $0x4  }
0xd9: {  	[tilespmem:s0+$0x1B0] =	vst v40  }
0xda: {  	v40 =	vld [tilespmem:$0x21D0];
	_ =	sdelay $0x4  }
0xdb: {  	[tilespmem:s0+$0x1C0] =	vst v40  }
0xdc: {  	v40 =	vld [tilespmem:$0x21E0];
	_ =	sdelay $0x4  }
0xdd: {  	[tilespmem:s0+$0x1D0] =	vst v40  }
0xde: {  	v40 =	vld [tilespmem:$0x21F0];
	_ =	sdelay $0x4  }
0xdf: {  	[tilespmem:s0+$0x1E0] =	vst v40  }
0xe0: {  	v40 =	vld [tilespmem:$0x2200];
	_ =	sdelay $0x4  }
0xe1: {  	s17 =	rddreg [dreg:$0x4];
	s7 =	simm.s32 $0x2210;
	[tilespmem:s0+$0x1F0] =	vst v40;
	s0 =	simm.s32 $0x0  }
0xe2: {  	[tilespmem:s7], [sflag:$0x3] =	stream.linear.gather [hbm4b:s17+s0], $0x100, $0x38;
	[tilespmem:$0x12410] =	vst v63  }
.LBB2_4:
0xe3: {  	s6 =	sshll.u32 s0, $0x9  }
0xe4: {  	_ =	swait.ge [sflag:s18], $0x100;
	s6 =	sadd.s32 s5, s6  }
0xe5: {  	[sflag:s18] =	ssyncset.done $0x0;
	s6 =	sshrl.u32 s6, $0x3  }
0xe6: {  	p0 =	seq.s32 s0, $0x0;
	[sflag:s18] =	ssyncadd.s32 $0xFFFFFF00;
	s6 =	sadd.s32 s6, s8  }
0xe7: {  	[tilespmem:s19], [sflag:$0x4] =	stream.linear.gather [hbm4b:s6+s4], $0x100, $0x38;
	[tilespmem:$0x12410] =	vst v63  }
0xe8: {  	s6 =	simm.s32 @!p0 $0x1  }
0xe9: {  	_ =	swait.ge @!p0 [sflag:s6], $0x2000  }
0xea: {  	[sflag:s6] =	ssyncset.done @!p0 $0x0  }
0xeb: {  	[sflag:s6] =	ssyncadd.s32 @!p0 $0xFFFFE000  }
0xec: {  	_ =	swait.ge @!p0 [sflag:s6], $0x2000  }
0xed: {  	[sflag:s6] =	ssyncset.done @!p0 $0x0  }
0xee: {  	[sflag:s6] =	ssyncadd.s32 @!p0 $0xFFFFE000  }
0xef: {  	_ =	swait.ge @!p0 [sflag:s6], $0x2000  }
0xf0: {  	[sflag:s6] =	ssyncset.done @!p0 $0x0  }
0xf1: {  	[sflag:s6] =	ssyncadd.s32 @!p0 $0xFFFFE000  }
0xf2: {  	_ =	swait.ge @!p0 [sflag:s6], $0x2000  }
0xf3: {  	s15 =	sshllo.u32 s0, $0x1;
	[sflag:s6] =	ssyncset.done @!p0 $0x0  }
0xf4: {  	s17 =	simm.s32 $0x0;
	[sflag:s6] =	ssyncadd.s32 @!p0 $0xFFFFE000;
	s6 =	simm.s32 $0x0  }
.LBB2_5:
0xf5: {  	s7 =	sshra.s32 s6, $0x2  }
0xf6: {  	v40 =	vld [tilespmem:s7+$0x2210];
	_ =	sdelay $0x4  }
0xf7: {  	v41 =	vshll.u32 v40, $0x5  }
0xf8: {  	v41 =	vand.u32 $0x1FE0, v41  }
0xf9: {  	v42 =	vadd.s32 v0, v41  }
0xfa: {  	v42 =	vand.u32 $0x3FE8, v42  }
0xfb: {  	v42 =	vor.u32 v1, v42;
	_ =	sdelay $0x3  }
0xfc: {  	v43 =	vadd.s32 v2, v41  }
0xfd: {  	v43 =	vand.u32 $0x3FF8, v43;
	v42 =	vld.idx.msk [tilespmem:v42+s4+$0x0], $0xffff  }
0xfe: {  	v43 =	vor.u32 v3, v43;
	_ =	sdelay $0x1  }
0xff: {  	s14 =	sand.u32 $0x40, s6;
	s7 =	sand.u32 $0x1C00, s17  }
0x100: {  	s7 =	sor.u32 s14, s7  }
0x101: {  	v53 =	vadd.s32 v4, v41;
	[tilespmem:s7+$0x2410] =	vst v42  }
0x102: {  	v42 =	vand.u32 $0x3FF8, v53;
	v43 =	vld.idx.msk [tilespmem:v43+s4+$0x0], $0xffff  }
0x103: {  	v42 =	vor.u32 v5, v42;
	_ =	sdelay $0x3  }
0x104: {  	v54 =	vadd.s32 v6, v41;
	[tilespmem:s7+$0x2490] =	vst v43  }
0x105: {  	v43 =	vand.u32 $0x3FF8, v54;
	v42 =	vld.idx.msk [tilespmem:v42+s4+$0x0], $0xffff  }
0x106: {  	v43 =	vor.u32 v7, v43;
	_ =	sdelay $0x3  }
0x107: {  	v55 =	vadd.s32 v8, v41;
	[tilespmem:s7+$0x2510] =	vst v42  }
0x108: {  	v42 =	vand.u32 $0x3FF8, v55;
	v43 =	vld.idx.msk [tilespmem:v43+s4+$0x0], $0xffff  }
0x109: {  	v42 =	vor.u32 v9, v42;
	_ =	sdelay $0x3  }
0x10a: {  	v56 =	vadd.s32 v10, v41;
	[tilespmem:s7+$0x2590] =	vst v43  }
0x10b: {  	v43 =	vand.u32 $0x3FF8, v56;
	v42 =	vld.idx.msk [tilespmem:v42+s4+$0x0], $0xffff  }
0x10c: {  	v43 =	vor.u32 v11, v43;
	_ =	sdelay $0x3  }
0x10d: {  	v57 =	vadd.s32 v12, v41;
	[tilespmem:s7+$0x2610] =	vst v42  }
0x10e: {  	v42 =	vand.u32 $0x3FF8, v57;
	v43 =	vld.idx.msk [tilespmem:v43+s4+$0x0], $0xffff  }
0x10f: {  	v42 =	vor.u32 v13, v42;
	_ =	sdelay $0x3  }
0x110: {  	v58 =	vadd.s32 v14, v41;
	[tilespmem:s7+$0x2690] =	vst v43  }
0x111: {  	v43 =	vand.u32 $0x3FF8, v58;
	v42 =	vld.idx.msk [tilespmem:v42+s4+$0x0], $0xffff  }
0x112: {  	v43 =	vor.u32 v15, v43;
	_ =	sdelay $0x3  }
0x113: {  	v59 =	vadd.s32 v16, v41;
	[tilespmem:s7+$0x2710] =	vst v42  }
0x114: {  	v42 =	vand.u32 $0x3FF8, v59;
	v43 =	vld.idx.msk [tilespmem:v43+s4+$0x0], $0xffff  }
0x115: {  	v42 =	vor.u32 v1, v42;
	_ =	sdelay $0x3  }
0x116: {  	v60 =	vadd.s32 v17, v41;
	[tilespmem:s7+$0x2790] =	vst v43  }
0x117: {  	v43 =	vand.u32 $0x3FF8, v60;
	v42 =	vld.idx.msk [tilespmem:v42+s4+$0x0], $0xffff  }
0x118: {  	v43 =	vor.u32 v3, v43;
	_ =	sdelay $0x3  }
0x119: {  	v61 =	vadd.s32 v18, v41;
	[tilespmem:s7+$0x4410] =	vst v42  }
0x11a: {  	v42 =	vand.u32 $0x3FF8, v61;
	v43 =	vld.idx.msk [tilespmem:v43+s4+$0x0], $0xffff  }
0x11b: {  	v42 =	vor.u32 v5, v42;
	_ =	sdelay $0x3  }
0x11c: {  	v62 =	vadd.s32 v19, v41;
	[tilespmem:s7+$0x4490] =	vst v43  }
0x11d: {  	v43 =	vand.u32 $0x3FF8, v62;
	v42 =	vld.idx.msk [tilespmem:v42+s4+$0x0], $0xffff  }
0x11e: {  	v43 =	vor.u32 v7, v43;
	_ =	sdelay $0x3  }
0x11f: {  	v63 =	vadd.s32 v20, v41;
	[tilespmem:s7+$0x4510] =	vst v42  }
0x120: {  	v42 =	vand.u32 $0x3FF8, v63;
	v43 =	vld.idx.msk [tilespmem:v43+s4+$0x0], $0xffff  }
0x121: {  	v42 =	vor.u32 v9, v42;
	_ =	sdelay $0x3  }
0x122: {  	v45 =	vadd.s32 v21, v41;
	[tilespmem:s7+$0x4590] =	vst v43  }
0x123: {  	v43 =	vand.u32 $0x3FF8, v45;
	v42 =	vld.idx.msk [tilespmem:v42+s4+$0x0], $0xffff  }
0x124: {  	v43 =	vor.u32 v11, v43;
	_ =	sdelay $0x3  }
0x125: {  	v46 =	vadd.s32 v22, v41;
	[tilespmem:s7+$0x4610] =	vst v42  }
0x126: {  	v42 =	vand.u32 $0x3FF8, v46;
	v43 =	vld.idx.msk [tilespmem:v43+s4+$0x0], $0xffff  }
0x127: {  	v42 =	vor.u32 v13, v42;
	_ =	sdelay $0x3  }
0x128: {  	v47 =	vadd.s32 v23, v41;
	[tilespmem:s7+$0x4690] =	vst v43  }
0x129: {  	v43 =	vand.u32 $0x3FF8, v47;
	v42 =	vld.idx.msk [tilespmem:v42+s4+$0x0], $0xffff  }
0x12a: {  	v43 =	vor.u32 v15, v43;
	_ =	sdelay $0x3  }
0x12b: {  	v48 =	vadd.s32 v24, v41;
	[tilespmem:s7+$0x4710] =	vst v42  }
0x12c: {  	v42 =	vand.u32 $0x3FF8, v48;
	v43 =	vld.idx.msk [tilespmem:v43+s4+$0x0], $0xffff  }
0x12d: {  	v42 =	vor.u32 v1, v42;
	_ =	sdelay $0x3  }
0x12e: {  	v49 =	vadd.s32 v25, v41;
	[tilespmem:s7+$0x4790] =	vst v43  }
0x12f: {  	v43 =	vand.u32 $0x3FF8, v49;
	v42 =	vld.idx.msk [tilespmem:v42+s4+$0x0], $0xffff  }
0x130: {  	v43 =	vor.u32 v3, v43;
	_ =	sdelay $0x3  }
0x131: {  	v50 =	vadd.s32 v26, v41;
	[tilespmem:s7+$0x6410] =	vst v42  }
0x132: {  	v42 =	vand.u32 $0x3FF8, v50;
	v43 =	vld.idx.msk [tilespmem:v43+s4+$0x0], $0xffff  }
0x133: {  	v42 =	vor.u32 v5, v42;
	_ =	sdelay $0x3  }
0x134: {  	v51 =	vadd.s32 v27, v41;
	[tilespmem:s7+$0x6490] =	vst v43  }
0x135: {  	v43 =	vand.u32 $0x3FF8, v51;
	v42 =	vld.idx.msk [tilespmem:v42+s4+$0x0], $0xffff  }
0x136: {  	v43 =	vor.u32 v7, v43;
	_ =	sdelay $0x3  }
0x137: {  	v52 =	vadd.s32 v28, v41;
	[tilespmem:s7+$0x6510] =	vst v42  }
0x138: {  	v42 =	vand.u32 $0x3FF8, v52;
	v43 =	vld.idx.msk [tilespmem:v43+s4+$0x0], $0xffff  }
0x139: {  	v42 =	vor.u32 v9, v42;
	_ =	sdelay $0x3  }
0x13a: {  	v53 =	vadd.s32 v29, v41;
	[tilespmem:s7+$0x6590] =	vst v43  }
0x13b: {  	v43 =	vand.u32 $0x3FF8, v53;
	v42 =	vld.idx.msk [tilespmem:v42+s4+$0x0], $0xffff  }
0x13c: {  	v43 =	vor.u32 v11, v43;
	_ =	sdelay $0x3  }
0x13d: {  	v54 =	vadd.s32 v30, v41;
	[tilespmem:s7+$0x6610] =	vst v42  }
0x13e: {  	v42 =	vand.u32 $0x3FF8, v54;
	v43 =	vld.idx.msk [tilespmem:v43+s4+$0x0], $0xffff  }
0x13f: {  	v42 =	vor.u32 v13, v42;
	_ =	sdelay $0x3  }
0x140: {  	v55 =	vadd.s32 v31, v41;
	[tilespmem:s7+$0x6690] =	vst v43  }
0x141: {  	v43 =	vand.u32 $0x3FF8, v55;
	v42 =	vld.idx.msk [tilespmem:v42+s4+$0x0], $0xffff  }
0x142: {  	v43 =	vor.u32 v15, v43;
	_ =	sdelay $0x3  }
0x143: {  	v56 =	vadd.s32 v32, v41;
	[tilespmem:s7+$0x6710] =	vst v42  }
0x144: {  	v42 =	vand.u32 $0x3FF8, v56;
	v43 =	vld.idx.msk [tilespmem:v43+s4+$0x0], $0xffff  }
0x145: {  	v42 =	vor.u32 v1, v42;
	_ =	sdelay $0x3  }
0x146: {  	v57 =	vadd.s32 v33, v41;
	[tilespmem:s7+$0x6790] =	vst v43  }
0x147: {  	v43 =	vand.u32 $0x3FF8, v57;
	v42 =	vld.idx.msk [tilespmem:v42+s4+$0x0], $0xffff  }
0x148: {  	v43 =	vor.u32 v3, v43;
	_ =	sdelay $0x3  }
0x149: {  	v58 =	vadd.s32 v34, v41;
	[tilespmem:s7+$0x8410] =	vst v42  }
0x14a: {  	v42 =	vand.u32 $0x3FF8, v58;
	v43 =	vld.idx.msk [tilespmem:v43+s4+$0x0], $0xffff  }
0x14b: {  	v42 =	vor.u32 v5, v42;
	_ =	sdelay $0x3  }
0x14c: {  	v59 =	vadd.s32 v35, v41;
	[tilespmem:s7+$0x8490] =	vst v43  }
0x14d: {  	v43 =	vand.u32 $0x3FF8, v59;
	v42 =	vld.idx.msk [tilespmem:v42+s4+$0x0], $0xffff  }
0x14e: {  	v43 =	vor.u32 v7, v43;
	_ =	sdelay $0x3  }
0x14f: {  	v60 =	vadd.s32 v36, v41;
	[tilespmem:s7+$0x8510] =	vst v42  }
0x150: {  	v42 =	vand.u32 $0x3FF8, v60;
	v43 =	vld.idx.msk [tilespmem:v43+s4+$0x0], $0xffff  }
0x151: {  	v42 =	vor.u32 v9, v42;
	_ =	sdelay $0x3  }
0x152: {  	v61 =	vadd.s32 v37, v41;
	[tilespmem:s7+$0x8590] =	vst v43  }
0x153: {  	v43 =	vand.u32 $0x3FF8, v61;
	v42 =	vld.idx.msk [tilespmem:v42+s4+$0x0], $0xffff  }
0x154: {  	v43 =	vor.u32 v11, v43;
	_ =	sdelay $0x3  }
0x155: {  	v62 =	vadd.s32 v38, v41;
	[tilespmem:s7+$0x8610] =	vst v42  }
0x156: {  	v42 =	vand.u32 $0x3FF8, v62;
	v43 =	vld.idx.msk [tilespmem:v43+s4+$0x0], $0xffff  }
0x157: {  	v42 =	vor.u32 v13, v42;
	_ =	sdelay $0x3  }
0x158: {  	v41 =	vadd.s32 v39, v41;
	[tilespmem:s7+$0x8690] =	vst v43  }
0x159: {  	v41 =	vand.u32 $0x3FF8, v41;
	v42 =	vld.idx.msk [tilespmem:v42+s4+$0x0], $0xffff  }
0x15a: {  	v63 =	vor.u32 v15, v41;
	_ =	sdelay $0x1  }
0x15b: {  	v44 =	vshrl.u32 v40, $0x3  }
0x15c: {  	v41 =	vand.u32 $0x1FE0, v44  }
0x15d: {  	v45 =	vadd.s32 v0, v41;
	[tilespmem:s7+$0x8710] =	vst v42  }
0x15e: {  	v42 =	vand.u32 $0x3FE8, v45;
	v43 =	vld.idx.msk [tilespmem:v63+s4+$0x0], $0xffff  }
0x15f: {  	v42 =	vor.u32 v1, v42;
	_ =	sdelay $0x3  }
0x160: {  	v46 =	vadd.s32 v2, v41;
	[tilespmem:s7+$0x8790] =	vst v43  }
0x161: {  	v43 =	vand.u32 $0x3FF8, v46;
	v42 =	vld.idx.msk [tilespmem:v42+s4+$0x0], $0xffff  }
0x162: {  	v43 =	vor.u32 v3, v43;
	_ =	sdelay $0x3  }
0x163: {  	v47 =	vadd.s32 v4, v41;
	[tilespmem:s7+$0x2420] =	vst v42  }
0x164: {  	v42 =	vand.u32 $0x3FF8, v47;
	v43 =	vld.idx.msk [tilespmem:v43+s4+$0x0], $0xffff  }
0x165: {  	v42 =	vor.u32 v5, v42;
	_ =	sdelay $0x3  }
0x166: {  	v48 =	vadd.s32 v6, v41;
	[tilespmem:s7+$0x24A0] =	vst v43  }
0x167: {  	v43 =	vand.u32 $0x3FF8, v48;
	v42 =	vld.idx.msk [tilespmem:v42+s4+$0x0], $0xffff  }
0x168: {  	v43 =	vor.u32 v7, v43;
	_ =	sdelay $0x3  }
0x169: {  	v49 =	vadd.s32 v8, v41;
	[tilespmem:s7+$0x2520] =	vst v42  }
0x16a: {  	v42 =	vand.u32 $0x3FF8, v49;
	v43 =	vld.idx.msk [tilespmem:v43+s4+$0x0], $0xffff  }
0x16b: {  	v42 =	vor.u32 v9, v42;
	_ =	sdelay $0x3  }
0x16c: {  	v50 =	vadd.s32 v10, v41;
	[tilespmem:s7+$0x25A0] =	vst v43  }
0x16d: {  	v43 =	vand.u32 $0x3FF8, v50;
	v42 =	vld.idx.msk [tilespmem:v42+s4+$0x0], $0xffff  }
0x16e: {  	v43 =	vor.u32 v11, v43;
	_ =	sdelay $0x3  }
0x16f: {  	v51 =	vadd.s32 v12, v41;
	[tilespmem:s7+$0x2620] =	vst v42  }
0x170: {  	v42 =	vand.u32 $0x3FF8, v51;
	v43 =	vld.idx.msk [tilespmem:v43+s4+$0x0], $0xffff  }
0x171: {  	v42 =	vor.u32 v13, v42;
	_ =	sdelay $0x3  }
0x172: {  	v52 =	vadd.s32 v14, v41;
	[tilespmem:s7+$0x26A0] =	vst v43  }
0x173: {  	v43 =	vand.u32 $0x3FF8, v52;
	v42 =	vld.idx.msk [tilespmem:v42+s4+$0x0], $0xffff  }
0x174: {  	v43 =	vor.u32 v15, v43;
	_ =	sdelay $0x3  }
0x175: {  	v53 =	vadd.s32 v16, v41;
	[tilespmem:s7+$0x2720] =	vst v42  }
0x176: {  	v42 =	vand.u32 $0x3FF8, v53;
	v43 =	vld.idx.msk [tilespmem:v43+s4+$0x0], $0xffff  }
0x177: {  	v42 =	vor.u32 v1, v42;
	_ =	sdelay $0x3  }
0x178: {  	v54 =	vadd.s32 v17, v41;
	[tilespmem:s7+$0x27A0] =	vst v43  }
0x179: {  	v43 =	vand.u32 $0x3FF8, v54;
	v42 =	vld.idx.msk [tilespmem:v42+s4+$0x0], $0xffff  }
0x17a: {  	v43 =	vor.u32 v3, v43;
	_ =	sdelay $0x3  }
0x17b: {  	v55 =	vadd.s32 v18, v41;
	[tilespmem:s7+$0x4420] =	vst v42  }
0x17c: {  	v42 =	vand.u32 $0x3FF8, v55;
	v43 =	vld.idx.msk [tilespmem:v43+s4+$0x0], $0xffff  }
0x17d: {  	v42 =	vor.u32 v5, v42;
	_ =	sdelay $0x3  }
0x17e: {  	v56 =	vadd.s32 v19, v41;
	[tilespmem:s7+$0x44A0] =	vst v43  }
0x17f: {  	v43 =	vand.u32 $0x3FF8, v56;
	v42 =	vld.idx.msk [tilespmem:v42+s4+$0x0], $0xffff  }
0x180: {  	v43 =	vor.u32 v7, v43;
	_ =	sdelay $0x3  }
0x181: {  	v57 =	vadd.s32 v20, v41;
	[tilespmem:s7+$0x4520] =	vst v42  }
0x182: {  	v42 =	vand.u32 $0x3FF8, v57;
	v43 =	vld.idx.msk [tilespmem:v43+s4+$0x0], $0xffff  }
0x183: {  	v42 =	vor.u32 v9, v42;
	_ =	sdelay $0x3  }
0x184: {  	v58 =	vadd.s32 v21, v41;
	[tilespmem:s7+$0x45A0] =	vst v43  }
0x185: {  	v43 =	vand.u32 $0x3FF8, v58;
	v42 =	vld.idx.msk [tilespmem:v42+s4+$0x0], $0xffff  }
0x186: {  	v43 =	vor.u32 v11, v43;
	_ =	sdelay $0x3  }
0x187: {  	v59 =	vadd.s32 v22, v41;
	[tilespmem:s7+$0x4620] =	vst v42  }
0x188: {  	v42 =	vand.u32 $0x3FF8, v59;
	v43 =	vld.idx.msk [tilespmem:v43+s4+$0x0], $0xffff  }
0x189: {  	v42 =	vor.u32 v13, v42;
	_ =	sdelay $0x3  }
0x18a: {  	v60 =	vadd.s32 v23, v41;
	[tilespmem:s7+$0x46A0] =	vst v43  }
0x18b: {  	v43 =	vand.u32 $0x3FF8, v60;
	v42 =	vld.idx.msk [tilespmem:v42+s4+$0x0], $0xffff  }
0x18c: {  	v43 =	vor.u32 v15, v43;
	_ =	sdelay $0x3  }
0x18d: {  	v61 =	vadd.s32 v24, v41;
	[tilespmem:s7+$0x4720] =	vst v42  }
0x18e: {  	v42 =	vand.u32 $0x3FF8, v61;
	v43 =	vld.idx.msk [tilespmem:v43+s4+$0x0], $0xffff  }
0x18f: {  	v42 =	vor.u32 v1, v42;
	_ =	sdelay $0x3  }
0x190: {  	v62 =	vadd.s32 v25, v41;
	[tilespmem:s7+$0x47A0] =	vst v43  }
0x191: {  	v43 =	vand.u32 $0x3FF8, v62;
	v42 =	vld.idx.msk [tilespmem:v42+s4+$0x0], $0xffff  }
0x192: {  	v43 =	vor.u32 v3, v43;
	_ =	sdelay $0x3  }
0x193: {  	v63 =	vadd.s32 v26, v41;
	[tilespmem:s7+$0x6420] =	vst v42  }
0x194: {  	v42 =	vand.u32 $0x3FF8, v63;
	v43 =	vld.idx.msk [tilespmem:v43+s4+$0x0], $0xffff  }
0x195: {  	v42 =	vor.u32 v5, v42;
	_ =	sdelay $0x3  }
0x196: {  	v45 =	vadd.s32 v27, v41;
	[tilespmem:s7+$0x64A0] =	vst v43  }
0x197: {  	v43 =	vand.u32 $0x3FF8, v45;
	v42 =	vld.idx.msk [tilespmem:v42+s4+$0x0], $0xffff  }
0x198: {  	v43 =	vor.u32 v7, v43;
	_ =	sdelay $0x3  }
0x199: {  	v46 =	vadd.s32 v28, v41;
	[tilespmem:s7+$0x6520] =	vst v42  }
0x19a: {  	v42 =	vand.u32 $0x3FF8, v46;
	v43 =	vld.idx.msk [tilespmem:v43+s4+$0x0], $0xffff  }
0x19b: {  	v42 =	vor.u32 v9, v42;
	_ =	sdelay $0x3  }
0x19c: {  	v47 =	vadd.s32 v29, v41;
	[tilespmem:s7+$0x65A0] =	vst v43  }
0x19d: {  	v43 =	vand.u32 $0x3FF8, v47;
	v42 =	vld.idx.msk [tilespmem:v42+s4+$0x0], $0xffff  }
0x19e: {  	v43 =	vor.u32 v11, v43;
	_ =	sdelay $0x3  }
0x19f: {  	v48 =	vadd.s32 v30, v41;
	[tilespmem:s7+$0x6620] =	vst v42  }
0x1a0: {  	v42 =	vand.u32 $0x3FF8, v48;
	v43 =	vld.idx.msk [tilespmem:v43+s4+$0x0], $0xffff  }
0x1a1: {  	v42 =	vor.u32 v13, v42;
	_ =	sdelay $0x3  }
0x1a2: {  	v49 =	vadd.s32 v31, v41;
	[tilespmem:s7+$0x66A0] =	vst v43  }
0x1a3: {  	v43 =	vand.u32 $0x3FF8, v49;
	v42 =	vld.idx.msk [tilespmem:v42+s4+$0x0], $0xffff  }
0x1a4: {  	v43 =	vor.u32 v15, v43;
	_ =	sdelay $0x3  }
0x1a5: {  	v50 =	vadd.s32 v32, v41;
	[tilespmem:s7+$0x6720] =	vst v42  }
0x1a6: {  	v42 =	vand.u32 $0x3FF8, v50;
	v43 =	vld.idx.msk [tilespmem:v43+s4+$0x0], $0xffff  }
0x1a7: {  	v42 =	vor.u32 v1, v42;
	_ =	sdelay $0x3  }
0x1a8: {  	v51 =	vadd.s32 v33, v41;
	[tilespmem:s7+$0x67A0] =	vst v43  }
0x1a9: {  	v43 =	vand.u32 $0x3FF8, v51;
	v42 =	vld.idx.msk [tilespmem:v42+s4+$0x0], $0xffff  }
0x1aa: {  	v43 =	vor.u32 v3, v43;
	_ =	sdelay $0x3  }
0x1ab: {  	v52 =	vadd.s32 v34, v41;
	[tilespmem:s7+$0x8420] =	vst v42  }
0x1ac: {  	v42 =	vand.u32 $0x3FF8, v52;
	v43 =	vld.idx.msk [tilespmem:v43+s4+$0x0], $0xffff  }
0x1ad: {  	v42 =	vor.u32 v5, v42;
	_ =	sdelay $0x3  }
0x1ae: {  	v53 =	vadd.s32 v35, v41;
	[tilespmem:s7+$0x84A0] =	vst v43  }
0x1af: {  	v43 =	vand.u32 $0x3FF8, v53;
	v42 =	vld.idx.msk [tilespmem:v42+s4+$0x0], $0xffff  }
0x1b0: {  	v43 =	vor.u32 v7, v43;
	_ =	sdelay $0x3  }
0x1b1: {  	v54 =	vadd.s32 v36, v41;
	[tilespmem:s7+$0x8520] =	vst v42  }
0x1b2: {  	v42 =	vand.u32 $0x3FF8, v54;
	v43 =	vld.idx.msk [tilespmem:v43+s4+$0x0], $0xffff  }
0x1b3: {  	v42 =	vor.u32 v9, v42;
	_ =	sdelay $0x3  }
0x1b4: {  	v55 =	vadd.s32 v37, v41;
	[tilespmem:s7+$0x85A0] =	vst v43  }
0x1b5: {  	v43 =	vand.u32 $0x3FF8, v55;
	v42 =	vld.idx.msk [tilespmem:v42+s4+$0x0], $0xffff  }
0x1b6: {  	v43 =	vor.u32 v11, v43;
	_ =	sdelay $0x3  }
0x1b7: {  	v56 =	vadd.s32 v38, v41;
	[tilespmem:s7+$0x8620] =	vst v42  }
0x1b8: {  	v42 =	vand.u32 $0x3FF8, v56;
	v43 =	vld.idx.msk [tilespmem:v43+s4+$0x0], $0xffff  }
0x1b9: {  	v42 =	vor.u32 v13, v42;
	_ =	sdelay $0x3  }
0x1ba: {  	v41 =	vadd.s32 v39, v41;
	[tilespmem:s7+$0x86A0] =	vst v43  }
0x1bb: {  	v41 =	vand.u32 $0x3FF8, v41;
	v42 =	vld.idx.msk [tilespmem:v42+s4+$0x0], $0xffff  }
0x1bc: {  	v57 =	vor.u32 v15, v41;
	_ =	sdelay $0x1  }
0x1bd: {  	v58 =	vshrl.u32 v40, $0xB  }
0x1be: {  	v41 =	vand.u32 $0x1FE0, v58  }
0x1bf: {  	v59 =	vadd.s32 v0, v41;
	[tilespmem:s7+$0x8720] =	vst v42  }
0x1c0: {  	v42 =	vand.u32 $0x3FE8, v59;
	v43 =	vld.idx.msk [tilespmem:v57+s4+$0x0], $0xffff  }
0x1c1: {  	v42 =	vor.u32 v1, v42;
	_ =	sdelay $0x3  }
0x1c2: {  	v60 =	vadd.s32 v2, v41;
	[tilespmem:s7+$0x87A0] =	vst v43  }
0x1c3: {  	v43 =	vand.u32 $0x3FF8, v60;
	v42 =	vld.idx.msk [tilespmem:v42+s4+$0x0], $0xffff  }
0x1c4: {  	v43 =	vor.u32 v3, v43;
	_ =	sdelay $0x3  }
0x1c5: {  	v61 =	vadd.s32 v4, v41;
	[tilespmem:s7+$0x2430] =	vst v42  }
0x1c6: {  	v42 =	vand.u32 $0x3FF8, v61;
	v43 =	vld.idx.msk [tilespmem:v43+s4+$0x0], $0xffff  }
0x1c7: {  	v42 =	vor.u32 v5, v42;
	_ =	sdelay $0x3  }
0x1c8: {  	v62 =	vadd.s32 v6, v41;
	[tilespmem:s7+$0x24B0] =	vst v43  }
0x1c9: {  	v43 =	vand.u32 $0x3FF8, v62;
	v42 =	vld.idx.msk [tilespmem:v42+s4+$0x0], $0xffff  }
0x1ca: {  	v43 =	vor.u32 v7, v43;
	_ =	sdelay $0x3  }
0x1cb: {  	v63 =	vadd.s32 v8, v41;
	[tilespmem:s7+$0x2530] =	vst v42  }
0x1cc: {  	v42 =	vand.u32 $0x3FF8, v63;
	v43 =	vld.idx.msk [tilespmem:v43+s4+$0x0], $0xffff  }
0x1cd: {  	v42 =	vor.u32 v9, v42;
	_ =	sdelay $0x3  }
0x1ce: {  	v45 =	vadd.s32 v10, v41;
	[tilespmem:s7+$0x25B0] =	vst v43  }
0x1cf: {  	v43 =	vand.u32 $0x3FF8, v45;
	v42 =	vld.idx.msk [tilespmem:v42+s4+$0x0], $0xffff  }
0x1d0: {  	v43 =	vor.u32 v11, v43;
	_ =	sdelay $0x3  }
0x1d1: {  	v46 =	vadd.s32 v12, v41;
	[tilespmem:s7+$0x2630] =	vst v42  }
0x1d2: {  	v42 =	vand.u32 $0x3FF8, v46;
	v43 =	vld.idx.msk [tilespmem:v43+s4+$0x0], $0xffff  }
0x1d3: {  	v42 =	vor.u32 v13, v42;
	_ =	sdelay $0x3  }
0x1d4: {  	v47 =	vadd.s32 v14, v41;
	[tilespmem:s7+$0x26B0] =	vst v43  }
0x1d5: {  	v43 =	vand.u32 $0x3FF8, v47;
	v42 =	vld.idx.msk [tilespmem:v42+s4+$0x0], $0xffff  }
0x1d6: {  	v43 =	vor.u32 v15, v43;
	_ =	sdelay $0x3  }
0x1d7: {  	v48 =	vadd.s32 v16, v41;
	[tilespmem:s7+$0x2730] =	vst v42  }
0x1d8: {  	v42 =	vand.u32 $0x3FF8, v48;
	v43 =	vld.idx.msk [tilespmem:v43+s4+$0x0], $0xffff  }
0x1d9: {  	v42 =	vor.u32 v1, v42;
	_ =	sdelay $0x3  }
0x1da: {  	v49 =	vadd.s32 v17, v41;
	[tilespmem:s7+$0x27B0] =	vst v43  }
0x1db: {  	v43 =	vand.u32 $0x3FF8, v49;
	v42 =	vld.idx.msk [tilespmem:v42+s4+$0x0], $0xffff  }
0x1dc: {  	v43 =	vor.u32 v3, v43;
	_ =	sdelay $0x3  }
0x1dd: {  	v50 =	vadd.s32 v18, v41;
	[tilespmem:s7+$0x4430] =	vst v42  }
0x1de: {  	v42 =	vand.u32 $0x3FF8, v50;
	v43 =	vld.idx.msk [tilespmem:v43+s4+$0x0], $0xffff  }
0x1df: {  	v42 =	vor.u32 v5, v42;
	_ =	sdelay $0x3  }
0x1e0: {  	v51 =	vadd.s32 v19, v41;
	[tilespmem:s7+$0x44B0] =	vst v43  }
0x1e1: {  	v43 =	vand.u32 $0x3FF8, v51;
	v42 =	vld.idx.msk [tilespmem:v42+s4+$0x0], $0xffff  }
0x1e2: {  	v43 =	vor.u32 v7, v43;
	_ =	sdelay $0x3  }
0x1e3: {  	v52 =	vadd.s32 v20, v41;
	[tilespmem:s7+$0x4530] =	vst v42  }
0x1e4: {  	v42 =	vand.u32 $0x3FF8, v52;
	v43 =	vld.idx.msk [tilespmem:v43+s4+$0x0], $0xffff  }
0x1e5: {  	v42 =	vor.u32 v9, v42;
	_ =	sdelay $0x3  }
0x1e6: {  	v53 =	vadd.s32 v21, v41;
	[tilespmem:s7+$0x45B0] =	vst v43  }
0x1e7: {  	v43 =	vand.u32 $0x3FF8, v53;
	v42 =	vld.idx.msk [tilespmem:v42+s4+$0x0], $0xffff  }
0x1e8: {  	v43 =	vor.u32 v11, v43;
	_ =	sdelay $0x3  }
0x1e9: {  	v54 =	vadd.s32 v22, v41;
	[tilespmem:s7+$0x4630] =	vst v42  }
0x1ea: {  	v42 =	vand.u32 $0x3FF8, v54;
	v43 =	vld.idx.msk [tilespmem:v43+s4+$0x0], $0xffff  }
0x1eb: {  	v42 =	vor.u32 v13, v42;
	_ =	sdelay $0x3  }
0x1ec: {  	v55 =	vadd.s32 v23, v41;
	[tilespmem:s7+$0x46B0] =	vst v43  }
0x1ed: {  	v43 =	vand.u32 $0x3FF8, v55;
	v42 =	vld.idx.msk [tilespmem:v42+s4+$0x0], $0xffff  }
0x1ee: {  	v43 =	vor.u32 v15, v43;
	_ =	sdelay $0x3  }
0x1ef: {  	v56 =	vadd.s32 v24, v41;
	[tilespmem:s7+$0x4730] =	vst v42  }
0x1f0: {  	v42 =	vand.u32 $0x3FF8, v56;
	v43 =	vld.idx.msk [tilespmem:v43+s4+$0x0], $0xffff  }
0x1f1: {  	v42 =	vor.u32 v1, v42;
	_ =	sdelay $0x3  }
0x1f2: {  	v57 =	vadd.s32 v25, v41;
	[tilespmem:s7+$0x47B0] =	vst v43  }
0x1f3: {  	v43 =	vand.u32 $0x3FF8, v57;
	v42 =	vld.idx.msk [tilespmem:v42+s4+$0x0], $0xffff  }
0x1f4: {  	v43 =	vor.u32 v3, v43;
	_ =	sdelay $0x3  }
0x1f5: {  	v58 =	vadd.s32 v26, v41;
	[tilespmem:s7+$0x6430] =	vst v42  }
0x1f6: {  	v42 =	vand.u32 $0x3FF8, v58;
	v43 =	vld.idx.msk [tilespmem:v43+s4+$0x0], $0xffff  }
0x1f7: {  	v42 =	vor.u32 v5, v42;
	_ =	sdelay $0x3  }
0x1f8: {  	v59 =	vadd.s32 v27, v41;
	[tilespmem:s7+$0x64B0] =	vst v43  }
0x1f9: {  	v43 =	vand.u32 $0x3FF8, v59;
	v42 =	vld.idx.msk [tilespmem:v42+s4+$0x0], $0xffff  }
0x1fa: {  	v43 =	vor.u32 v7, v43;
	_ =	sdelay $0x3  }
0x1fb: {  	v60 =	vadd.s32 v28, v41;
	[tilespmem:s7+$0x6530] =	vst v42  }
0x1fc: {  	v42 =	vand.u32 $0x3FF8, v60;
	v43 =	vld.idx.msk [tilespmem:v43+s4+$0x0], $0xffff  }
0x1fd: {  	v42 =	vor.u32 v9, v42;
	_ =	sdelay $0x3  }
0x1fe: {  	v61 =	vadd.s32 v29, v41;
	[tilespmem:s7+$0x65B0] =	vst v43  }
0x1ff: {  	v43 =	vand.u32 $0x3FF8, v61;
	v42 =	vld.idx.msk [tilespmem:v42+s4+$0x0], $0xffff  }
0x200: {  	v43 =	vor.u32 v11, v43;
	_ =	sdelay $0x3  }
0x201: {  	v62 =	vadd.s32 v30, v41;
	[tilespmem:s7+$0x6630] =	vst v42  }
0x202: {  	v42 =	vand.u32 $0x3FF8, v62;
	v43 =	vld.idx.msk [tilespmem:v43+s4+$0x0], $0xffff  }
0x203: {  	v42 =	vor.u32 v13, v42;
	_ =	sdelay $0x3  }
0x204: {  	v63 =	vadd.s32 v31, v41;
	[tilespmem:s7+$0x66B0] =	vst v43  }
0x205: {  	v43 =	vand.u32 $0x3FF8, v63;
	v42 =	vld.idx.msk [tilespmem:v42+s4+$0x0], $0xffff  }
0x206: {  	v43 =	vor.u32 v15, v43;
	_ =	sdelay $0x3  }
0x207: {  	v45 =	vadd.s32 v32, v41;
	[tilespmem:s7+$0x6730] =	vst v42  }
0x208: {  	v42 =	vand.u32 $0x3FF8, v45;
	v43 =	vld.idx.msk [tilespmem:v43+s4+$0x0], $0xffff  }
0x209: {  	v42 =	vor.u32 v1, v42;
	_ =	sdelay $0x3  }
0x20a: {  	v46 =	vadd.s32 v33, v41;
	[tilespmem:s7+$0x67B0] =	vst v43  }
0x20b: {  	v43 =	vand.u32 $0x3FF8, v46;
	v42 =	vld.idx.msk [tilespmem:v42+s4+$0x0], $0xffff  }
0x20c: {  	v43 =	vor.u32 v3, v43;
	_ =	sdelay $0x3  }
0x20d: {  	v47 =	vadd.s32 v34, v41;
	[tilespmem:s7+$0x8430] =	vst v42  }
0x20e: {  	v42 =	vand.u32 $0x3FF8, v47;
	v43 =	vld.idx.msk [tilespmem:v43+s4+$0x0], $0xffff  }
0x20f: {  	v42 =	vor.u32 v5, v42;
	_ =	sdelay $0x3  }
0x210: {  	v48 =	vadd.s32 v35, v41;
	[tilespmem:s7+$0x84B0] =	vst v43  }
0x211: {  	v43 =	vand.u32 $0x3FF8, v48;
	v42 =	vld.idx.msk [tilespmem:v42+s4+$0x0], $0xffff  }
0x212: {  	v43 =	vor.u32 v7, v43;
	_ =	sdelay $0x3  }
0x213: {  	v49 =	vadd.s32 v36, v41;
	[tilespmem:s7+$0x8530] =	vst v42  }
0x214: {  	v42 =	vand.u32 $0x3FF8, v49;
	v43 =	vld.idx.msk [tilespmem:v43+s4+$0x0], $0xffff  }
0x215: {  	v42 =	vor.u32 v9, v42;
	_ =	sdelay $0x3  }
0x216: {  	v50 =	vadd.s32 v37, v41;
	[tilespmem:s7+$0x85B0] =	vst v43  }
0x217: {  	v43 =	vand.u32 $0x3FF8, v50;
	v42 =	vld.idx.msk [tilespmem:v42+s4+$0x0], $0xffff  }
0x218: {  	v43 =	vor.u32 v11, v43;
	_ =	sdelay $0x3  }
0x219: {  	v51 =	vadd.s32 v38, v41;
	[tilespmem:s7+$0x8630] =	vst v42  }
0x21a: {  	v42 =	vand.u32 $0x3FF8, v51;
	v43 =	vld.idx.msk [tilespmem:v43+s4+$0x0], $0xffff  }
0x21b: {  	v42 =	vor.u32 v13, v42;
	_ =	sdelay $0x3  }
0x21c: {  	v41 =	vadd.s32 v39, v41;
	[tilespmem:s7+$0x86B0] =	vst v43  }
0x21d: {  	v41 =	vand.u32 $0x3FF8, v41;
	v42 =	vld.idx.msk [tilespmem:v42+s4+$0x0], $0xffff  }
0x21e: {  	v41 =	vor.u32 v15, v41;
	_ =	sdelay $0x1  }
0x21f: {  	v40 =	vshrl.u32 v40, $0x13  }
0x220: {  	v40 =	vand.u32 $0x1FE0, v40  }
0x221: {  	v52 =	vadd.s32 v0, v40;
	[tilespmem:s7+$0x8730] =	vst v42  }
0x222: {  	v42 =	vand.u32 $0x3FE8, v52;
	v41 =	vld.idx.msk [tilespmem:v41+s4+$0x0], $0xffff  }
0x223: {  	v42 =	vor.u32 v1, v42;
	_ =	sdelay $0x3  }
0x224: {  	v53 =	vadd.s32 v2, v40;
	[tilespmem:s7+$0x87B0] =	vst v41  }
0x225: {  	v41 =	vand.u32 $0x3FF8, v53;
	v42 =	vld.idx.msk [tilespmem:v42+s4+$0x0], $0xffff  }
0x226: {  	v41 =	vor.u32 v3, v41;
	_ =	sdelay $0x3  }
0x227: {  	v54 =	vadd.s32 v4, v40;
	[tilespmem:s7+$0x2440] =	vst v42  }
0x228: {  	v42 =	vand.u32 $0x3FF8, v54;
	v41 =	vld.idx.msk [tilespmem:v41+s4+$0x0], $0xffff  }
0x229: {  	v42 =	vor.u32 v5, v42;
	_ =	sdelay $0x3  }
0x22a: {  	v55 =	vadd.s32 v6, v40;
	[tilespmem:s7+$0x24C0] =	vst v41  }
0x22b: {  	v41 =	vand.u32 $0x3FF8, v55;
	v42 =	vld.idx.msk [tilespmem:v42+s4+$0x0], $0xffff  }
0x22c: {  	v41 =	vor.u32 v7, v41;
	_ =	sdelay $0x3  }
0x22d: {  	v56 =	vadd.s32 v8, v40;
	[tilespmem:s7+$0x2540] =	vst v42  }
0x22e: {  	v42 =	vand.u32 $0x3FF8, v56;
	v41 =	vld.idx.msk [tilespmem:v41+s4+$0x0], $0xffff  }
0x22f: {  	v42 =	vor.u32 v9, v42;
	_ =	sdelay $0x3  }
0x230: {  	v57 =	vadd.s32 v10, v40;
	[tilespmem:s7+$0x25C0] =	vst v41  }
0x231: {  	v41 =	vand.u32 $0x3FF8, v57;
	v42 =	vld.idx.msk [tilespmem:v42+s4+$0x0], $0xffff  }
0x232: {  	v41 =	vor.u32 v11, v41;
	_ =	sdelay $0x3  }
0x233: {  	v58 =	vadd.s32 v12, v40;
	[tilespmem:s7+$0x2640] =	vst v42  }
0x234: {  	v42 =	vand.u32 $0x3FF8, v58;
	v41 =	vld.idx.msk [tilespmem:v41+s4+$0x0], $0xffff  }
0x235: {  	v42 =	vor.u32 v13, v42;
	_ =	sdelay $0x3  }
0x236: {  	v59 =	vadd.s32 v14, v40;
	[tilespmem:s7+$0x26C0] =	vst v41  }
0x237: {  	v41 =	vand.u32 $0x3FF8, v59;
	v42 =	vld.idx.msk [tilespmem:v42+s4+$0x0], $0xffff  }
0x238: {  	v41 =	vor.u32 v15, v41;
	_ =	sdelay $0x3  }
0x239: {  	v60 =	vadd.s32 v16, v40;
	[tilespmem:s7+$0x2740] =	vst v42  }
0x23a: {  	v42 =	vand.u32 $0x3FF8, v60;
	v41 =	vld.idx.msk [tilespmem:v41+s4+$0x0], $0xffff  }
0x23b: {  	v42 =	vor.u32 v1, v42;
	_ =	sdelay $0x3  }
0x23c: {  	v61 =	vadd.s32 v17, v40;
	[tilespmem:s7+$0x27C0] =	vst v41  }
0x23d: {  	v41 =	vand.u32 $0x3FF8, v61;
	v42 =	vld.idx.msk [tilespmem:v42+s4+$0x0], $0xffff  }
0x23e: {  	v41 =	vor.u32 v3, v41;
	_ =	sdelay $0x3  }
0x23f: {  	v62 =	vadd.s32 v18, v40;
	[tilespmem:s7+$0x4440] =	vst v42  }
0x240: {  	v42 =	vand.u32 $0x3FF8, v62;
	v41 =	vld.idx.msk [tilespmem:v41+s4+$0x0], $0xffff  }
0x241: {  	v42 =	vor.u32 v5, v42;
	_ =	sdelay $0x3  }
0x242: {  	v63 =	vadd.s32 v19, v40;
	[tilespmem:s7+$0x44C0] =	vst v41  }
0x243: {  	v41 =	vand.u32 $0x3FF8, v63;
	v42 =	vld.idx.msk [tilespmem:v42+s4+$0x0], $0xffff  }
0x244: {  	v41 =	vor.u32 v7, v41;
	_ =	sdelay $0x3  }
0x245: {  	v45 =	vadd.s32 v20, v40;
	[tilespmem:s7+$0x4540] =	vst v42  }
0x246: {  	v42 =	vand.u32 $0x3FF8, v45;
	v41 =	vld.idx.msk [tilespmem:v41+s4+$0x0], $0xffff  }
0x247: {  	v42 =	vor.u32 v9, v42;
	_ =	sdelay $0x3  }
0x248: {  	v46 =	vadd.s32 v21, v40;
	[tilespmem:s7+$0x45C0] =	vst v41  }
0x249: {  	v41 =	vand.u32 $0x3FF8, v46;
	v42 =	vld.idx.msk [tilespmem:v42+s4+$0x0], $0xffff  }
0x24a: {  	v41 =	vor.u32 v11, v41;
	_ =	sdelay $0x3  }
0x24b: {  	v47 =	vadd.s32 v22, v40;
	[tilespmem:s7+$0x4640] =	vst v42  }
0x24c: {  	v42 =	vand.u32 $0x3FF8, v47;
	v41 =	vld.idx.msk [tilespmem:v41+s4+$0x0], $0xffff  }
0x24d: {  	v42 =	vor.u32 v13, v42;
	_ =	sdelay $0x3  }
0x24e: {  	v48 =	vadd.s32 v23, v40;
	[tilespmem:s7+$0x46C0] =	vst v41  }
0x24f: {  	v41 =	vand.u32 $0x3FF8, v48;
	v42 =	vld.idx.msk [tilespmem:v42+s4+$0x0], $0xffff  }
0x250: {  	v41 =	vor.u32 v15, v41;
	_ =	sdelay $0x3  }
0x251: {  	v49 =	vadd.s32 v24, v40;
	[tilespmem:s7+$0x4740] =	vst v42  }
0x252: {  	v42 =	vand.u32 $0x3FF8, v49;
	v41 =	vld.idx.msk [tilespmem:v41+s4+$0x0], $0xffff  }
0x253: {  	v42 =	vor.u32 v1, v42;
	_ =	sdelay $0x3  }
0x254: {  	v50 =	vadd.s32 v25, v40;
	[tilespmem:s7+$0x47C0] =	vst v41  }
0x255: {  	v41 =	vand.u32 $0x3FF8, v50;
	v42 =	vld.idx.msk [tilespmem:v42+s4+$0x0], $0xffff  }
0x256: {  	v41 =	vor.u32 v3, v41;
	_ =	sdelay $0x3  }
0x257: {  	v51 =	vadd.s32 v26, v40;
	[tilespmem:s7+$0x6440] =	vst v42  }
0x258: {  	v42 =	vand.u32 $0x3FF8, v51;
	v41 =	vld.idx.msk [tilespmem:v41+s4+$0x0], $0xffff  }
0x259: {  	v42 =	vor.u32 v5, v42;
	_ =	sdelay $0x3  }
0x25a: {  	v52 =	vadd.s32 v27, v40;
	[tilespmem:s7+$0x64C0] =	vst v41  }
0x25b: {  	v41 =	vand.u32 $0x3FF8, v52;
	v42 =	vld.idx.msk [tilespmem:v42+s4+$0x0], $0xffff  }
0x25c: {  	v41 =	vor.u32 v7, v41;
	_ =	sdelay $0x3  }
0x25d: {  	v53 =	vadd.s32 v28, v40;
	[tilespmem:s7+$0x6540] =	vst v42  }
0x25e: {  	v42 =	vand.u32 $0x3FF8, v53;
	v41 =	vld.idx.msk [tilespmem:v41+s4+$0x0], $0xffff  }
0x25f: {  	v42 =	vor.u32 v9, v42;
	_ =	sdelay $0x3  }
0x260: {  	v54 =	vadd.s32 v29, v40;
	[tilespmem:s7+$0x65C0] =	vst v41  }
0x261: {  	v41 =	vand.u32 $0x3FF8, v54;
	v42 =	vld.idx.msk [tilespmem:v42+s4+$0x0], $0xffff  }
0x262: {  	v41 =	vor.u32 v11, v41;
	_ =	sdelay $0x3  }
0x263: {  	v55 =	vadd.s32 v30, v40;
	[tilespmem:s7+$0x6640] =	vst v42  }
0x264: {  	v42 =	vand.u32 $0x3FF8, v55;
	v41 =	vld.idx.msk [tilespmem:v41+s4+$0x0], $0xffff  }
0x265: {  	v42 =	vor.u32 v13, v42;
	_ =	sdelay $0x3  }
0x266: {  	v56 =	vadd.s32 v31, v40;
	[tilespmem:s7+$0x66C0] =	vst v41  }
0x267: {  	v41 =	vand.u32 $0x3FF8, v56;
	v42 =	vld.idx.msk [tilespmem:v42+s4+$0x0], $0xffff  }
0x268: {  	v41 =	vor.u32 v15, v41;
	_ =	sdelay $0x3  }
0x269: {  	v57 =	vadd.s32 v32, v40;
	[tilespmem:s7+$0x6740] =	vst v42  }
0x26a: {  	v42 =	vand.u32 $0x3FF8, v57;
	v41 =	vld.idx.msk [tilespmem:v41+s4+$0x0], $0xffff  }
0x26b: {  	v42 =	vor.u32 v1, v42;
	_ =	sdelay $0x3  }
0x26c: {  	v58 =	vadd.s32 v33, v40;
	[tilespmem:s7+$0x67C0] =	vst v41  }
0x26d: {  	v41 =	vand.u32 $0x3FF8, v58;
	v42 =	vld.idx.msk [tilespmem:v42+s4+$0x0], $0xffff  }
0x26e: {  	v41 =	vor.u32 v3, v41;
	_ =	sdelay $0x3  }
0x26f: {  	v59 =	vadd.s32 v34, v40;
	[tilespmem:s7+$0x8440] =	vst v42  }
0x270: {  	v42 =	vand.u32 $0x3FF8, v59;
	v41 =	vld.idx.msk [tilespmem:v41+s4+$0x0], $0xffff  }
0x271: {  	v42 =	vor.u32 v5, v42;
	_ =	sdelay $0x3  }
0x272: {  	v60 =	vadd.s32 v35, v40;
	[tilespmem:s7+$0x84C0] =	vst v41  }
0x273: {  	v41 =	vand.u32 $0x3FF8, v60;
	v42 =	vld.idx.msk [tilespmem:v42+s4+$0x0], $0xffff  }
0x274: {  	v41 =	vor.u32 v7, v41;
	_ =	sdelay $0x3  }
0x275: {  	v61 =	vadd.s32 v36, v40;
	[tilespmem:s7+$0x8540] =	vst v42  }
0x276: {  	v42 =	vand.u32 $0x3FF8, v61;
	v41 =	vld.idx.msk [tilespmem:v41+s4+$0x0], $0xffff  }
0x277: {  	v42 =	vor.u32 v9, v42;
	_ =	sdelay $0x3  }
0x278: {  	v62 =	vadd.s32 v37, v40;
	[tilespmem:s7+$0x85C0] =	vst v41  }
0x279: {  	v41 =	vand.u32 $0x3FF8, v62;
	v42 =	vld.idx.msk [tilespmem:v42+s4+$0x0], $0xffff  }
0x27a: {  	v41 =	vor.u32 v11, v41;
	_ =	sdelay $0x3  }
0x27b: {  	v63 =	vadd.s32 v38, v40;
	[tilespmem:s7+$0x8640] =	vst v42  }
0x27c: {  	v42 =	vand.u32 $0x3FF8, v63;
	v41 =	vld.idx.msk [tilespmem:v41+s4+$0x0], $0xffff  }
0x27d: {  	v42 =	vor.u32 v13, v42;
	_ =	sdelay $0x3  }
0x27e: {  	v40 =	vadd.s32 v39, v40;
	[tilespmem:s7+$0x86C0] =	vst v41  }
0x27f: {  	v40 =	vand.u32 $0x3FF8, v40;
	v41 =	vld.idx.msk [tilespmem:v42+s4+$0x0], $0xffff  }
0x280: {  	v40 =	vor.u32 v15, v40;
	_ =	sdelay $0x3  }
0x281: {  	[tilespmem:s7+$0x8740] =	vst v41  }
0x282: {  	p0 =	sne.s32 s6, $0x3C0;
	v40 =	vld.idx.msk [tilespmem:v40+s4+$0x0], $0xffff  }
.Ltmp1:
0x283: {  	_ = 	snop;
	(pc) =	sbr.rel @p0 .LBB2_5-.Ltmp1, $2  }
0x284: {  	_ =	sdelay $0x2  }
0x285: {  	s6 =	sadd.s32 $0x40, s6;
	s17 =	sadd.s32 $0x200, s17;
	[tilespmem:s7+$0x87C0] =	vst v40  }
0x286: {  	s6 =	sshll.u32 s0, $0xB  }
0x287: {  	s6 =	sadd.s32 s9, s6  }
0x288: {  	s7 =	sadd.s32 s3, s6  }
0x289: {  	[hbm4b:s7+s4] =	stream.linear.scatter [tilespmem:s20], [sflag:$0x1], $0x2000, $0x38;
	[tilespmem:$0x12410] =	vst v63  }
0x28a: {  	s14 =	sadd.s32 s6, s10  }
0x28b: {  	[hbm4b:s14+s4] =	stream.linear.scatter [tilespmem:s21], [sflag:$0x1], $0x2000, $0x38;
	[tilespmem:$0x12410] =	vst v63  }
0x28c: {  	s17 =	sadd.s32 s6, s11  }
0x28d: {  	[hbm4b:s17+s4] =	stream.linear.scatter [tilespmem:s22], [sflag:$0x1], $0x2000, $0x38;
	[tilespmem:$0x12410] =	vst v63  }
0x28e: {  	p0 =	seq.s32 s0, $0x31;
	s6 =	sadd.s32 s6, s12  }
0x28f: {  	[hbm4b:s6+s4] =	stream.linear.scatter [tilespmem:s23], [sflag:$0x1], $0x2000, $0x38;
	[tilespmem:$0x12410] =	vst v63  }
0x290: {  	s6 =	sshll.u32 @!p0 s15, $0x8  }
0x291: {  	p1 =	seq.s32 @!p0 s0, $0x0;
	_ =	swait.ge [sflag:s24], $0x100;
	s6 =	sadd.s32 @!p0 s6, s13  }
0x292: {  	s7 =	simm.s32 @!p0 $0x0;
	[sflag:s24] =	ssyncset.done $0x0;
	s6 =	sshrl.u32 @!p0 s6, $0x3  }
0x293: {  	s14 =	simm.s32 @!p0 $0x2210;
	[sflag:s24] =	ssyncadd.s32 $0xFFFFFF00;
	s6 =	sadd.s32 @!p0 s1, s6  }
0x294: {  	[tilespmem:s14], [sflag:$0x3] =	stream.linear.gather @!p0 [hbm4b:s6+s7], $0x100, $0x38;
	[tilespmem:$0x12410] =	vst v63  }
0x295: {  	p0 =	por p0, !p1  }
0x296: {  	_ =	swait.ge @p0 [sflag:s31], $0x2000  }
0x297: {  	[sflag:s31] =	ssyncset.done @p0 $0x0  }
0x298: {  	[sflag:s31] =	ssyncadd.s32 @p0 $0xFFFFE000  }
0x299: {  	_ =	swait.ge @p0 [sflag:s31], $0x2000  }
0x29a: {  	[sflag:s31] =	ssyncset.done @p0 $0x0  }
0x29b: {  	[sflag:s31] =	ssyncadd.s32 @p0 $0xFFFFE000  }
0x29c: {  	_ =	swait.ge @p0 [sflag:s31], $0x2000  }
0x29d: {  	[sflag:s31] =	ssyncset.done @p0 $0x0  }
0x29e: {  	[sflag:s31] =	ssyncadd.s32 @p0 $0xFFFFE000  }
0x29f: {  	_ =	swait.ge @p0 [sflag:s31], $0x2000  }
0x2a0: {  	[sflag:s31] =	ssyncset.done @p0 $0x0  }
0x2a1: {  	s17 =	simm.s32 $0x0;
	s6 =	simm.s32 $0x0;
	[sflag:s31] =	ssyncadd.s32 @p0 $0xFFFFE000  }
.LBB2_7:
0x2a2: {  	s7 =	sshra.s32 s6, $0x2  }
0x2a3: {  	v40 =	vld [tilespmem:s7+$0x2310];
	_ =	sdelay $0x4  }
0x2a4: {  	v41 =	vshll.u32 v40, $0x5  }
0x2a5: {  	v41 =	vand.u32 $0x1FE0, v41  }
0x2a6: {  	v42 =	vadd.s32 v0, v41  }
0x2a7: {  	v42 =	vand.u32 $0x3FE8, v42  }
0x2a8: {  	v42 =	vor.u32 v1, v42;
	_ =	sdelay $0x3  }
0x2a9: {  	v43 =	vadd.s32 v2, v41  }
0x2aa: {  	v43 =	vand.u32 $0x3FF8, v43;
	v42 =	vld.idx.msk [tilespmem:v42+s4+$0x0], $0xffff  }
0x2ab: {  	v43 =	vor.u32 v3, v43;
	_ =	sdelay $0x1  }
0x2ac: {  	s14 =	sand.u32 $0x40, s6;
	s7 =	sand.u32 $0x1C00, s17  }
0x2ad: {  	s7 =	sor.u32 s14, s7  }
0x2ae: {  	v53 =	vadd.s32 v4, v41;
	[tilespmem:s7+$0xA410] =	vst v42  }
0x2af: {  	v42 =	vand.u32 $0x3FF8, v53;
	v43 =	vld.idx.msk [tilespmem:v43+s4+$0x0], $0xffff  }
0x2b0: {  	v42 =	vor.u32 v5, v42;
	_ =	sdelay $0x3  }
0x2b1: {  	v54 =	vadd.s32 v6, v41;
	[tilespmem:s7+$0xA490] =	vst v43  }
0x2b2: {  	v43 =	vand.u32 $0x3FF8, v54;
	v42 =	vld.idx.msk [tilespmem:v42+s4+$0x0], $0xffff  }
0x2b3: {  	v43 =	vor.u32 v7, v43;
	_ =	sdelay $0x3  }
0x2b4: {  	v55 =	vadd.s32 v8, v41;
	[tilespmem:s7+$0xA510] =	vst v42  }
0x2b5: {  	v42 =	vand.u32 $0x3FF8, v55;
	v43 =	vld.idx.msk [tilespmem:v43+s4+$0x0], $0xffff  }
0x2b6: {  	v42 =	vor.u32 v9, v42;
	_ =	sdelay $0x3  }
0x2b7: {  	v56 =	vadd.s32 v10, v41;
	[tilespmem:s7+$0xA590] =	vst v43  }
0x2b8: {  	v43 =	vand.u32 $0x3FF8, v56;
	v42 =	vld.idx.msk [tilespmem:v42+s4+$0x0], $0xffff  }
0x2b9: {  	v43 =	vor.u32 v11, v43;
	_ =	sdelay $0x3  }
0x2ba: {  	v57 =	vadd.s32 v12, v41;
	[tilespmem:s7+$0xA610] =	vst v42  }
0x2bb: {  	v42 =	vand.u32 $0x3FF8, v57;
	v43 =	vld.idx.msk [tilespmem:v43+s4+$0x0], $0xffff  }
0x2bc: {  	v42 =	vor.u32 v13, v42;
	_ =	sdelay $0x3  }
0x2bd: {  	v58 =	vadd.s32 v14, v41;
	[tilespmem:s7+$0xA690] =	vst v43  }
0x2be: {  	v43 =	vand.u32 $0x3FF8, v58;
	v42 =	vld.idx.msk [tilespmem:v42+s4+$0x0], $0xffff  }
0x2bf: {  	v43 =	vor.u32 v15, v43;
	_ =	sdelay $0x3  }
0x2c0: {  	v59 =	vadd.s32 v16, v41;
	[tilespmem:s7+$0xA710] =	vst v42  }
0x2c1: {  	v42 =	vand.u32 $0x3FF8, v59;
	v43 =	vld.idx.msk [tilespmem:v43+s4+$0x0], $0xffff  }
0x2c2: {  	v42 =	vor.u32 v1, v42;
	_ =	sdelay $0x3  }
0x2c3: {  	v60 =	vadd.s32 v17, v41;
	[tilespmem:s7+$0xA790] =	vst v43  }
0x2c4: {  	v43 =	vand.u32 $0x3FF8, v60;
	v42 =	vld.idx.msk [tilespmem:v42+s4+$0x0], $0xffff  }
0x2c5: {  	v43 =	vor.u32 v3, v43;
	_ =	sdelay $0x3  }
0x2c6: {  	v61 =	vadd.s32 v18, v41;
	[tilespmem:s7+$0xC410] =	vst v42  }
0x2c7: {  	v42 =	vand.u32 $0x3FF8, v61;
	v43 =	vld.idx.msk [tilespmem:v43+s4+$0x0], $0xffff  }
0x2c8: {  	v42 =	vor.u32 v5, v42;
	_ =	sdelay $0x3  }
0x2c9: {  	v62 =	vadd.s32 v19, v41;
	[tilespmem:s7+$0xC490] =	vst v43  }
0x2ca: {  	v43 =	vand.u32 $0x3FF8, v62;
	v42 =	vld.idx.msk [tilespmem:v42+s4+$0x0], $0xffff  }
0x2cb: {  	v43 =	vor.u32 v7, v43;
	_ =	sdelay $0x3  }
0x2cc: {  	v63 =	vadd.s32 v20, v41;
	[tilespmem:s7+$0xC510] =	vst v42  }
0x2cd: {  	v42 =	vand.u32 $0x3FF8, v63;
	v43 =	vld.idx.msk [tilespmem:v43+s4+$0x0], $0xffff  }
0x2ce: {  	v42 =	vor.u32 v9, v42;
	_ =	sdelay $0x3  }
0x2cf: {  	v45 =	vadd.s32 v21, v41;
	[tilespmem:s7+$0xC590] =	vst v43  }
0x2d0: {  	v43 =	vand.u32 $0x3FF8, v45;
	v42 =	vld.idx.msk [tilespmem:v42+s4+$0x0], $0xffff  }
0x2d1: {  	v43 =	vor.u32 v11, v43;
	_ =	sdelay $0x3  }
0x2d2: {  	v46 =	vadd.s32 v22, v41;
	[tilespmem:s7+$0xC610] =	vst v42  }
0x2d3: {  	v42 =	vand.u32 $0x3FF8, v46;
	v43 =	vld.idx.msk [tilespmem:v43+s4+$0x0], $0xffff  }
0x2d4: {  	v42 =	vor.u32 v13, v42;
	_ =	sdelay $0x3  }
0x2d5: {  	v47 =	vadd.s32 v23, v41;
	[tilespmem:s7+$0xC690] =	vst v43  }
0x2d6: {  	v43 =	vand.u32 $0x3FF8, v47;
	v42 =	vld.idx.msk [tilespmem:v42+s4+$0x0], $0xffff  }
0x2d7: {  	v43 =	vor.u32 v15, v43;
	_ =	sdelay $0x3  }
0x2d8: {  	v48 =	vadd.s32 v24, v41;
	[tilespmem:s7+$0xC710] =	vst v42  }
0x2d9: {  	v42 =	vand.u32 $0x3FF8, v48;
	v43 =	vld.idx.msk [tilespmem:v43+s4+$0x0], $0xffff  }
0x2da: {  	v42 =	vor.u32 v1, v42;
	_ =	sdelay $0x3  }
0x2db: {  	v49 =	vadd.s32 v25, v41;
	[tilespmem:s7+$0xC790] =	vst v43  }
0x2dc: {  	v43 =	vand.u32 $0x3FF8, v49;
	v42 =	vld.idx.msk [tilespmem:v42+s4+$0x0], $0xffff  }
0x2dd: {  	v43 =	vor.u32 v3, v43;
	_ =	sdelay $0x3  }
0x2de: {  	v50 =	vadd.s32 v26, v41;
	[tilespmem:s7+$0xE410] =	vst v42  }
0x2df: {  	v42 =	vand.u32 $0x3FF8, v50;
	v43 =	vld.idx.msk [tilespmem:v43+s4+$0x0], $0xffff  }
0x2e0: {  	v42 =	vor.u32 v5, v42;
	_ =	sdelay $0x3  }
0x2e1: {  	v51 =	vadd.s32 v27, v41;
	[tilespmem:s7+$0xE490] =	vst v43  }
0x2e2: {  	v43 =	vand.u32 $0x3FF8, v51;
	v42 =	vld.idx.msk [tilespmem:v42+s4+$0x0], $0xffff  }
0x2e3: {  	v43 =	vor.u32 v7, v43;
	_ =	sdelay $0x3  }
0x2e4: {  	v52 =	vadd.s32 v28, v41;
	[tilespmem:s7+$0xE510] =	vst v42  }
0x2e5: {  	v42 =	vand.u32 $0x3FF8, v52;
	v43 =	vld.idx.msk [tilespmem:v43+s4+$0x0], $0xffff  }
0x2e6: {  	v42 =	vor.u32 v9, v42;
	_ =	sdelay $0x3  }
0x2e7: {  	v53 =	vadd.s32 v29, v41;
	[tilespmem:s7+$0xE590] =	vst v43  }
0x2e8: {  	v43 =	vand.u32 $0x3FF8, v53;
	v42 =	vld.idx.msk [tilespmem:v42+s4+$0x0], $0xffff  }
0x2e9: {  	v43 =	vor.u32 v11, v43;
	_ =	sdelay $0x3  }
0x2ea: {  	v54 =	vadd.s32 v30, v41;
	[tilespmem:s7+$0xE610] =	vst v42  }
0x2eb: {  	v42 =	vand.u32 $0x3FF8, v54;
	v43 =	vld.idx.msk [tilespmem:v43+s4+$0x0], $0xffff  }
0x2ec: {  	v42 =	vor.u32 v13, v42;
	_ =	sdelay $0x3  }
0x2ed: {  	v55 =	vadd.s32 v31, v41;
	[tilespmem:s7+$0xE690] =	vst v43  }
0x2ee: {  	v43 =	vand.u32 $0x3FF8, v55;
	v42 =	vld.idx.msk [tilespmem:v42+s4+$0x0], $0xffff  }
0x2ef: {  	v43 =	vor.u32 v15, v43;
	_ =	sdelay $0x3  }
0x2f0: {  	v56 =	vadd.s32 v32, v41;
	[tilespmem:s7+$0xE710] =	vst v42  }
0x2f1: {  	v42 =	vand.u32 $0x3FF8, v56;
	v43 =	vld.idx.msk [tilespmem:v43+s4+$0x0], $0xffff  }
0x2f2: {  	v42 =	vor.u32 v1, v42;
	_ =	sdelay $0x3  }
0x2f3: {  	v57 =	vadd.s32 v33, v41;
	[tilespmem:s7+$0xE790] =	vst v43  }
0x2f4: {  	v43 =	vand.u32 $0x3FF8, v57;
	v42 =	vld.idx.msk [tilespmem:v42+s4+$0x0], $0xffff  }
0x2f5: {  	v43 =	vor.u32 v3, v43;
	_ =	sdelay $0x2  }
0x2f6: {  	s14 =	sadd.s32 $0xA410, s7  }
0x2f7: {  	v58 =	vadd.s32 v34, v41;
	[tilespmem:s14+$0x6000] =	vst v42  }
0x2f8: {  	v42 =	vand.u32 $0x3FF8, v58;
	v43 =	vld.idx.msk [tilespmem:v43+s4+$0x0], $0xffff  }
0x2f9: {  	v42 =	vor.u32 v5, v42;
	_ =	sdelay $0x3  }
0x2fa: {  	v59 =	vadd.s32 v35, v41;
	[tilespmem:s14+$0x6080] =	vst v43  }
0x2fb: {  	v43 =	vand.u32 $0x3FF8, v59;
	v42 =	vld.idx.msk [tilespmem:v42+s4+$0x0], $0xffff  }
0x2fc: {  	v43 =	vor.u32 v7, v43;
	_ =	sdelay $0x3  }
0x2fd: {  	v60 =	vadd.s32 v36, v41;
	[tilespmem:s14+$0x6100] =	vst v42  }
0x2fe: {  	v42 =	vand.u32 $0x3FF8, v60;
	v43 =	vld.idx.msk [tilespmem:v43+s4+$0x0], $0xffff  }
0x2ff: {  	v42 =	vor.u32 v9, v42;
	_ =	sdelay $0x3  }
0x300: {  	v61 =	vadd.s32 v37, v41;
	[tilespmem:s14+$0x6180] =	vst v43  }
0x301: {  	v43 =	vand.u32 $0x3FF8, v61;
	v42 =	vld.idx.msk [tilespmem:v42+s4+$0x0], $0xffff  }
0x302: {  	v43 =	vor.u32 v11, v43;
	_ =	sdelay $0x3  }
0x303: {  	v62 =	vadd.s32 v38, v41;
	[tilespmem:s14+$0x6200] =	vst v42  }
0x304: {  	v42 =	vand.u32 $0x3FF8, v62;
	v43 =	vld.idx.msk [tilespmem:v43+s4+$0x0], $0xffff  }
0x305: {  	v42 =	vor.u32 v13, v42;
	_ =	sdelay $0x3  }
0x306: {  	v41 =	vadd.s32 v39, v41;
	[tilespmem:s14+$0x6280] =	vst v43  }
0x307: {  	v41 =	vand.u32 $0x3FF8, v41;
	v42 =	vld.idx.msk [tilespmem:v42+s4+$0x0], $0xffff  }
0x308: {  	v63 =	vor.u32 v15, v41;
	_ =	sdelay $0x1  }
0x309: {  	v44 =	vshrl.u32 v40, $0x3  }
0x30a: {  	v41 =	vand.u32 $0x1FE0, v44  }
0x30b: {  	v45 =	vadd.s32 v0, v41;
	[tilespmem:s14+$0x6300] =	vst v42  }
0x30c: {  	v42 =	vand.u32 $0x3FE8, v45;
	v43 =	vld.idx.msk [tilespmem:v63+s4+$0x0], $0xffff  }
0x30d: {  	v42 =	vor.u32 v1, v42;
	_ =	sdelay $0x3  }
0x30e: {  	v46 =	vadd.s32 v2, v41;
	[tilespmem:s14+$0x6380] =	vst v43  }
0x30f: {  	v43 =	vand.u32 $0x3FF8, v46;
	v42 =	vld.idx.msk [tilespmem:v42+s4+$0x0], $0xffff  }
0x310: {  	v43 =	vor.u32 v3, v43;
	_ =	sdelay $0x3  }
0x311: {  	v47 =	vadd.s32 v4, v41;
	[tilespmem:s7+$0xA420] =	vst v42  }
0x312: {  	v42 =	vand.u32 $0x3FF8, v47;
	v43 =	vld.idx.msk [tilespmem:v43+s4+$0x0], $0xffff  }
0x313: {  	v42 =	vor.u32 v5, v42;
	_ =	sdelay $0x3  }
0x314: {  	v48 =	vadd.s32 v6, v41;
	[tilespmem:s7+$0xA4A0] =	vst v43  }
0x315: {  	v43 =	vand.u32 $0x3FF8, v48;
	v42 =	vld.idx.msk [tilespmem:v42+s4+$0x0], $0xffff  }
0x316: {  	v43 =	vor.u32 v7, v43;
	_ =	sdelay $0x3  }
0x317: {  	v49 =	vadd.s32 v8, v41;
	[tilespmem:s7+$0xA520] =	vst v42  }
0x318: {  	v42 =	vand.u32 $0x3FF8, v49;
	v43 =	vld.idx.msk [tilespmem:v43+s4+$0x0], $0xffff  }
0x319: {  	v42 =	vor.u32 v9, v42;
	_ =	sdelay $0x3  }
0x31a: {  	v50 =	vadd.s32 v10, v41;
	[tilespmem:s7+$0xA5A0] =	vst v43  }
0x31b: {  	v43 =	vand.u32 $0x3FF8, v50;
	v42 =	vld.idx.msk [tilespmem:v42+s4+$0x0], $0xffff  }
0x31c: {  	v43 =	vor.u32 v11, v43;
	_ =	sdelay $0x3  }
0x31d: {  	v51 =	vadd.s32 v12, v41;
	[tilespmem:s7+$0xA620] =	vst v42  }
0x31e: {  	v42 =	vand.u32 $0x3FF8, v51;
	v43 =	vld.idx.msk [tilespmem:v43+s4+$0x0], $0xffff  }
0x31f: {  	v42 =	vor.u32 v13, v42;
	_ =	sdelay $0x3  }
0x320: {  	v52 =	vadd.s32 v14, v41;
	[tilespmem:s7+$0xA6A0] =	vst v43  }
0x321: {  	v43 =	vand.u32 $0x3FF8, v52;
	v42 =	vld.idx.msk [tilespmem:v42+s4+$0x0], $0xffff  }
0x322: {  	v43 =	vor.u32 v15, v43;
	_ =	sdelay $0x3  }
0x323: {  	v53 =	vadd.s32 v16, v41;
	[tilespmem:s7+$0xA720] =	vst v42  }
0x324: {  	v42 =	vand.u32 $0x3FF8, v53;
	v43 =	vld.idx.msk [tilespmem:v43+s4+$0x0], $0xffff  }
0x325: {  	v42 =	vor.u32 v1, v42;
	_ =	sdelay $0x3  }
0x326: {  	v54 =	vadd.s32 v17, v41;
	[tilespmem:s7+$0xA7A0] =	vst v43  }
0x327: {  	v43 =	vand.u32 $0x3FF8, v54;
	v42 =	vld.idx.msk [tilespmem:v42+s4+$0x0], $0xffff  }
0x328: {  	v43 =	vor.u32 v3, v43;
	_ =	sdelay $0x3  }
0x329: {  	v55 =	vadd.s32 v18, v41;
	[tilespmem:s7+$0xC420] =	vst v42  }
0x32a: {  	v42 =	vand.u32 $0x3FF8, v55;
	v43 =	vld.idx.msk [tilespmem:v43+s4+$0x0], $0xffff  }
0x32b: {  	v42 =	vor.u32 v5, v42;
	_ =	sdelay $0x3  }
0x32c: {  	v56 =	vadd.s32 v19, v41;
	[tilespmem:s7+$0xC4A0] =	vst v43  }
0x32d: {  	v43 =	vand.u32 $0x3FF8, v56;
	v42 =	vld.idx.msk [tilespmem:v42+s4+$0x0], $0xffff  }
0x32e: {  	v43 =	vor.u32 v7, v43;
	_ =	sdelay $0x3  }
0x32f: {  	v57 =	vadd.s32 v20, v41;
	[tilespmem:s7+$0xC520] =	vst v42  }
0x330: {  	v42 =	vand.u32 $0x3FF8, v57;
	v43 =	vld.idx.msk [tilespmem:v43+s4+$0x0], $0xffff  }
0x331: {  	v42 =	vor.u32 v9, v42;
	_ =	sdelay $0x3  }
0x332: {  	v58 =	vadd.s32 v21, v41;
	[tilespmem:s7+$0xC5A0] =	vst v43  }
0x333: {  	v43 =	vand.u32 $0x3FF8, v58;
	v42 =	vld.idx.msk [tilespmem:v42+s4+$0x0], $0xffff  }
0x334: {  	v43 =	vor.u32 v11, v43;
	_ =	sdelay $0x3  }
0x335: {  	v59 =	vadd.s32 v22, v41;
	[tilespmem:s7+$0xC620] =	vst v42  }
0x336: {  	v42 =	vand.u32 $0x3FF8, v59;
	v43 =	vld.idx.msk [tilespmem:v43+s4+$0x0], $0xffff  }
0x337: {  	v42 =	vor.u32 v13, v42;
	_ =	sdelay $0x3  }
0x338: {  	v60 =	vadd.s32 v23, v41;
	[tilespmem:s7+$0xC6A0] =	vst v43  }
0x339: {  	v43 =	vand.u32 $0x3FF8, v60;
	v42 =	vld.idx.msk [tilespmem:v42+s4+$0x0], $0xffff  }
0x33a: {  	v43 =	vor.u32 v15, v43;
	_ =	sdelay $0x3  }
0x33b: {  	v61 =	vadd.s32 v24, v41;
	[tilespmem:s7+$0xC720] =	vst v42  }
0x33c: {  	v42 =	vand.u32 $0x3FF8, v61;
	v43 =	vld.idx.msk [tilespmem:v43+s4+$0x0], $0xffff  }
0x33d: {  	v42 =	vor.u32 v1, v42;
	_ =	sdelay $0x3  }
0x33e: {  	v62 =	vadd.s32 v25, v41;
	[tilespmem:s7+$0xC7A0] =	vst v43  }
0x33f: {  	v43 =	vand.u32 $0x3FF8, v62;
	v42 =	vld.idx.msk [tilespmem:v42+s4+$0x0], $0xffff  }
0x340: {  	v43 =	vor.u32 v3, v43;
	_ =	sdelay $0x3  }
0x341: {  	v63 =	vadd.s32 v26, v41;
	[tilespmem:s7+$0xE420] =	vst v42  }
0x342: {  	v42 =	vand.u32 $0x3FF8, v63;
	v43 =	vld.idx.msk [tilespmem:v43+s4+$0x0], $0xffff  }
0x343: {  	v42 =	vor.u32 v5, v42;
	_ =	sdelay $0x3  }
0x344: {  	v45 =	vadd.s32 v27, v41;
	[tilespmem:s7+$0xE4A0] =	vst v43  }
0x345: {  	v43 =	vand.u32 $0x3FF8, v45;
	v42 =	vld.idx.msk [tilespmem:v42+s4+$0x0], $0xffff  }
0x346: {  	v43 =	vor.u32 v7, v43;
	_ =	sdelay $0x3  }
0x347: {  	v46 =	vadd.s32 v28, v41;
	[tilespmem:s7+$0xE520] =	vst v42  }
0x348: {  	v42 =	vand.u32 $0x3FF8, v46;
	v43 =	vld.idx.msk [tilespmem:v43+s4+$0x0], $0xffff  }
0x349: {  	v42 =	vor.u32 v9, v42;
	_ =	sdelay $0x3  }
0x34a: {  	v47 =	vadd.s32 v29, v41;
	[tilespmem:s7+$0xE5A0] =	vst v43  }
0x34b: {  	v43 =	vand.u32 $0x3FF8, v47;
	v42 =	vld.idx.msk [tilespmem:v42+s4+$0x0], $0xffff  }
0x34c: {  	v43 =	vor.u32 v11, v43;
	_ =	sdelay $0x3  }
0x34d: {  	v48 =	vadd.s32 v30, v41;
	[tilespmem:s7+$0xE620] =	vst v42  }
0x34e: {  	v42 =	vand.u32 $0x3FF8, v48;
	v43 =	vld.idx.msk [tilespmem:v43+s4+$0x0], $0xffff  }
0x34f: {  	v42 =	vor.u32 v13, v42;
	_ =	sdelay $0x3  }
0x350: {  	v49 =	vadd.s32 v31, v41;
	[tilespmem:s7+$0xE6A0] =	vst v43  }
0x351: {  	v43 =	vand.u32 $0x3FF8, v49;
	v42 =	vld.idx.msk [tilespmem:v42+s4+$0x0], $0xffff  }
0x352: {  	v43 =	vor.u32 v15, v43;
	_ =	sdelay $0x3  }
0x353: {  	v50 =	vadd.s32 v32, v41;
	[tilespmem:s7+$0xE720] =	vst v42  }
0x354: {  	v42 =	vand.u32 $0x3FF8, v50;
	v43 =	vld.idx.msk [tilespmem:v43+s4+$0x0], $0xffff  }
0x355: {  	v42 =	vor.u32 v1, v42;
	_ =	sdelay $0x3  }
0x356: {  	v51 =	vadd.s32 v33, v41;
	[tilespmem:s7+$0xE7A0] =	vst v43  }
0x357: {  	v43 =	vand.u32 $0x3FF8, v51;
	v42 =	vld.idx.msk [tilespmem:v42+s4+$0x0], $0xffff  }
0x358: {  	v43 =	vor.u32 v3, v43;
	_ =	sdelay $0x3  }
0x359: {  	v52 =	vadd.s32 v34, v41;
	[tilespmem:s14+$0x6010] =	vst v42  }
0x35a: {  	v42 =	vand.u32 $0x3FF8, v52;
	v43 =	vld.idx.msk [tilespmem:v43+s4+$0x0], $0xffff  }
0x35b: {  	v42 =	vor.u32 v5, v42;
	_ =	sdelay $0x3  }
0x35c: {  	v53 =	vadd.s32 v35, v41;
	[tilespmem:s14+$0x6090] =	vst v43  }
0x35d: {  	v43 =	vand.u32 $0x3FF8, v53;
	v42 =	vld.idx.msk [tilespmem:v42+s4+$0x0], $0xffff  }
0x35e: {  	v43 =	vor.u32 v7, v43;
	_ =	sdelay $0x3  }
0x35f: {  	v54 =	vadd.s32 v36, v41;
	[tilespmem:s14+$0x6110] =	vst v42  }
0x360: {  	v42 =	vand.u32 $0x3FF8, v54;
	v43 =	vld.idx.msk [tilespmem:v43+s4+$0x0], $0xffff  }
0x361: {  	v42 =	vor.u32 v9, v42;
	_ =	sdelay $0x3  }
0x362: {  	v55 =	vadd.s32 v37, v41;
	[tilespmem:s14+$0x6190] =	vst v43  }
0x363: {  	v43 =	vand.u32 $0x3FF8, v55;
	v42 =	vld.idx.msk [tilespmem:v42+s4+$0x0], $0xffff  }
0x364: {  	v43 =	vor.u32 v11, v43;
	_ =	sdelay $0x3  }
0x365: {  	v56 =	vadd.s32 v38, v41;
	[tilespmem:s14+$0x6210] =	vst v42  }
0x366: {  	v42 =	vand.u32 $0x3FF8, v56;
	v43 =	vld.idx.msk [tilespmem:v43+s4+$0x0], $0xffff  }
0x367: {  	v42 =	vor.u32 v13, v42;
	_ =	sdelay $0x3  }
0x368: {  	v41 =	vadd.s32 v39, v41;
	[tilespmem:s14+$0x6290] =	vst v43  }
0x369: {  	v41 =	vand.u32 $0x3FF8, v41;
	v42 =	vld.idx.msk [tilespmem:v42+s4+$0x0], $0xffff  }
0x36a: {  	v57 =	vor.u32 v15, v41;
	_ =	sdelay $0x1  }
0x36b: {  	v58 =	vshrl.u32 v40, $0xB  }
0x36c: {  	v41 =	vand.u32 $0x1FE0, v58  }
0x36d: {  	v59 =	vadd.s32 v0, v41;
	[tilespmem:s14+$0x6310] =	vst v42  }
0x36e: {  	v42 =	vand.u32 $0x3FE8, v59;
	v43 =	vld.idx.msk [tilespmem:v57+s4+$0x0], $0xffff  }
0x36f: {  	v42 =	vor.u32 v1, v42;
	_ =	sdelay $0x3  }
0x370: {  	v60 =	vadd.s32 v2, v41;
	[tilespmem:s14+$0x6390] =	vst v43  }
0x371: {  	v43 =	vand.u32 $0x3FF8, v60;
	v42 =	vld.idx.msk [tilespmem:v42+s4+$0x0], $0xffff  }
0x372: {  	v43 =	vor.u32 v3, v43;
	_ =	sdelay $0x3  }
0x373: {  	v61 =	vadd.s32 v4, v41;
	[tilespmem:s7+$0xA430] =	vst v42  }
0x374: {  	v42 =	vand.u32 $0x3FF8, v61;
	v43 =	vld.idx.msk [tilespmem:v43+s4+$0x0], $0xffff  }
0x375: {  	v42 =	vor.u32 v5, v42;
	_ =	sdelay $0x3  }
0x376: {  	v62 =	vadd.s32 v6, v41;
	[tilespmem:s7+$0xA4B0] =	vst v43  }
0x377: {  	v43 =	vand.u32 $0x3FF8, v62;
	v42 =	vld.idx.msk [tilespmem:v42+s4+$0x0], $0xffff  }
0x378: {  	v43 =	vor.u32 v7, v43;
	_ =	sdelay $0x3  }
0x379: {  	v63 =	vadd.s32 v8, v41;
	[tilespmem:s7+$0xA530] =	vst v42  }
0x37a: {  	v42 =	vand.u32 $0x3FF8, v63;
	v43 =	vld.idx.msk [tilespmem:v43+s4+$0x0], $0xffff  }
0x37b: {  	v42 =	vor.u32 v9, v42;
	_ =	sdelay $0x3  }
0x37c: {  	v45 =	vadd.s32 v10, v41;
	[tilespmem:s7+$0xA5B0] =	vst v43  }
0x37d: {  	v43 =	vand.u32 $0x3FF8, v45;
	v42 =	vld.idx.msk [tilespmem:v42+s4+$0x0], $0xffff  }
0x37e: {  	v43 =	vor.u32 v11, v43;
	_ =	sdelay $0x3  }
0x37f: {  	v46 =	vadd.s32 v12, v41;
	[tilespmem:s7+$0xA630] =	vst v42  }
0x380: {  	v42 =	vand.u32 $0x3FF8, v46;
	v43 =	vld.idx.msk [tilespmem:v43+s4+$0x0], $0xffff  }
0x381: {  	v42 =	vor.u32 v13, v42;
	_ =	sdelay $0x3  }
0x382: {  	v47 =	vadd.s32 v14, v41;
	[tilespmem:s7+$0xA6B0] =	vst v43  }
0x383: {  	v43 =	vand.u32 $0x3FF8, v47;
	v42 =	vld.idx.msk [tilespmem:v42+s4+$0x0], $0xffff  }
0x384: {  	v43 =	vor.u32 v15, v43;
	_ =	sdelay $0x3  }
0x385: {  	v48 =	vadd.s32 v16, v41;
	[tilespmem:s7+$0xA730] =	vst v42  }
0x386: {  	v42 =	vand.u32 $0x3FF8, v48;
	v43 =	vld.idx.msk [tilespmem:v43+s4+$0x0], $0xffff  }
0x387: {  	v42 =	vor.u32 v1, v42;
	_ =	sdelay $0x3  }
0x388: {  	v49 =	vadd.s32 v17, v41;
	[tilespmem:s7+$0xA7B0] =	vst v43  }
0x389: {  	v43 =	vand.u32 $0x3FF8, v49;
	v42 =	vld.idx.msk [tilespmem:v42+s4+$0x0], $0xffff  }
0x38a: {  	v43 =	vor.u32 v3, v43;
	_ =	sdelay $0x3  }
0x38b: {  	v50 =	vadd.s32 v18, v41;
	[tilespmem:s7+$0xC430] =	vst v42  }
0x38c: {  	v42 =	vand.u32 $0x3FF8, v50;
	v43 =	vld.idx.msk [tilespmem:v43+s4+$0x0], $0xffff  }
0x38d: {  	v42 =	vor.u32 v5, v42;
	_ =	sdelay $0x3  }
0x38e: {  	v51 =	vadd.s32 v19, v41;
	[tilespmem:s7+$0xC4B0] =	vst v43  }
0x38f: {  	v43 =	vand.u32 $0x3FF8, v51;
	v42 =	vld.idx.msk [tilespmem:v42+s4+$0x0], $0xffff  }
0x390: {  	v43 =	vor.u32 v7, v43;
	_ =	sdelay $0x3  }
0x391: {  	v52 =	vadd.s32 v20, v41;
	[tilespmem:s7+$0xC530] =	vst v42  }
0x392: {  	v42 =	vand.u32 $0x3FF8, v52;
	v43 =	vld.idx.msk [tilespmem:v43+s4+$0x0], $0xffff  }
0x393: {  	v42 =	vor.u32 v9, v42;
	_ =	sdelay $0x3  }
0x394: {  	v53 =	vadd.s32 v21, v41;
	[tilespmem:s7+$0xC5B0] =	vst v43  }
0x395: {  	v43 =	vand.u32 $0x3FF8, v53;
	v42 =	vld.idx.msk [tilespmem:v42+s4+$0x0], $0xffff  }
0x396: {  	v43 =	vor.u32 v11, v43;
	_ =	sdelay $0x3  }
0x397: {  	v54 =	vadd.s32 v22, v41;
	[tilespmem:s7+$0xC630] =	vst v42  }
0x398: {  	v42 =	vand.u32 $0x3FF8, v54;
	v43 =	vld.idx.msk [tilespmem:v43+s4+$0x0], $0xffff  }
0x399: {  	v42 =	vor.u32 v13, v42;
	_ =	sdelay $0x3  }
0x39a: {  	v55 =	vadd.s32 v23, v41;
	[tilespmem:s7+$0xC6B0] =	vst v43  }
0x39b: {  	v43 =	vand.u32 $0x3FF8, v55;
	v42 =	vld.idx.msk [tilespmem:v42+s4+$0x0], $0xffff  }
0x39c: {  	v43 =	vor.u32 v15, v43;
	_ =	sdelay $0x3  }
0x39d: {  	v56 =	vadd.s32 v24, v41;
	[tilespmem:s7+$0xC730] =	vst v42  }
0x39e: {  	v42 =	vand.u32 $0x3FF8, v56;
	v43 =	vld.idx.msk [tilespmem:v43+s4+$0x0], $0xffff  }
0x39f: {  	v42 =	vor.u32 v1, v42;
	_ =	sdelay $0x3  }
0x3a0: {  	v57 =	vadd.s32 v25, v41;
	[tilespmem:s7+$0xC7B0] =	vst v43  }
0x3a1: {  	v43 =	vand.u32 $0x3FF8, v57;
	v42 =	vld.idx.msk [tilespmem:v42+s4+$0x0], $0xffff  }
0x3a2: {  	v43 =	vor.u32 v3, v43;
	_ =	sdelay $0x3  }
0x3a3: {  	v58 =	vadd.s32 v26, v41;
	[tilespmem:s7+$0xE430] =	vst v42  }
0x3a4: {  	v42 =	vand.u32 $0x3FF8, v58;
	v43 =	vld.idx.msk [tilespmem:v43+s4+$0x0], $0xffff  }
0x3a5: {  	v42 =	vor.u32 v5, v42;
	_ =	sdelay $0x3  }
0x3a6: {  	v59 =	vadd.s32 v27, v41;
	[tilespmem:s7+$0xE4B0] =	vst v43  }
0x3a7: {  	v43 =	vand.u32 $0x3FF8, v59;
	v42 =	vld.idx.msk [tilespmem:v42+s4+$0x0], $0xffff  }
0x3a8: {  	v43 =	vor.u32 v7, v43;
	_ =	sdelay $0x3  }
0x3a9: {  	v60 =	vadd.s32 v28, v41;
	[tilespmem:s7+$0xE530] =	vst v42  }
0x3aa: {  	v42 =	vand.u32 $0x3FF8, v60;
	v43 =	vld.idx.msk [tilespmem:v43+s4+$0x0], $0xffff  }
0x3ab: {  	v42 =	vor.u32 v9, v42;
	_ =	sdelay $0x3  }
0x3ac: {  	v61 =	vadd.s32 v29, v41;
	[tilespmem:s7+$0xE5B0] =	vst v43  }
0x3ad: {  	v43 =	vand.u32 $0x3FF8, v61;
	v42 =	vld.idx.msk [tilespmem:v42+s4+$0x0], $0xffff  }
0x3ae: {  	v43 =	vor.u32 v11, v43;
	_ =	sdelay $0x3  }
0x3af: {  	v62 =	vadd.s32 v30, v41;
	[tilespmem:s7+$0xE630] =	vst v42  }
0x3b0: {  	v42 =	vand.u32 $0x3FF8, v62;
	v43 =	vld.idx.msk [tilespmem:v43+s4+$0x0], $0xffff  }
0x3b1: {  	v42 =	vor.u32 v13, v42;
	_ =	sdelay $0x3  }
0x3b2: {  	v63 =	vadd.s32 v31, v41;
	[tilespmem:s7+$0xE6B0] =	vst v43  }
0x3b3: {  	v43 =	vand.u32 $0x3FF8, v63;
	v42 =	vld.idx.msk [tilespmem:v42+s4+$0x0], $0xffff  }
0x3b4: {  	v43 =	vor.u32 v15, v43;
	_ =	sdelay $0x3  }
0x3b5: {  	v45 =	vadd.s32 v32, v41;
	[tilespmem:s7+$0xE730] =	vst v42  }
0x3b6: {  	v42 =	vand.u32 $0x3FF8, v45;
	v43 =	vld.idx.msk [tilespmem:v43+s4+$0x0], $0xffff  }
0x3b7: {  	v42 =	vor.u32 v1, v42;
	_ =	sdelay $0x3  }
0x3b8: {  	v46 =	vadd.s32 v33, v41;
	[tilespmem:s7+$0xE7B0] =	vst v43  }
0x3b9: {  	v43 =	vand.u32 $0x3FF8, v46;
	v42 =	vld.idx.msk [tilespmem:v42+s4+$0x0], $0xffff  }
0x3ba: {  	v43 =	vor.u32 v3, v43;
	_ =	sdelay $0x3  }
0x3bb: {  	v47 =	vadd.s32 v34, v41;
	[tilespmem:s14+$0x6020] =	vst v42  }
0x3bc: {  	v42 =	vand.u32 $0x3FF8, v47;
	v43 =	vld.idx.msk [tilespmem:v43+s4+$0x0], $0xffff  }
0x3bd: {  	v42 =	vor.u32 v5, v42;
	_ =	sdelay $0x3  }
0x3be: {  	v48 =	vadd.s32 v35, v41;
	[tilespmem:s14+$0x60A0] =	vst v43  }
0x3bf: {  	v43 =	vand.u32 $0x3FF8, v48;
	v42 =	vld.idx.msk [tilespmem:v42+s4+$0x0], $0xffff  }
0x3c0: {  	v43 =	vor.u32 v7, v43;
	_ =	sdelay $0x3  }
0x3c1: {  	v49 =	vadd.s32 v36, v41;
	[tilespmem:s14+$0x6120] =	vst v42  }
0x3c2: {  	v42 =	vand.u32 $0x3FF8, v49;
	v43 =	vld.idx.msk [tilespmem:v43+s4+$0x0], $0xffff  }
0x3c3: {  	v42 =	vor.u32 v9, v42;
	_ =	sdelay $0x3  }
0x3c4: {  	v50 =	vadd.s32 v37, v41;
	[tilespmem:s14+$0x61A0] =	vst v43  }
0x3c5: {  	v43 =	vand.u32 $0x3FF8, v50;
	v42 =	vld.idx.msk [tilespmem:v42+s4+$0x0], $0xffff  }
0x3c6: {  	v43 =	vor.u32 v11, v43;
	_ =	sdelay $0x3  }
0x3c7: {  	v51 =	vadd.s32 v38, v41;
	[tilespmem:s14+$0x6220] =	vst v42  }
0x3c8: {  	v42 =	vand.u32 $0x3FF8, v51;
	v43 =	vld.idx.msk [tilespmem:v43+s4+$0x0], $0xffff  }
0x3c9: {  	v42 =	vor.u32 v13, v42;
	_ =	sdelay $0x3  }
0x3ca: {  	v41 =	vadd.s32 v39, v41;
	[tilespmem:s14+$0x62A0] =	vst v43  }
0x3cb: {  	v41 =	vand.u32 $0x3FF8, v41;
	v42 =	vld.idx.msk [tilespmem:v42+s4+$0x0], $0xffff  }
0x3cc: {  	v41 =	vor.u32 v15, v41;
	_ =	sdelay $0x1  }
0x3cd: {  	v40 =	vshrl.u32 v40, $0x13  }
0x3ce: {  	v40 =	vand.u32 $0x1FE0, v40  }
0x3cf: {  	v52 =	vadd.s32 v0, v40;
	[tilespmem:s14+$0x6320] =	vst v42  }
0x3d0: {  	v42 =	vand.u32 $0x3FE8, v52;
	v41 =	vld.idx.msk [tilespmem:v41+s4+$0x0], $0xffff  }
0x3d1: {  	v42 =	vor.u32 v1, v42;
	_ =	sdelay $0x3  }
0x3d2: {  	v53 =	vadd.s32 v2, v40;
	[tilespmem:s14+$0x63A0] =	vst v41  }
0x3d3: {  	v41 =	vand.u32 $0x3FF8, v53;
	v42 =	vld.idx.msk [tilespmem:v42+s4+$0x0], $0xffff  }
0x3d4: {  	v41 =	vor.u32 v3, v41;
	_ =	sdelay $0x3  }
0x3d5: {  	v54 =	vadd.s32 v4, v40;
	[tilespmem:s7+$0xA440] =	vst v42  }
0x3d6: {  	v42 =	vand.u32 $0x3FF8, v54;
	v41 =	vld.idx.msk [tilespmem:v41+s4+$0x0], $0xffff  }
0x3d7: {  	v42 =	vor.u32 v5, v42;
	_ =	sdelay $0x3  }
0x3d8: {  	v55 =	vadd.s32 v6, v40;
	[tilespmem:s7+$0xA4C0] =	vst v41  }
0x3d9: {  	v41 =	vand.u32 $0x3FF8, v55;
	v42 =	vld.idx.msk [tilespmem:v42+s4+$0x0], $0xffff  }
0x3da: {  	v41 =	vor.u32 v7, v41;
	_ =	sdelay $0x3  }
0x3db: {  	v56 =	vadd.s32 v8, v40;
	[tilespmem:s7+$0xA540] =	vst v42  }
0x3dc: {  	v42 =	vand.u32 $0x3FF8, v56;
	v41 =	vld.idx.msk [tilespmem:v41+s4+$0x0], $0xffff  }
0x3dd: {  	v42 =	vor.u32 v9, v42;
	_ =	sdelay $0x3  }
0x3de: {  	v57 =	vadd.s32 v10, v40;
	[tilespmem:s7+$0xA5C0] =	vst v41  }
0x3df: {  	v41 =	vand.u32 $0x3FF8, v57;
	v42 =	vld.idx.msk [tilespmem:v42+s4+$0x0], $0xffff  }
0x3e0: {  	v41 =	vor.u32 v11, v41;
	_ =	sdelay $0x3  }
0x3e1: {  	v58 =	vadd.s32 v12, v40;
	[tilespmem:s7+$0xA640] =	vst v42  }
0x3e2: {  	v42 =	vand.u32 $0x3FF8, v58;
	v41 =	vld.idx.msk [tilespmem:v41+s4+$0x0], $0xffff  }
0x3e3: {  	v42 =	vor.u32 v13, v42;
	_ =	sdelay $0x3  }
0x3e4: {  	v59 =	vadd.s32 v14, v40;
	[tilespmem:s7+$0xA6C0] =	vst v41  }
0x3e5: {  	v41 =	vand.u32 $0x3FF8, v59;
	v42 =	vld.idx.msk [tilespmem:v42+s4+$0x0], $0xffff  }
0x3e6: {  	v41 =	vor.u32 v15, v41;
	_ =	sdelay $0x3  }
0x3e7: {  	v60 =	vadd.s32 v16, v40;
	[tilespmem:s7+$0xA740] =	vst v42  }
0x3e8: {  	v42 =	vand.u32 $0x3FF8, v60;
	v41 =	vld.idx.msk [tilespmem:v41+s4+$0x0], $0xffff  }
0x3e9: {  	v42 =	vor.u32 v1, v42;
	_ =	sdelay $0x3  }
0x3ea: {  	v61 =	vadd.s32 v17, v40;
	[tilespmem:s7+$0xA7C0] =	vst v41  }
0x3eb: {  	v41 =	vand.u32 $0x3FF8, v61;
	v42 =	vld.idx.msk [tilespmem:v42+s4+$0x0], $0xffff  }
0x3ec: {  	v41 =	vor.u32 v3, v41;
	_ =	sdelay $0x3  }
0x3ed: {  	v62 =	vadd.s32 v18, v40;
	[tilespmem:s7+$0xC440] =	vst v42  }
0x3ee: {  	v42 =	vand.u32 $0x3FF8, v62;
	v41 =	vld.idx.msk [tilespmem:v41+s4+$0x0], $0xffff  }
0x3ef: {  	v42 =	vor.u32 v5, v42;
	_ =	sdelay $0x3  }
0x3f0: {  	v63 =	vadd.s32 v19, v40;
	[tilespmem:s7+$0xC4C0] =	vst v41  }
0x3f1: {  	v41 =	vand.u32 $0x3FF8, v63;
	v42 =	vld.idx.msk [tilespmem:v42+s4+$0x0], $0xffff  }
0x3f2: {  	v41 =	vor.u32 v7, v41;
	_ =	sdelay $0x3  }
0x3f3: {  	v45 =	vadd.s32 v20, v40;
	[tilespmem:s7+$0xC540] =	vst v42  }
0x3f4: {  	v42 =	vand.u32 $0x3FF8, v45;
	v41 =	vld.idx.msk [tilespmem:v41+s4+$0x0], $0xffff  }
0x3f5: {  	v42 =	vor.u32 v9, v42;
	_ =	sdelay $0x3  }
0x3f6: {  	v46 =	vadd.s32 v21, v40;
	[tilespmem:s7+$0xC5C0] =	vst v41  }
0x3f7: {  	v41 =	vand.u32 $0x3FF8, v46;
	v42 =	vld.idx.msk [tilespmem:v42+s4+$0x0], $0xffff  }
0x3f8: {  	v41 =	vor.u32 v11, v41;
	_ =	sdelay $0x3  }
0x3f9: {  	v47 =	vadd.s32 v22, v40;
	[tilespmem:s7+$0xC640] =	vst v42  }
0x3fa: {  	v42 =	vand.u32 $0x3FF8, v47;
	v41 =	vld.idx.msk [tilespmem:v41+s4+$0x0], $0xffff  }
0x3fb: {  	v42 =	vor.u32 v13, v42;
	_ =	sdelay $0x3  }
0x3fc: {  	v48 =	vadd.s32 v23, v40;
	[tilespmem:s7+$0xC6C0] =	vst v41  }
0x3fd: {  	v41 =	vand.u32 $0x3FF8, v48;
	v42 =	vld.idx.msk [tilespmem:v42+s4+$0x0], $0xffff  }
0x3fe: {  	v41 =	vor.u32 v15, v41;
	_ =	sdelay $0x3  }
0x3ff: {  	v49 =	vadd.s32 v24, v40;
	[tilespmem:s7+$0xC740] =	vst v42  }
0x400: {  	v42 =	vand.u32 $0x3FF8, v49;
	v41 =	vld.idx.msk [tilespmem:v41+s4+$0x0], $0xffff  }
0x401: {  	v42 =	vor.u32 v1, v42;
	_ =	sdelay $0x3  }
0x402: {  	v50 =	vadd.s32 v25, v40;
	[tilespmem:s7+$0xC7C0] =	vst v41  }
0x403: {  	v41 =	vand.u32 $0x3FF8, v50;
	v42 =	vld.idx.msk [tilespmem:v42+s4+$0x0], $0xffff  }
0x404: {  	v41 =	vor.u32 v3, v41;
	_ =	sdelay $0x3  }
0x405: {  	v51 =	vadd.s32 v26, v40;
	[tilespmem:s7+$0xE440] =	vst v42  }
0x406: {  	v42 =	vand.u32 $0x3FF8, v51;
	v41 =	vld.idx.msk [tilespmem:v41+s4+$0x0], $0xffff  }
0x407: {  	v42 =	vor.u32 v5, v42;
	_ =	sdelay $0x3  }
0x408: {  	v52 =	vadd.s32 v27, v40;
	[tilespmem:s7+$0xE4C0] =	vst v41  }
0x409: {  	v41 =	vand.u32 $0x3FF8, v52;
	v42 =	vld.idx.msk [tilespmem:v42+s4+$0x0], $0xffff  }
0x40a: {  	v41 =	vor.u32 v7, v41;
	_ =	sdelay $0x3  }
0x40b: {  	v53 =	vadd.s32 v28, v40;
	[tilespmem:s7+$0xE540] =	vst v42  }
0x40c: {  	v42 =	vand.u32 $0x3FF8, v53;
	v41 =	vld.idx.msk [tilespmem:v41+s4+$0x0], $0xffff  }
0x40d: {  	v42 =	vor.u32 v9, v42;
	_ =	sdelay $0x3  }
0x40e: {  	v54 =	vadd.s32 v29, v40;
	[tilespmem:s7+$0xE5C0] =	vst v41  }
0x40f: {  	v41 =	vand.u32 $0x3FF8, v54;
	v42 =	vld.idx.msk [tilespmem:v42+s4+$0x0], $0xffff  }
0x410: {  	v41 =	vor.u32 v11, v41;
	_ =	sdelay $0x3  }
0x411: {  	v55 =	vadd.s32 v30, v40;
	[tilespmem:s7+$0xE640] =	vst v42  }
0x412: {  	v42 =	vand.u32 $0x3FF8, v55;
	v41 =	vld.idx.msk [tilespmem:v41+s4+$0x0], $0xffff  }
0x413: {  	v42 =	vor.u32 v13, v42;
	_ =	sdelay $0x3  }
0x414: {  	v56 =	vadd.s32 v31, v40;
	[tilespmem:s7+$0xE6C0] =	vst v41  }
0x415: {  	v41 =	vand.u32 $0x3FF8, v56;
	v42 =	vld.idx.msk [tilespmem:v42+s4+$0x0], $0xffff  }
0x416: {  	v41 =	vor.u32 v15, v41;
	_ =	sdelay $0x3  }
0x417: {  	v57 =	vadd.s32 v32, v40;
	[tilespmem:s7+$0xE740] =	vst v42  }
0x418: {  	v42 =	vand.u32 $0x3FF8, v57;
	v41 =	vld.idx.msk [tilespmem:v41+s4+$0x0], $0xffff  }
0x419: {  	v42 =	vor.u32 v1, v42;
	_ =	sdelay $0x3  }
0x41a: {  	v58 =	vadd.s32 v33, v40;
	[tilespmem:s7+$0xE7C0] =	vst v41  }
0x41b: {  	v41 =	vand.u32 $0x3FF8, v58;
	v42 =	vld.idx.msk [tilespmem:v42+s4+$0x0], $0xffff  }
0x41c: {  	v41 =	vor.u32 v3, v41;
	_ =	sdelay $0x3  }
0x41d: {  	v59 =	vadd.s32 v34, v40;
	[tilespmem:s14+$0x6030] =	vst v42  }
0x41e: {  	v42 =	vand.u32 $0x3FF8, v59;
	v41 =	vld.idx.msk [tilespmem:v41+s4+$0x0], $0xffff  }
0x41f: {  	v42 =	vor.u32 v5, v42;
	_ =	sdelay $0x3  }
0x420: {  	v60 =	vadd.s32 v35, v40;
	[tilespmem:s14+$0x60B0] =	vst v41  }
0x421: {  	v41 =	vand.u32 $0x3FF8, v60;
	v42 =	vld.idx.msk [tilespmem:v42+s4+$0x0], $0xffff  }
0x422: {  	v41 =	vor.u32 v7, v41;
	_ =	sdelay $0x3  }
0x423: {  	v61 =	vadd.s32 v36, v40;
	[tilespmem:s14+$0x6130] =	vst v42  }
0x424: {  	v42 =	vand.u32 $0x3FF8, v61;
	v41 =	vld.idx.msk [tilespmem:v41+s4+$0x0], $0xffff  }
0x425: {  	v42 =	vor.u32 v9, v42;
	_ =	sdelay $0x3  }
0x426: {  	v62 =	vadd.s32 v37, v40;
	[tilespmem:s14+$0x61B0] =	vst v41  }
0x427: {  	v41 =	vand.u32 $0x3FF8, v62;
	v42 =	vld.idx.msk [tilespmem:v42+s4+$0x0], $0xffff  }
0x428: {  	v41 =	vor.u32 v11, v41;
	_ =	sdelay $0x3  }
0x429: {  	v63 =	vadd.s32 v38, v40;
	[tilespmem:s14+$0x6230] =	vst v42  }
0x42a: {  	v42 =	vand.u32 $0x3FF8, v63;
	v41 =	vld.idx.msk [tilespmem:v41+s4+$0x0], $0xffff  }
0x42b: {  	v42 =	vor.u32 v13, v42;
	_ =	sdelay $0x3  }
0x42c: {  	v40 =	vadd.s32 v39, v40;
	[tilespmem:s14+$0x62B0] =	vst v41  }
0x42d: {  	v40 =	vand.u32 $0x3FF8, v40;
	v41 =	vld.idx.msk [tilespmem:v42+s4+$0x0], $0xffff  }
0x42e: {  	v40 =	vor.u32 v15, v40;
	_ =	sdelay $0x3  }
0x42f: {  	[tilespmem:s14+$0x6330] =	vst v41  }
0x430: {  	p0 =	sne.s32 s6, $0x3C0;
	v40 =	vld.idx.msk [tilespmem:v40+s4+$0x0], $0xffff  }
.Ltmp2:
0x431: {  	_ = 	snop;
	(pc) =	sbr.rel @p0 .LBB2_7-.Ltmp2, $2  }
0x432: {  	_ =	sdelay $0x2  }
0x433: {  	s6 =	sadd.s32 $0x40, s6;
	s17 =	sadd.s32 $0x200, s17;
	[tilespmem:s14+$0x63B0] =	vst v40  }
0x434: {  	s6 =	sshll.u32 s15, $0xA  }
0x435: {  	s6 =	sadd.s32 s9, s6  }
0x436: {  	s0 =	sadd.s32 $0x1, s0;
	s7 =	sadd.s32 s3, s6  }
0x437: {  	[hbm4b:s7+s4] =	stream.linear.scatter [tilespmem:s25], [sflag:$0x2], $0x2000, $0x38;
	[tilespmem:$0x12410] =	vst v63  }
0x438: {  	p0 =	sne.s32 s0, $0x32;
	s15 =	sadd.s32 s6, s10  }
0x439: {  	[hbm4b:s15+s4] =	stream.linear.scatter [tilespmem:s26], [sflag:$0x2], $0x2000, $0x38;
	[tilespmem:$0x12410] =	vst v63  }
.Ltmp3:
0x43a: {  	_ = 	snop;
	(pc) =	sbr.rel @p0 .LBB2_4-.Ltmp3, $4  }
0x43b: {  	s17 =	sadd.s32 s6, s11  }
0x43c: {  	[hbm4b:s17+s4] =	stream.linear.scatter [tilespmem:s28], [sflag:$0x2], $0x2000, $0x38;
	[tilespmem:$0x12410] =	vst v63  }
0x43d: {  	s6 =	sadd.s32 s6, s12  }
0x43e: {  	[hbm4b:s6+s4] =	stream.linear.scatter [tilespmem:s29], [sflag:$0x2], $0x2000, $0x38;
	[tilespmem:$0x12410] =	vst v63  }
0x43f: {  	_ =	swait.ge [sflag:s30], $0x2000  }
0x440: {  	[sflag:s30] =	ssyncset.done $0x0  }
0x441: {  	[sflag:s30] =	ssyncadd.s32 $0xFFFFE000  }
0x442: {  	_ =	swait.ge [sflag:s30], $0x2000  }
0x443: {  	[sflag:s30] =	ssyncset.done $0x0  }
0x444: {  	[sflag:s30] =	ssyncadd.s32 $0xFFFFE000  }
0x445: {  	_ =	swait.ge [sflag:s30], $0x2000  }
0x446: {  	[sflag:s30] =	ssyncset.done $0x0  }
0x447: {  	[sflag:s30] =	ssyncadd.s32 $0xFFFFE000  }
0x448: {  	_ =	swait.ge [sflag:s30], $0x2000  }
0x449: {  	[sflag:s30] =	ssyncset.done $0x0  }
0x44a: {  	[sflag:s30] =	ssyncadd.s32 $0xFFFFE000  }
0x44b: {  	_ =	swait.ge [sflag:s31], $0x2000  }
0x44c: {  	[sflag:s31] =	ssyncset.done $0x0  }
0x44d: {  	[sflag:s31] =	ssyncadd.s32 $0xFFFFE000  }
0x44e: {  	_ =	swait.ge [sflag:s31], $0x2000  }
0x44f: {  	[sflag:s31] =	ssyncset.done $0x0  }
0x450: {  	[sflag:s31] =	ssyncadd.s32 $0xFFFFE000  }
0x451: {  	_ =	swait.ge [sflag:s31], $0x2000  }
0x452: {  	[sflag:s31] =	ssyncset.done $0x0  }
0x453: {  	[sflag:s31] =	ssyncadd.s32 $0xFFFFE000  }
0x454: {  	_ =	swait.ge [sflag:s31], $0x2000  }
0x455: {  	s2 =	sadd.s32 $0x1, s2;
	s0 =	rddreg [dreg:$0x5]  }
0x456: {  	p0 =	sne.s32 s2, s0  }
.Ltmp4:
0x457: {  	_ = 	snop;
	(pc) =	sbr.rel @p0 .LBB2_1-.Ltmp4, $3  }
0x458: {  	_ =	sdelay $0x1  }
0x459: {  	[sflag:s31] =	ssyncset.done $0x0  }
0x45a: {  	[sflag:s31] =	ssyncadd.s32 $0xFFFFE000  }
0x45b: {  	_ =	sfence.sel $0x180000  }
0x45c: {  	[bflag:$0x0] =	sbarrier.arrive $0xFFFF  }
0x45d: {  	_ =	strace $0x90000047  }
0x45e: {  	s0 =	stileid.u32;
	[bflag:$0x2] =	sbarrier.arrive $0xFFFF  }
0x45f: {  	p0 =	sne.s32 s0, $0x0;
	s0 =	rddreg [dreg:$0x2]  }
0x460: {  	s0 =	sadd.s32 @!p0 $0x100000, s0  }
0x461: {  	[sflag:s0] =	ssyncadd.tile.s32 @!p0 $0x1;
	_ =	shalt  }
.Lfunc_end2:
_tile_overlayer_lowered:
.L_overlay_start_2:
0x462: {  	(tag) =	ssettag $0x2  }
0x463: {  	s0 =	rddreg [dreg:$0x0];
	s2 =	stileid.u32  }
0x464: {  	s1 =	rddreg [dreg:$0x1];
	p0 =	sne.s32 s2, $0x0  }
0x465: {  	s3 =	rddreg [dreg:$0x2];
	[bflag:$0x3] =	sbarrier.arrive $0xFFFF;
	s2 =	simm.s32 @!p0 $0x1C05  }
0x466: {  	[timem:s3], [sflag:s2] =	dma.local @!p0 [hbm:s0], s1  }
0x467: {  	s0 =	simm.s32 @!p0 $0x5  }
0x468: {  	_ =	swait.ge @!p0 [sflag:s0], s1  }
0x469: {  	s1 =	ssub.s32 @!p0 $0x0, s1;
	[sflag:s0] =	ssyncset.done @!p0 $0x0  }
0x46a: {  	[sflag:s0] =	ssyncadd.s32 @!p0 s1  }
0x46b: {  	[bflag:$0x3] =	sbarrier.arrive $0xFFFF  }
0x46c: {  	_ =	shalt  }

</sc_bundles>
